<compile_context>
chip_gen: v7x
topology: tpu7x:2x2x1
jax: 0.10.2.dev20260603
libtpu: 0.0.44.dev20260713+nightly
codegen_flags: <defaults>
</compile_context>

<pallas_src>
import functools
import math

import jax
import jax.numpy as jnp
import numpy as np
from jax import lax
from jax.experimental import pallas as pl
from jax.experimental.pallas import tpu as pltpu
from jax.experimental.pallas import tpu_sc as plsc

N = 10000
E = 160000
MUL_IN = 32
MUL_S = 24
MUL_V = 8
HID = 64
F48 = MUL_S + MUL_V * 3

NC = 2
NS = 16
NW = NC * NS
CHUNK = 128
NCHUNK = 40
EPW = CHUNK * NCHUNK
EP = EPW * NW
NPAD = 10112
NBUF = 4
NCHT = EP // CHUNK
GCH0 = 60
GCH1 = 80 - GCH0
GMAX = max(GCH0, GCH1)
RPS = NPAD // NS

ALPHA = 1.0 / math.sqrt(float(MUL_IN))
Y0 = 1.0 / (2.0 * math.sqrt(math.pi))
C1 = math.sqrt(3.0 / (4.0 * math.pi))
W1024 = MUL_IN * (MUL_S + MUL_V)

_colidx = []
for _q in range(MUL_S):
    for _i in range(MUL_IN):
        _colidx.append(_i * MUL_S + _q)
for _j in range(MUL_V):
    for _i in range(MUL_IN):
        _colidx.append(MUL_IN * MUL_S + _i * MUL_V + _j)
_COLIDX = np.array(_colidx, dtype=np.int32)

_smat = np.zeros((W1024, F48), dtype=np.float32)
for _q in range(MUL_S):
    _smat[_q * MUL_IN:(_q + 1) * MUL_IN, _q] = 1.0
for _j in range(MUL_V):
    for _m in range(3):
        _smat[MUL_S * MUL_IN + _j * MUL_IN:
              MUL_S * MUL_IN + (_j + 1) * MUL_IN, MUL_S + 3 * _j + _m] = 1.0
_SMAT = np.array(_smat)

_ty = np.zeros((8, MUL_S), dtype=np.float32)
for _j in range(MUL_V):
    for _m, _c in enumerate((1, 2, 0)):
        _ty[_c, 3 * _j + _m] = 1.0
_TY = np.array(_ty)


def _sc_gather(table48, table16, src3, dst3, half):
    mesh = plsc.VectorSubcoreMesh(core_axis_name="c", subcore_axis_name="s")
    hbase = half * (NCHT // 2)
    pc = 40
    g0 = 20
    g1 = 20

    @functools.partial(
        pl.kernel,
        out_type=jax.ShapeDtypeStruct((EP // 2, 128), jnp.float32),
        mesh=mesh,
        compiler_params=pltpu.CompilerParams(use_tc_tiling_on_sc=False),
        scratch_types=[
            pltpu.VMEM((GMAX // 2, CHUNK), jnp.int32),
            pltpu.VMEM((GMAX // 2, CHUNK), jnp.int32),
            pltpu.VMEM((NBUF, CHUNK, F48), jnp.float32),
            pltpu.VMEM((NBUF, CHUNK, 16), jnp.float32),
            [pltpu.SemaphoreType.DMA] * NBUF,
            [pltpu.SemaphoreType.DMA] * NBUF,
            [pltpu.SemaphoreType.DMA] * NBUF,
            [pltpu.SemaphoreType.DMA] * NBUF,
        ],
    )
    def k(t48, t16, src_h, dst_h, g_h, sidx, didx, r48, r16,
          sg48, sg16, so48, so16):
        c = lax.axis_index("c")
        s = lax.axis_index("s")
        cb = hbase + s * pc + c * g0
        nch = jnp.where(c == 0, g0, g1)
        pltpu.sync_copy(src_h.at[pl.ds(cb, GMAX // 2)], sidx)
        pltpu.sync_copy(dst_h.at[pl.ds(cb, GMAX // 2)], didx)

        def issue(j, b):
            pltpu.async_copy(t48.at[sidx.at[j]], r48.at[b], sg48[b])
            pltpu.async_copy(t16.at[didx.at[j]], r16.at[b], sg16[b])

        for b in range(NBUF):
            issue(b, b)

        def body(jj, carry):
            for b in range(NBUF):
                j = jj * NBUF + b
                off = (cb + j - hbase) * CHUNK
                pltpu.make_async_copy(g_h.at[pl.ds(0, CHUNK), pl.ds(0, F48)],
                                      r48.at[b], sg48[b]).wait()
                pltpu.make_async_copy(g_h.at[pl.ds(0, CHUNK), pl.ds(0, 16)],
                                      r16.at[b], sg16[b]).wait()
                pltpu.async_copy(r48.at[b],
                                 g_h.at[pl.ds(off, CHUNK), pl.ds(0, F48)],
                                 so48[b])
                pltpu.async_copy(r16.at[b],
                                 g_h.at[pl.ds(off, CHUNK), pl.ds(F48, 16)],
                                 so16[b])

                @pl.when(j + NBUF < nch)
                def _():
                    pltpu.make_async_copy(
                        r48.at[b], g_h.at[pl.ds(0, CHUNK), pl.ds(0, F48)],
                        so48[b]).wait()
                    pltpu.make_async_copy(
                        r16.at[b], g_h.at[pl.ds(0, CHUNK), pl.ds(F48, 16)],
                        so16[b]).wait()
                    issue(j + NBUF, b)
            return carry

        lax.fori_loop(0, nch // NBUF, body, 0)
        for b in range(NBUF):
            pltpu.make_async_copy(r48.at[b],
                                  g_h.at[pl.ds(0, CHUNK), pl.ds(0, F48)],
                                  so48[b]).wait()
            pltpu.make_async_copy(r16.at[b],
                                  g_h.at[pl.ds(0, CHUNK), pl.ds(F48, 16)],
                                  so16[b]).wait()

    return k(table48, table16, src3, dst3)


BLK = 2560


def _tc_dense_body(g_ref, wr1_ref, w2p_ref, s_ref, ty_ref, out_ref):
    g = g_ref[...]
    xs = g[:, :MUL_IN]
    ps = g[:, MUL_IN:MUL_IN + 3]
    pd = g[:, F48:F48 + 3]
    vec = pd - ps
    l2 = jnp.sum(vec * vec, axis=1, keepdims=True)
    length = jnp.maximum(jnp.sqrt(l2), 1e-8)
    vecn = vec / length
    h = length * wr1_ref[0:1, :]
    h = h * jax.nn.sigmoid(h)
    w = jnp.dot(h, w2p_ref[...], preferred_element_type=jnp.float32)
    x4 = jnp.concatenate([xs] * 4, axis=1)
    tile_x = jnp.concatenate([x4] * (W1024 // 128), axis=1)
    prod = w * tile_x
    big48 = jnp.dot(prod, s_ref[...], preferred_element_type=jnp.float32)
    y1t = jnp.dot(vecn, ty_ref[0:3, :], preferred_element_type=jnp.float32)
    m_s = (ALPHA * Y0) * big48[:, :MUL_S]
    m_v = (ALPHA * C1) * big48[:, MUL_S:] * y1t
    zpad = jnp.zeros((m_s.shape[0], 128 - F48), jnp.float32)
    out_ref[...] = jnp.concatenate([m_s, m_v, zpad], axis=1)


def _tc_dense(gfused, wr1p, w2p, smat, ty):
    return pl.pallas_call(
        _tc_dense_body,
        grid=(EP // 2 // BLK,),
        in_specs=[
            pl.BlockSpec((BLK, 128), lambda i: (i, 0)),
            pl.BlockSpec((8, HID), lambda i: (0, 0)),
            pl.BlockSpec((HID, W1024), lambda i: (0, 0)),
            pl.BlockSpec((W1024, F48), lambda i: (0, 0)),
            pl.BlockSpec((8, MUL_S), lambda i: (0, 0)),
        ],
        out_specs=pl.BlockSpec((BLK, 128), lambda i: (i, 0)),
        out_shape=jax.ShapeDtypeStruct((EP // 2, 128), jnp.float32),
    )(gfused, wr1p, w2p, smat, ty)


def _sc_scatter(m48, dst3, zeros48, half):
    mesh = plsc.VectorSubcoreMesh(core_axis_name="c", subcore_axis_name="s")
    hbase = half * (NCHT // 2)
    nchh = NCHUNK // 2

    @functools.partial(
        pl.kernel,
        out_type=jax.ShapeDtypeStruct((NC, NPAD, F48), jnp.float32),
        mesh=mesh,
        compiler_params=pltpu.CompilerParams(use_tc_tiling_on_sc=False),
        scratch_types=[
            pltpu.VMEM((NCHUNK // 2, CHUNK), jnp.int32),
            pltpu.VMEM((NBUF, CHUNK, F48), jnp.float32),
            pltpu.VMEM_SHARED((NPAD, F48), jnp.float32),
            [pltpu.SemaphoreType.DMA] * NBUF,
        ],
    )
    def k(m_h, dst_h, z_h, out_h, didx, rows, acc, sld):
        c = lax.axis_index("c")
        s = lax.axis_index("s")
        wid = s * NC + c
        base = wid * (EPW // 2)
        pltpu.sync_copy(z_h.at[pl.ds(s * RPS, RPS)],
                        acc.at[pl.ds(s * RPS, RPS)])
        pltpu.sync_copy(dst_h.at[pl.ds(hbase + wid * nchh, nchh)], didx)
        plsc.subcore_barrier()

        for b in range(NBUF):
            pltpu.async_copy(
                m_h.at[pl.ds(base + b * CHUNK, CHUNK), pl.ds(0, F48)],
                rows.at[b], sld[b])

        def body(jj, carry):
            for b in range(NBUF):
                j = jj * NBUF + b
                pltpu.make_async_copy(
                    m_h.at[pl.ds(base, CHUNK), pl.ds(0, F48)],
                    rows.at[b], sld[b]).wait()
                pltpu.sync_copy(rows.at[b], acc.at[didx.at[j]], add=True)

                @pl.when(j + NBUF < nchh)
                def _():
                    pltpu.async_copy(
                        m_h.at[pl.ds(base + (j + NBUF) * CHUNK, CHUNK),
                               pl.ds(0, F48)],
                        rows.at[b], sld[b])
            return carry

        lax.fori_loop(0, nchh // NBUF, body, 0)
        plsc.subcore_barrier()
        pltpu.sync_copy(acc.at[pl.ds(s * RPS, RPS)],
                        out_h.at[c, pl.ds(s * RPS, RPS)])

    return k(m48, dst3, zeros48)


BLKN = 2000


def _tc_final_body(p_ref, q_ref, ws_ref, wg_ref, wns_ref, out_ref):
    p = (p_ref[0] + p_ref[1]) + (q_ref[0] + q_ref[1])
    s_in = p[:, :MUL_S]
    v48 = p[:, MUL_S:]
    sp = jnp.dot(s_in, ws_ref[...], preferred_element_type=jnp.float32)
    s = sp * jax.nn.sigmoid(sp)
    g = jax.nn.sigmoid(jnp.dot(s_in, wg_ref[...],
                               preferred_element_type=jnp.float32))
    ns = jnp.dot(v48, wns_ref[...], preferred_element_type=jnp.float32)
    out_ref[...] = s + g * ns


def _tc_final(partials1, partials2, ws_s, wg_s, w48):
    return pl.pallas_call(
        _tc_final_body,
        grid=(N // BLKN,),
        in_specs=[
            pl.BlockSpec((NC, BLKN, F48), lambda i: (0, i, 0)),
            pl.BlockSpec((NC, BLKN, F48), lambda i: (0, i, 0)),
            pl.BlockSpec((MUL_S, MUL_S), lambda i: (0, 0)),
            pl.BlockSpec((MUL_S, MUL_S), lambda i: (0, 0)),
            pl.BlockSpec((MUL_S, MUL_S), lambda i: (0, 0)),
        ],
        out_specs=pl.BlockSpec((BLKN, MUL_S), lambda i: (i, 0)),
        out_shape=jax.ShapeDtypeStruct((N, MUL_S), jnp.float32),
    )(partials1, partials2, ws_s, wg_s, w48)


def kernel(x, edge_index, pos, W_r1, W_r2, Ws, Wns, Wg):
    src = edge_index[0]
    dst = edge_index[1]
    pad = EP - E
    src3 = jnp.concatenate(
        [src, jnp.zeros((pad + 40 * CHUNK,), jnp.int32)]
    ).reshape(NCHT + 40, CHUNK)
    dst3 = jnp.concatenate(
        [dst, jnp.full((pad,), N, jnp.int32),
         jnp.zeros((40 * CHUNK,), jnp.int32)]).reshape(NCHT + 40, CHUNK)
    znode = jnp.zeros((NPAD - N, 3), jnp.float32)
    table48 = jnp.concatenate(
        [x, pos, jnp.zeros((N, F48 - MUL_IN - 3), jnp.float32)], axis=1)
    table16 = jnp.concatenate([
        jnp.concatenate([pos, znode], axis=0),
        jnp.zeros((NPAD, 13), jnp.float32)], axis=1)

    g1 = _sc_gather(table48, table16, src3, dst3, 0)

    scale = 1.0 / math.sqrt(float(HID))
    w2p = jnp.take(W_r2, _COLIDX, axis=1) * scale
    wr1p = jnp.concatenate([W_r1, jnp.zeros((7, HID), jnp.float32)], axis=0)
    ty = _TY

    zeros = jnp.zeros((NPAD, F48), jnp.float32)
    m1 = _tc_dense(g1, wr1p, w2p, _SMAT, ty)
    g2 = _sc_gather(table48, table16, src3, dst3, 1)
    p1 = _sc_scatter(m1, dst3, zeros, 0)
    m2 = _tc_dense(g2, wr1p, w2p, _SMAT, ty)
    p2 = _sc_scatter(m2, dst3, zeros, 1)

    ws_s = Ws / math.sqrt(float(MUL_S))
    wg_s = Wg / math.sqrt(float(MUL_S))
    w48 = jnp.kron(Wns, jnp.eye(3, dtype=jnp.float32)) / math.sqrt(float(MUL_V))
    return _tc_final(p1, p2, ws_s, wg_s, w48)

# --- scband reference (transcript-rebuilt; emitter-appended) ---
"""Pipeline reference for scband-equivariant-edge-conv-57269093925337 (READ-ONLY COPY).

The authoritative reference and input builder live on the scoring server;
editing this copy changes nothing except your own understanding.
"""

import math
import jax, jax.numpy as jnp
import numpy as np

N = 10000
E = 160000
MUL_IN = 32   # irreps_in = 32x0e
MUL_S = 24    # scalar part of irreps_hidden = 24x0e
MUL_V = 8     # vector part of irreps_hidden = 8x1o (dim 24)
HID = 64      # radial_mlp_hidden
WNUM = MUL_IN * MUL_S + MUL_IN * MUL_V  # tp.weight_numel = 1024


def setup_inputs(seed: int = 0) -> dict:
    key = jax.random.key(seed)
    ks = jax.random.split(key, 8)
    x = jax.random.normal(ks[0], (N, MUL_IN), dtype=jnp.float32)
    edge_index = jax.random.randint(ks[1], (2, E), 0, N, dtype=jnp.int32)
    pos = jax.random.normal(ks[2], (N, 3), dtype=jnp.float32)
    # radial MLP params (e3nn FullyConnectedNet: no bias, 1/sqrt(fan_in) normalization)
    W_r1 = jax.random.normal(ks[3], (1, HID), dtype=jnp.float32)
    W_r2 = jax.random.normal(ks[4], (HID, WNUM), dtype=jnp.float32)
    # o3.Linear params (same-irrep paths only, 1/sqrt(fan_in) normalization)
    Ws = jax.random.normal(ks[5], (MUL_S, MUL_S), dtype=jnp.float32)   # lin_scalar
    Wns = jax.random.normal(ks[6], (MUL_V, MUL_V), dtype=jnp.float32)  # lin_nonscalar
    Wg = jax.random.normal(ks[7], (MUL_S, MUL_S), dtype=jnp.float32)   # lin_gates
    return {"x": x, "edge_index": edge_index, "pos": pos,
            "W_r1": W_r1, "W_r2": W_r2, "Ws": Ws, "Wns": Wns, "Wg": Wg}


def reference(x, edge_index, pos, W_r1, W_r2, Ws, Wns, Wg):
    src = edge_index[0]
    dst = edge_index[1]
    # relative edge geometry (gather on pos)
    edge_vec = pos[dst] - pos[src]
    edge_len = jnp.maximum(jnp.linalg.norm(edge_vec, axis=-1, keepdims=True), 1e-8)
    edge_dir = edge_vec / edge_len
    # spherical harmonics lmax=1, 'integral' normalization, e3nn (y,z,x) basis order
    Y0 = 1.0 / (2.0 * math.sqrt(math.pi))
    c1 = math.sqrt(3.0 / (4.0 * math.pi))
    Y1 = c1 * jnp.stack([edge_dir[:, 1], edge_dir[:, 2], edge_dir[:, 0]], axis=-1)  # [E,3]
    # radial MLP -> per-edge tensor-product weights [E, WNUM]
    h = jax.nn.silu(edge_len @ W_r1 / math.sqrt(1.0))
    w = (h @ W_r2) / math.sqrt(float(HID))
    w1 = w[:, : MUL_IN * MUL_S].reshape(-1, MUL_IN, MUL_S)  # 0e x 0e -> 0e path
    w2 = w[:, MUL_IN * MUL_S:].reshape(-1, MUL_IN, MUL_V)   # 0e x 1o -> 1o path
    xs = x[src]  # gather node features onto edges
    alpha = 1.0 / math.sqrt(float(MUL_IN))  # path normalization (fan_in = 32)
    m_s = alpha * Y0 * jnp.einsum('eij,ei->ej', w1, xs)            # [E, 24]
    m_v = alpha * jnp.einsum('eij,ei,em->ejm', w2, xs, Y1)         # [E, 8, 3]
    m = jnp.concatenate([m_s, m_v.reshape(-1, MUL_V * 3)], axis=1)  # [E, 48]
    # scatter-add messages to destination nodes (index_add)
    out = jnp.zeros((x.shape[0], MUL_S + MUL_V * 3), dtype=x.dtype).at[dst].add(m)
    s_in = out[:, :MUL_S]                              # scalar channels
    v_in = out[:, MUL_S:].reshape(-1, MUL_V, 3)        # vector channels
    s = jax.nn.silu(s_in @ Ws / math.sqrt(float(MUL_S)))
    ns = (jnp.einsum('nim,ij->njm', v_in, Wns) / math.sqrt(float(MUL_V))).reshape(-1, MUL_V * 3)
    g = jax.nn.sigmoid(s_in @ Wg / math.sqrt(float(MUL_S)))
    return s + g * ns  # [N, 24]

if __name__ == "__main__":
    import jax
    _d = setup_inputs()
    print(jax.jit(kernel)(*tuple(_d.values())))

</pallas_src>

<mosaic_0001>
#map = affine_map<(d0, d1) -> (0, 0)>
#map1 = affine_map<(d0, d1) -> (0, 0, 0)>
module attributes {stable_mosaic.version = 14 : i64} {
  func.func @k(%arg0: i32, %arg1: i32, %arg2: memref<81920x128xf32, #tpu.memory_space<hbm>>, %arg3: memref<1320x128xi32, #tpu.memory_space<hbm>>, %arg4: memref<10112x48xf32, #tpu.memory_space<hbm>>, %arg5: memref<2x10112x48xf32, #tpu.memory_space<hbm>>, %arg6: memref<20x128xi32, #tpu.memory_space<vmem>>, %arg7: memref<4x128x48xf32, #tpu.memory_space<vmem>>, %arg8: memref<10112x48xf32, #tpu.memory_space<vmem_shared>>, %arg9: memref<!tpu.dma_semaphore, #tpu.memory_space<semaphore_mem>>, %arg10: memref<!tpu.dma_semaphore, #tpu.memory_space<semaphore_mem>>, %arg11: memref<!tpu.dma_semaphore, #tpu.memory_space<semaphore_mem>>, %arg12: memref<!tpu.dma_semaphore, #tpu.memory_space<semaphore_mem>>) attributes {dimension_semantics = [#tpu.dimension_semantics<core_parallel>, #tpu.dimension_semantics<subcore_parallel>], iteration_bounds = array<i64: 2, 16>, scalar_prefetch = 0 : i64, scratch_operands = 7 : i64, tpu.core_type = #tpu.core_type<sc_vector_subcore>, window_params = [{transform_indices = #map}, {transform_indices = #map}, {transform_indices = #map}, {transform_indices = #map1}]} {
    %mul3A = arith.constant 2 : i32
    %mul3A_0 = arith.muli %arg1, %mul3A : i32
    %add3A = arith.addi %mul3A_0, %arg0 : i32
    %mul3A_1 = arith.constant 2560 : i32
    %mul3A_2 = arith.muli %add3A, %mul3A_1 : i32
    %mul3A_3 = arith.constant 632 : i32
    %mul3A_4 = arith.muli %arg1, %mul3A_3 : i32
    %mul3A_5 = arith.constant 632 : i32
    %mul3A_6 = arith.muli %arg1, %mul3A_5 : i32
    "tpu.region"() ({
      %run_scoped3A = tpu.sem_alloc : memref<!tpu.dma_semaphore, #tpu.memory_space<semaphore_mem>>
      %dma_start3A_80 = arith.constant 0 : i32
      %dma_start3A_81 = tpu.memref_slice %arg8[%mul3A_6, %dma_start3A_80] : memref<10112x48xf32, #tpu.memory_space<vmem_shared>> -> memref<632x48xf32, #tpu.memory_space<vmem_shared>>
      %dma_start3A_82 = arith.constant 0 : i32
      %dma_start3A_83 = tpu.memref_slice %arg4[%mul3A_4, %dma_start3A_82] : memref<10112x48xf32, #tpu.memory_space<hbm>> -> memref<632x48xf32, #tpu.memory_space<hbm>>
      tpu.enqueue_dma source(%dma_start3A_83 : memref<632x48xf32, #tpu.memory_space<hbm>>) target(%dma_start3A_81 : memref<632x48xf32, #tpu.memory_space<vmem_shared>>) target_semaphore(%run_scoped3A : memref<!tpu.dma_semaphore, #tpu.memory_space<semaphore_mem>>)
      %dma_wait3A = arith.constant 0 : i32
      %dma_wait3A_84 = tpu.memref_slice %arg8[%mul3A_6, %dma_wait3A] : memref<10112x48xf32, #tpu.memory_space<vmem_shared>> -> memref<632x48xf32, #tpu.memory_space<vmem_shared>>
      %dma_wait3A_85 = arith.constant 0 : i32
      %dma_wait3A_86 = tpu.memref_slice %arg4[%mul3A_4, %dma_wait3A_85] : memref<10112x48xf32, #tpu.memory_space<hbm>> -> memref<632x48xf32, #tpu.memory_space<hbm>>
      tpu.wait_dma2 semaphore(%run_scoped3A : memref<!tpu.dma_semaphore, #tpu.memory_space<semaphore_mem>>) src(%dma_wait3A_86 : memref<632x48xf32, #tpu.memory_space<hbm>>) dst(%dma_wait3A_84 : memref<632x48xf32, #tpu.memory_space<vmem_shared>>)
      tpu.yield
    }) : () -> ()
    %mul3A_7 = arith.constant 20 : i32
    %mul3A_8 = arith.muli %add3A, %mul3A_7 : i32
    %add3A_9 = arith.constant 0 : i32
    %add3A_10 = arith.addi %add3A_9, %mul3A_8 : i32
    "tpu.region"() ({
      %run_scoped3A = tpu.sem_alloc : memref<!tpu.dma_semaphore, #tpu.memory_space<semaphore_mem>>
      %dma_start3A_80 = arith.constant 0 : i32
      %dma_start3A_81 = tpu.memref_slice %arg3[%add3A_10, %dma_start3A_80] : memref<1320x128xi32, #tpu.memory_space<hbm>> -> memref<20x128xi32, #tpu.memory_space<hbm>>
      %dma_start3A_82 = arith.constant 0 : i32
      %dma_start3A_83 = tpu.memref_slice %arg3[%add3A_10, %dma_start3A_82] : memref<1320x128xi32, #tpu.memory_space<hbm>> -> memref<20x128xi32, #tpu.memory_space<hbm>>
      tpu.enqueue_dma source(%dma_start3A_83 : memref<20x128xi32, #tpu.memory_space<hbm>>) target(%arg6 : memref<20x128xi32, #tpu.memory_space<vmem>>) target_semaphore(%run_scoped3A : memref<!tpu.dma_semaphore, #tpu.memory_space<semaphore_mem>>)
      %dma_wait3A = arith.constant 0 : i32
      %dma_wait3A_84 = tpu.memref_slice %arg3[%add3A_10, %dma_wait3A] : memref<1320x128xi32, #tpu.memory_space<hbm>> -> memref<20x128xi32, #tpu.memory_space<hbm>>
      %dma_wait3A_85 = arith.constant 0 : i32
      %dma_wait3A_86 = tpu.memref_slice %arg3[%add3A_10, %dma_wait3A_85] : memref<1320x128xi32, #tpu.memory_space<hbm>> -> memref<20x128xi32, #tpu.memory_space<hbm>>
      tpu.wait_dma2 semaphore(%run_scoped3A : memref<!tpu.dma_semaphore, #tpu.memory_space<semaphore_mem>>) src(%dma_wait3A_86 : memref<20x128xi32, #tpu.memory_space<hbm>>) dst(%arg6 : memref<20x128xi32, #tpu.memory_space<vmem>>)
      tpu.yield
    }) : () -> ()
    %barrier3A = arith.constant 0 : index
    tpu.barrier barrier_id(%barrier3A)
    %add3A_11 = arith.constant 0 : i32
    %add3A_12 = arith.addi %mul3A_2, %add3A_11 : i32
    %dma_start3A = arith.constant 0 : i32
    %dma_start3A_13 = arith.constant 0 : i32
    %dma_start3A_14 = arith.constant 0 : i32
    %dma_start3A_15 = tpu.memref_slice %arg7[%dma_start3A, %dma_start3A_13, %dma_start3A_14] : memref<4x128x48xf32, #tpu.memory_space<vmem>> -> memref<1x128x48xf32, #tpu.memory_space<vmem>>
    %dma_start3A_16 = tpu.memref_squeeze %dma_start3A_15 : memref<1x128x48xf32, #tpu.memory_space<vmem>> -> memref<128x48xf32, #tpu.memory_space<vmem>>
    %dma_start3A_17 = arith.constant 0 : i32
    %dma_start3A_18 = tpu.memref_slice %arg2[%add3A_12, %dma_start3A_17] : memref<81920x128xf32, #tpu.memory_space<hbm>> -> memref<128x48xf32, #tpu.memory_space<hbm>>
    %dma_start3A_19 = arith.constant 0 : i32
    %dma_start3A_20 = arith.constant 0 : i32
    %dma_start3A_21 = tpu.memref_slice %arg7[%dma_start3A, %dma_start3A_19, %dma_start3A_20] : memref<4x128x48xf32, #tpu.memory_space<vmem>> -> memref<1x128x48xf32, #tpu.memory_space<vmem>>
    %dma_start3A_22 = tpu.memref_squeeze %dma_start3A_21 : memref<1x128x48xf32, #tpu.memory_space<vmem>> -> memref<128x48xf32, #tpu.memory_space<vmem>>
    %dma_start3A_23 = arith.constant 0 : i32
    %dma_start3A_24 = tpu.memref_slice %arg2[%add3A_12, %dma_start3A_23] : memref<81920x128xf32, #tpu.memory_space<hbm>> -> memref<128x48xf32, #tpu.memory_space<hbm>>
    tpu.enqueue_dma source(%dma_start3A_24 : memref<128x48xf32, #tpu.memory_space<hbm>>) target(%dma_start3A_22 : memref<128x48xf32, #tpu.memory_space<vmem>>) target_semaphore(%arg9 : memref<!tpu.dma_semaphore, #tpu.memory_space<semaphore_mem>>)
    %add3A_25 = arith.constant 128 : i32
    %add3A_26 = arith.addi %mul3A_2, %add3A_25 : i32
    %dma_start3A_27 = arith.constant 1 : i32
    %dma_start3A_28 = arith.constant 0 : i32
    %dma_start3A_29 = arith.constant 0 : i32
    %dma_start3A_30 = tpu.memref_slice %arg7[%dma_start3A_27, %dma_start3A_28, %dma_start3A_29] : memref<4x128x48xf32, #tpu.memory_space<vmem>> -> memref<1x128x48xf32, #tpu.memory_space<vmem>>
    %dma_start3A_31 = tpu.memref_squeeze %dma_start3A_30 : memref<1x128x48xf32, #tpu.memory_space<vmem>> -> memref<128x48xf32, #tpu.memory_space<vmem>>
    %dma_start3A_32 = arith.constant 0 : i32
    %dma_start3A_33 = tpu.memref_slice %arg2[%add3A_26, %dma_start3A_32] : memref<81920x128xf32, #tpu.memory_space<hbm>> -> memref<128x48xf32, #tpu.memory_space<hbm>>
    %dma_start3A_34 = arith.constant 0 : i32
    %dma_start3A_35 = arith.constant 0 : i32
    %dma_start3A_36 = tpu.memref_slice %arg7[%dma_start3A_27, %dma_start3A_34, %dma_start3A_35] : memref<4x128x48xf32, #tpu.memory_space<vmem>> -> memref<1x128x48xf32, #tpu.memory_space<vmem>>
    %dma_start3A_37 = tpu.memref_squeeze %dma_start3A_36 : memref<1x128x48xf32, #tpu.memory_space<vmem>> -> memref<128x48xf32, #tpu.memory_space<vmem>>
    %dma_start3A_38 = arith.constant 0 : i32
    %dma_start3A_39 = tpu.memref_slice %arg2[%add3A_26, %dma_start3A_38] : memref<81920x128xf32, #tpu.memory_space<hbm>> -> memref<128x48xf32, #tpu.memory_space<hbm>>
    tpu.enqueue_dma source(%dma_start3A_39 : memref<128x48xf32, #tpu.memory_space<hbm>>) target(%dma_start3A_37 : memref<128x48xf32, #tpu.memory_space<vmem>>) target_semaphore(%arg10 : memref<!tpu.dma_semaphore, #tpu.memory_space<semaphore_mem>>)
    %add3A_40 = arith.constant 256 : i32
    %add3A_41 = arith.addi %mul3A_2, %add3A_40 : i32
    %dma_start3A_42 = arith.constant 2 : i32
    %dma_start3A_43 = arith.constant 0 : i32
    %dma_start3A_44 = arith.constant 0 : i32
    %dma_start3A_45 = tpu.memref_slice %arg7[%dma_start3A_42, %dma_start3A_43, %dma_start3A_44] : memref<4x128x48xf32, #tpu.memory_space<vmem>> -> memref<1x128x48xf32, #tpu.memory_space<vmem>>
    %dma_start3A_46 = tpu.memref_squeeze %dma_start3A_45 : memref<1x128x48xf32, #tpu.memory_space<vmem>> -> memref<128x48xf32, #tpu.memory_space<vmem>>
    %dma_start3A_47 = arith.constant 0 : i32
    %dma_start3A_48 = tpu.memref_slice %arg2[%add3A_41, %dma_start3A_47] : memref<81920x128xf32, #tpu.memory_space<hbm>> -> memref<128x48xf32, #tpu.memory_space<hbm>>
    %dma_start3A_49 = arith.constant 0 : i32
    %dma_start3A_50 = arith.constant 0 : i32
    %dma_start3A_51 = tpu.memref_slice %arg7[%dma_start3A_42, %dma_start3A_49, %dma_start3A_50] : memref<4x128x48xf32, #tpu.memory_space<vmem>> -> memref<1x128x48xf32, #tpu.memory_space<vmem>>
    %dma_start3A_52 = tpu.memref_squeeze %dma_start3A_51 : memref<1x128x48xf32, #tpu.memory_space<vmem>> -> memref<128x48xf32, #tpu.memory_space<vmem>>
    %dma_start3A_53 = arith.constant 0 : i32
    %dma_start3A_54 = tpu.memref_slice %arg2[%add3A_41, %dma_start3A_53] : memref<81920x128xf32, #tpu.memory_space<hbm>> -> memref<128x48xf32, #tpu.memory_space<hbm>>
    tpu.enqueue_dma source(%dma_start3A_54 : memref<128x48xf32, #tpu.memory_space<hbm>>) target(%dma_start3A_52 : memref<128x48xf32, #tpu.memory_space<vmem>>) target_semaphore(%arg11 : memref<!tpu.dma_semaphore, #tpu.memory_space<semaphore_mem>>)
    %add3A_55 = arith.constant 384 : i32
    %add3A_56 = arith.addi %mul3A_2, %add3A_55 : i32
    %dma_start3A_57 = arith.constant 3 : i32
    %dma_start3A_58 = arith.constant 0 : i32
    %dma_start3A_59 = arith.constant 0 : i32
    %dma_start3A_60 = tpu.memref_slice %arg7[%dma_start3A_57, %dma_start3A_58, %dma_start3A_59] : memref<4x128x48xf32, #tpu.memory_space<vmem>> -> memref<1x128x48xf32, #tpu.memory_space<vmem>>
    %dma_start3A_61 = tpu.memref_squeeze %dma_start3A_60 : memref<1x128x48xf32, #tpu.memory_space<vmem>> -> memref<128x48xf32, #tpu.memory_space<vmem>>
    %dma_start3A_62 = arith.constant 0 : i32
    %dma_start3A_63 = tpu.memref_slice %arg2[%add3A_56, %dma_start3A_62] : memref<81920x128xf32, #tpu.memory_space<hbm>> -> memref<128x48xf32, #tpu.memory_space<hbm>>
    %dma_start3A_64 = arith.constant 0 : i32
    %dma_start3A_65 = arith.constant 0 : i32
    %dma_start3A_66 = tpu.memref_slice %arg7[%dma_start3A_57, %dma_start3A_64, %dma_start3A_65] : memref<4x128x48xf32, #tpu.memory_space<vmem>> -> memref<1x128x48xf32, #tpu.memory_space<vmem>>
    %dma_start3A_67 = tpu.memref_squeeze %dma_start3A_66 : memref<1x128x48xf32, #tpu.memory_space<vmem>> -> memref<128x48xf32, #tpu.memory_space<vmem>>
    %dma_start3A_68 = arith.constant 0 : i32
    %dma_start3A_69 = tpu.memref_slice %arg2[%add3A_56, %dma_start3A_68] : memref<81920x128xf32, #tpu.memory_space<hbm>> -> memref<128x48xf32, #tpu.memory_space<hbm>>
    tpu.enqueue_dma source(%dma_start3A_69 : memref<128x48xf32, #tpu.memory_space<hbm>>) target(%dma_start3A_67 : memref<128x48xf32, #tpu.memory_space<vmem>>) target_semaphore(%arg12 : memref<!tpu.dma_semaphore, #tpu.memory_space<semaphore_mem>>)
    %scan3A = arith.constant 0 : i32
    %scan3A_70 = arith.constant 0 : i32
    %scan3A_71 = arith.constant 5 : i32
    %scan3A_72 = arith.addi %scan3A_70, %scan3A_71 : i32
    %scan3A_73 = arith.constant 1 : i32
    scf.for %scan3A_80 = %scan3A_70 to %scan3A_72 step %scan3A_73  : i32 {
      %mul3A_81 = arith.constant 4 : i32
      %mul3A_82 = arith.muli %scan3A_80, %mul3A_81 : i32
      %add3A_83 = arith.constant 0 : i32
      %add3A_84 = arith.addi %mul3A_82, %add3A_83 : i32
      %dma_wait3A = arith.constant 0 : i32
      %dma_wait3A_85 = arith.constant 0 : i32
      %dma_wait3A_86 = arith.constant 0 : i32
      %dma_wait3A_87 = tpu.memref_slice %arg7[%dma_wait3A, %dma_wait3A_85, %dma_wait3A_86] : memref<4x128x48xf32, #tpu.memory_space<vmem>> -> memref<1x128x48xf32, #tpu.memory_space<vmem>>
      %dma_wait3A_88 = tpu.memref_squeeze %dma_wait3A_87 : memref<1x128x48xf32, #tpu.memory_space<vmem>> -> memref<128x48xf32, #tpu.memory_space<vmem>>
      %dma_wait3A_89 = arith.constant 0 : i32
      %dma_wait3A_90 = tpu.memref_slice %arg2[%mul3A_2, %dma_wait3A_89] : memref<81920x128xf32, #tpu.memory_space<hbm>> -> memref<128x48xf32, #tpu.memory_space<hbm>>
      %dma_wait3A_91 = arith.constant 0 : i32
      %dma_wait3A_92 = arith.constant 0 : i32
      %dma_wait3A_93 = tpu.memref_slice %arg7[%dma_wait3A, %dma_wait3A_91, %dma_wait3A_92] : memref<4x128x48xf32, #tpu.memory_space<vmem>> -> memref<1x128x48xf32, #tpu.memory_space<vmem>>
      %dma_wait3A_94 = tpu.memref_squeeze %dma_wait3A_93 : memref<1x128x48xf32, #tpu.memory_space<vmem>> -> memref<128x48xf32, #tpu.memory_space<vmem>>
      %dma_wait3A_95 = arith.constant 0 : i32
      %dma_wait3A_96 = tpu.memref_slice %arg2[%mul3A_2, %dma_wait3A_95] : memref<81920x128xf32, #tpu.memory_space<hbm>> -> memref<128x48xf32, #tpu.memory_space<hbm>>
      tpu.wait_dma2 semaphore(%arg9 : memref<!tpu.dma_semaphore, #tpu.memory_space<semaphore_mem>>) src(%dma_wait3A_96 : memref<128x48xf32, #tpu.memory_space<hbm>>) dst(%dma_wait3A_94 : memref<128x48xf32, #tpu.memory_space<vmem>>)
      %run_scoped3A = arith.constant 0 : i32
      "tpu.region"() ({
        %run_scoped3A_176 = tpu.sem_alloc : memref<!tpu.dma_semaphore, #tpu.memory_space<semaphore_mem>>
        %dma_start3A_177 = arith.constant 0 : i32
        %dma_start3A_178 = arith.constant 0 : i32
        %dma_start3A_179 = tpu.memref_slice %arg7[%run_scoped3A, %dma_start3A_177, %dma_start3A_178] : memref<4x128x48xf32, #tpu.memory_space<vmem>> -> memref<1x128x48xf32, #tpu.memory_space<vmem>>
        %dma_start3A_180 = tpu.memref_squeeze %dma_start3A_179 : memref<1x128x48xf32, #tpu.memory_space<vmem>> -> memref<128x48xf32, #tpu.memory_space<vmem>>
        %dma_start3A_181 = arith.constant 0 : i32
        %dma_start3A_182 = tpu.memref_slice %arg6[%add3A_84, %dma_start3A_181] : memref<20x128xi32, #tpu.memory_space<vmem>> -> memref<1x128xi32, #tpu.memory_space<vmem>>
        %dma_start3A_183 = tpu.memref_squeeze %dma_start3A_182 : memref<1x128xi32, #tpu.memory_space<vmem>> -> memref<128xi32, #tpu.memory_space<vmem>>
        %dma_start3A_184 = arith.constant 0 : i32
        %dma_start3A_185 = arith.constant 0 : i32
        %dma_start3A_186 = tpu.memref_slice %arg8[%dma_start3A_184, %dma_start3A_185] : memref<10112x48xf32, #tpu.memory_space<vmem_shared>> -> memref<10112x48xf32, #tpu.memory_space<vmem_shared>>
        tpu.enqueue_indirect_dma source(%dma_start3A_180 : memref<128x48xf32, #tpu.memory_space<vmem>>) target(%dma_start3A_186 : memref<10112x48xf32, #tpu.memory_space<vmem_shared>>) offsets(%dma_start3A_183 : memref<128xi32, #tpu.memory_space<vmem>>) semaphore(%run_scoped3A_176 : memref<!tpu.dma_semaphore, #tpu.memory_space<semaphore_mem>>) {add = true}
        %dma_wait3A_187 = arith.constant 0 : i32
        %dma_wait3A_188 = arith.constant 0 : i32
        %dma_wait3A_189 = tpu.memref_slice %arg7[%run_scoped3A, %dma_wait3A_187, %dma_wait3A_188] : memref<4x128x48xf32, #tpu.memory_space<vmem>> -> memref<1x128x48xf32, #tpu.memory_space<vmem>>
        %dma_wait3A_190 = tpu.memref_squeeze %dma_wait3A_189 : memref<1x128x48xf32, #tpu.memory_space<vmem>> -> memref<128x48xf32, #tpu.memory_space<vmem>>
        %dma_wait3A_191 = arith.constant 0 : i32
        %dma_wait3A_192 = tpu.memref_slice %arg6[%add3A_84, %dma_wait3A_191] : memref<20x128xi32, #tpu.memory_space<vmem>> -> memref<1x128xi32, #tpu.memory_space<vmem>>
        %dma_wait3A_193 = tpu.memref_squeeze %dma_wait3A_192 : memref<1x128xi32, #tpu.memory_space<vmem>> -> memref<128xi32, #tpu.memory_space<vmem>>
        %dma_wait3A_194 = arith.constant 0 : i32
        %dma_wait3A_195 = arith.constant 0 : i32
        %dma_wait3A_196 = tpu.memref_slice %arg8[%dma_wait3A_194, %dma_wait3A_195] : memref<10112x48xf32, #tpu.memory_space<vmem_shared>> -> memref<10112x48xf32, #tpu.memory_space<vmem_shared>>
        tpu.wait_indirect_dma semaphore(%run_scoped3A_176 : memref<!tpu.dma_semaphore, #tpu.memory_space<semaphore_mem>>) src(%dma_wait3A_190 : memref<128x48xf32, #tpu.memory_space<vmem>>) dst(%dma_wait3A_196 : memref<10112x48xf32, #tpu.memory_space<vmem_shared>>)
        tpu.yield
      }) : () -> ()
      %add3A_97 = arith.constant 4 : i32
      %add3A_98 = arith.addi %add3A_84, %add3A_97 : i32
      %lt3A = arith.constant 20 : i32
      %lt3A_99 = arith.cmpi slt, %add3A_98, %lt3A : i32
      %convert_element_type3A = arith.extui %lt3A_99 : i1 to i32
      %cond3A = arith.constant 0 : i32
      %cond3A_100 = arith.cmpi ne, %convert_element_type3A, %cond3A : i32
      scf.if %cond3A_100 {
        %add3A_176 = arith.constant 4 : i32
        %add3A_177 = arith.addi %add3A_84, %add3A_176 : i32
        %mul3A_178 = arith.constant 128 : i32
        %mul3A_179 = arith.muli %add3A_177, %mul3A_178 : i32
        %add3A_180 = arith.addi %mul3A_2, %mul3A_179 : i32
        %dma_start3A_181 = arith.constant 0 : i32
        %dma_start3A_182 = arith.constant 0 : i32
        %dma_start3A_183 = arith.constant 0 : i32
        %dma_start3A_184 = tpu.memref_slice %arg7[%dma_start3A_181, %dma_start3A_182, %dma_start3A_183] : memref<4x128x48xf32, #tpu.memory_space<vmem>> -> memref<1x128x48xf32, #tpu.memory_space<vmem>>
        %dma_start3A_185 = tpu.memref_squeeze %dma_start3A_184 : memref<1x128x48xf32, #tpu.memory_space<vmem>> -> memref<128x48xf32, #tpu.memory_space<vmem>>
        %dma_start3A_186 = arith.constant 0 : i32
        %dma_start3A_187 = tpu.memref_slice %arg2[%add3A_180, %dma_start3A_186] : memref<81920x128xf32, #tpu.memory_space<hbm>> -> memref<128x48xf32, #tpu.memory_space<hbm>>
        %dma_start3A_188 = arith.constant 0 : i32
        %dma_start3A_189 = arith.constant 0 : i32
        %dma_start3A_190 = tpu.memref_slice %arg7[%dma_start3A_181, %dma_start3A_188, %dma_start3A_189] : memref<4x128x48xf32, #tpu.memory_space<vmem>> -> memref<1x128x48xf32, #tpu.memory_space<vmem>>
        %dma_start3A_191 = tpu.memref_squeeze %dma_start3A_190 : memref<1x128x48xf32, #tpu.memory_space<vmem>> -> memref<128x48xf32, #tpu.memory_space<vmem>>
        %dma_start3A_192 = arith.constant 0 : i32
        %dma_start3A_193 = tpu.memref_slice %arg2[%add3A_180, %dma_start3A_192] : memref<81920x128xf32, #tpu.memory_space<hbm>> -> memref<128x48xf32, #tpu.memory_space<hbm>>
        tpu.enqueue_dma source(%dma_start3A_193 : memref<128x48xf32, #tpu.memory_space<hbm>>) target(%dma_start3A_191 : memref<128x48xf32, #tpu.memory_space<vmem>>) target_semaphore(%arg9 : memref<!tpu.dma_semaphore, #tpu.memory_space<semaphore_mem>>)
      } else {
      }
      %mul3A_101 = arith.constant 4 : i32
      %mul3A_102 = arith.muli %scan3A_80, %mul3A_101 : i32
      %add3A_103 = arith.constant 1 : i32
      %add3A_104 = arith.addi %mul3A_102, %add3A_103 : i32
      %dma_wait3A_105 = arith.constant 1 : i32
      %dma_wait3A_106 = arith.constant 0 : i32
      %dma_wait3A_107 = arith.constant 0 : i32
      %dma_wait3A_108 = tpu.memref_slice %arg7[%dma_wait3A_105, %dma_wait3A_106, %dma_wait3A_107] : memref<4x128x48xf32, #tpu.memory_space<vmem>> -> memref<1x128x48xf32, #tpu.memory_space<vmem>>
      %dma_wait3A_109 = tpu.memref_squeeze %dma_wait3A_108 : memref<1x128x48xf32, #tpu.memory_space<vmem>> -> memref<128x48xf32, #tpu.memory_space<vmem>>
      %dma_wait3A_110 = arith.constant 0 : i32
      %dma_wait3A_111 = tpu.memref_slice %arg2[%mul3A_2, %dma_wait3A_110] : memref<81920x128xf32, #tpu.memory_space<hbm>> -> memref<128x48xf32, #tpu.memory_space<hbm>>
      %dma_wait3A_112 = arith.constant 0 : i32
      %dma_wait3A_113 = arith.constant 0 : i32
      %dma_wait3A_114 = tpu.memref_slice %arg7[%dma_wait3A_105, %dma_wait3A_112, %dma_wait3A_113] : memref<4x128x48xf32, #tpu.memory_space<vmem>> -> memref<1x128x48xf32, #tpu.memory_space<vmem>>
      %dma_wait3A_115 = tpu.memref_squeeze %dma_wait3A_114 : memref<1x128x48xf32, #tpu.memory_space<vmem>> -> memref<128x48xf32, #tpu.memory_space<vmem>>
      %dma_wait3A_116 = arith.constant 0 : i32
      %dma_wait3A_117 = tpu.memref_slice %arg2[%mul3A_2, %dma_wait3A_116] : memref<81920x128xf32, #tpu.memory_space<hbm>> -> memref<128x48xf32, #tpu.memory_space<hbm>>
      tpu.wait_dma2 semaphore(%arg10 : memref<!tpu.dma_semaphore, #tpu.memory_space<semaphore_mem>>) src(%dma_wait3A_117 : memref<128x48xf32, #tpu.memory_space<hbm>>) dst(%dma_wait3A_115 : memref<128x48xf32, #tpu.memory_space<vmem>>)
      %run_scoped3A_118 = arith.constant 1 : i32
      "tpu.region"() ({
        %run_scoped3A_176 = tpu.sem_alloc : memref<!tpu.dma_semaphore, #tpu.memory_space<semaphore_mem>>
        %dma_start3A_177 = arith.constant 0 : i32
        %dma_start3A_178 = arith.constant 0 : i32
        %dma_start3A_179 = tpu.memref_slice %arg7[%run_scoped3A_118, %dma_start3A_177, %dma_start3A_178] : memref<4x128x48xf32, #tpu.memory_space<vmem>> -> memref<1x128x48xf32, #tpu.memory_space<vmem>>
        %dma_start3A_180 = tpu.memref_squeeze %dma_start3A_179 : memref<1x128x48xf32, #tpu.memory_space<vmem>> -> memref<128x48xf32, #tpu.memory_space<vmem>>
        %dma_start3A_181 = arith.constant 0 : i32
        %dma_start3A_182 = tpu.memref_slice %arg6[%add3A_104, %dma_start3A_181] : memref<20x128xi32, #tpu.memory_space<vmem>> -> memref<1x128xi32, #tpu.memory_space<vmem>>
        %dma_start3A_183 = tpu.memref_squeeze %dma_start3A_182 : memref<1x128xi32, #tpu.memory_space<vmem>> -> memref<128xi32, #tpu.memory_space<vmem>>
        %dma_start3A_184 = arith.constant 0 : i32
        %dma_start3A_185 = arith.constant 0 : i32
        %dma_start3A_186 = tpu.memref_slice %arg8[%dma_start3A_184, %dma_start3A_185] : memref<10112x48xf32, #tpu.memory_space<vmem_shared>> -> memref<10112x48xf32, #tpu.memory_space<vmem_shared>>
        tpu.enqueue_indirect_dma source(%dma_start3A_180 : memref<128x48xf32, #tpu.memory_space<vmem>>) target(%dma_start3A_186 : memref<10112x48xf32, #tpu.memory_space<vmem_shared>>) offsets(%dma_start3A_183 : memref<128xi32, #tpu.memory_space<vmem>>) semaphore(%run_scoped3A_176 : memref<!tpu.dma_semaphore, #tpu.memory_space<semaphore_mem>>) {add = true}
        %dma_wait3A_187 = arith.constant 0 : i32
        %dma_wait3A_188 = arith.constant 0 : i32
        %dma_wait3A_189 = tpu.memref_slice %arg7[%run_scoped3A_118, %dma_wait3A_187, %dma_wait3A_188] : memref<4x128x48xf32, #tpu.memory_space<vmem>> -> memref<1x128x48xf32, #tpu.memory_space<vmem>>
        %dma_wait3A_190 = tpu.memref_squeeze %dma_wait3A_189 : memref<1x128x48xf32, #tpu.memory_space<vmem>> -> memref<128x48xf32, #tpu.memory_space<vmem>>
        %dma_wait3A_191 = arith.constant 0 : i32
        %dma_wait3A_192 = tpu.memref_slice %arg6[%add3A_104, %dma_wait3A_191] : memref<20x128xi32, #tpu.memory_space<vmem>> -> memref<1x128xi32, #tpu.memory_space<vmem>>
        %dma_wait3A_193 = tpu.memref_squeeze %dma_wait3A_192 : memref<1x128xi32, #tpu.memory_space<vmem>> -> memref<128xi32, #tpu.memory_space<vmem>>
        %dma_wait3A_194 = arith.constant 0 : i32
        %dma_wait3A_195 = arith.constant 0 : i32
        %dma_wait3A_196 = tpu.memref_slice %arg8[%dma_wait3A_194, %dma_wait3A_195] : memref<10112x48xf32, #tpu.memory_space<vmem_shared>> -> memref<10112x48xf32, #tpu.memory_space<vmem_shared>>
        tpu.wait_indirect_dma semaphore(%run_scoped3A_176 : memref<!tpu.dma_semaphore, #tpu.memory_space<semaphore_mem>>) src(%dma_wait3A_190 : memref<128x48xf32, #tpu.memory_space<vmem>>) dst(%dma_wait3A_196 : memref<10112x48xf32, #tpu.memory_space<vmem_shared>>)
        tpu.yield
      }) : () -> ()
      %add3A_119 = arith.constant 4 : i32
      %add3A_120 = arith.addi %add3A_104, %add3A_119 : i32
      %lt3A_121 = arith.constant 20 : i32
      %lt3A_122 = arith.cmpi slt, %add3A_120, %lt3A_121 : i32
      %convert_element_type3A_123 = arith.extui %lt3A_122 : i1 to i32
      %cond3A_124 = arith.constant 0 : i32
      %cond3A_125 = arith.cmpi ne, %convert_element_type3A_123, %cond3A_124 : i32
      scf.if %cond3A_125 {
        %add3A_176 = arith.constant 4 : i32
        %add3A_177 = arith.addi %add3A_104, %add3A_176 : i32
        %mul3A_178 = arith.constant 128 : i32
        %mul3A_179 = arith.muli %add3A_177, %mul3A_178 : i32
        %add3A_180 = arith.addi %mul3A_2, %mul3A_179 : i32
        %dma_start3A_181 = arith.constant 1 : i32
        %dma_start3A_182 = arith.constant 0 : i32
        %dma_start3A_183 = arith.constant 0 : i32
        %dma_start3A_184 = tpu.memref_slice %arg7[%dma_start3A_181, %dma_start3A_182, %dma_start3A_183] : memref<4x128x48xf32, #tpu.memory_space<vmem>> -> memref<1x128x48xf32, #tpu.memory_space<vmem>>
        %dma_start3A_185 = tpu.memref_squeeze %dma_start3A_184 : memref<1x128x48xf32, #tpu.memory_space<vmem>> -> memref<128x48xf32, #tpu.memory_space<vmem>>
        %dma_start3A_186 = arith.constant 0 : i32
        %dma_start3A_187 = tpu.memref_slice %arg2[%add3A_180, %dma_start3A_186] : memref<81920x128xf32, #tpu.memory_space<hbm>> -> memref<128x48xf32, #tpu.memory_space<hbm>>
        %dma_start3A_188 = arith.constant 0 : i32
        %dma_start3A_189 = arith.constant 0 : i32
        %dma_start3A_190 = tpu.memref_slice %arg7[%dma_start3A_181, %dma_start3A_188, %dma_start3A_189] : memref<4x128x48xf32, #tpu.memory_space<vmem>> -> memref<1x128x48xf32, #tpu.memory_space<vmem>>
        %dma_start3A_191 = tpu.memref_squeeze %dma_start3A_190 : memref<1x128x48xf32, #tpu.memory_space<vmem>> -> memref<128x48xf32, #tpu.memory_space<vmem>>
        %dma_start3A_192 = arith.constant 0 : i32
        %dma_start3A_193 = tpu.memref_slice %arg2[%add3A_180, %dma_start3A_192] : memref<81920x128xf32, #tpu.memory_space<hbm>> -> memref<128x48xf32, #tpu.memory_space<hbm>>
        tpu.enqueue_dma source(%dma_start3A_193 : memref<128x48xf32, #tpu.memory_space<hbm>>) target(%dma_start3A_191 : memref<128x48xf32, #tpu.memory_space<vmem>>) target_semaphore(%arg10 : memref<!tpu.dma_semaphore, #tpu.memory_space<semaphore_mem>>)
      } else {
      }
      %mul3A_126 = arith.constant 4 : i32
      %mul3A_127 = arith.muli %scan3A_80, %mul3A_126 : i32
      %add3A_128 = arith.constant 2 : i32
      %add3A_129 = arith.addi %mul3A_127, %add3A_128 : i32
      %dma_wait3A_130 = arith.constant 2 : i32
      %dma_wait3A_131 = arith.constant 0 : i32
      %dma_wait3A_132 = arith.constant 0 : i32
      %dma_wait3A_133 = tpu.memref_slice %arg7[%dma_wait3A_130, %dma_wait3A_131, %dma_wait3A_132] : memref<4x128x48xf32, #tpu.memory_space<vmem>> -> memref<1x128x48xf32, #tpu.memory_space<vmem>>
      %dma_wait3A_134 = tpu.memref_squeeze %dma_wait3A_133 : memref<1x128x48xf32, #tpu.memory_space<vmem>> -> memref<128x48xf32, #tpu.memory_space<vmem>>
      %dma_wait3A_135 = arith.constant 0 : i32
      %dma_wait3A_136 = tpu.memref_slice %arg2[%mul3A_2, %dma_wait3A_135] : memref<81920x128xf32, #tpu.memory_space<hbm>> -> memref<128x48xf32, #tpu.memory_space<hbm>>
      %dma_wait3A_137 = arith.constant 0 : i32
      %dma_wait3A_138 = arith.constant 0 : i32
      %dma_wait3A_139 = tpu.memref_slice %arg7[%dma_wait3A_130, %dma_wait3A_137, %dma_wait3A_138] : memref<4x128x48xf32, #tpu.memory_space<vmem>> -> memref<1x128x48xf32, #tpu.memory_space<vmem>>
      %dma_wait3A_140 = tpu.memref_squeeze %dma_wait3A_139 : memref<1x128x48xf32, #tpu.memory_space<vmem>> -> memref<128x48xf32, #tpu.memory_space<vmem>>
      %dma_wait3A_141 = arith.constant 0 : i32
      %dma_wait3A_142 = tpu.memref_slice %arg2[%mul3A_2, %dma_wait3A_141] : memref<81920x128xf32, #tpu.memory_space<hbm>> -> memref<128x48xf32, #tpu.memory_space<hbm>>
      tpu.wait_dma2 semaphore(%arg11 : memref<!tpu.dma_semaphore, #tpu.memory_space<semaphore_mem>>) src(%dma_wait3A_142 : memref<128x48xf32, #tpu.memory_space<hbm>>) dst(%dma_wait3A_140 : memref<128x48xf32, #tpu.memory_space<vmem>>)
      %run_scoped3A_143 = arith.constant 2 : i32
      "tpu.region"() ({
        %run_scoped3A_176 = tpu.sem_alloc : memref<!tpu.dma_semaphore, #tpu.memory_space<semaphore_mem>>
        %dma_start3A_177 = arith.constant 0 : i32
        %dma_start3A_178 = arith.constant 0 : i32
        %dma_start3A_179 = tpu.memref_slice %arg7[%run_scoped3A_143, %dma_start3A_177, %dma_start3A_178] : memref<4x128x48xf32, #tpu.memory_space<vmem>> -> memref<1x128x48xf32, #tpu.memory_space<vmem>>
        %dma_start3A_180 = tpu.memref_squeeze %dma_start3A_179 : memref<1x128x48xf32, #tpu.memory_space<vmem>> -> memref<128x48xf32, #tpu.memory_space<vmem>>
        %dma_start3A_181 = arith.constant 0 : i32
        %dma_start3A_182 = tpu.memref_slice %arg6[%add3A_129, %dma_start3A_181] : memref<20x128xi32, #tpu.memory_space<vmem>> -> memref<1x128xi32, #tpu.memory_space<vmem>>
        %dma_start3A_183 = tpu.memref_squeeze %dma_start3A_182 : memref<1x128xi32, #tpu.memory_space<vmem>> -> memref<128xi32, #tpu.memory_space<vmem>>
        %dma_start3A_184 = arith.constant 0 : i32
        %dma_start3A_185 = arith.constant 0 : i32
        %dma_start3A_186 = tpu.memref_slice %arg8[%dma_start3A_184, %dma_start3A_185] : memref<10112x48xf32, #tpu.memory_space<vmem_shared>> -> memref<10112x48xf32, #tpu.memory_space<vmem_shared>>
        tpu.enqueue_indirect_dma source(%dma_start3A_180 : memref<128x48xf32, #tpu.memory_space<vmem>>) target(%dma_start3A_186 : memref<10112x48xf32, #tpu.memory_space<vmem_shared>>) offsets(%dma_start3A_183 : memref<128xi32, #tpu.memory_space<vmem>>) semaphore(%run_scoped3A_176 : memref<!tpu.dma_semaphore, #tpu.memory_space<semaphore_mem>>) {add = true}
        %dma_wait3A_187 = arith.constant 0 : i32
        %dma_wait3A_188 = arith.constant 0 : i32
        %dma_wait3A_189 = tpu.memref_slice %arg7[%run_scoped3A_143, %dma_wait3A_187, %dma_wait3A_188] : memref<4x128x48xf32, #tpu.memory_space<vmem>> -> memref<1x128x48xf32, #tpu.memory_space<vmem>>
        %dma_wait3A_190 = tpu.memref_squeeze %dma_wait3A_189 : memref<1x128x48xf32, #tpu.memory_space<vmem>> -> memref<128x48xf32, #tpu.memory_space<vmem>>
        %dma_wait3A_191 = arith.constant 0 : i32
        %dma_wait3A_192 = tpu.memref_slice %arg6[%add3A_129, %dma_wait3A_191] : memref<20x128xi32, #tpu.memory_space<vmem>> -> memref<1x128xi32, #tpu.memory_space<vmem>>
        %dma_wait3A_193 = tpu.memref_squeeze %dma_wait3A_192 : memref<1x128xi32, #tpu.memory_space<vmem>> -> memref<128xi32, #tpu.memory_space<vmem>>
        %dma_wait3A_194 = arith.constant 0 : i32
        %dma_wait3A_195 = arith.constant 0 : i32
        %dma_wait3A_196 = tpu.memref_slice %arg8[%dma_wait3A_194, %dma_wait3A_195] : memref<10112x48xf32, #tpu.memory_space<vmem_shared>> -> memref<10112x48xf32, #tpu.memory_space<vmem_shared>>
        tpu.wait_indirect_dma semaphore(%run_scoped3A_176 : memref<!tpu.dma_semaphore, #tpu.memory_space<semaphore_mem>>) src(%dma_wait3A_190 : memref<128x48xf32, #tpu.memory_space<vmem>>) dst(%dma_wait3A_196 : memref<10112x48xf32, #tpu.memory_space<vmem_shared>>)
        tpu.yield
      }) : () -> ()
      %add3A_144 = arith.constant 4 : i32
      %add3A_145 = arith.addi %add3A_129, %add3A_144 : i32
      %lt3A_146 = arith.constant 20 : i32
      %lt3A_147 = arith.cmpi slt, %add3A_145, %lt3A_146 : i32
      %convert_element_type3A_148 = arith.extui %lt3A_147 : i1 to i32
      %cond3A_149 = arith.constant 0 : i32
      %cond3A_150 = arith.cmpi ne, %convert_element_type3A_148, %cond3A_149 : i32
      scf.if %cond3A_150 {
        %add3A_176 = arith.constant 4 : i32
        %add3A_177 = arith.addi %add3A_129, %add3A_176 : i32
        %mul3A_178 = arith.constant 128 : i32
        %mul3A_179 = arith.muli %add3A_177, %mul3A_178 : i32
        %add3A_180 = arith.addi %mul3A_2, %mul3A_179 : i32
        %dma_start3A_181 = arith.constant 2 : i32
        %dma_start3A_182 = arith.constant 0 : i32
        %dma_start3A_183 = arith.constant 0 : i32
        %dma_start3A_184 = tpu.memref_slice %arg7[%dma_start3A_181, %dma_start3A_182, %dma_start3A_183] : memref<4x128x48xf32, #tpu.memory_space<vmem>> -> memref<1x128x48xf32, #tpu.memory_space<vmem>>
        %dma_start3A_185 = tpu.memref_squeeze %dma_start3A_184 : memref<1x128x48xf32, #tpu.memory_space<vmem>> -> memref<128x48xf32, #tpu.memory_space<vmem>>
        %dma_start3A_186 = arith.constant 0 : i32
        %dma_start3A_187 = tpu.memref_slice %arg2[%add3A_180, %dma_start3A_186] : memref<81920x128xf32, #tpu.memory_space<hbm>> -> memref<128x48xf32, #tpu.memory_space<hbm>>
        %dma_start3A_188 = arith.constant 0 : i32
        %dma_start3A_189 = arith.constant 0 : i32
        %dma_start3A_190 = tpu.memref_slice %arg7[%dma_start3A_181, %dma_start3A_188, %dma_start3A_189] : memref<4x128x48xf32, #tpu.memory_space<vmem>> -> memref<1x128x48xf32, #tpu.memory_space<vmem>>
        %dma_start3A_191 = tpu.memref_squeeze %dma_start3A_190 : memref<1x128x48xf32, #tpu.memory_space<vmem>> -> memref<128x48xf32, #tpu.memory_space<vmem>>
        %dma_start3A_192 = arith.constant 0 : i32
        %dma_start3A_193 = tpu.memref_slice %arg2[%add3A_180, %dma_start3A_192] : memref<81920x128xf32, #tpu.memory_space<hbm>> -> memref<128x48xf32, #tpu.memory_space<hbm>>
        tpu.enqueue_dma source(%dma_start3A_193 : memref<128x48xf32, #tpu.memory_space<hbm>>) target(%dma_start3A_191 : memref<128x48xf32, #tpu.memory_space<vmem>>) target_semaphore(%arg11 : memref<!tpu.dma_semaphore, #tpu.memory_space<semaphore_mem>>)
      } else {
      }
      %mul3A_151 = arith.constant 4 : i32
      %mul3A_152 = arith.muli %scan3A_80, %mul3A_151 : i32
      %add3A_153 = arith.constant 3 : i32
      %add3A_154 = arith.addi %mul3A_152, %add3A_153 : i32
      %dma_wait3A_155 = arith.constant 3 : i32
      %dma_wait3A_156 = arith.constant 0 : i32
      %dma_wait3A_157 = arith.constant 0 : i32
      %dma_wait3A_158 = tpu.memref_slice %arg7[%dma_wait3A_155, %dma_wait3A_156, %dma_wait3A_157] : memref<4x128x48xf32, #tpu.memory_space<vmem>> -> memref<1x128x48xf32, #tpu.memory_space<vmem>>
      %dma_wait3A_159 = tpu.memref_squeeze %dma_wait3A_158 : memref<1x128x48xf32, #tpu.memory_space<vmem>> -> memref<128x48xf32, #tpu.memory_space<vmem>>
      %dma_wait3A_160 = arith.constant 0 : i32
      %dma_wait3A_161 = tpu.memref_slice %arg2[%mul3A_2, %dma_wait3A_160] : memref<81920x128xf32, #tpu.memory_space<hbm>> -> memref<128x48xf32, #tpu.memory_space<hbm>>
      %dma_wait3A_162 = arith.constant 0 : i32
      %dma_wait3A_163 = arith.constant 0 : i32
      %dma_wait3A_164 = tpu.memref_slice %arg7[%dma_wait3A_155, %dma_wait3A_162, %dma_wait3A_163] : memref<4x128x48xf32, #tpu.memory_space<vmem>> -> memref<1x128x48xf32, #tpu.memory_space<vmem>>
      %dma_wait3A_165 = tpu.memref_squeeze %dma_wait3A_164 : memref<1x128x48xf32, #tpu.memory_space<vmem>> -> memref<128x48xf32, #tpu.memory_space<vmem>>
      %dma_wait3A_166 = arith.constant 0 : i32
      %dma_wait3A_167 = tpu.memref_slice %arg2[%mul3A_2, %dma_wait3A_166] : memref<81920x128xf32, #tpu.memory_space<hbm>> -> memref<128x48xf32, #tpu.memory_space<hbm>>
      tpu.wait_dma2 semaphore(%arg12 : memref<!tpu.dma_semaphore, #tpu.memory_space<semaphore_mem>>) src(%dma_wait3A_167 : memref<128x48xf32, #tpu.memory_space<hbm>>) dst(%dma_wait3A_165 : memref<128x48xf32, #tpu.memory_space<vmem>>)
      %run_scoped3A_168 = arith.constant 3 : i32
      "tpu.region"() ({
        %run_scoped3A_176 = tpu.sem_alloc : memref<!tpu.dma_semaphore, #tpu.memory_space<semaphore_mem>>
        %dma_start3A_177 = arith.constant 0 : i32
        %dma_start3A_178 = arith.constant 0 : i32
        %dma_start3A_179 = tpu.memref_slice %arg7[%run_scoped3A_168, %dma_start3A_177, %dma_start3A_178] : memref<4x128x48xf32, #tpu.memory_space<vmem>> -> memref<1x128x48xf32, #tpu.memory_space<vmem>>
        %dma_start3A_180 = tpu.memref_squeeze %dma_start3A_179 : memref<1x128x48xf32, #tpu.memory_space<vmem>> -> memref<128x48xf32, #tpu.memory_space<vmem>>
        %dma_start3A_181 = arith.constant 0 : i32
        %dma_start3A_182 = tpu.memref_slice %arg6[%add3A_154, %dma_start3A_181] : memref<20x128xi32, #tpu.memory_space<vmem>> -> memref<1x128xi32, #tpu.memory_space<vmem>>
        %dma_start3A_183 = tpu.memref_squeeze %dma_start3A_182 : memref<1x128xi32, #tpu.memory_space<vmem>> -> memref<128xi32, #tpu.memory_space<vmem>>
        %dma_start3A_184 = arith.constant 0 : i32
        %dma_start3A_185 = arith.constant 0 : i32
        %dma_start3A_186 = tpu.memref_slice %arg8[%dma_start3A_184, %dma_start3A_185] : memref<10112x48xf32, #tpu.memory_space<vmem_shared>> -> memref<10112x48xf32, #tpu.memory_space<vmem_shared>>
        tpu.enqueue_indirect_dma source(%dma_start3A_180 : memref<128x48xf32, #tpu.memory_space<vmem>>) target(%dma_start3A_186 : memref<10112x48xf32, #tpu.memory_space<vmem_shared>>) offsets(%dma_start3A_183 : memref<128xi32, #tpu.memory_space<vmem>>) semaphore(%run_scoped3A_176 : memref<!tpu.dma_semaphore, #tpu.memory_space<semaphore_mem>>) {add = true}
        %dma_wait3A_187 = arith.constant 0 : i32
        %dma_wait3A_188 = arith.constant 0 : i32
        %dma_wait3A_189 = tpu.memref_slice %arg7[%run_scoped3A_168, %dma_wait3A_187, %dma_wait3A_188] : memref<4x128x48xf32, #tpu.memory_space<vmem>> -> memref<1x128x48xf32, #tpu.memory_space<vmem>>
        %dma_wait3A_190 = tpu.memref_squeeze %dma_wait3A_189 : memref<1x128x48xf32, #tpu.memory_space<vmem>> -> memref<128x48xf32, #tpu.memory_space<vmem>>
        %dma_wait3A_191 = arith.constant 0 : i32
        %dma_wait3A_192 = tpu.memref_slice %arg6[%add3A_154, %dma_wait3A_191] : memref<20x128xi32, #tpu.memory_space<vmem>> -> memref<1x128xi32, #tpu.memory_space<vmem>>
        %dma_wait3A_193 = tpu.memref_squeeze %dma_wait3A_192 : memref<1x128xi32, #tpu.memory_space<vmem>> -> memref<128xi32, #tpu.memory_space<vmem>>
        %dma_wait3A_194 = arith.constant 0 : i32
        %dma_wait3A_195 = arith.constant 0 : i32
        %dma_wait3A_196 = tpu.memref_slice %arg8[%dma_wait3A_194, %dma_wait3A_195] : memref<10112x48xf32, #tpu.memory_space<vmem_shared>> -> memref<10112x48xf32, #tpu.memory_space<vmem_shared>>
        tpu.wait_indirect_dma semaphore(%run_scoped3A_176 : memref<!tpu.dma_semaphore, #tpu.memory_space<semaphore_mem>>) src(%dma_wait3A_190 : memref<128x48xf32, #tpu.memory_space<vmem>>) dst(%dma_wait3A_196 : memref<10112x48xf32, #tpu.memory_space<vmem_shared>>)
        tpu.yield
      }) : () -> ()
      %add3A_169 = arith.constant 4 : i32
      %add3A_170 = arith.addi %add3A_154, %add3A_169 : i32
      %lt3A_171 = arith.constant 20 : i32
      %lt3A_172 = arith.cmpi slt, %add3A_170, %lt3A_171 : i32
      %convert_element_type3A_173 = arith.extui %lt3A_172 : i1 to i32
      %cond3A_174 = arith.constant 0 : i32
      %cond3A_175 = arith.cmpi ne, %convert_element_type3A_173, %cond3A_174 : i32
      scf.if %cond3A_175 {
        %add3A_176 = arith.constant 4 : i32
        %add3A_177 = arith.addi %add3A_154, %add3A_176 : i32
        %mul3A_178 = arith.constant 128 : i32
        %mul3A_179 = arith.muli %add3A_177, %mul3A_178 : i32
        %add3A_180 = arith.addi %mul3A_2, %mul3A_179 : i32
        %dma_start3A_181 = arith.constant 3 : i32
        %dma_start3A_182 = arith.constant 0 : i32
        %dma_start3A_183 = arith.constant 0 : i32
        %dma_start3A_184 = tpu.memref_slice %arg7[%dma_start3A_181, %dma_start3A_182, %dma_start3A_183] : memref<4x128x48xf32, #tpu.memory_space<vmem>> -> memref<1x128x48xf32, #tpu.memory_space<vmem>>
        %dma_start3A_185 = tpu.memref_squeeze %dma_start3A_184 : memref<1x128x48xf32, #tpu.memory_space<vmem>> -> memref<128x48xf32, #tpu.memory_space<vmem>>
        %dma_start3A_186 = arith.constant 0 : i32
        %dma_start3A_187 = tpu.memref_slice %arg2[%add3A_180, %dma_start3A_186] : memref<81920x128xf32, #tpu.memory_space<hbm>> -> memref<128x48xf32, #tpu.memory_space<hbm>>
        %dma_start3A_188 = arith.constant 0 : i32
        %dma_start3A_189 = arith.constant 0 : i32
        %dma_start3A_190 = tpu.memref_slice %arg7[%dma_start3A_181, %dma_start3A_188, %dma_start3A_189] : memref<4x128x48xf32, #tpu.memory_space<vmem>> -> memref<1x128x48xf32, #tpu.memory_space<vmem>>
        %dma_start3A_191 = tpu.memref_squeeze %dma_start3A_190 : memref<1x128x48xf32, #tpu.memory_space<vmem>> -> memref<128x48xf32, #tpu.memory_space<vmem>>
        %dma_start3A_192 = arith.constant 0 : i32
        %dma_start3A_193 = tpu.memref_slice %arg2[%add3A_180, %dma_start3A_192] : memref<81920x128xf32, #tpu.memory_space<hbm>> -> memref<128x48xf32, #tpu.memory_space<hbm>>
        tpu.enqueue_dma source(%dma_start3A_193 : memref<128x48xf32, #tpu.memory_space<hbm>>) target(%dma_start3A_191 : memref<128x48xf32, #tpu.memory_space<vmem>>) target_semaphore(%arg12 : memref<!tpu.dma_semaphore, #tpu.memory_space<semaphore_mem>>)
      } else {
      }
    }
    %scan3A_74 = arith.constant 5 : i32
    %barrier3A_75 = arith.constant 0 : index
    tpu.barrier barrier_id(%barrier3A_75)
    %mul3A_76 = arith.constant 632 : i32
    %mul3A_77 = arith.muli %arg1, %mul3A_76 : i32
    %mul3A_78 = arith.constant 632 : i32
    %mul3A_79 = arith.muli %arg1, %mul3A_78 : i32
    "tpu.region"() ({
      %run_scoped3A = tpu.sem_alloc : memref<!tpu.dma_semaphore, #tpu.memory_space<semaphore_mem>>
      %dma_start3A_80 = arith.constant 0 : i32
      %dma_start3A_81 = tpu.memref_slice %arg5[%arg0, %mul3A_79, %dma_start3A_80] : memref<2x10112x48xf32, #tpu.memory_space<hbm>> -> memref<1x632x48xf32, #tpu.memory_space<hbm>>
      %dma_start3A_82 = tpu.memref_squeeze %dma_start3A_81 : memref<1x632x48xf32, #tpu.memory_space<hbm>> -> memref<632x48xf32, #tpu.memory_space<hbm>>
      %dma_start3A_83 = arith.constant 0 : i32
      %dma_start3A_84 = tpu.memref_slice %arg8[%mul3A_77, %dma_start3A_83] : memref<10112x48xf32, #tpu.memory_space<vmem_shared>> -> memref<632x48xf32, #tpu.memory_space<vmem_shared>>
      tpu.enqueue_dma source(%dma_start3A_84 : memref<632x48xf32, #tpu.memory_space<vmem_shared>>) target(%dma_start3A_82 : memref<632x48xf32, #tpu.memory_space<hbm>>) target_semaphore(%run_scoped3A : memref<!tpu.dma_semaphore, #tpu.memory_space<semaphore_mem>>)
      %dma_wait3A = arith.constant 0 : i32
      %dma_wait3A_85 = tpu.memref_slice %arg5[%arg0, %mul3A_79, %dma_wait3A] : memref<2x10112x48xf32, #tpu.memory_space<hbm>> -> memref<1x632x48xf32, #tpu.memory_space<hbm>>
      %dma_wait3A_86 = tpu.memref_squeeze %dma_wait3A_85 : memref<1x632x48xf32, #tpu.memory_space<hbm>> -> memref<632x48xf32, #tpu.memory_space<hbm>>
      %dma_wait3A_87 = arith.constant 0 : i32
      %dma_wait3A_88 = tpu.memref_slice %arg8[%mul3A_77, %dma_wait3A_87] : memref<10112x48xf32, #tpu.memory_space<vmem_shared>> -> memref<632x48xf32, #tpu.memory_space<vmem_shared>>
      tpu.wait_dma2 semaphore(%run_scoped3A : memref<!tpu.dma_semaphore, #tpu.memory_space<semaphore_mem>>) src(%dma_wait3A_88 : memref<632x48xf32, #tpu.memory_space<vmem_shared>>) dst(%dma_wait3A_86 : memref<632x48xf32, #tpu.memory_space<hbm>>)
      tpu.yield
    }) : () -> ()
    return
  }
}

#map = affine_map<(d0, d1) -> (0, 0)>
#map1 = affine_map<(d0, d1) -> (0, 0, 0)>
module attributes {stable_mosaic.version = 14 : i64} {
  func.func @k(%arg0: i32, %arg1: i32, %arg2: memref<81920x128xf32, #tpu.memory_space<hbm>>, %arg3: memref<1320x128xi32, #tpu.memory_space<hbm>>, %arg4: memref<10112x48xf32, #tpu.memory_space<hbm>>, %arg5: memref<2x10112x48xf32, #tpu.memory_space<hbm>>, %arg6: memref<20x128xi32, #tpu.memory_space<vmem>>, %arg7: memref<4x128x48xf32, #tpu.memory_space<vmem>>, %arg8: memref<10112x48xf32, #tpu.memory_space<vmem_shared>>, %arg9: memref<!tpu.dma_semaphore, #tpu.memory_space<semaphore_mem>>, %arg10: memref<!tpu.dma_semaphore, #tpu.memory_space<semaphore_mem>>, %arg11: memref<!tpu.dma_semaphore, #tpu.memory_space<semaphore_mem>>, %arg12: memref<!tpu.dma_semaphore, #tpu.memory_space<semaphore_mem>>) attributes {dimension_semantics = [#tpu.dimension_semantics<core_parallel>, #tpu.dimension_semantics<subcore_parallel>], iteration_bounds = array<i64: 2, 16>, scalar_prefetch = 0 : i64, scratch_operands = 7 : i64, tpu.core_type = #tpu.core_type<sc_vector_subcore>, window_params = [{transform_indices = #map}, {transform_indices = #map}, {transform_indices = #map}, {transform_indices = #map1}]} {
    %mul3A = arith.constant 2 : i32
    %mul3A_0 = arith.muli %arg1, %mul3A : i32
    %add3A = arith.addi %mul3A_0, %arg0 : i32
    %mul3A_1 = arith.constant 2560 : i32
    %mul3A_2 = arith.muli %add3A, %mul3A_1 : i32
    %mul3A_3 = arith.constant 632 : i32
    %mul3A_4 = arith.muli %arg1, %mul3A_3 : i32
    %mul3A_5 = arith.constant 632 : i32
    %mul3A_6 = arith.muli %arg1, %mul3A_5 : i32
    "tpu.region"() ({
      %run_scoped3A = tpu.sem_alloc : memref<!tpu.dma_semaphore, #tpu.memory_space<semaphore_mem>>
      %dma_start3A_80 = arith.constant 0 : i32
      %dma_start3A_81 = tpu.memref_slice %arg8[%mul3A_6, %dma_start3A_80] : memref<10112x48xf32, #tpu.memory_space<vmem_shared>> -> memref<632x48xf32, #tpu.memory_space<vmem_shared>>
      %dma_start3A_82 = arith.constant 0 : i32
      %dma_start3A_83 = tpu.memref_slice %arg4[%mul3A_4, %dma_start3A_82] : memref<10112x48xf32, #tpu.memory_space<hbm>> -> memref<632x48xf32, #tpu.memory_space<hbm>>
      tpu.enqueue_dma source(%dma_start3A_83 : memref<632x48xf32, #tpu.memory_space<hbm>>) target(%dma_start3A_81 : memref<632x48xf32, #tpu.memory_space<vmem_shared>>) target_semaphore(%run_scoped3A : memref<!tpu.dma_semaphore, #tpu.memory_space<semaphore_mem>>)
      %dma_wait3A = arith.constant 0 : i32
      %dma_wait3A_84 = tpu.memref_slice %arg8[%mul3A_6, %dma_wait3A] : memref<10112x48xf32, #tpu.memory_space<vmem_shared>> -> memref<632x48xf32, #tpu.memory_space<vmem_shared>>
      %dma_wait3A_85 = arith.constant 0 : i32
      %dma_wait3A_86 = tpu.memref_slice %arg4[%mul3A_4, %dma_wait3A_85] : memref<10112x48xf32, #tpu.memory_space<hbm>> -> memref<632x48xf32, #tpu.memory_space<hbm>>
      tpu.wait_dma2 semaphore(%run_scoped3A : memref<!tpu.dma_semaphore, #tpu.memory_space<semaphore_mem>>) src(%dma_wait3A_86 : memref<632x48xf32, #tpu.memory_space<hbm>>) dst(%dma_wait3A_84 : memref<632x48xf32, #tpu.memory_space<vmem_shared>>)
      tpu.yield
    }) : () -> ()
    %mul3A_7 = arith.constant 20 : i32
    %mul3A_8 = arith.muli %add3A, %mul3A_7 : i32
    %add3A_9 = arith.constant 640 : i32
    %add3A_10 = arith.addi %add3A_9, %mul3A_8 : i32
    "tpu.region"() ({
      %run_scoped3A = tpu.sem_alloc : memref<!tpu.dma_semaphore, #tpu.memory_space<semaphore_mem>>
      %dma_start3A_80 = arith.constant 0 : i32
      %dma_start3A_81 = tpu.memref_slice %arg3[%add3A_10, %dma_start3A_80] : memref<1320x128xi32, #tpu.memory_space<hbm>> -> memref<20x128xi32, #tpu.memory_space<hbm>>
      %dma_start3A_82 = arith.constant 0 : i32
      %dma_start3A_83 = tpu.memref_slice %arg3[%add3A_10, %dma_start3A_82] : memref<1320x128xi32, #tpu.memory_space<hbm>> -> memref<20x128xi32, #tpu.memory_space<hbm>>
      tpu.enqueue_dma source(%dma_start3A_83 : memref<20x128xi32, #tpu.memory_space<hbm>>) target(%arg6 : memref<20x128xi32, #tpu.memory_space<vmem>>) target_semaphore(%run_scoped3A : memref<!tpu.dma_semaphore, #tpu.memory_space<semaphore_mem>>)
      %dma_wait3A = arith.constant 0 : i32
      %dma_wait3A_84 = tpu.memref_slice %arg3[%add3A_10, %dma_wait3A] : memref<1320x128xi32, #tpu.memory_space<hbm>> -> memref<20x128xi32, #tpu.memory_space<hbm>>
      %dma_wait3A_85 = arith.constant 0 : i32
      %dma_wait3A_86 = tpu.memref_slice %arg3[%add3A_10, %dma_wait3A_85] : memref<1320x128xi32, #tpu.memory_space<hbm>> -> memref<20x128xi32, #tpu.memory_space<hbm>>
      tpu.wait_dma2 semaphore(%run_scoped3A : memref<!tpu.dma_semaphore, #tpu.memory_space<semaphore_mem>>) src(%dma_wait3A_86 : memref<20x128xi32, #tpu.memory_space<hbm>>) dst(%arg6 : memref<20x128xi32, #tpu.memory_space<vmem>>)
      tpu.yield
    }) : () -> ()
    %barrier3A = arith.constant 0 : index
    tpu.barrier barrier_id(%barrier3A)
    %add3A_11 = arith.constant 0 : i32
    %add3A_12 = arith.addi %mul3A_2, %add3A_11 : i32
    %dma_start3A = arith.constant 0 : i32
    %dma_start3A_13 = arith.constant 0 : i32
    %dma_start3A_14 = arith.constant 0 : i32
    %dma_start3A_15 = tpu.memref_slice %arg7[%dma_start3A, %dma_start3A_13, %dma_start3A_14] : memref<4x128x48xf32, #tpu.memory_space<vmem>> -> memref<1x128x48xf32, #tpu.memory_space<vmem>>
    %dma_start3A_16 = tpu.memref_squeeze %dma_start3A_15 : memref<1x128x48xf32, #tpu.memory_space<vmem>> -> memref<128x48xf32, #tpu.memory_space<vmem>>
    %dma_start3A_17 = arith.constant 0 : i32
    %dma_start3A_18 = tpu.memref_slice %arg2[%add3A_12, %dma_start3A_17] : memref<81920x128xf32, #tpu.memory_space<hbm>> -> memref<128x48xf32, #tpu.memory_space<hbm>>
    %dma_start3A_19 = arith.constant 0 : i32
    %dma_start3A_20 = arith.constant 0 : i32
    %dma_start3A_21 = tpu.memref_slice %arg7[%dma_start3A, %dma_start3A_19, %dma_start3A_20] : memref<4x128x48xf32, #tpu.memory_space<vmem>> -> memref<1x128x48xf32, #tpu.memory_space<vmem>>
    %dma_start3A_22 = tpu.memref_squeeze %dma_start3A_21 : memref<1x128x48xf32, #tpu.memory_space<vmem>> -> memref<128x48xf32, #tpu.memory_space<vmem>>
    %dma_start3A_23 = arith.constant 0 : i32
    %dma_start3A_24 = tpu.memref_slice %arg2[%add3A_12, %dma_start3A_23] : memref<81920x128xf32, #tpu.memory_space<hbm>> -> memref<128x48xf32, #tpu.memory_space<hbm>>
    tpu.enqueue_dma source(%dma_start3A_24 : memref<128x48xf32, #tpu.memory_space<hbm>>) target(%dma_start3A_22 : memref<128x48xf32, #tpu.memory_space<vmem>>) target_semaphore(%arg9 : memref<!tpu.dma_semaphore, #tpu.memory_space<semaphore_mem>>)
    %add3A_25 = arith.constant 128 : i32
    %add3A_26 = arith.addi %mul3A_2, %add3A_25 : i32
    %dma_start3A_27 = arith.constant 1 : i32
    %dma_start3A_28 = arith.constant 0 : i32
    %dma_start3A_29 = arith.constant 0 : i32
    %dma_start3A_30 = tpu.memref_slice %arg7[%dma_start3A_27, %dma_start3A_28, %dma_start3A_29] : memref<4x128x48xf32, #tpu.memory_space<vmem>> -> memref<1x128x48xf32, #tpu.memory_space<vmem>>
    %dma_start3A_31 = tpu.memref_squeeze %dma_start3A_30 : memref<1x128x48xf32, #tpu.memory_space<vmem>> -> memref<128x48xf32, #tpu.memory_space<vmem>>
    %dma_start3A_32 = arith.constant 0 : i32
    %dma_start3A_33 = tpu.memref_slice %arg2[%add3A_26, %dma_start3A_32] : memref<81920x128xf32, #tpu.memory_space<hbm>> -> memref<128x48xf32, #tpu.memory_space<hbm>>
    %dma_start3A_34 = arith.constant 0 : i32
    %dma_start3A_35 = arith.constant 0 : i32
    %dma_start3A_36 = tpu.memref_slice %arg7[%dma_start3A_27, %dma_start3A_34, %dma_start3A_35] : memref<4x128x48xf32, #tpu.memory_space<vmem>> -> memref<1x128x48xf32, #tpu.memory_space<vmem>>
    %dma_start3A_37 = tpu.memref_squeeze %dma_start3A_36 : memref<1x128x48xf32, #tpu.memory_space<vmem>> -> memref<128x48xf32, #tpu.memory_space<vmem>>
    %dma_start3A_38 = arith.constant 0 : i32
    %dma_start3A_39 = tpu.memref_slice %arg2[%add3A_26, %dma_start3A_38] : memref<81920x128xf32, #tpu.memory_space<hbm>> -> memref<128x48xf32, #tpu.memory_space<hbm>>
    tpu.enqueue_dma source(%dma_start3A_39 : memref<128x48xf32, #tpu.memory_space<hbm>>) target(%dma_start3A_37 : memref<128x48xf32, #tpu.memory_space<vmem>>) target_semaphore(%arg10 : memref<!tpu.dma_semaphore, #tpu.memory_space<semaphore_mem>>)
    %add3A_40 = arith.constant 256 : i32
    %add3A_41 = arith.addi %mul3A_2, %add3A_40 : i32
    %dma_start3A_42 = arith.constant 2 : i32
    %dma_start3A_43 = arith.constant 0 : i32
    %dma_start3A_44 = arith.constant 0 : i32
    %dma_start3A_45 = tpu.memref_slice %arg7[%dma_start3A_42, %dma_start3A_43, %dma_start3A_44] : memref<4x128x48xf32, #tpu.memory_space<vmem>> -> memref<1x128x48xf32, #tpu.memory_space<vmem>>
    %dma_start3A_46 = tpu.memref_squeeze %dma_start3A_45 : memref<1x128x48xf32, #tpu.memory_space<vmem>> -> memref<128x48xf32, #tpu.memory_space<vmem>>
    %dma_start3A_47 = arith.constant 0 : i32
    %dma_start3A_48 = tpu.memref_slice %arg2[%add3A_41, %dma_start3A_47] : memref<81920x128xf32, #tpu.memory_space<hbm>> -> memref<128x48xf32, #tpu.memory_space<hbm>>
    %dma_start3A_49 = arith.constant 0 : i32
    %dma_start3A_50 = arith.constant 0 : i32
    %dma_start3A_51 = tpu.memref_slice %arg7[%dma_start3A_42, %dma_start3A_49, %dma_start3A_50] : memref<4x128x48xf32, #tpu.memory_space<vmem>> -> memref<1x128x48xf32, #tpu.memory_space<vmem>>
    %dma_start3A_52 = tpu.memref_squeeze %dma_start3A_51 : memref<1x128x48xf32, #tpu.memory_space<vmem>> -> memref<128x48xf32, #tpu.memory_space<vmem>>
    %dma_start3A_53 = arith.constant 0 : i32
    %dma_start3A_54 = tpu.memref_slice %arg2[%add3A_41, %dma_start3A_53] : memref<81920x128xf32, #tpu.memory_space<hbm>> -> memref<128x48xf32, #tpu.memory_space<hbm>>
    tpu.enqueue_dma source(%dma_start3A_54 : memref<128x48xf32, #tpu.memory_space<hbm>>) target(%dma_start3A_52 : memref<128x48xf32, #tpu.memory_space<vmem>>) target_semaphore(%arg11 : memref<!tpu.dma_semaphore, #tpu.memory_space<semaphore_mem>>)
    %add3A_55 = arith.constant 384 : i32
    %add3A_56 = arith.addi %mul3A_2, %add3A_55 : i32
    %dma_start3A_57 = arith.constant 3 : i32
    %dma_start3A_58 = arith.constant 0 : i32
    %dma_start3A_59 = arith.constant 0 : i32
    %dma_start3A_60 = tpu.memref_slice %arg7[%dma_start3A_57, %dma_start3A_58, %dma_start3A_59] : memref<4x128x48xf32, #tpu.memory_space<vmem>> -> memref<1x128x48xf32, #tpu.memory_space<vmem>>
    %dma_start3A_61 = tpu.memref_squeeze %dma_start3A_60 : memref<1x128x48xf32, #tpu.memory_space<vmem>> -> memref<128x48xf32, #tpu.memory_space<vmem>>
    %dma_start3A_62 = arith.constant 0 : i32
    %dma_start3A_63 = tpu.memref_slice %arg2[%add3A_56, %dma_start3A_62] : memref<81920x128xf32, #tpu.memory_space<hbm>> -> memref<128x48xf32, #tpu.memory_space<hbm>>
    %dma_start3A_64 = arith.constant 0 : i32
    %dma_start3A_65 = arith.constant 0 : i32
    %dma_start3A_66 = tpu.memref_slice %arg7[%dma_start3A_57, %dma_start3A_64, %dma_start3A_65] : memref<4x128x48xf32, #tpu.memory_space<vmem>> -> memref<1x128x48xf32, #tpu.memory_space<vmem>>
    %dma_start3A_67 = tpu.memref_squeeze %dma_start3A_66 : memref<1x128x48xf32, #tpu.memory_space<vmem>> -> memref<128x48xf32, #tpu.memory_space<vmem>>
    %dma_start3A_68 = arith.constant 0 : i32
    %dma_start3A_69 = tpu.memref_slice %arg2[%add3A_56, %dma_start3A_68] : memref<81920x128xf32, #tpu.memory_space<hbm>> -> memref<128x48xf32, #tpu.memory_space<hbm>>
    tpu.enqueue_dma source(%dma_start3A_69 : memref<128x48xf32, #tpu.memory_space<hbm>>) target(%dma_start3A_67 : memref<128x48xf32, #tpu.memory_space<vmem>>) target_semaphore(%arg12 : memref<!tpu.dma_semaphore, #tpu.memory_space<semaphore_mem>>)
    %scan3A = arith.constant 0 : i32
    %scan3A_70 = arith.constant 0 : i32
    %scan3A_71 = arith.constant 5 : i32
    %scan3A_72 = arith.addi %scan3A_70, %scan3A_71 : i32
    %scan3A_73 = arith.constant 1 : i32
    scf.for %scan3A_80 = %scan3A_70 to %scan3A_72 step %scan3A_73  : i32 {
      %mul3A_81 = arith.constant 4 : i32
      %mul3A_82 = arith.muli %scan3A_80, %mul3A_81 : i32
      %add3A_83 = arith.constant 0 : i32
      %add3A_84 = arith.addi %mul3A_82, %add3A_83 : i32
      %dma_wait3A = arith.constant 0 : i32
      %dma_wait3A_85 = arith.constant 0 : i32
      %dma_wait3A_86 = arith.constant 0 : i32
      %dma_wait3A_87 = tpu.memref_slice %arg7[%dma_wait3A, %dma_wait3A_85, %dma_wait3A_86] : memref<4x128x48xf32, #tpu.memory_space<vmem>> -> memref<1x128x48xf32, #tpu.memory_space<vmem>>
      %dma_wait3A_88 = tpu.memref_squeeze %dma_wait3A_87 : memref<1x128x48xf32, #tpu.memory_space<vmem>> -> memref<128x48xf32, #tpu.memory_space<vmem>>
      %dma_wait3A_89 = arith.constant 0 : i32
      %dma_wait3A_90 = tpu.memref_slice %arg2[%mul3A_2, %dma_wait3A_89] : memref<81920x128xf32, #tpu.memory_space<hbm>> -> memref<128x48xf32, #tpu.memory_space<hbm>>
      %dma_wait3A_91 = arith.constant 0 : i32
      %dma_wait3A_92 = arith.constant 0 : i32
      %dma_wait3A_93 = tpu.memref_slice %arg7[%dma_wait3A, %dma_wait3A_91, %dma_wait3A_92] : memref<4x128x48xf32, #tpu.memory_space<vmem>> -> memref<1x128x48xf32, #tpu.memory_space<vmem>>
      %dma_wait3A_94 = tpu.memref_squeeze %dma_wait3A_93 : memref<1x128x48xf32, #tpu.memory_space<vmem>> -> memref<128x48xf32, #tpu.memory_space<vmem>>
      %dma_wait3A_95 = arith.constant 0 : i32
      %dma_wait3A_96 = tpu.memref_slice %arg2[%mul3A_2, %dma_wait3A_95] : memref<81920x128xf32, #tpu.memory_space<hbm>> -> memref<128x48xf32, #tpu.memory_space<hbm>>
      tpu.wait_dma2 semaphore(%arg9 : memref<!tpu.dma_semaphore, #tpu.memory_space<semaphore_mem>>) src(%dma_wait3A_96 : memref<128x48xf32, #tpu.memory_space<hbm>>) dst(%dma_wait3A_94 : memref<128x48xf32, #tpu.memory_space<vmem>>)
      %run_scoped3A = arith.constant 0 : i32
      "tpu.region"() ({
        %run_scoped3A_176 = tpu.sem_alloc : memref<!tpu.dma_semaphore, #tpu.memory_space<semaphore_mem>>
        %dma_start3A_177 = arith.constant 0 : i32
        %dma_start3A_178 = arith.constant 0 : i32
        %dma_start3A_179 = tpu.memref_slice %arg7[%run_scoped3A, %dma_start3A_177, %dma_start3A_178] : memref<4x128x48xf32, #tpu.memory_space<vmem>> -> memref<1x128x48xf32, #tpu.memory_space<vmem>>
        %dma_start3A_180 = tpu.memref_squeeze %dma_start3A_179 : memref<1x128x48xf32, #tpu.memory_space<vmem>> -> memref<128x48xf32, #tpu.memory_space<vmem>>
        %dma_start3A_181 = arith.constant 0 : i32
        %dma_start3A_182 = tpu.memref_slice %arg6[%add3A_84, %dma_start3A_181] : memref<20x128xi32, #tpu.memory_space<vmem>> -> memref<1x128xi32, #tpu.memory_space<vmem>>
        %dma_start3A_183 = tpu.memref_squeeze %dma_start3A_182 : memref<1x128xi32, #tpu.memory_space<vmem>> -> memref<128xi32, #tpu.memory_space<vmem>>
        %dma_start3A_184 = arith.constant 0 : i32
        %dma_start3A_185 = arith.constant 0 : i32
        %dma_start3A_186 = tpu.memref_slice %arg8[%dma_start3A_184, %dma_start3A_185] : memref<10112x48xf32, #tpu.memory_space<vmem_shared>> -> memref<10112x48xf32, #tpu.memory_space<vmem_shared>>
        tpu.enqueue_indirect_dma source(%dma_start3A_180 : memref<128x48xf32, #tpu.memory_space<vmem>>) target(%dma_start3A_186 : memref<10112x48xf32, #tpu.memory_space<vmem_shared>>) offsets(%dma_start3A_183 : memref<128xi32, #tpu.memory_space<vmem>>) semaphore(%run_scoped3A_176 : memref<!tpu.dma_semaphore, #tpu.memory_space<semaphore_mem>>) {add = true}
        %dma_wait3A_187 = arith.constant 0 : i32
        %dma_wait3A_188 = arith.constant 0 : i32
        %dma_wait3A_189 = tpu.memref_slice %arg7[%run_scoped3A, %dma_wait3A_187, %dma_wait3A_188] : memref<4x128x48xf32, #tpu.memory_space<vmem>> -> memref<1x128x48xf32, #tpu.memory_space<vmem>>
        %dma_wait3A_190 = tpu.memref_squeeze %dma_wait3A_189 : memref<1x128x48xf32, #tpu.memory_space<vmem>> -> memref<128x48xf32, #tpu.memory_space<vmem>>
        %dma_wait3A_191 = arith.constant 0 : i32
        %dma_wait3A_192 = tpu.memref_slice %arg6[%add3A_84, %dma_wait3A_191] : memref<20x128xi32, #tpu.memory_space<vmem>> -> memref<1x128xi32, #tpu.memory_space<vmem>>
        %dma_wait3A_193 = tpu.memref_squeeze %dma_wait3A_192 : memref<1x128xi32, #tpu.memory_space<vmem>> -> memref<128xi32, #tpu.memory_space<vmem>>
        %dma_wait3A_194 = arith.constant 0 : i32
        %dma_wait3A_195 = arith.constant 0 : i32
        %dma_wait3A_196 = tpu.memref_slice %arg8[%dma_wait3A_194, %dma_wait3A_195] : memref<10112x48xf32, #tpu.memory_space<vmem_shared>> -> memref<10112x48xf32, #tpu.memory_space<vmem_shared>>
        tpu.wait_indirect_dma semaphore(%run_scoped3A_176 : memref<!tpu.dma_semaphore, #tpu.memory_space<semaphore_mem>>) src(%dma_wait3A_190 : memref<128x48xf32, #tpu.memory_space<vmem>>) dst(%dma_wait3A_196 : memref<10112x48xf32, #tpu.memory_space<vmem_shared>>)
        tpu.yield
      }) : () -> ()
      %add3A_97 = arith.constant 4 : i32
      %add3A_98 = arith.addi %add3A_84, %add3A_97 : i32
      %lt3A = arith.constant 20 : i32
      %lt3A_99 = arith.cmpi slt, %add3A_98, %lt3A : i32
      %convert_element_type3A = arith.extui %lt3A_99 : i1 to i32
      %cond3A = arith.constant 0 : i32
      %cond3A_100 = arith.cmpi ne, %convert_element_type3A, %cond3A : i32
      scf.if %cond3A_100 {
        %add3A_176 = arith.constant 4 : i32
        %add3A_177 = arith.addi %add3A_84, %add3A_176 : i32
        %mul3A_178 = arith.constant 128 : i32
        %mul3A_179 = arith.muli %add3A_177, %mul3A_178 : i32
        %add3A_180 = arith.addi %mul3A_2, %mul3A_179 : i32
        %dma_start3A_181 = arith.constant 0 : i32
        %dma_start3A_182 = arith.constant 0 : i32
        %dma_start3A_183 = arith.constant 0 : i32
        %dma_start3A_184 = tpu.memref_slice %arg7[%dma_start3A_181, %dma_start3A_182, %dma_start3A_183] : memref<4x128x48xf32, #tpu.memory_space<vmem>> -> memref<1x128x48xf32, #tpu.memory_space<vmem>>
        %dma_start3A_185 = tpu.memref_squeeze %dma_start3A_184 : memref<1x128x48xf32, #tpu.memory_space<vmem>> -> memref<128x48xf32, #tpu.memory_space<vmem>>
        %dma_start3A_186 = arith.constant 0 : i32
        %dma_start3A_187 = tpu.memref_slice %arg2[%add3A_180, %dma_start3A_186] : memref<81920x128xf32, #tpu.memory_space<hbm>> -> memref<128x48xf32, #tpu.memory_space<hbm>>
        %dma_start3A_188 = arith.constant 0 : i32
        %dma_start3A_189 = arith.constant 0 : i32
        %dma_start3A_190 = tpu.memref_slice %arg7[%dma_start3A_181, %dma_start3A_188, %dma_start3A_189] : memref<4x128x48xf32, #tpu.memory_space<vmem>> -> memref<1x128x48xf32, #tpu.memory_space<vmem>>
        %dma_start3A_191 = tpu.memref_squeeze %dma_start3A_190 : memref<1x128x48xf32, #tpu.memory_space<vmem>> -> memref<128x48xf32, #tpu.memory_space<vmem>>
        %dma_start3A_192 = arith.constant 0 : i32
        %dma_start3A_193 = tpu.memref_slice %arg2[%add3A_180, %dma_start3A_192] : memref<81920x128xf32, #tpu.memory_space<hbm>> -> memref<128x48xf32, #tpu.memory_space<hbm>>
        tpu.enqueue_dma source(%dma_start3A_193 : memref<128x48xf32, #tpu.memory_space<hbm>>) target(%dma_start3A_191 : memref<128x48xf32, #tpu.memory_space<vmem>>) target_semaphore(%arg9 : memref<!tpu.dma_semaphore, #tpu.memory_space<semaphore_mem>>)
      } else {
      }
      %mul3A_101 = arith.constant 4 : i32
      %mul3A_102 = arith.muli %scan3A_80, %mul3A_101 : i32
      %add3A_103 = arith.constant 1 : i32
      %add3A_104 = arith.addi %mul3A_102, %add3A_103 : i32
      %dma_wait3A_105 = arith.constant 1 : i32
      %dma_wait3A_106 = arith.constant 0 : i32
      %dma_wait3A_107 = arith.constant 0 : i32
      %dma_wait3A_108 = tpu.memref_slice %arg7[%dma_wait3A_105, %dma_wait3A_106, %dma_wait3A_107] : memref<4x128x48xf32, #tpu.memory_space<vmem>> -> memref<1x128x48xf32, #tpu.memory_space<vmem>>
      %dma_wait3A_109 = tpu.memref_squeeze %dma_wait3A_108 : memref<1x128x48xf32, #tpu.memory_space<vmem>> -> memref<128x48xf32, #tpu.memory_space<vmem>>
      %dma_wait3A_110 = arith.constant 0 : i32
      %dma_wait3A_111 = tpu.memref_slice %arg2[%mul3A_2, %dma_wait3A_110] : memref<81920x128xf32, #tpu.memory_space<hbm>> -> memref<128x48xf32, #tpu.memory_space<hbm>>
      %dma_wait3A_112 = arith.constant 0 : i32
      %dma_wait3A_113 = arith.constant 0 : i32
      %dma_wait3A_114 = tpu.memref_slice %arg7[%dma_wait3A_105, %dma_wait3A_112, %dma_wait3A_113] : memref<4x128x48xf32, #tpu.memory_space<vmem>> -> memref<1x128x48xf32, #tpu.memory_space<vmem>>
      %dma_wait3A_115 = tpu.memref_squeeze %dma_wait3A_114 : memref<1x128x48xf32, #tpu.memory_space<vmem>> -> memref<128x48xf32, #tpu.memory_space<vmem>>
      %dma_wait3A_116 = arith.constant 0 : i32
      %dma_wait3A_117 = tpu.memref_slice %arg2[%mul3A_2, %dma_wait3A_116] : memref<81920x128xf32, #tpu.memory_space<hbm>> -> memref<128x48xf32, #tpu.memory_space<hbm>>
      tpu.wait_dma2 semaphore(%arg10 : memref<!tpu.dma_semaphore, #tpu.memory_space<semaphore_mem>>) src(%dma_wait3A_117 : memref<128x48xf32, #tpu.memory_space<hbm>>) dst(%dma_wait3A_115 : memref<128x48xf32, #tpu.memory_space<vmem>>)
      %run_scoped3A_118 = arith.constant 1 : i32
      "tpu.region"() ({
        %run_scoped3A_176 = tpu.sem_alloc : memref<!tpu.dma_semaphore, #tpu.memory_space<semaphore_mem>>
        %dma_start3A_177 = arith.constant 0 : i32
        %dma_start3A_178 = arith.constant 0 : i32
        %dma_start3A_179 = tpu.memref_slice %arg7[%run_scoped3A_118, %dma_start3A_177, %dma_start3A_178] : memref<4x128x48xf32, #tpu.memory_space<vmem>> -> memref<1x128x48xf32, #tpu.memory_space<vmem>>
        %dma_start3A_180 = tpu.memref_squeeze %dma_start3A_179 : memref<1x128x48xf32, #tpu.memory_space<vmem>> -> memref<128x48xf32, #tpu.memory_space<vmem>>
        %dma_start3A_181 = arith.constant 0 : i32
        %dma_start3A_182 = tpu.memref_slice %arg6[%add3A_104, %dma_start3A_181] : memref<20x128xi32, #tpu.memory_space<vmem>> -> memref<1x128xi32, #tpu.memory_space<vmem>>
        %dma_start3A_183 = tpu.memref_squeeze %dma_start3A_182 : memref<1x128xi32, #tpu.memory_space<vmem>> -> memref<128xi32, #tpu.memory_space<vmem>>
        %dma_start3A_184 = arith.constant 0 : i32
        %dma_start3A_185 = arith.constant 0 : i32
        %dma_start3A_186 = tpu.memref_slice %arg8[%dma_start3A_184, %dma_start3A_185] : memref<10112x48xf32, #tpu.memory_space<vmem_shared>> -> memref<10112x48xf32, #tpu.memory_space<vmem_shared>>
        tpu.enqueue_indirect_dma source(%dma_start3A_180 : memref<128x48xf32, #tpu.memory_space<vmem>>) target(%dma_start3A_186 : memref<10112x48xf32, #tpu.memory_space<vmem_shared>>) offsets(%dma_start3A_183 : memref<128xi32, #tpu.memory_space<vmem>>) semaphore(%run_scoped3A_176 : memref<!tpu.dma_semaphore, #tpu.memory_space<semaphore_mem>>) {add = true}
        %dma_wait3A_187 = arith.constant 0 : i32
        %dma_wait3A_188 = arith.constant 0 : i32
        %dma_wait3A_189 = tpu.memref_slice %arg7[%run_scoped3A_118, %dma_wait3A_187, %dma_wait3A_188] : memref<4x128x48xf32, #tpu.memory_space<vmem>> -> memref<1x128x48xf32, #tpu.memory_space<vmem>>
        %dma_wait3A_190 = tpu.memref_squeeze %dma_wait3A_189 : memref<1x128x48xf32, #tpu.memory_space<vmem>> -> memref<128x48xf32, #tpu.memory_space<vmem>>
        %dma_wait3A_191 = arith.constant 0 : i32
        %dma_wait3A_192 = tpu.memref_slice %arg6[%add3A_104, %dma_wait3A_191] : memref<20x128xi32, #tpu.memory_space<vmem>> -> memref<1x128xi32, #tpu.memory_space<vmem>>
        %dma_wait3A_193 = tpu.memref_squeeze %dma_wait3A_192 : memref<1x128xi32, #tpu.memory_space<vmem>> -> memref<128xi32, #tpu.memory_space<vmem>>
        %dma_wait3A_194 = arith.constant 0 : i32
        %dma_wait3A_195 = arith.constant 0 : i32
        %dma_wait3A_196 = tpu.memref_slice %arg8[%dma_wait3A_194, %dma_wait3A_195] : memref<10112x48xf32, #tpu.memory_space<vmem_shared>> -> memref<10112x48xf32, #tpu.memory_space<vmem_shared>>
        tpu.wait_indirect_dma semaphore(%run_scoped3A_176 : memref<!tpu.dma_semaphore, #tpu.memory_space<semaphore_mem>>) src(%dma_wait3A_190 : memref<128x48xf32, #tpu.memory_space<vmem>>) dst(%dma_wait3A_196 : memref<10112x48xf32, #tpu.memory_space<vmem_shared>>)
        tpu.yield
      }) : () -> ()
      %add3A_119 = arith.constant 4 : i32
      %add3A_120 = arith.addi %add3A_104, %add3A_119 : i32
      %lt3A_121 = arith.constant 20 : i32
      %lt3A_122 = arith.cmpi slt, %add3A_120, %lt3A_121 : i32
      %convert_element_type3A_123 = arith.extui %lt3A_122 : i1 to i32
      %cond3A_124 = arith.constant 0 : i32
      %cond3A_125 = arith.cmpi ne, %convert_element_type3A_123, %cond3A_124 : i32
      scf.if %cond3A_125 {
        %add3A_176 = arith.constant 4 : i32
        %add3A_177 = arith.addi %add3A_104, %add3A_176 : i32
        %mul3A_178 = arith.constant 128 : i32
        %mul3A_179 = arith.muli %add3A_177, %mul3A_178 : i32
        %add3A_180 = arith.addi %mul3A_2, %mul3A_179 : i32
        %dma_start3A_181 = arith.constant 1 : i32
        %dma_start3A_182 = arith.constant 0 : i32
        %dma_start3A_183 = arith.constant 0 : i32
        %dma_start3A_184 = tpu.memref_slice %arg7[%dma_start3A_181, %dma_start3A_182, %dma_start3A_183] : memref<4x128x48xf32, #tpu.memory_space<vmem>> -> memref<1x128x48xf32, #tpu.memory_space<vmem>>
        %dma_start3A_185 = tpu.memref_squeeze %dma_start3A_184 : memref<1x128x48xf32, #tpu.memory_space<vmem>> -> memref<128x48xf32, #tpu.memory_space<vmem>>
        %dma_start3A_186 = arith.constant 0 : i32
        %dma_start3A_187 = tpu.memref_slice %arg2[%add3A_180, %dma_start3A_186] : memref<81920x128xf32, #tpu.memory_space<hbm>> -> memref<128x48xf32, #tpu.memory_space<hbm>>
        %dma_start3A_188 = arith.constant 0 : i32
        %dma_start3A_189 = arith.constant 0 : i32
        %dma_start3A_190 = tpu.memref_slice %arg7[%dma_start3A_181, %dma_start3A_188, %dma_start3A_189] : memref<4x128x48xf32, #tpu.memory_space<vmem>> -> memref<1x128x48xf32, #tpu.memory_space<vmem>>
        %dma_start3A_191 = tpu.memref_squeeze %dma_start3A_190 : memref<1x128x48xf32, #tpu.memory_space<vmem>> -> memref<128x48xf32, #tpu.memory_space<vmem>>
        %dma_start3A_192 = arith.constant 0 : i32
        %dma_start3A_193 = tpu.memref_slice %arg2[%add3A_180, %dma_start3A_192] : memref<81920x128xf32, #tpu.memory_space<hbm>> -> memref<128x48xf32, #tpu.memory_space<hbm>>
        tpu.enqueue_dma source(%dma_start3A_193 : memref<128x48xf32, #tpu.memory_space<hbm>>) target(%dma_start3A_191 : memref<128x48xf32, #tpu.memory_space<vmem>>) target_semaphore(%arg10 : memref<!tpu.dma_semaphore, #tpu.memory_space<semaphore_mem>>)
      } else {
      }
      %mul3A_126 = arith.constant 4 : i32
      %mul3A_127 = arith.muli %scan3A_80, %mul3A_126 : i32
      %add3A_128 = arith.constant 2 : i32
      %add3A_129 = arith.addi %mul3A_127, %add3A_128 : i32
      %dma_wait3A_130 = arith.constant 2 : i32
      %dma_wait3A_131 = arith.constant 0 : i32
      %dma_wait3A_132 = arith.constant 0 : i32
      %dma_wait3A_133 = tpu.memref_slice %arg7[%dma_wait3A_130, %dma_wait3A_131, %dma_wait3A_132] : memref<4x128x48xf32, #tpu.memory_space<vmem>> -> memref<1x128x48xf32, #tpu.memory_space<vmem>>
      %dma_wait3A_134 = tpu.memref_squeeze %dma_wait3A_133 : memref<1x128x48xf32, #tpu.memory_space<vmem>> -> memref<128x48xf32, #tpu.memory_space<vmem>>
      %dma_wait3A_135 = arith.constant 0 : i32
      %dma_wait3A_136 = tpu.memref_slice %arg2[%mul3A_2, %dma_wait3A_135] : memref<81920x128xf32, #tpu.memory_space<hbm>> -> memref<128x48xf32, #tpu.memory_space<hbm>>
      %dma_wait3A_137 = arith.constant 0 : i32
      %dma_wait3A_138 = arith.constant 0 : i32
      %dma_wait3A_139 = tpu.memref_slice %arg7[%dma_wait3A_130, %dma_wait3A_137, %dma_wait3A_138] : memref<4x128x48xf32, #tpu.memory_space<vmem>> -> memref<1x128x48xf32, #tpu.memory_space<vmem>>
      %dma_wait3A_140 = tpu.memref_squeeze %dma_wait3A_139 : memref<1x128x48xf32, #tpu.memory_space<vmem>> -> memref<128x48xf32, #tpu.memory_space<vmem>>
      %dma_wait3A_141 = arith.constant 0 : i32
      %dma_wait3A_142 = tpu.memref_slice %arg2[%mul3A_2, %dma_wait3A_141] : memref<81920x128xf32, #tpu.memory_space<hbm>> -> memref<128x48xf32, #tpu.memory_space<hbm>>
      tpu.wait_dma2 semaphore(%arg11 : memref<!tpu.dma_semaphore, #tpu.memory_space<semaphore_mem>>) src(%dma_wait3A_142 : memref<128x48xf32, #tpu.memory_space<hbm>>) dst(%dma_wait3A_140 : memref<128x48xf32, #tpu.memory_space<vmem>>)
      %run_scoped3A_143 = arith.constant 2 : i32
      "tpu.region"() ({
        %run_scoped3A_176 = tpu.sem_alloc : memref<!tpu.dma_semaphore, #tpu.memory_space<semaphore_mem>>
        %dma_start3A_177 = arith.constant 0 : i32
        %dma_start3A_178 = arith.constant 0 : i32
        %dma_start3A_179 = tpu.memref_slice %arg7[%run_scoped3A_143, %dma_start3A_177, %dma_start3A_178] : memref<4x128x48xf32, #tpu.memory_space<vmem>> -> memref<1x128x48xf32, #tpu.memory_space<vmem>>
        %dma_start3A_180 = tpu.memref_squeeze %dma_start3A_179 : memref<1x128x48xf32, #tpu.memory_space<vmem>> -> memref<128x48xf32, #tpu.memory_space<vmem>>
        %dma_start3A_181 = arith.constant 0 : i32
        %dma_start3A_182 = tpu.memref_slice %arg6[%add3A_129, %dma_start3A_181] : memref<20x128xi32, #tpu.memory_space<vmem>> -> memref<1x128xi32, #tpu.memory_space<vmem>>
        %dma_start3A_183 = tpu.memref_squeeze %dma_start3A_182 : memref<1x128xi32, #tpu.memory_space<vmem>> -> memref<128xi32, #tpu.memory_space<vmem>>
        %dma_start3A_184 = arith.constant 0 : i32
        %dma_start3A_185 = arith.constant 0 : i32
        %dma_start3A_186 = tpu.memref_slice %arg8[%dma_start3A_184, %dma_start3A_185] : memref<10112x48xf32, #tpu.memory_space<vmem_shared>> -> memref<10112x48xf32, #tpu.memory_space<vmem_shared>>
        tpu.enqueue_indirect_dma source(%dma_start3A_180 : memref<128x48xf32, #tpu.memory_space<vmem>>) target(%dma_start3A_186 : memref<10112x48xf32, #tpu.memory_space<vmem_shared>>) offsets(%dma_start3A_183 : memref<128xi32, #tpu.memory_space<vmem>>) semaphore(%run_scoped3A_176 : memref<!tpu.dma_semaphore, #tpu.memory_space<semaphore_mem>>) {add = true}
        %dma_wait3A_187 = arith.constant 0 : i32
        %dma_wait3A_188 = arith.constant 0 : i32
        %dma_wait3A_189 = tpu.memref_slice %arg7[%run_scoped3A_143, %dma_wait3A_187, %dma_wait3A_188] : memref<4x128x48xf32, #tpu.memory_space<vmem>> -> memref<1x128x48xf32, #tpu.memory_space<vmem>>
        %dma_wait3A_190 = tpu.memref_squeeze %dma_wait3A_189 : memref<1x128x48xf32, #tpu.memory_space<vmem>> -> memref<128x48xf32, #tpu.memory_space<vmem>>
        %dma_wait3A_191 = arith.constant 0 : i32
        %dma_wait3A_192 = tpu.memref_slice %arg6[%add3A_129, %dma_wait3A_191] : memref<20x128xi32, #tpu.memory_space<vmem>> -> memref<1x128xi32, #tpu.memory_space<vmem>>
        %dma_wait3A_193 = tpu.memref_squeeze %dma_wait3A_192 : memref<1x128xi32, #tpu.memory_space<vmem>> -> memref<128xi32, #tpu.memory_space<vmem>>
        %dma_wait3A_194 = arith.constant 0 : i32
        %dma_wait3A_195 = arith.constant 0 : i32
        %dma_wait3A_196 = tpu.memref_slice %arg8[%dma_wait3A_194, %dma_wait3A_195] : memref<10112x48xf32, #tpu.memory_space<vmem_shared>> -> memref<10112x48xf32, #tpu.memory_space<vmem_shared>>
        tpu.wait_indirect_dma semaphore(%run_scoped3A_176 : memref<!tpu.dma_semaphore, #tpu.memory_space<semaphore_mem>>) src(%dma_wait3A_190 : memref<128x48xf32, #tpu.memory_space<vmem>>) dst(%dma_wait3A_196 : memref<10112x48xf32, #tpu.memory_space<vmem_shared>>)
        tpu.yield
      }) : () -> ()
      %add3A_144 = arith.constant 4 : i32
      %add3A_145 = arith.addi %add3A_129, %add3A_144 : i32
      %lt3A_146 = arith.constant 20 : i32
      %lt3A_147 = arith.cmpi slt, %add3A_145, %lt3A_146 : i32
      %convert_element_type3A_148 = arith.extui %lt3A_147 : i1 to i32
      %cond3A_149 = arith.constant 0 : i32
      %cond3A_150 = arith.cmpi ne, %convert_element_type3A_148, %cond3A_149 : i32
      scf.if %cond3A_150 {
        %add3A_176 = arith.constant 4 : i32
        %add3A_177 = arith.addi %add3A_129, %add3A_176 : i32
        %mul3A_178 = arith.constant 128 : i32
        %mul3A_179 = arith.muli %add3A_177, %mul3A_178 : i32
        %add3A_180 = arith.addi %mul3A_2, %mul3A_179 : i32
        %dma_start3A_181 = arith.constant 2 : i32
        %dma_start3A_182 = arith.constant 0 : i32
        %dma_start3A_183 = arith.constant 0 : i32
        %dma_start3A_184 = tpu.memref_slice %arg7[%dma_start3A_181, %dma_start3A_182, %dma_start3A_183] : memref<4x128x48xf32, #tpu.memory_space<vmem>> -> memref<1x128x48xf32, #tpu.memory_space<vmem>>
        %dma_start3A_185 = tpu.memref_squeeze %dma_start3A_184 : memref<1x128x48xf32, #tpu.memory_space<vmem>> -> memref<128x48xf32, #tpu.memory_space<vmem>>
        %dma_start3A_186 = arith.constant 0 : i32
        %dma_start3A_187 = tpu.memref_slice %arg2[%add3A_180, %dma_start3A_186] : memref<81920x128xf32, #tpu.memory_space<hbm>> -> memref<128x48xf32, #tpu.memory_space<hbm>>
        %dma_start3A_188 = arith.constant 0 : i32
        %dma_start3A_189 = arith.constant 0 : i32
        %dma_start3A_190 = tpu.memref_slice %arg7[%dma_start3A_181, %dma_start3A_188, %dma_start3A_189] : memref<4x128x48xf32, #tpu.memory_space<vmem>> -> memref<1x128x48xf32, #tpu.memory_space<vmem>>
        %dma_start3A_191 = tpu.memref_squeeze %dma_start3A_190 : memref<1x128x48xf32, #tpu.memory_space<vmem>> -> memref<128x48xf32, #tpu.memory_space<vmem>>
        %dma_start3A_192 = arith.constant 0 : i32
        %dma_start3A_193 = tpu.memref_slice %arg2[%add3A_180, %dma_start3A_192] : memref<81920x128xf32, #tpu.memory_space<hbm>> -> memref<128x48xf32, #tpu.memory_space<hbm>>
        tpu.enqueue_dma source(%dma_start3A_193 : memref<128x48xf32, #tpu.memory_space<hbm>>) target(%dma_start3A_191 : memref<128x48xf32, #tpu.memory_space<vmem>>) target_semaphore(%arg11 : memref<!tpu.dma_semaphore, #tpu.memory_space<semaphore_mem>>)
      } else {
      }
      %mul3A_151 = arith.constant 4 : i32
      %mul3A_152 = arith.muli %scan3A_80, %mul3A_151 : i32
      %add3A_153 = arith.constant 3 : i32
      %add3A_154 = arith.addi %mul3A_152, %add3A_153 : i32
      %dma_wait3A_155 = arith.constant 3 : i32
      %dma_wait3A_156 = arith.constant 0 : i32
      %dma_wait3A_157 = arith.constant 0 : i32
      %dma_wait3A_158 = tpu.memref_slice %arg7[%dma_wait3A_155, %dma_wait3A_156, %dma_wait3A_157] : memref<4x128x48xf32, #tpu.memory_space<vmem>> -> memref<1x128x48xf32, #tpu.memory_space<vmem>>
      %dma_wait3A_159 = tpu.memref_squeeze %dma_wait3A_158 : memref<1x128x48xf32, #tpu.memory_space<vmem>> -> memref<128x48xf32, #tpu.memory_space<vmem>>
      %dma_wait3A_160 = arith.constant 0 : i32
      %dma_wait3A_161 = tpu.memref_slice %arg2[%mul3A_2, %dma_wait3A_160] : memref<81920x128xf32, #tpu.memory_space<hbm>> -> memref<128x48xf32, #tpu.memory_space<hbm>>
      %dma_wait3A_162 = arith.constant 0 : i32
      %dma_wait3A_163 = arith.constant 0 : i32
      %dma_wait3A_164 = tpu.memref_slice %arg7[%dma_wait3A_155, %dma_wait3A_162, %dma_wait3A_163] : memref<4x128x48xf32, #tpu.memory_space<vmem>> -> memref<1x128x48xf32, #tpu.memory_space<vmem>>
      %dma_wait3A_165 = tpu.memref_squeeze %dma_wait3A_164 : memref<1x128x48xf32, #tpu.memory_space<vmem>> -> memref<128x48xf32, #tpu.memory_space<vmem>>
      %dma_wait3A_166 = arith.constant 0 : i32
      %dma_wait3A_167 = tpu.memref_slice %arg2[%mul3A_2, %dma_wait3A_166] : memref<81920x128xf32, #tpu.memory_space<hbm>> -> memref<128x48xf32, #tpu.memory_space<hbm>>
      tpu.wait_dma2 semaphore(%arg12 : memref<!tpu.dma_semaphore, #tpu.memory_space<semaphore_mem>>) src(%dma_wait3A_167 : memref<128x48xf32, #tpu.memory_space<hbm>>) dst(%dma_wait3A_165 : memref<128x48xf32, #tpu.memory_space<vmem>>)
      %run_scoped3A_168 = arith.constant 3 : i32
      "tpu.region"() ({
        %run_scoped3A_176 = tpu.sem_alloc : memref<!tpu.dma_semaphore, #tpu.memory_space<semaphore_mem>>
        %dma_start3A_177 = arith.constant 0 : i32
        %dma_start3A_178 = arith.constant 0 : i32
        %dma_start3A_179 = tpu.memref_slice %arg7[%run_scoped3A_168, %dma_start3A_177, %dma_start3A_178] : memref<4x128x48xf32, #tpu.memory_space<vmem>> -> memref<1x128x48xf32, #tpu.memory_space<vmem>>
        %dma_start3A_180 = tpu.memref_squeeze %dma_start3A_179 : memref<1x128x48xf32, #tpu.memory_space<vmem>> -> memref<128x48xf32, #tpu.memory_space<vmem>>
        %dma_start3A_181 = arith.constant 0 : i32
        %dma_start3A_182 = tpu.memref_slice %arg6[%add3A_154, %dma_start3A_181] : memref<20x128xi32, #tpu.memory_space<vmem>> -> memref<1x128xi32, #tpu.memory_space<vmem>>
        %dma_start3A_183 = tpu.memref_squeeze %dma_start3A_182 : memref<1x128xi32, #tpu.memory_space<vmem>> -> memref<128xi32, #tpu.memory_space<vmem>>
        %dma_start3A_184 = arith.constant 0 : i32
        %dma_start3A_185 = arith.constant 0 : i32
        %dma_start3A_186 = tpu.memref_slice %arg8[%dma_start3A_184, %dma_start3A_185] : memref<10112x48xf32, #tpu.memory_space<vmem_shared>> -> memref<10112x48xf32, #tpu.memory_space<vmem_shared>>
        tpu.enqueue_indirect_dma source(%dma_start3A_180 : memref<128x48xf32, #tpu.memory_space<vmem>>) target(%dma_start3A_186 : memref<10112x48xf32, #tpu.memory_space<vmem_shared>>) offsets(%dma_start3A_183 : memref<128xi32, #tpu.memory_space<vmem>>) semaphore(%run_scoped3A_176 : memref<!tpu.dma_semaphore, #tpu.memory_space<semaphore_mem>>) {add = true}
        %dma_wait3A_187 = arith.constant 0 : i32
        %dma_wait3A_188 = arith.constant 0 : i32
        %dma_wait3A_189 = tpu.memref_slice %arg7[%run_scoped3A_168, %dma_wait3A_187, %dma_wait3A_188] : memref<4x128x48xf32, #tpu.memory_space<vmem>> -> memref<1x128x48xf32, #tpu.memory_space<vmem>>
        %dma_wait3A_190 = tpu.memref_squeeze %dma_wait3A_189 : memref<1x128x48xf32, #tpu.memory_space<vmem>> -> memref<128x48xf32, #tpu.memory_space<vmem>>
        %dma_wait3A_191 = arith.constant 0 : i32
        %dma_wait3A_192 = tpu.memref_slice %arg6[%add3A_154, %dma_wait3A_191] : memref<20x128xi32, #tpu.memory_space<vmem>> -> memref<1x128xi32, #tpu.memory_space<vmem>>
        %dma_wait3A_193 = tpu.memref_squeeze %dma_wait3A_192 : memref<1x128xi32, #tpu.memory_space<vmem>> -> memref<128xi32, #tpu.memory_space<vmem>>
        %dma_wait3A_194 = arith.constant 0 : i32
        %dma_wait3A_195 = arith.constant 0 : i32
        %dma_wait3A_196 = tpu.memref_slice %arg8[%dma_wait3A_194, %dma_wait3A_195] : memref<10112x48xf32, #tpu.memory_space<vmem_shared>> -> memref<10112x48xf32, #tpu.memory_space<vmem_shared>>
        tpu.wait_indirect_dma semaphore(%run_scoped3A_176 : memref<!tpu.dma_semaphore, #tpu.memory_space<semaphore_mem>>) src(%dma_wait3A_190 : memref<128x48xf32, #tpu.memory_space<vmem>>) dst(%dma_wait3A_196 : memref<10112x48xf32, #tpu.memory_space<vmem_shared>>)
        tpu.yield
      }) : () -> ()
      %add3A_169 = arith.constant 4 : i32
      %add3A_170 = arith.addi %add3A_154, %add3A_169 : i32
      %lt3A_171 = arith.constant 20 : i32
      %lt3A_172 = arith.cmpi slt, %add3A_170, %lt3A_171 : i32
      %convert_element_type3A_173 = arith.extui %lt3A_172 : i1 to i32
      %cond3A_174 = arith.constant 0 : i32
      %cond3A_175 = arith.cmpi ne, %convert_element_type3A_173, %cond3A_174 : i32
      scf.if %cond3A_175 {
        %add3A_176 = arith.constant 4 : i32
        %add3A_177 = arith.addi %add3A_154, %add3A_176 : i32
        %mul3A_178 = arith.constant 128 : i32
        %mul3A_179 = arith.muli %add3A_177, %mul3A_178 : i32
        %add3A_180 = arith.addi %mul3A_2, %mul3A_179 : i32
        %dma_start3A_181 = arith.constant 3 : i32
        %dma_start3A_182 = arith.constant 0 : i32
        %dma_start3A_183 = arith.constant 0 : i32
        %dma_start3A_184 = tpu.memref_slice %arg7[%dma_start3A_181, %dma_start3A_182, %dma_start3A_183] : memref<4x128x48xf32, #tpu.memory_space<vmem>> -> memref<1x128x48xf32, #tpu.memory_space<vmem>>
        %dma_start3A_185 = tpu.memref_squeeze %dma_start3A_184 : memref<1x128x48xf32, #tpu.memory_space<vmem>> -> memref<128x48xf32, #tpu.memory_space<vmem>>
        %dma_start3A_186 = arith.constant 0 : i32
        %dma_start3A_187 = tpu.memref_slice %arg2[%add3A_180, %dma_start3A_186] : memref<81920x128xf32, #tpu.memory_space<hbm>> -> memref<128x48xf32, #tpu.memory_space<hbm>>
        %dma_start3A_188 = arith.constant 0 : i32
        %dma_start3A_189 = arith.constant 0 : i32
        %dma_start3A_190 = tpu.memref_slice %arg7[%dma_start3A_181, %dma_start3A_188, %dma_start3A_189] : memref<4x128x48xf32, #tpu.memory_space<vmem>> -> memref<1x128x48xf32, #tpu.memory_space<vmem>>
        %dma_start3A_191 = tpu.memref_squeeze %dma_start3A_190 : memref<1x128x48xf32, #tpu.memory_space<vmem>> -> memref<128x48xf32, #tpu.memory_space<vmem>>
        %dma_start3A_192 = arith.constant 0 : i32
        %dma_start3A_193 = tpu.memref_slice %arg2[%add3A_180, %dma_start3A_192] : memref<81920x128xf32, #tpu.memory_space<hbm>> -> memref<128x48xf32, #tpu.memory_space<hbm>>
        tpu.enqueue_dma source(%dma_start3A_193 : memref<128x48xf32, #tpu.memory_space<hbm>>) target(%dma_start3A_191 : memref<128x48xf32, #tpu.memory_space<vmem>>) target_semaphore(%arg12 : memref<!tpu.dma_semaphore, #tpu.memory_space<semaphore_mem>>)
      } else {
      }
    }
    %scan3A_74 = arith.constant 5 : i32
    %barrier3A_75 = arith.constant 0 : index
    tpu.barrier barrier_id(%barrier3A_75)
    %mul3A_76 = arith.constant 632 : i32
    %mul3A_77 = arith.muli %arg1, %mul3A_76 : i32
    %mul3A_78 = arith.constant 632 : i32
    %mul3A_79 = arith.muli %arg1, %mul3A_78 : i32
    "tpu.region"() ({
      %run_scoped3A = tpu.sem_alloc : memref<!tpu.dma_semaphore, #tpu.memory_space<semaphore_mem>>
      %dma_start3A_80 = arith.constant 0 : i32
      %dma_start3A_81 = tpu.memref_slice %arg5[%arg0, %mul3A_79, %dma_start3A_80] : memref<2x10112x48xf32, #tpu.memory_space<hbm>> -> memref<1x632x48xf32, #tpu.memory_space<hbm>>
      %dma_start3A_82 = tpu.memref_squeeze %dma_start3A_81 : memref<1x632x48xf32, #tpu.memory_space<hbm>> -> memref<632x48xf32, #tpu.memory_space<hbm>>
      %dma_start3A_83 = arith.constant 0 : i32
      %dma_start3A_84 = tpu.memref_slice %arg8[%mul3A_77, %dma_start3A_83] : memref<10112x48xf32, #tpu.memory_space<vmem_shared>> -> memref<632x48xf32, #tpu.memory_space<vmem_shared>>
      tpu.enqueue_dma source(%dma_start3A_84 : memref<632x48xf32, #tpu.memory_space<vmem_shared>>) target(%dma_start3A_82 : memref<632x48xf32, #tpu.memory_space<hbm>>) target_semaphore(%run_scoped3A : memref<!tpu.dma_semaphore, #tpu.memory_space<semaphore_mem>>)
      %dma_wait3A = arith.constant 0 : i32
      %dma_wait3A_85 = tpu.memref_slice %arg5[%arg0, %mul3A_79, %dma_wait3A] : memref<2x10112x48xf32, #tpu.memory_space<hbm>> -> memref<1x632x48xf32, #tpu.memory_space<hbm>>
      %dma_wait3A_86 = tpu.memref_squeeze %dma_wait3A_85 : memref<1x632x48xf32, #tpu.memory_space<hbm>> -> memref<632x48xf32, #tpu.memory_space<hbm>>
      %dma_wait3A_87 = arith.constant 0 : i32
      %dma_wait3A_88 = tpu.memref_slice %arg8[%mul3A_77, %dma_wait3A_87] : memref<10112x48xf32, #tpu.memory_space<vmem_shared>> -> memref<632x48xf32, #tpu.memory_space<vmem_shared>>
      tpu.wait_dma2 semaphore(%run_scoped3A : memref<!tpu.dma_semaphore, #tpu.memory_space<semaphore_mem>>) src(%dma_wait3A_88 : memref<632x48xf32, #tpu.memory_space<vmem_shared>>) dst(%dma_wait3A_86 : memref<632x48xf32, #tpu.memory_space<hbm>>)
      tpu.yield
    }) : () -> ()
    return
  }
}

#map = affine_map<(d0, d1) -> (0, 0)>
module attributes {stable_mosaic.version = 14 : i64} {
  func.func @k(%arg0: i32, %arg1: i32, %arg2: memref<10000x48xf32, #tpu.memory_space<hbm>>, %arg3: memref<10112x16xf32, #tpu.memory_space<hbm>>, %arg4: memref<1320x128xi32, #tpu.memory_space<hbm>>, %arg5: memref<1320x128xi32, #tpu.memory_space<hbm>>, %arg6: memref<81920x128xf32, #tpu.memory_space<hbm>>, %arg7: memref<30x128xi32, #tpu.memory_space<vmem>>, %arg8: memref<30x128xi32, #tpu.memory_space<vmem>>, %arg9: memref<4x128x48xf32, #tpu.memory_space<vmem>>, %arg10: memref<4x128x16xf32, #tpu.memory_space<vmem>>, %arg11: memref<!tpu.dma_semaphore, #tpu.memory_space<semaphore_mem>>, %arg12: memref<!tpu.dma_semaphore, #tpu.memory_space<semaphore_mem>>, %arg13: memref<!tpu.dma_semaphore, #tpu.memory_space<semaphore_mem>>, %arg14: memref<!tpu.dma_semaphore, #tpu.memory_space<semaphore_mem>>, %arg15: memref<!tpu.dma_semaphore, #tpu.memory_space<semaphore_mem>>, %arg16: memref<!tpu.dma_semaphore, #tpu.memory_space<semaphore_mem>>, %arg17: memref<!tpu.dma_semaphore, #tpu.memory_space<semaphore_mem>>, %arg18: memref<!tpu.dma_semaphore, #tpu.memory_space<semaphore_mem>>, %arg19: memref<!tpu.dma_semaphore, #tpu.memory_space<semaphore_mem>>, %arg20: memref<!tpu.dma_semaphore, #tpu.memory_space<semaphore_mem>>, %arg21: memref<!tpu.dma_semaphore, #tpu.memory_space<semaphore_mem>>, %arg22: memref<!tpu.dma_semaphore, #tpu.memory_space<semaphore_mem>>, %arg23: memref<!tpu.dma_semaphore, #tpu.memory_space<semaphore_mem>>, %arg24: memref<!tpu.dma_semaphore, #tpu.memory_space<semaphore_mem>>, %arg25: memref<!tpu.dma_semaphore, #tpu.memory_space<semaphore_mem>>, %arg26: memref<!tpu.dma_semaphore, #tpu.memory_space<semaphore_mem>>) attributes {dimension_semantics = [#tpu.dimension_semantics<core_parallel>, #tpu.dimension_semantics<subcore_parallel>], iteration_bounds = array<i64: 2, 16>, scalar_prefetch = 0 : i64, scratch_operands = 20 : i64, tpu.core_type = #tpu.core_type<sc_vector_subcore>, window_params = [{transform_indices = #map}, {transform_indices = #map}, {transform_indices = #map}, {transform_indices = #map}, {transform_indices = #map}]} {
    %mul3A = arith.constant 40 : i32
    %mul3A_0 = arith.muli %arg1, %mul3A : i32
    %add3A = arith.constant 640 : i32
    %add3A_1 = arith.addi %add3A, %mul3A_0 : i32
    %mul3A_2 = arith.constant 20 : i32
    %mul3A_3 = arith.muli %arg0, %mul3A_2 : i32
    %add3A_4 = arith.addi %add3A_1, %mul3A_3 : i32
    %eq3A = arith.constant 0 : i32
    %eq3A_5 = arith.cmpi eq, %arg0, %eq3A : i32
    %jit3A = arith.constant 20 : i32
    %jit3A_6 = arith.constant 20 : i32
    %select_n3A = arith.select %eq3A_5, %jit3A, %jit3A_6 : i32
    "tpu.region"() ({
      %run_scoped3A = tpu.sem_alloc : memref<!tpu.dma_semaphore, #tpu.memory_space<semaphore_mem>>
      %dma_start3A_248 = arith.constant 0 : i32
      %dma_start3A_249 = tpu.memref_slice %arg4[%add3A_4, %dma_start3A_248] : memref<1320x128xi32, #tpu.memory_space<hbm>> -> memref<30x128xi32, #tpu.memory_space<hbm>>
      %dma_start3A_250 = arith.constant 0 : i32
      %dma_start3A_251 = tpu.memref_slice %arg4[%add3A_4, %dma_start3A_250] : memref<1320x128xi32, #tpu.memory_space<hbm>> -> memref<30x128xi32, #tpu.memory_space<hbm>>
      tpu.enqueue_dma source(%dma_start3A_251 : memref<30x128xi32, #tpu.memory_space<hbm>>) target(%arg7 : memref<30x128xi32, #tpu.memory_space<vmem>>) target_semaphore(%run_scoped3A : memref<!tpu.dma_semaphore, #tpu.memory_space<semaphore_mem>>)
      %dma_wait3A_252 = arith.constant 0 : i32
      %dma_wait3A_253 = tpu.memref_slice %arg4[%add3A_4, %dma_wait3A_252] : memref<1320x128xi32, #tpu.memory_space<hbm>> -> memref<30x128xi32, #tpu.memory_space<hbm>>
      %dma_wait3A_254 = arith.constant 0 : i32
      %dma_wait3A_255 = tpu.memref_slice %arg4[%add3A_4, %dma_wait3A_254] : memref<1320x128xi32, #tpu.memory_space<hbm>> -> memref<30x128xi32, #tpu.memory_space<hbm>>
      tpu.wait_dma2 semaphore(%run_scoped3A : memref<!tpu.dma_semaphore, #tpu.memory_space<semaphore_mem>>) src(%dma_wait3A_255 : memref<30x128xi32, #tpu.memory_space<hbm>>) dst(%arg7 : memref<30x128xi32, #tpu.memory_space<vmem>>)
      tpu.yield
    }) : () -> ()
    "tpu.region"() ({
      %run_scoped3A = tpu.sem_alloc : memref<!tpu.dma_semaphore, #tpu.memory_space<semaphore_mem>>
      %dma_start3A_248 = arith.constant 0 : i32
      %dma_start3A_249 = tpu.memref_slice %arg5[%add3A_4, %dma_start3A_248] : memref<1320x128xi32, #tpu.memory_space<hbm>> -> memref<30x128xi32, #tpu.memory_space<hbm>>
      %dma_start3A_250 = arith.constant 0 : i32
      %dma_start3A_251 = tpu.memref_slice %arg5[%add3A_4, %dma_start3A_250] : memref<1320x128xi32, #tpu.memory_space<hbm>> -> memref<30x128xi32, #tpu.memory_space<hbm>>
      tpu.enqueue_dma source(%dma_start3A_251 : memref<30x128xi32, #tpu.memory_space<hbm>>) target(%arg8 : memref<30x128xi32, #tpu.memory_space<vmem>>) target_semaphore(%run_scoped3A : memref<!tpu.dma_semaphore, #tpu.memory_space<semaphore_mem>>)
      %dma_wait3A_252 = arith.constant 0 : i32
      %dma_wait3A_253 = tpu.memref_slice %arg5[%add3A_4, %dma_wait3A_252] : memref<1320x128xi32, #tpu.memory_space<hbm>> -> memref<30x128xi32, #tpu.memory_space<hbm>>
      %dma_wait3A_254 = arith.constant 0 : i32
      %dma_wait3A_255 = tpu.memref_slice %arg5[%add3A_4, %dma_wait3A_254] : memref<1320x128xi32, #tpu.memory_space<hbm>> -> memref<30x128xi32, #tpu.memory_space<hbm>>
      tpu.wait_dma2 semaphore(%run_scoped3A : memref<!tpu.dma_semaphore, #tpu.memory_space<semaphore_mem>>) src(%dma_wait3A_255 : memref<30x128xi32, #tpu.memory_space<hbm>>) dst(%arg8 : memref<30x128xi32, #tpu.memory_space<vmem>>)
      tpu.yield
    }) : () -> ()
    %dma_start3A = arith.constant 0 : i32
    %dma_start3A_7 = arith.constant 0 : i32
    %dma_start3A_8 = arith.constant 0 : i32
    %dma_start3A_9 = arith.constant 0 : i32
    %dma_start3A_10 = tpu.memref_slice %arg9[%dma_start3A_7, %dma_start3A_8, %dma_start3A_9] : memref<4x128x48xf32, #tpu.memory_space<vmem>> -> memref<1x128x48xf32, #tpu.memory_space<vmem>>
    %dma_start3A_11 = tpu.memref_squeeze %dma_start3A_10 : memref<1x128x48xf32, #tpu.memory_space<vmem>> -> memref<128x48xf32, #tpu.memory_space<vmem>>
    %dma_start3A_12 = arith.constant 0 : i32
    %dma_start3A_13 = tpu.memref_slice %arg7[%dma_start3A, %dma_start3A_12] : memref<30x128xi32, #tpu.memory_space<vmem>> -> memref<1x128xi32, #tpu.memory_space<vmem>>
    %dma_start3A_14 = tpu.memref_squeeze %dma_start3A_13 : memref<1x128xi32, #tpu.memory_space<vmem>> -> memref<128xi32, #tpu.memory_space<vmem>>
    %dma_start3A_15 = arith.constant 0 : i32
    %dma_start3A_16 = arith.constant 0 : i32
    %dma_start3A_17 = tpu.memref_slice %arg2[%dma_start3A_15, %dma_start3A_16] : memref<10000x48xf32, #tpu.memory_space<hbm>> -> memref<10000x48xf32, #tpu.memory_space<hbm>>
    tpu.enqueue_indirect_dma source(%dma_start3A_17 : memref<10000x48xf32, #tpu.memory_space<hbm>>) target(%dma_start3A_11 : memref<128x48xf32, #tpu.memory_space<vmem>>) offsets(%dma_start3A_14 : memref<128xi32, #tpu.memory_space<vmem>>) semaphore(%arg11 : memref<!tpu.dma_semaphore, #tpu.memory_space<semaphore_mem>>)
    %dma_start3A_18 = arith.constant 0 : i32
    %dma_start3A_19 = arith.constant 0 : i32
    %dma_start3A_20 = arith.constant 0 : i32
    %dma_start3A_21 = arith.constant 0 : i32
    %dma_start3A_22 = tpu.memref_slice %arg10[%dma_start3A_19, %dma_start3A_20, %dma_start3A_21] : memref<4x128x16xf32, #tpu.memory_space<vmem>> -> memref<1x128x16xf32, #tpu.memory_space<vmem>>
    %dma_start3A_23 = tpu.memref_squeeze %dma_start3A_22 : memref<1x128x16xf32, #tpu.memory_space<vmem>> -> memref<128x16xf32, #tpu.memory_space<vmem>>
    %dma_start3A_24 = arith.constant 0 : i32
    %dma_start3A_25 = tpu.memref_slice %arg8[%dma_start3A_18, %dma_start3A_24] : memref<30x128xi32, #tpu.memory_space<vmem>> -> memref<1x128xi32, #tpu.memory_space<vmem>>
    %dma_start3A_26 = tpu.memref_squeeze %dma_start3A_25 : memref<1x128xi32, #tpu.memory_space<vmem>> -> memref<128xi32, #tpu.memory_space<vmem>>
    %dma_start3A_27 = arith.constant 0 : i32
    %dma_start3A_28 = arith.constant 0 : i32
    %dma_start3A_29 = tpu.memref_slice %arg3[%dma_start3A_27, %dma_start3A_28] : memref<10112x16xf32, #tpu.memory_space<hbm>> -> memref<10112x16xf32, #tpu.memory_space<hbm>>
    tpu.enqueue_indirect_dma source(%dma_start3A_29 : memref<10112x16xf32, #tpu.memory_space<hbm>>) target(%dma_start3A_23 : memref<128x16xf32, #tpu.memory_space<vmem>>) offsets(%dma_start3A_26 : memref<128xi32, #tpu.memory_space<vmem>>) semaphore(%arg15 : memref<!tpu.dma_semaphore, #tpu.memory_space<semaphore_mem>>)
    %dma_start3A_30 = arith.constant 1 : i32
    %dma_start3A_31 = arith.constant 1 : i32
    %dma_start3A_32 = arith.constant 0 : i32
    %dma_start3A_33 = arith.constant 0 : i32
    %dma_start3A_34 = tpu.memref_slice %arg9[%dma_start3A_31, %dma_start3A_32, %dma_start3A_33] : memref<4x128x48xf32, #tpu.memory_space<vmem>> -> memref<1x128x48xf32, #tpu.memory_space<vmem>>
    %dma_start3A_35 = tpu.memref_squeeze %dma_start3A_34 : memref<1x128x48xf32, #tpu.memory_space<vmem>> -> memref<128x48xf32, #tpu.memory_space<vmem>>
    %dma_start3A_36 = arith.constant 0 : i32
    %dma_start3A_37 = tpu.memref_slice %arg7[%dma_start3A_30, %dma_start3A_36] : memref<30x128xi32, #tpu.memory_space<vmem>> -> memref<1x128xi32, #tpu.memory_space<vmem>>
    %dma_start3A_38 = tpu.memref_squeeze %dma_start3A_37 : memref<1x128xi32, #tpu.memory_space<vmem>> -> memref<128xi32, #tpu.memory_space<vmem>>
    %dma_start3A_39 = arith.constant 0 : i32
    %dma_start3A_40 = arith.constant 0 : i32
    %dma_start3A_41 = tpu.memref_slice %arg2[%dma_start3A_39, %dma_start3A_40] : memref<10000x48xf32, #tpu.memory_space<hbm>> -> memref<10000x48xf32, #tpu.memory_space<hbm>>
    tpu.enqueue_indirect_dma source(%dma_start3A_41 : memref<10000x48xf32, #tpu.memory_space<hbm>>) target(%dma_start3A_35 : memref<128x48xf32, #tpu.memory_space<vmem>>) offsets(%dma_start3A_38 : memref<128xi32, #tpu.memory_space<vmem>>) semaphore(%arg12 : memref<!tpu.dma_semaphore, #tpu.memory_space<semaphore_mem>>)
    %dma_start3A_42 = arith.constant 1 : i32
    %dma_start3A_43 = arith.constant 1 : i32
    %dma_start3A_44 = arith.constant 0 : i32
    %dma_start3A_45 = arith.constant 0 : i32
    %dma_start3A_46 = tpu.memref_slice %arg10[%dma_start3A_43, %dma_start3A_44, %dma_start3A_45] : memref<4x128x16xf32, #tpu.memory_space<vmem>> -> memref<1x128x16xf32, #tpu.memory_space<vmem>>
    %dma_start3A_47 = tpu.memref_squeeze %dma_start3A_46 : memref<1x128x16xf32, #tpu.memory_space<vmem>> -> memref<128x16xf32, #tpu.memory_space<vmem>>
    %dma_start3A_48 = arith.constant 0 : i32
    %dma_start3A_49 = tpu.memref_slice %arg8[%dma_start3A_42, %dma_start3A_48] : memref<30x128xi32, #tpu.memory_space<vmem>> -> memref<1x128xi32, #tpu.memory_space<vmem>>
    %dma_start3A_50 = tpu.memref_squeeze %dma_start3A_49 : memref<1x128xi32, #tpu.memory_space<vmem>> -> memref<128xi32, #tpu.memory_space<vmem>>
    %dma_start3A_51 = arith.constant 0 : i32
    %dma_start3A_52 = arith.constant 0 : i32
    %dma_start3A_53 = tpu.memref_slice %arg3[%dma_start3A_51, %dma_start3A_52] : memref<10112x16xf32, #tpu.memory_space<hbm>> -> memref<10112x16xf32, #tpu.memory_space<hbm>>
    tpu.enqueue_indirect_dma source(%dma_start3A_53 : memref<10112x16xf32, #tpu.memory_space<hbm>>) target(%dma_start3A_47 : memref<128x16xf32, #tpu.memory_space<vmem>>) offsets(%dma_start3A_50 : memref<128xi32, #tpu.memory_space<vmem>>) semaphore(%arg16 : memref<!tpu.dma_semaphore, #tpu.memory_space<semaphore_mem>>)
    %dma_start3A_54 = arith.constant 2 : i32
    %dma_start3A_55 = arith.constant 2 : i32
    %dma_start3A_56 = arith.constant 0 : i32
    %dma_start3A_57 = arith.constant 0 : i32
    %dma_start3A_58 = tpu.memref_slice %arg9[%dma_start3A_55, %dma_start3A_56, %dma_start3A_57] : memref<4x128x48xf32, #tpu.memory_space<vmem>> -> memref<1x128x48xf32, #tpu.memory_space<vmem>>
    %dma_start3A_59 = tpu.memref_squeeze %dma_start3A_58 : memref<1x128x48xf32, #tpu.memory_space<vmem>> -> memref<128x48xf32, #tpu.memory_space<vmem>>
    %dma_start3A_60 = arith.constant 0 : i32
    %dma_start3A_61 = tpu.memref_slice %arg7[%dma_start3A_54, %dma_start3A_60] : memref<30x128xi32, #tpu.memory_space<vmem>> -> memref<1x128xi32, #tpu.memory_space<vmem>>
    %dma_start3A_62 = tpu.memref_squeeze %dma_start3A_61 : memref<1x128xi32, #tpu.memory_space<vmem>> -> memref<128xi32, #tpu.memory_space<vmem>>
    %dma_start3A_63 = arith.constant 0 : i32
    %dma_start3A_64 = arith.constant 0 : i32
    %dma_start3A_65 = tpu.memref_slice %arg2[%dma_start3A_63, %dma_start3A_64] : memref<10000x48xf32, #tpu.memory_space<hbm>> -> memref<10000x48xf32, #tpu.memory_space<hbm>>
    tpu.enqueue_indirect_dma source(%dma_start3A_65 : memref<10000x48xf32, #tpu.memory_space<hbm>>) target(%dma_start3A_59 : memref<128x48xf32, #tpu.memory_space<vmem>>) offsets(%dma_start3A_62 : memref<128xi32, #tpu.memory_space<vmem>>) semaphore(%arg13 : memref<!tpu.dma_semaphore, #tpu.memory_space<semaphore_mem>>)
    %dma_start3A_66 = arith.constant 2 : i32
    %dma_start3A_67 = arith.constant 2 : i32
    %dma_start3A_68 = arith.constant 0 : i32
    %dma_start3A_69 = arith.constant 0 : i32
    %dma_start3A_70 = tpu.memref_slice %arg10[%dma_start3A_67, %dma_start3A_68, %dma_start3A_69] : memref<4x128x16xf32, #tpu.memory_space<vmem>> -> memref<1x128x16xf32, #tpu.memory_space<vmem>>
    %dma_start3A_71 = tpu.memref_squeeze %dma_start3A_70 : memref<1x128x16xf32, #tpu.memory_space<vmem>> -> memref<128x16xf32, #tpu.memory_space<vmem>>
    %dma_start3A_72 = arith.constant 0 : i32
    %dma_start3A_73 = tpu.memref_slice %arg8[%dma_start3A_66, %dma_start3A_72] : memref<30x128xi32, #tpu.memory_space<vmem>> -> memref<1x128xi32, #tpu.memory_space<vmem>>
    %dma_start3A_74 = tpu.memref_squeeze %dma_start3A_73 : memref<1x128xi32, #tpu.memory_space<vmem>> -> memref<128xi32, #tpu.memory_space<vmem>>
    %dma_start3A_75 = arith.constant 0 : i32
    %dma_start3A_76 = arith.constant 0 : i32
    %dma_start3A_77 = tpu.memref_slice %arg3[%dma_start3A_75, %dma_start3A_76] : memref<10112x16xf32, #tpu.memory_space<hbm>> -> memref<10112x16xf32, #tpu.memory_space<hbm>>
    tpu.enqueue_indirect_dma source(%dma_start3A_77 : memref<10112x16xf32, #tpu.memory_space<hbm>>) target(%dma_start3A_71 : memref<128x16xf32, #tpu.memory_space<vmem>>) offsets(%dma_start3A_74 : memref<128xi32, #tpu.memory_space<vmem>>) semaphore(%arg17 : memref<!tpu.dma_semaphore, #tpu.memory_space<semaphore_mem>>)
    %dma_start3A_78 = arith.constant 3 : i32
    %dma_start3A_79 = arith.constant 3 : i32
    %dma_start3A_80 = arith.constant 0 : i32
    %dma_start3A_81 = arith.constant 0 : i32
    %dma_start3A_82 = tpu.memref_slice %arg9[%dma_start3A_79, %dma_start3A_80, %dma_start3A_81] : memref<4x128x48xf32, #tpu.memory_space<vmem>> -> memref<1x128x48xf32, #tpu.memory_space<vmem>>
    %dma_start3A_83 = tpu.memref_squeeze %dma_start3A_82 : memref<1x128x48xf32, #tpu.memory_space<vmem>> -> memref<128x48xf32, #tpu.memory_space<vmem>>
    %dma_start3A_84 = arith.constant 0 : i32
    %dma_start3A_85 = tpu.memref_slice %arg7[%dma_start3A_78, %dma_start3A_84] : memref<30x128xi32, #tpu.memory_space<vmem>> -> memref<1x128xi32, #tpu.memory_space<vmem>>
    %dma_start3A_86 = tpu.memref_squeeze %dma_start3A_85 : memref<1x128xi32, #tpu.memory_space<vmem>> -> memref<128xi32, #tpu.memory_space<vmem>>
    %dma_start3A_87 = arith.constant 0 : i32
    %dma_start3A_88 = arith.constant 0 : i32
    %dma_start3A_89 = tpu.memref_slice %arg2[%dma_start3A_87, %dma_start3A_88] : memref<10000x48xf32, #tpu.memory_space<hbm>> -> memref<10000x48xf32, #tpu.memory_space<hbm>>
    tpu.enqueue_indirect_dma source(%dma_start3A_89 : memref<10000x48xf32, #tpu.memory_space<hbm>>) target(%dma_start3A_83 : memref<128x48xf32, #tpu.memory_space<vmem>>) offsets(%dma_start3A_86 : memref<128xi32, #tpu.memory_space<vmem>>) semaphore(%arg14 : memref<!tpu.dma_semaphore, #tpu.memory_space<semaphore_mem>>)
    %dma_start3A_90 = arith.constant 3 : i32
    %dma_start3A_91 = arith.constant 3 : i32
    %dma_start3A_92 = arith.constant 0 : i32
    %dma_start3A_93 = arith.constant 0 : i32
    %dma_start3A_94 = tpu.memref_slice %arg10[%dma_start3A_91, %dma_start3A_92, %dma_start3A_93] : memref<4x128x16xf32, #tpu.memory_space<vmem>> -> memref<1x128x16xf32, #tpu.memory_space<vmem>>
    %dma_start3A_95 = tpu.memref_squeeze %dma_start3A_94 : memref<1x128x16xf32, #tpu.memory_space<vmem>> -> memref<128x16xf32, #tpu.memory_space<vmem>>
    %dma_start3A_96 = arith.constant 0 : i32
    %dma_start3A_97 = tpu.memref_slice %arg8[%dma_start3A_90, %dma_start3A_96] : memref<30x128xi32, #tpu.memory_space<vmem>> -> memref<1x128xi32, #tpu.memory_space<vmem>>
    %dma_start3A_98 = tpu.memref_squeeze %dma_start3A_97 : memref<1x128xi32, #tpu.memory_space<vmem>> -> memref<128xi32, #tpu.memory_space<vmem>>
    %dma_start3A_99 = arith.constant 0 : i32
    %dma_start3A_100 = arith.constant 0 : i32
    %dma_start3A_101 = tpu.memref_slice %arg3[%dma_start3A_99, %dma_start3A_100] : memref<10112x16xf32, #tpu.memory_space<hbm>> -> memref<10112x16xf32, #tpu.memory_space<hbm>>
    tpu.enqueue_indirect_dma source(%dma_start3A_101 : memref<10112x16xf32, #tpu.memory_space<hbm>>) target(%dma_start3A_95 : memref<128x16xf32, #tpu.memory_space<vmem>>) offsets(%dma_start3A_98 : memref<128xi32, #tpu.memory_space<vmem>>) semaphore(%arg18 : memref<!tpu.dma_semaphore, #tpu.memory_space<semaphore_mem>>)
    %jit3A_102 = arith.constant 4 : i32
    %div3A = arith.divsi %select_n3A, %jit3A_102 : i32
    %sign3A = arith.constant 0 : i32
    %sign3A_103 = arith.cmpi sgt, %select_n3A, %sign3A : i32
    %sign3A_104 = arith.extui %sign3A_103 : i1 to i32
    %sign3A_105 = arith.constant 0 : i32
    %sign3A_106 = arith.cmpi slt, %select_n3A, %sign3A_105 : i32
    %sign3A_107 = arith.extui %sign3A_106 : i1 to i32
    %sign3A_108 = arith.subi %sign3A_104, %sign3A_107 : i32
    %sign3A_109 = arith.constant 0 : i32
    %sign3A_110 = arith.cmpi sgt, %jit3A_102, %sign3A_109 : i32
    %sign3A_111 = arith.extui %sign3A_110 : i1 to i32
    %sign3A_112 = arith.constant 0 : i32
    %sign3A_113 = arith.cmpi slt, %jit3A_102, %sign3A_112 : i32
    %sign3A_114 = arith.extui %sign3A_113 : i1 to i32
    %sign3A_115 = arith.subi %sign3A_111, %sign3A_114 : i32
    %ne3A = arith.cmpi ne, %sign3A_108, %sign3A_115 : i32
    %rem3A = arith.remsi %select_n3A, %jit3A_102 : i32
    %ne3A_116 = arith.constant 0 : i32
    %ne3A_117 = arith.cmpi ne, %rem3A, %ne3A_116 : i32
    %and3A = arith.andi %ne3A, %ne3A_117 : i1
    %sub3A = arith.constant 1 : i32
    %sub3A_118 = arith.subi %div3A, %sub3A : i32
    %select_n3A_119 = arith.select %and3A, %sub3A_118, %div3A : i32
    %while3A = arith.constant 0 : i32
    %while3A_120 = arith.constant 0 : i32
    %while3A_121 = arith.subi %select_n3A_119, %while3A_120 : i32
    %while3A_122 = arith.addi %while3A_120, %while3A_121 : i32
    %while3A_123 = arith.constant 1 : i32
    %while3A_124 = arith.divsi %while3A_121, %while3A_123 : i32
    %while3A_125 = arith.muli %while3A_124, %while3A_123 : i32
    %while3A_126 = arith.addi %while3A_120, %while3A_125 : i32
    %while3A_127 = arith.constant 1 : i32
    scf.for %while3A_248 = %while3A_120 to %while3A_126 step %while3A_127  : i32 {
      %mul3A_249 = arith.constant 4 : i32
      %mul3A_250 = arith.muli %while3A_248, %mul3A_249 : i32
      %add3A_251 = arith.constant 0 : i32
      %add3A_252 = arith.addi %mul3A_250, %add3A_251 : i32
      %add3A_253 = arith.addi %add3A_4, %add3A_252 : i32
      %sub3A_254 = arith.constant 640 : i32
      %sub3A_255 = arith.subi %add3A_253, %sub3A_254 : i32
      %mul3A_256 = arith.constant 128 : i32
      %mul3A_257 = arith.muli %sub3A_255, %mul3A_256 : i32
      %dma_wait3A_258 = arith.constant 0 : i32
      %dma_wait3A_259 = arith.constant 0 : i32
      %dma_wait3A_260 = arith.constant 0 : i32
      %dma_wait3A_261 = tpu.memref_slice %arg9[%dma_wait3A_258, %dma_wait3A_259, %dma_wait3A_260] : memref<4x128x48xf32, #tpu.memory_space<vmem>> -> memref<1x128x48xf32, #tpu.memory_space<vmem>>
      %dma_wait3A_262 = tpu.memref_squeeze %dma_wait3A_261 : memref<1x128x48xf32, #tpu.memory_space<vmem>> -> memref<128x48xf32, #tpu.memory_space<vmem>>
      %dma_wait3A_263 = arith.constant 0 : i32
      %dma_wait3A_264 = arith.constant 0 : i32
      %dma_wait3A_265 = tpu.memref_slice %arg6[%dma_wait3A_263, %dma_wait3A_264] : memref<81920x128xf32, #tpu.memory_space<hbm>> -> memref<128x48xf32, #tpu.memory_space<hbm>>
      %dma_wait3A_266 = arith.constant 0 : i32
      %dma_wait3A_267 = arith.constant 0 : i32
      %dma_wait3A_268 = tpu.memref_slice %arg9[%dma_wait3A_258, %dma_wait3A_266, %dma_wait3A_267] : memref<4x128x48xf32, #tpu.memory_space<vmem>> -> memref<1x128x48xf32, #tpu.memory_space<vmem>>
      %dma_wait3A_269 = tpu.memref_squeeze %dma_wait3A_268 : memref<1x128x48xf32, #tpu.memory_space<vmem>> -> memref<128x48xf32, #tpu.memory_space<vmem>>
      %dma_wait3A_270 = arith.constant 0 : i32
      %dma_wait3A_271 = arith.constant 0 : i32
      %dma_wait3A_272 = tpu.memref_slice %arg6[%dma_wait3A_270, %dma_wait3A_271] : memref<81920x128xf32, #tpu.memory_space<hbm>> -> memref<128x48xf32, #tpu.memory_space<hbm>>
      tpu.wait_dma2 semaphore(%arg11 : memref<!tpu.dma_semaphore, #tpu.memory_space<semaphore_mem>>) src(%dma_wait3A_272 : memref<128x48xf32, #tpu.memory_space<hbm>>) dst(%dma_wait3A_269 : memref<128x48xf32, #tpu.memory_space<vmem>>)
      %dma_wait3A_273 = arith.constant 0 : i32
      %dma_wait3A_274 = arith.constant 0 : i32
      %dma_wait3A_275 = arith.constant 0 : i32
      %dma_wait3A_276 = tpu.memref_slice %arg10[%dma_wait3A_273, %dma_wait3A_274, %dma_wait3A_275] : memref<4x128x16xf32, #tpu.memory_space<vmem>> -> memref<1x128x16xf32, #tpu.memory_space<vmem>>
      %dma_wait3A_277 = tpu.memref_squeeze %dma_wait3A_276 : memref<1x128x16xf32, #tpu.memory_space<vmem>> -> memref<128x16xf32, #tpu.memory_space<vmem>>
      %dma_wait3A_278 = arith.constant 0 : i32
      %dma_wait3A_279 = arith.constant 0 : i32
      %dma_wait3A_280 = tpu.memref_slice %arg6[%dma_wait3A_278, %dma_wait3A_279] : memref<81920x128xf32, #tpu.memory_space<hbm>> -> memref<128x16xf32, #tpu.memory_space<hbm>>
      %dma_wait3A_281 = arith.constant 0 : i32
      %dma_wait3A_282 = arith.constant 0 : i32
      %dma_wait3A_283 = tpu.memref_slice %arg10[%dma_wait3A_273, %dma_wait3A_281, %dma_wait3A_282] : memref<4x128x16xf32, #tpu.memory_space<vmem>> -> memref<1x128x16xf32, #tpu.memory_space<vmem>>
      %dma_wait3A_284 = tpu.memref_squeeze %dma_wait3A_283 : memref<1x128x16xf32, #tpu.memory_space<vmem>> -> memref<128x16xf32, #tpu.memory_space<vmem>>
      %dma_wait3A_285 = arith.constant 0 : i32
      %dma_wait3A_286 = arith.constant 0 : i32
      %dma_wait3A_287 = tpu.memref_slice %arg6[%dma_wait3A_285, %dma_wait3A_286] : memref<81920x128xf32, #tpu.memory_space<hbm>> -> memref<128x16xf32, #tpu.memory_space<hbm>>
      tpu.wait_dma2 semaphore(%arg15 : memref<!tpu.dma_semaphore, #tpu.memory_space<semaphore_mem>>) src(%dma_wait3A_287 : memref<128x16xf32, #tpu.memory_space<hbm>>) dst(%dma_wait3A_284 : memref<128x16xf32, #tpu.memory_space<vmem>>)
      %dma_start3A_288 = arith.constant 0 : i32
      %dma_start3A_289 = arith.constant 0 : i32
      %dma_start3A_290 = arith.constant 0 : i32
      %dma_start3A_291 = tpu.memref_slice %arg9[%dma_start3A_288, %dma_start3A_289, %dma_start3A_290] : memref<4x128x48xf32, #tpu.memory_space<vmem>> -> memref<1x128x48xf32, #tpu.memory_space<vmem>>
      %dma_start3A_292 = tpu.memref_squeeze %dma_start3A_291 : memref<1x128x48xf32, #tpu.memory_space<vmem>> -> memref<128x48xf32, #tpu.memory_space<vmem>>
      %dma_start3A_293 = arith.constant 0 : i32
      %dma_start3A_294 = tpu.memref_slice %arg6[%mul3A_257, %dma_start3A_293] : memref<81920x128xf32, #tpu.memory_space<hbm>> -> memref<128x48xf32, #tpu.memory_space<hbm>>
      %dma_start3A_295 = arith.constant 0 : i32
      %dma_start3A_296 = tpu.memref_slice %arg6[%mul3A_257, %dma_start3A_295] : memref<81920x128xf32, #tpu.memory_space<hbm>> -> memref<128x48xf32, #tpu.memory_space<hbm>>
      %dma_start3A_297 = arith.constant 0 : i32
      %dma_start3A_298 = arith.constant 0 : i32
      %dma_start3A_299 = tpu.memref_slice %arg9[%dma_start3A_288, %dma_start3A_297, %dma_start3A_298] : memref<4x128x48xf32, #tpu.memory_space<vmem>> -> memref<1x128x48xf32, #tpu.memory_space<vmem>>
      %dma_start3A_300 = tpu.memref_squeeze %dma_start3A_299 : memref<1x128x48xf32, #tpu.memory_space<vmem>> -> memref<128x48xf32, #tpu.memory_space<vmem>>
      tpu.enqueue_dma source(%dma_start3A_300 : memref<128x48xf32, #tpu.memory_space<vmem>>) target(%dma_start3A_296 : memref<128x48xf32, #tpu.memory_space<hbm>>) target_semaphore(%arg19 : memref<!tpu.dma_semaphore, #tpu.memory_space<semaphore_mem>>)
      %dma_start3A_301 = arith.constant 0 : i32
      %dma_start3A_302 = arith.constant 0 : i32
      %dma_start3A_303 = arith.constant 0 : i32
      %dma_start3A_304 = tpu.memref_slice %arg10[%dma_start3A_301, %dma_start3A_302, %dma_start3A_303] : memref<4x128x16xf32, #tpu.memory_space<vmem>> -> memref<1x128x16xf32, #tpu.memory_space<vmem>>
      %dma_start3A_305 = tpu.memref_squeeze %dma_start3A_304 : memref<1x128x16xf32, #tpu.memory_space<vmem>> -> memref<128x16xf32, #tpu.memory_space<vmem>>
      %dma_start3A_306 = arith.constant 48 : i32
      %dma_start3A_307 = tpu.memref_slice %arg6[%mul3A_257, %dma_start3A_306] : memref<81920x128xf32, #tpu.memory_space<hbm>> -> memref<128x16xf32, #tpu.memory_space<hbm>>
      %dma_start3A_308 = arith.constant 48 : i32
      %dma_start3A_309 = tpu.memref_slice %arg6[%mul3A_257, %dma_start3A_308] : memref<81920x128xf32, #tpu.memory_space<hbm>> -> memref<128x16xf32, #tpu.memory_space<hbm>>
      %dma_start3A_310 = arith.constant 0 : i32
      %dma_start3A_311 = arith.constant 0 : i32
      %dma_start3A_312 = tpu.memref_slice %arg10[%dma_start3A_301, %dma_start3A_310, %dma_start3A_311] : memref<4x128x16xf32, #tpu.memory_space<vmem>> -> memref<1x128x16xf32, #tpu.memory_space<vmem>>
      %dma_start3A_313 = tpu.memref_squeeze %dma_start3A_312 : memref<1x128x16xf32, #tpu.memory_space<vmem>> -> memref<128x16xf32, #tpu.memory_space<vmem>>
      tpu.enqueue_dma source(%dma_start3A_313 : memref<128x16xf32, #tpu.memory_space<vmem>>) target(%dma_start3A_309 : memref<128x16xf32, #tpu.memory_space<hbm>>) target_semaphore(%arg23 : memref<!tpu.dma_semaphore, #tpu.memory_space<semaphore_mem>>)
      %add3A_314 = arith.constant 4 : i32
      %add3A_315 = arith.addi %add3A_252, %add3A_314 : i32
      %lt3A = arith.cmpi slt, %add3A_315, %select_n3A : i32
      %convert_element_type3A = arith.extui %lt3A : i1 to i32
      %cond3A = arith.constant 0 : i32
      %cond3A_316 = arith.cmpi ne, %convert_element_type3A, %cond3A : i32
      scf.if %cond3A_316 {
        %dma_wait3A_530 = arith.constant 0 : i32
        %dma_wait3A_531 = arith.constant 0 : i32
        %dma_wait3A_532 = arith.constant 0 : i32
        %dma_wait3A_533 = tpu.memref_slice %arg9[%dma_wait3A_530, %dma_wait3A_531, %dma_wait3A_532] : memref<4x128x48xf32, #tpu.memory_space<vmem>> -> memref<1x128x48xf32, #tpu.memory_space<vmem>>
        %dma_wait3A_534 = tpu.memref_squeeze %dma_wait3A_533 : memref<1x128x48xf32, #tpu.memory_space<vmem>> -> memref<128x48xf32, #tpu.memory_space<vmem>>
        %dma_wait3A_535 = arith.constant 0 : i32
        %dma_wait3A_536 = arith.constant 0 : i32
        %dma_wait3A_537 = tpu.memref_slice %arg6[%dma_wait3A_535, %dma_wait3A_536] : memref<81920x128xf32, #tpu.memory_space<hbm>> -> memref<128x48xf32, #tpu.memory_space<hbm>>
        %dma_wait3A_538 = arith.constant 0 : i32
        %dma_wait3A_539 = arith.constant 0 : i32
        %dma_wait3A_540 = tpu.memref_slice %arg6[%dma_wait3A_538, %dma_wait3A_539] : memref<81920x128xf32, #tpu.memory_space<hbm>> -> memref<128x48xf32, #tpu.memory_space<hbm>>
        %dma_wait3A_541 = arith.constant 0 : i32
        %dma_wait3A_542 = arith.constant 0 : i32
        %dma_wait3A_543 = tpu.memref_slice %arg9[%dma_wait3A_530, %dma_wait3A_541, %dma_wait3A_542] : memref<4x128x48xf32, #tpu.memory_space<vmem>> -> memref<1x128x48xf32, #tpu.memory_space<vmem>>
        %dma_wait3A_544 = tpu.memref_squeeze %dma_wait3A_543 : memref<1x128x48xf32, #tpu.memory_space<vmem>> -> memref<128x48xf32, #tpu.memory_space<vmem>>
        tpu.wait_dma2 semaphore(%arg19 : memref<!tpu.dma_semaphore, #tpu.memory_space<semaphore_mem>>) src(%dma_wait3A_544 : memref<128x48xf32, #tpu.memory_space<vmem>>) dst(%dma_wait3A_540 : memref<128x48xf32, #tpu.memory_space<hbm>>)
        %dma_wait3A_545 = arith.constant 0 : i32
        %dma_wait3A_546 = arith.constant 0 : i32
        %dma_wait3A_547 = arith.constant 0 : i32
        %dma_wait3A_548 = tpu.memref_slice %arg10[%dma_wait3A_545, %dma_wait3A_546, %dma_wait3A_547] : memref<4x128x16xf32, #tpu.memory_space<vmem>> -> memref<1x128x16xf32, #tpu.memory_space<vmem>>
        %dma_wait3A_549 = tpu.memref_squeeze %dma_wait3A_548 : memref<1x128x16xf32, #tpu.memory_space<vmem>> -> memref<128x16xf32, #tpu.memory_space<vmem>>
        %dma_wait3A_550 = arith.constant 0 : i32
        %dma_wait3A_551 = arith.constant 48 : i32
        %dma_wait3A_552 = tpu.memref_slice %arg6[%dma_wait3A_550, %dma_wait3A_551] : memref<81920x128xf32, #tpu.memory_space<hbm>> -> memref<128x16xf32, #tpu.memory_space<hbm>>
        %dma_wait3A_553 = arith.constant 0 : i32
        %dma_wait3A_554 = arith.constant 48 : i32
        %dma_wait3A_555 = tpu.memref_slice %arg6[%dma_wait3A_553, %dma_wait3A_554] : memref<81920x128xf32, #tpu.memory_space<hbm>> -> memref<128x16xf32, #tpu.memory_space<hbm>>
        %dma_wait3A_556 = arith.constant 0 : i32
        %dma_wait3A_557 = arith.constant 0 : i32
        %dma_wait3A_558 = tpu.memref_slice %arg10[%dma_wait3A_545, %dma_wait3A_556, %dma_wait3A_557] : memref<4x128x16xf32, #tpu.memory_space<vmem>> -> memref<1x128x16xf32, #tpu.memory_space<vmem>>
        %dma_wait3A_559 = tpu.memref_squeeze %dma_wait3A_558 : memref<1x128x16xf32, #tpu.memory_space<vmem>> -> memref<128x16xf32, #tpu.memory_space<vmem>>
        tpu.wait_dma2 semaphore(%arg23 : memref<!tpu.dma_semaphore, #tpu.memory_space<semaphore_mem>>) src(%dma_wait3A_559 : memref<128x16xf32, #tpu.memory_space<vmem>>) dst(%dma_wait3A_555 : memref<128x16xf32, #tpu.memory_space<hbm>>)
        %add3A_560 = arith.constant 4 : i32
        %add3A_561 = arith.addi %add3A_252, %add3A_560 : i32
        %dma_start3A_562 = arith.constant 0 : i32
        %dma_start3A_563 = arith.constant 0 : i32
        %dma_start3A_564 = arith.constant 0 : i32
        %dma_start3A_565 = tpu.memref_slice %arg9[%dma_start3A_562, %dma_start3A_563, %dma_start3A_564] : memref<4x128x48xf32, #tpu.memory_space<vmem>> -> memref<1x128x48xf32, #tpu.memory_space<vmem>>
        %dma_start3A_566 = tpu.memref_squeeze %dma_start3A_565 : memref<1x128x48xf32, #tpu.memory_space<vmem>> -> memref<128x48xf32, #tpu.memory_space<vmem>>
        %dma_start3A_567 = arith.constant 0 : i32
        %dma_start3A_568 = tpu.memref_slice %arg7[%add3A_561, %dma_start3A_567] : memref<30x128xi32, #tpu.memory_space<vmem>> -> memref<1x128xi32, #tpu.memory_space<vmem>>
        %dma_start3A_569 = tpu.memref_squeeze %dma_start3A_568 : memref<1x128xi32, #tpu.memory_space<vmem>> -> memref<128xi32, #tpu.memory_space<vmem>>
        %dma_start3A_570 = arith.constant 0 : i32
        %dma_start3A_571 = arith.constant 0 : i32
        %dma_start3A_572 = tpu.memref_slice %arg2[%dma_start3A_570, %dma_start3A_571] : memref<10000x48xf32, #tpu.memory_space<hbm>> -> memref<10000x48xf32, #tpu.memory_space<hbm>>
        tpu.enqueue_indirect_dma source(%dma_start3A_572 : memref<10000x48xf32, #tpu.memory_space<hbm>>) target(%dma_start3A_566 : memref<128x48xf32, #tpu.memory_space<vmem>>) offsets(%dma_start3A_569 : memref<128xi32, #tpu.memory_space<vmem>>) semaphore(%arg11 : memref<!tpu.dma_semaphore, #tpu.memory_space<semaphore_mem>>)
        %dma_start3A_573 = arith.constant 0 : i32
        %dma_start3A_574 = arith.constant 0 : i32
        %dma_start3A_575 = arith.constant 0 : i32
        %dma_start3A_576 = tpu.memref_slice %arg10[%dma_start3A_573, %dma_start3A_574, %dma_start3A_575] : memref<4x128x16xf32, #tpu.memory_space<vmem>> -> memref<1x128x16xf32, #tpu.memory_space<vmem>>
        %dma_start3A_577 = tpu.memref_squeeze %dma_start3A_576 : memref<1x128x16xf32, #tpu.memory_space<vmem>> -> memref<128x16xf32, #tpu.memory_space<vmem>>
        %dma_start3A_578 = arith.constant 0 : i32
        %dma_start3A_579 = tpu.memref_slice %arg8[%add3A_561, %dma_start3A_578] : memref<30x128xi32, #tpu.memory_space<vmem>> -> memref<1x128xi32, #tpu.memory_space<vmem>>
        %dma_start3A_580 = tpu.memref_squeeze %dma_start3A_579 : memref<1x128xi32, #tpu.memory_space<vmem>> -> memref<128xi32, #tpu.memory_space<vmem>>
        %dma_start3A_581 = arith.constant 0 : i32
        %dma_start3A_582 = arith.constant 0 : i32
        %dma_start3A_583 = tpu.memref_slice %arg3[%dma_start3A_581, %dma_start3A_582] : memref<10112x16xf32, #tpu.memory_space<hbm>> -> memref<10112x16xf32, #tpu.memory_space<hbm>>
        tpu.enqueue_indirect_dma source(%dma_start3A_583 : memref<10112x16xf32, #tpu.memory_space<hbm>>) target(%dma_start3A_577 : memref<128x16xf32, #tpu.memory_space<vmem>>) offsets(%dma_start3A_580 : memref<128xi32, #tpu.memory_space<vmem>>) semaphore(%arg15 : memref<!tpu.dma_semaphore, #tpu.memory_space<semaphore_mem>>)
      } else {
      }
      %mul3A_317 = arith.constant 4 : i32
      %mul3A_318 = arith.muli %while3A_248, %mul3A_317 : i32
      %add3A_319 = arith.constant 1 : i32
      %add3A_320 = arith.addi %mul3A_318, %add3A_319 : i32
      %add3A_321 = arith.addi %add3A_4, %add3A_320 : i32
      %sub3A_322 = arith.constant 640 : i32
      %sub3A_323 = arith.subi %add3A_321, %sub3A_322 : i32
      %mul3A_324 = arith.constant 128 : i32
      %mul3A_325 = arith.muli %sub3A_323, %mul3A_324 : i32
      %dma_wait3A_326 = arith.constant 1 : i32
      %dma_wait3A_327 = arith.constant 0 : i32
      %dma_wait3A_328 = arith.constant 0 : i32
      %dma_wait3A_329 = tpu.memref_slice %arg9[%dma_wait3A_326, %dma_wait3A_327, %dma_wait3A_328] : memref<4x128x48xf32, #tpu.memory_space<vmem>> -> memref<1x128x48xf32, #tpu.memory_space<vmem>>
      %dma_wait3A_330 = tpu.memref_squeeze %dma_wait3A_329 : memref<1x128x48xf32, #tpu.memory_space<vmem>> -> memref<128x48xf32, #tpu.memory_space<vmem>>
      %dma_wait3A_331 = arith.constant 0 : i32
      %dma_wait3A_332 = arith.constant 0 : i32
      %dma_wait3A_333 = tpu.memref_slice %arg6[%dma_wait3A_331, %dma_wait3A_332] : memref<81920x128xf32, #tpu.memory_space<hbm>> -> memref<128x48xf32, #tpu.memory_space<hbm>>
      %dma_wait3A_334 = arith.constant 0 : i32
      %dma_wait3A_335 = arith.constant 0 : i32
      %dma_wait3A_336 = tpu.memref_slice %arg9[%dma_wait3A_326, %dma_wait3A_334, %dma_wait3A_335] : memref<4x128x48xf32, #tpu.memory_space<vmem>> -> memref<1x128x48xf32, #tpu.memory_space<vmem>>
      %dma_wait3A_337 = tpu.memref_squeeze %dma_wait3A_336 : memref<1x128x48xf32, #tpu.memory_space<vmem>> -> memref<128x48xf32, #tpu.memory_space<vmem>>
      %dma_wait3A_338 = arith.constant 0 : i32
      %dma_wait3A_339 = arith.constant 0 : i32
      %dma_wait3A_340 = tpu.memref_slice %arg6[%dma_wait3A_338, %dma_wait3A_339] : memref<81920x128xf32, #tpu.memory_space<hbm>> -> memref<128x48xf32, #tpu.memory_space<hbm>>
      tpu.wait_dma2 semaphore(%arg12 : memref<!tpu.dma_semaphore, #tpu.memory_space<semaphore_mem>>) src(%dma_wait3A_340 : memref<128x48xf32, #tpu.memory_space<hbm>>) dst(%dma_wait3A_337 : memref<128x48xf32, #tpu.memory_space<vmem>>)
      %dma_wait3A_341 = arith.constant 1 : i32
      %dma_wait3A_342 = arith.constant 0 : i32
      %dma_wait3A_343 = arith.constant 0 : i32
      %dma_wait3A_344 = tpu.memref_slice %arg10[%dma_wait3A_341, %dma_wait3A_342, %dma_wait3A_343] : memref<4x128x16xf32, #tpu.memory_space<vmem>> -> memref<1x128x16xf32, #tpu.memory_space<vmem>>
      %dma_wait3A_345 = tpu.memref_squeeze %dma_wait3A_344 : memref<1x128x16xf32, #tpu.memory_space<vmem>> -> memref<128x16xf32, #tpu.memory_space<vmem>>
      %dma_wait3A_346 = arith.constant 0 : i32
      %dma_wait3A_347 = arith.constant 0 : i32
      %dma_wait3A_348 = tpu.memref_slice %arg6[%dma_wait3A_346, %dma_wait3A_347] : memref<81920x128xf32, #tpu.memory_space<hbm>> -> memref<128x16xf32, #tpu.memory_space<hbm>>
      %dma_wait3A_349 = arith.constant 0 : i32
      %dma_wait3A_350 = arith.constant 0 : i32
      %dma_wait3A_351 = tpu.memref_slice %arg10[%dma_wait3A_341, %dma_wait3A_349, %dma_wait3A_350] : memref<4x128x16xf32, #tpu.memory_space<vmem>> -> memref<1x128x16xf32, #tpu.memory_space<vmem>>
      %dma_wait3A_352 = tpu.memref_squeeze %dma_wait3A_351 : memref<1x128x16xf32, #tpu.memory_space<vmem>> -> memref<128x16xf32, #tpu.memory_space<vmem>>
      %dma_wait3A_353 = arith.constant 0 : i32
      %dma_wait3A_354 = arith.constant 0 : i32
      %dma_wait3A_355 = tpu.memref_slice %arg6[%dma_wait3A_353, %dma_wait3A_354] : memref<81920x128xf32, #tpu.memory_space<hbm>> -> memref<128x16xf32, #tpu.memory_space<hbm>>
      tpu.wait_dma2 semaphore(%arg16 : memref<!tpu.dma_semaphore, #tpu.memory_space<semaphore_mem>>) src(%dma_wait3A_355 : memref<128x16xf32, #tpu.memory_space<hbm>>) dst(%dma_wait3A_352 : memref<128x16xf32, #tpu.memory_space<vmem>>)
      %dma_start3A_356 = arith.constant 1 : i32
      %dma_start3A_357 = arith.constant 0 : i32
      %dma_start3A_358 = arith.constant 0 : i32
      %dma_start3A_359 = tpu.memref_slice %arg9[%dma_start3A_356, %dma_start3A_357, %dma_start3A_358] : memref<4x128x48xf32, #tpu.memory_space<vmem>> -> memref<1x128x48xf32, #tpu.memory_space<vmem>>
      %dma_start3A_360 = tpu.memref_squeeze %dma_start3A_359 : memref<1x128x48xf32, #tpu.memory_space<vmem>> -> memref<128x48xf32, #tpu.memory_space<vmem>>
      %dma_start3A_361 = arith.constant 0 : i32
      %dma_start3A_362 = tpu.memref_slice %arg6[%mul3A_325, %dma_start3A_361] : memref<81920x128xf32, #tpu.memory_space<hbm>> -> memref<128x48xf32, #tpu.memory_space<hbm>>
      %dma_start3A_363 = arith.constant 0 : i32
      %dma_start3A_364 = tpu.memref_slice %arg6[%mul3A_325, %dma_start3A_363] : memref<81920x128xf32, #tpu.memory_space<hbm>> -> memref<128x48xf32, #tpu.memory_space<hbm>>
      %dma_start3A_365 = arith.constant 0 : i32
      %dma_start3A_366 = arith.constant 0 : i32
      %dma_start3A_367 = tpu.memref_slice %arg9[%dma_start3A_356, %dma_start3A_365, %dma_start3A_366] : memref<4x128x48xf32, #tpu.memory_space<vmem>> -> memref<1x128x48xf32, #tpu.memory_space<vmem>>
      %dma_start3A_368 = tpu.memref_squeeze %dma_start3A_367 : memref<1x128x48xf32, #tpu.memory_space<vmem>> -> memref<128x48xf32, #tpu.memory_space<vmem>>
      tpu.enqueue_dma source(%dma_start3A_368 : memref<128x48xf32, #tpu.memory_space<vmem>>) target(%dma_start3A_364 : memref<128x48xf32, #tpu.memory_space<hbm>>) target_semaphore(%arg20 : memref<!tpu.dma_semaphore, #tpu.memory_space<semaphore_mem>>)
      %dma_start3A_369 = arith.constant 1 : i32
      %dma_start3A_370 = arith.constant 0 : i32
      %dma_start3A_371 = arith.constant 0 : i32
      %dma_start3A_372 = tpu.memref_slice %arg10[%dma_start3A_369, %dma_start3A_370, %dma_start3A_371] : memref<4x128x16xf32, #tpu.memory_space<vmem>> -> memref<1x128x16xf32, #tpu.memory_space<vmem>>
      %dma_start3A_373 = tpu.memref_squeeze %dma_start3A_372 : memref<1x128x16xf32, #tpu.memory_space<vmem>> -> memref<128x16xf32, #tpu.memory_space<vmem>>
      %dma_start3A_374 = arith.constant 48 : i32
      %dma_start3A_375 = tpu.memref_slice %arg6[%mul3A_325, %dma_start3A_374] : memref<81920x128xf32, #tpu.memory_space<hbm>> -> memref<128x16xf32, #tpu.memory_space<hbm>>
      %dma_start3A_376 = arith.constant 48 : i32
      %dma_start3A_377 = tpu.memref_slice %arg6[%mul3A_325, %dma_start3A_376] : memref<81920x128xf32, #tpu.memory_space<hbm>> -> memref<128x16xf32, #tpu.memory_space<hbm>>
      %dma_start3A_378 = arith.constant 0 : i32
      %dma_start3A_379 = arith.constant 0 : i32
      %dma_start3A_380 = tpu.memref_slice %arg10[%dma_start3A_369, %dma_start3A_378, %dma_start3A_379] : memref<4x128x16xf32, #tpu.memory_space<vmem>> -> memref<1x128x16xf32, #tpu.memory_space<vmem>>
      %dma_start3A_381 = tpu.memref_squeeze %dma_start3A_380 : memref<1x128x16xf32, #tpu.memory_space<vmem>> -> memref<128x16xf32, #tpu.memory_space<vmem>>
      tpu.enqueue_dma source(%dma_start3A_381 : memref<128x16xf32, #tpu.memory_space<vmem>>) target(%dma_start3A_377 : memref<128x16xf32, #tpu.memory_space<hbm>>) target_semaphore(%arg24 : memref<!tpu.dma_semaphore, #tpu.memory_space<semaphore_mem>>)
      %add3A_382 = arith.constant 4 : i32
      %add3A_383 = arith.addi %add3A_320, %add3A_382 : i32
      %lt3A_384 = arith.cmpi slt, %add3A_383, %select_n3A : i32
      %convert_element_type3A_385 = arith.extui %lt3A_384 : i1 to i32
      %cond3A_386 = arith.constant 0 : i32
      %cond3A_387 = arith.cmpi ne, %convert_element_type3A_385, %cond3A_386 : i32
      scf.if %cond3A_387 {
        %dma_wait3A_530 = arith.constant 1 : i32
        %dma_wait3A_531 = arith.constant 0 : i32
        %dma_wait3A_532 = arith.constant 0 : i32
        %dma_wait3A_533 = tpu.memref_slice %arg9[%dma_wait3A_530, %dma_wait3A_531, %dma_wait3A_532] : memref<4x128x48xf32, #tpu.memory_space<vmem>> -> memref<1x128x48xf32, #tpu.memory_space<vmem>>
        %dma_wait3A_534 = tpu.memref_squeeze %dma_wait3A_533 : memref<1x128x48xf32, #tpu.memory_space<vmem>> -> memref<128x48xf32, #tpu.memory_space<vmem>>
        %dma_wait3A_535 = arith.constant 0 : i32
        %dma_wait3A_536 = arith.constant 0 : i32
        %dma_wait3A_537 = tpu.memref_slice %arg6[%dma_wait3A_535, %dma_wait3A_536] : memref<81920x128xf32, #tpu.memory_space<hbm>> -> memref<128x48xf32, #tpu.memory_space<hbm>>
        %dma_wait3A_538 = arith.constant 0 : i32
        %dma_wait3A_539 = arith.constant 0 : i32
        %dma_wait3A_540 = tpu.memref_slice %arg6[%dma_wait3A_538, %dma_wait3A_539] : memref<81920x128xf32, #tpu.memory_space<hbm>> -> memref<128x48xf32, #tpu.memory_space<hbm>>
        %dma_wait3A_541 = arith.constant 0 : i32
        %dma_wait3A_542 = arith.constant 0 : i32
        %dma_wait3A_543 = tpu.memref_slice %arg9[%dma_wait3A_530, %dma_wait3A_541, %dma_wait3A_542] : memref<4x128x48xf32, #tpu.memory_space<vmem>> -> memref<1x128x48xf32, #tpu.memory_space<vmem>>
        %dma_wait3A_544 = tpu.memref_squeeze %dma_wait3A_543 : memref<1x128x48xf32, #tpu.memory_space<vmem>> -> memref<128x48xf32, #tpu.memory_space<vmem>>
        tpu.wait_dma2 semaphore(%arg20 : memref<!tpu.dma_semaphore, #tpu.memory_space<semaphore_mem>>) src(%dma_wait3A_544 : memref<128x48xf32, #tpu.memory_space<vmem>>) dst(%dma_wait3A_540 : memref<128x48xf32, #tpu.memory_space<hbm>>)
        %dma_wait3A_545 = arith.constant 1 : i32
        %dma_wait3A_546 = arith.constant 0 : i32
        %dma_wait3A_547 = arith.constant 0 : i32
        %dma_wait3A_548 = tpu.memref_slice %arg10[%dma_wait3A_545, %dma_wait3A_546, %dma_wait3A_547] : memref<4x128x16xf32, #tpu.memory_space<vmem>> -> memref<1x128x16xf32, #tpu.memory_space<vmem>>
        %dma_wait3A_549 = tpu.memref_squeeze %dma_wait3A_548 : memref<1x128x16xf32, #tpu.memory_space<vmem>> -> memref<128x16xf32, #tpu.memory_space<vmem>>
        %dma_wait3A_550 = arith.constant 0 : i32
        %dma_wait3A_551 = arith.constant 48 : i32
        %dma_wait3A_552 = tpu.memref_slice %arg6[%dma_wait3A_550, %dma_wait3A_551] : memref<81920x128xf32, #tpu.memory_space<hbm>> -> memref<128x16xf32, #tpu.memory_space<hbm>>
        %dma_wait3A_553 = arith.constant 0 : i32
        %dma_wait3A_554 = arith.constant 48 : i32
        %dma_wait3A_555 = tpu.memref_slice %arg6[%dma_wait3A_553, %dma_wait3A_554] : memref<81920x128xf32, #tpu.memory_space<hbm>> -> memref<128x16xf32, #tpu.memory_space<hbm>>
        %dma_wait3A_556 = arith.constant 0 : i32
        %dma_wait3A_557 = arith.constant 0 : i32
        %dma_wait3A_558 = tpu.memref_slice %arg10[%dma_wait3A_545, %dma_wait3A_556, %dma_wait3A_557] : memref<4x128x16xf32, #tpu.memory_space<vmem>> -> memref<1x128x16xf32, #tpu.memory_space<vmem>>
        %dma_wait3A_559 = tpu.memref_squeeze %dma_wait3A_558 : memref<1x128x16xf32, #tpu.memory_space<vmem>> -> memref<128x16xf32, #tpu.memory_space<vmem>>
        tpu.wait_dma2 semaphore(%arg24 : memref<!tpu.dma_semaphore, #tpu.memory_space<semaphore_mem>>) src(%dma_wait3A_559 : memref<128x16xf32, #tpu.memory_space<vmem>>) dst(%dma_wait3A_555 : memref<128x16xf32, #tpu.memory_space<hbm>>)
        %add3A_560 = arith.constant 4 : i32
        %add3A_561 = arith.addi %add3A_320, %add3A_560 : i32
        %dma_start3A_562 = arith.constant 1 : i32
        %dma_start3A_563 = arith.constant 0 : i32
        %dma_start3A_564 = arith.constant 0 : i32
        %dma_start3A_565 = tpu.memref_slice %arg9[%dma_start3A_562, %dma_start3A_563, %dma_start3A_564] : memref<4x128x48xf32, #tpu.memory_space<vmem>> -> memref<1x128x48xf32, #tpu.memory_space<vmem>>
        %dma_start3A_566 = tpu.memref_squeeze %dma_start3A_565 : memref<1x128x48xf32, #tpu.memory_space<vmem>> -> memref<128x48xf32, #tpu.memory_space<vmem>>
        %dma_start3A_567 = arith.constant 0 : i32
        %dma_start3A_568 = tpu.memref_slice %arg7[%add3A_561, %dma_start3A_567] : memref<30x128xi32, #tpu.memory_space<vmem>> -> memref<1x128xi32, #tpu.memory_space<vmem>>
        %dma_start3A_569 = tpu.memref_squeeze %dma_start3A_568 : memref<1x128xi32, #tpu.memory_space<vmem>> -> memref<128xi32, #tpu.memory_space<vmem>>
        %dma_start3A_570 = arith.constant 0 : i32
        %dma_start3A_571 = arith.constant 0 : i32
        %dma_start3A_572 = tpu.memref_slice %arg2[%dma_start3A_570, %dma_start3A_571] : memref<10000x48xf32, #tpu.memory_space<hbm>> -> memref<10000x48xf32, #tpu.memory_space<hbm>>
        tpu.enqueue_indirect_dma source(%dma_start3A_572 : memref<10000x48xf32, #tpu.memory_space<hbm>>) target(%dma_start3A_566 : memref<128x48xf32, #tpu.memory_space<vmem>>) offsets(%dma_start3A_569 : memref<128xi32, #tpu.memory_space<vmem>>) semaphore(%arg12 : memref<!tpu.dma_semaphore, #tpu.memory_space<semaphore_mem>>)
        %dma_start3A_573 = arith.constant 1 : i32
        %dma_start3A_574 = arith.constant 0 : i32
        %dma_start3A_575 = arith.constant 0 : i32
        %dma_start3A_576 = tpu.memref_slice %arg10[%dma_start3A_573, %dma_start3A_574, %dma_start3A_575] : memref<4x128x16xf32, #tpu.memory_space<vmem>> -> memref<1x128x16xf32, #tpu.memory_space<vmem>>
        %dma_start3A_577 = tpu.memref_squeeze %dma_start3A_576 : memref<1x128x16xf32, #tpu.memory_space<vmem>> -> memref<128x16xf32, #tpu.memory_space<vmem>>
        %dma_start3A_578 = arith.constant 0 : i32
        %dma_start3A_579 = tpu.memref_slice %arg8[%add3A_561, %dma_start3A_578] : memref<30x128xi32, #tpu.memory_space<vmem>> -> memref<1x128xi32, #tpu.memory_space<vmem>>
        %dma_start3A_580 = tpu.memref_squeeze %dma_start3A_579 : memref<1x128xi32, #tpu.memory_space<vmem>> -> memref<128xi32, #tpu.memory_space<vmem>>
        %dma_start3A_581 = arith.constant 0 : i32
        %dma_start3A_582 = arith.constant 0 : i32
        %dma_start3A_583 = tpu.memref_slice %arg3[%dma_start3A_581, %dma_start3A_582] : memref<10112x16xf32, #tpu.memory_space<hbm>> -> memref<10112x16xf32, #tpu.memory_space<hbm>>
        tpu.enqueue_indirect_dma source(%dma_start3A_583 : memref<10112x16xf32, #tpu.memory_space<hbm>>) target(%dma_start3A_577 : memref<128x16xf32, #tpu.memory_space<vmem>>) offsets(%dma_start3A_580 : memref<128xi32, #tpu.memory_space<vmem>>) semaphore(%arg16 : memref<!tpu.dma_semaphore, #tpu.memory_space<semaphore_mem>>)
      } else {
      }
      %mul3A_388 = arith.constant 4 : i32
      %mul3A_389 = arith.muli %while3A_248, %mul3A_388 : i32
      %add3A_390 = arith.constant 2 : i32
      %add3A_391 = arith.addi %mul3A_389, %add3A_390 : i32
      %add3A_392 = arith.addi %add3A_4, %add3A_391 : i32
      %sub3A_393 = arith.constant 640 : i32
      %sub3A_394 = arith.subi %add3A_392, %sub3A_393 : i32
      %mul3A_395 = arith.constant 128 : i32
      %mul3A_396 = arith.muli %sub3A_394, %mul3A_395 : i32
      %dma_wait3A_397 = arith.constant 2 : i32
      %dma_wait3A_398 = arith.constant 0 : i32
      %dma_wait3A_399 = arith.constant 0 : i32
      %dma_wait3A_400 = tpu.memref_slice %arg9[%dma_wait3A_397, %dma_wait3A_398, %dma_wait3A_399] : memref<4x128x48xf32, #tpu.memory_space<vmem>> -> memref<1x128x48xf32, #tpu.memory_space<vmem>>
      %dma_wait3A_401 = tpu.memref_squeeze %dma_wait3A_400 : memref<1x128x48xf32, #tpu.memory_space<vmem>> -> memref<128x48xf32, #tpu.memory_space<vmem>>
      %dma_wait3A_402 = arith.constant 0 : i32
      %dma_wait3A_403 = arith.constant 0 : i32
      %dma_wait3A_404 = tpu.memref_slice %arg6[%dma_wait3A_402, %dma_wait3A_403] : memref<81920x128xf32, #tpu.memory_space<hbm>> -> memref<128x48xf32, #tpu.memory_space<hbm>>
      %dma_wait3A_405 = arith.constant 0 : i32
      %dma_wait3A_406 = arith.constant 0 : i32
      %dma_wait3A_407 = tpu.memref_slice %arg9[%dma_wait3A_397, %dma_wait3A_405, %dma_wait3A_406] : memref<4x128x48xf32, #tpu.memory_space<vmem>> -> memref<1x128x48xf32, #tpu.memory_space<vmem>>
      %dma_wait3A_408 = tpu.memref_squeeze %dma_wait3A_407 : memref<1x128x48xf32, #tpu.memory_space<vmem>> -> memref<128x48xf32, #tpu.memory_space<vmem>>
      %dma_wait3A_409 = arith.constant 0 : i32
      %dma_wait3A_410 = arith.constant 0 : i32
      %dma_wait3A_411 = tpu.memref_slice %arg6[%dma_wait3A_409, %dma_wait3A_410] : memref<81920x128xf32, #tpu.memory_space<hbm>> -> memref<128x48xf32, #tpu.memory_space<hbm>>
      tpu.wait_dma2 semaphore(%arg13 : memref<!tpu.dma_semaphore, #tpu.memory_space<semaphore_mem>>) src(%dma_wait3A_411 : memref<128x48xf32, #tpu.memory_space<hbm>>) dst(%dma_wait3A_408 : memref<128x48xf32, #tpu.memory_space<vmem>>)
      %dma_wait3A_412 = arith.constant 2 : i32
      %dma_wait3A_413 = arith.constant 0 : i32
      %dma_wait3A_414 = arith.constant 0 : i32
      %dma_wait3A_415 = tpu.memref_slice %arg10[%dma_wait3A_412, %dma_wait3A_413, %dma_wait3A_414] : memref<4x128x16xf32, #tpu.memory_space<vmem>> -> memref<1x128x16xf32, #tpu.memory_space<vmem>>
      %dma_wait3A_416 = tpu.memref_squeeze %dma_wait3A_415 : memref<1x128x16xf32, #tpu.memory_space<vmem>> -> memref<128x16xf32, #tpu.memory_space<vmem>>
      %dma_wait3A_417 = arith.constant 0 : i32
      %dma_wait3A_418 = arith.constant 0 : i32
      %dma_wait3A_419 = tpu.memref_slice %arg6[%dma_wait3A_417, %dma_wait3A_418] : memref<81920x128xf32, #tpu.memory_space<hbm>> -> memref<128x16xf32, #tpu.memory_space<hbm>>
      %dma_wait3A_420 = arith.constant 0 : i32
      %dma_wait3A_421 = arith.constant 0 : i32
      %dma_wait3A_422 = tpu.memref_slice %arg10[%dma_wait3A_412, %dma_wait3A_420, %dma_wait3A_421] : memref<4x128x16xf32, #tpu.memory_space<vmem>> -> memref<1x128x16xf32, #tpu.memory_space<vmem>>
      %dma_wait3A_423 = tpu.memref_squeeze %dma_wait3A_422 : memref<1x128x16xf32, #tpu.memory_space<vmem>> -> memref<128x16xf32, #tpu.memory_space<vmem>>
      %dma_wait3A_424 = arith.constant 0 : i32
      %dma_wait3A_425 = arith.constant 0 : i32
      %dma_wait3A_426 = tpu.memref_slice %arg6[%dma_wait3A_424, %dma_wait3A_425] : memref<81920x128xf32, #tpu.memory_space<hbm>> -> memref<128x16xf32, #tpu.memory_space<hbm>>
      tpu.wait_dma2 semaphore(%arg17 : memref<!tpu.dma_semaphore, #tpu.memory_space<semaphore_mem>>) src(%dma_wait3A_426 : memref<128x16xf32, #tpu.memory_space<hbm>>) dst(%dma_wait3A_423 : memref<128x16xf32, #tpu.memory_space<vmem>>)
      %dma_start3A_427 = arith.constant 2 : i32
      %dma_start3A_428 = arith.constant 0 : i32
      %dma_start3A_429 = arith.constant 0 : i32
      %dma_start3A_430 = tpu.memref_slice %arg9[%dma_start3A_427, %dma_start3A_428, %dma_start3A_429] : memref<4x128x48xf32, #tpu.memory_space<vmem>> -> memref<1x128x48xf32, #tpu.memory_space<vmem>>
      %dma_start3A_431 = tpu.memref_squeeze %dma_start3A_430 : memref<1x128x48xf32, #tpu.memory_space<vmem>> -> memref<128x48xf32, #tpu.memory_space<vmem>>
      %dma_start3A_432 = arith.constant 0 : i32
      %dma_start3A_433 = tpu.memref_slice %arg6[%mul3A_396, %dma_start3A_432] : memref<81920x128xf32, #tpu.memory_space<hbm>> -> memref<128x48xf32, #tpu.memory_space<hbm>>
      %dma_start3A_434 = arith.constant 0 : i32
      %dma_start3A_435 = tpu.memref_slice %arg6[%mul3A_396, %dma_start3A_434] : memref<81920x128xf32, #tpu.memory_space<hbm>> -> memref<128x48xf32, #tpu.memory_space<hbm>>
      %dma_start3A_436 = arith.constant 0 : i32
      %dma_start3A_437 = arith.constant 0 : i32
      %dma_start3A_438 = tpu.memref_slice %arg9[%dma_start3A_427, %dma_start3A_436, %dma_start3A_437] : memref<4x128x48xf32, #tpu.memory_space<vmem>> -> memref<1x128x48xf32, #tpu.memory_space<vmem>>
      %dma_start3A_439 = tpu.memref_squeeze %dma_start3A_438 : memref<1x128x48xf32, #tpu.memory_space<vmem>> -> memref<128x48xf32, #tpu.memory_space<vmem>>
      tpu.enqueue_dma source(%dma_start3A_439 : memref<128x48xf32, #tpu.memory_space<vmem>>) target(%dma_start3A_435 : memref<128x48xf32, #tpu.memory_space<hbm>>) target_semaphore(%arg21 : memref<!tpu.dma_semaphore, #tpu.memory_space<semaphore_mem>>)
      %dma_start3A_440 = arith.constant 2 : i32
      %dma_start3A_441 = arith.constant 0 : i32
      %dma_start3A_442 = arith.constant 0 : i32
      %dma_start3A_443 = tpu.memref_slice %arg10[%dma_start3A_440, %dma_start3A_441, %dma_start3A_442] : memref<4x128x16xf32, #tpu.memory_space<vmem>> -> memref<1x128x16xf32, #tpu.memory_space<vmem>>
      %dma_start3A_444 = tpu.memref_squeeze %dma_start3A_443 : memref<1x128x16xf32, #tpu.memory_space<vmem>> -> memref<128x16xf32, #tpu.memory_space<vmem>>
      %dma_start3A_445 = arith.constant 48 : i32
      %dma_start3A_446 = tpu.memref_slice %arg6[%mul3A_396, %dma_start3A_445] : memref<81920x128xf32, #tpu.memory_space<hbm>> -> memref<128x16xf32, #tpu.memory_space<hbm>>
      %dma_start3A_447 = arith.constant 48 : i32
      %dma_start3A_448 = tpu.memref_slice %arg6[%mul3A_396, %dma_start3A_447] : memref<81920x128xf32, #tpu.memory_space<hbm>> -> memref<128x16xf32, #tpu.memory_space<hbm>>
      %dma_start3A_449 = arith.constant 0 : i32
      %dma_start3A_450 = arith.constant 0 : i32
      %dma_start3A_451 = tpu.memref_slice %arg10[%dma_start3A_440, %dma_start3A_449, %dma_start3A_450] : memref<4x128x16xf32, #tpu.memory_space<vmem>> -> memref<1x128x16xf32, #tpu.memory_space<vmem>>
      %dma_start3A_452 = tpu.memref_squeeze %dma_start3A_451 : memref<1x128x16xf32, #tpu.memory_space<vmem>> -> memref<128x16xf32, #tpu.memory_space<vmem>>
      tpu.enqueue_dma source(%dma_start3A_452 : memref<128x16xf32, #tpu.memory_space<vmem>>) target(%dma_start3A_448 : memref<128x16xf32, #tpu.memory_space<hbm>>) target_semaphore(%arg25 : memref<!tpu.dma_semaphore, #tpu.memory_space<semaphore_mem>>)
      %add3A_453 = arith.constant 4 : i32
      %add3A_454 = arith.addi %add3A_391, %add3A_453 : i32
      %lt3A_455 = arith.cmpi slt, %add3A_454, %select_n3A : i32
      %convert_element_type3A_456 = arith.extui %lt3A_455 : i1 to i32
      %cond3A_457 = arith.constant 0 : i32
      %cond3A_458 = arith.cmpi ne, %convert_element_type3A_456, %cond3A_457 : i32
      scf.if %cond3A_458 {
        %dma_wait3A_530 = arith.constant 2 : i32
        %dma_wait3A_531 = arith.constant 0 : i32
        %dma_wait3A_532 = arith.constant 0 : i32
        %dma_wait3A_533 = tpu.memref_slice %arg9[%dma_wait3A_530, %dma_wait3A_531, %dma_wait3A_532] : memref<4x128x48xf32, #tpu.memory_space<vmem>> -> memref<1x128x48xf32, #tpu.memory_space<vmem>>
        %dma_wait3A_534 = tpu.memref_squeeze %dma_wait3A_533 : memref<1x128x48xf32, #tpu.memory_space<vmem>> -> memref<128x48xf32, #tpu.memory_space<vmem>>
        %dma_wait3A_535 = arith.constant 0 : i32
        %dma_wait3A_536 = arith.constant 0 : i32
        %dma_wait3A_537 = tpu.memref_slice %arg6[%dma_wait3A_535, %dma_wait3A_536] : memref<81920x128xf32, #tpu.memory_space<hbm>> -> memref<128x48xf32, #tpu.memory_space<hbm>>
        %dma_wait3A_538 = arith.constant 0 : i32
        %dma_wait3A_539 = arith.constant 0 : i32
        %dma_wait3A_540 = tpu.memref_slice %arg6[%dma_wait3A_538, %dma_wait3A_539] : memref<81920x128xf32, #tpu.memory_space<hbm>> -> memref<128x48xf32, #tpu.memory_space<hbm>>
        %dma_wait3A_541 = arith.constant 0 : i32
        %dma_wait3A_542 = arith.constant 0 : i32
        %dma_wait3A_543 = tpu.memref_slice %arg9[%dma_wait3A_530, %dma_wait3A_541, %dma_wait3A_542] : memref<4x128x48xf32, #tpu.memory_space<vmem>> -> memref<1x128x48xf32, #tpu.memory_space<vmem>>
        %dma_wait3A_544 = tpu.memref_squeeze %dma_wait3A_543 : memref<1x128x48xf32, #tpu.memory_space<vmem>> -> memref<128x48xf32, #tpu.memory_space<vmem>>
        tpu.wait_dma2 semaphore(%arg21 : memref<!tpu.dma_semaphore, #tpu.memory_space<semaphore_mem>>) src(%dma_wait3A_544 : memref<128x48xf32, #tpu.memory_space<vmem>>) dst(%dma_wait3A_540 : memref<128x48xf32, #tpu.memory_space<hbm>>)
        %dma_wait3A_545 = arith.constant 2 : i32
        %dma_wait3A_546 = arith.constant 0 : i32
        %dma_wait3A_547 = arith.constant 0 : i32
        %dma_wait3A_548 = tpu.memref_slice %arg10[%dma_wait3A_545, %dma_wait3A_546, %dma_wait3A_547] : memref<4x128x16xf32, #tpu.memory_space<vmem>> -> memref<1x128x16xf32, #tpu.memory_space<vmem>>
        %dma_wait3A_549 = tpu.memref_squeeze %dma_wait3A_548 : memref<1x128x16xf32, #tpu.memory_space<vmem>> -> memref<128x16xf32, #tpu.memory_space<vmem>>
        %dma_wait3A_550 = arith.constant 0 : i32
        %dma_wait3A_551 = arith.constant 48 : i32
        %dma_wait3A_552 = tpu.memref_slice %arg6[%dma_wait3A_550, %dma_wait3A_551] : memref<81920x128xf32, #tpu.memory_space<hbm>> -> memref<128x16xf32, #tpu.memory_space<hbm>>
        %dma_wait3A_553 = arith.constant 0 : i32
        %dma_wait3A_554 = arith.constant 48 : i32
        %dma_wait3A_555 = tpu.memref_slice %arg6[%dma_wait3A_553, %dma_wait3A_554] : memref<81920x128xf32, #tpu.memory_space<hbm>> -> memref<128x16xf32, #tpu.memory_space<hbm>>
        %dma_wait3A_556 = arith.constant 0 : i32
        %dma_wait3A_557 = arith.constant 0 : i32
        %dma_wait3A_558 = tpu.memref_slice %arg10[%dma_wait3A_545, %dma_wait3A_556, %dma_wait3A_557] : memref<4x128x16xf32, #tpu.memory_space<vmem>> -> memref<1x128x16xf32, #tpu.memory_space<vmem>>
        %dma_wait3A_559 = tpu.memref_squeeze %dma_wait3A_558 : memref<1x128x16xf32, #tpu.memory_space<vmem>> -> memref<128x16xf32, #tpu.memory_space<vmem>>
        tpu.wait_dma2 semaphore(%arg25 : memref<!tpu.dma_semaphore, #tpu.memory_space<semaphore_mem>>) src(%dma_wait3A_559 : memref<128x16xf32, #tpu.memory_space<vmem>>) dst(%dma_wait3A_555 : memref<128x16xf32, #tpu.memory_space<hbm>>)
        %add3A_560 = arith.constant 4 : i32
        %add3A_561 = arith.addi %add3A_391, %add3A_560 : i32
        %dma_start3A_562 = arith.constant 2 : i32
        %dma_start3A_563 = arith.constant 0 : i32
        %dma_start3A_564 = arith.constant 0 : i32
        %dma_start3A_565 = tpu.memref_slice %arg9[%dma_start3A_562, %dma_start3A_563, %dma_start3A_564] : memref<4x128x48xf32, #tpu.memory_space<vmem>> -> memref<1x128x48xf32, #tpu.memory_space<vmem>>
        %dma_start3A_566 = tpu.memref_squeeze %dma_start3A_565 : memref<1x128x48xf32, #tpu.memory_space<vmem>> -> memref<128x48xf32, #tpu.memory_space<vmem>>
        %dma_start3A_567 = arith.constant 0 : i32
        %dma_start3A_568 = tpu.memref_slice %arg7[%add3A_561, %dma_start3A_567] : memref<30x128xi32, #tpu.memory_space<vmem>> -> memref<1x128xi32, #tpu.memory_space<vmem>>
        %dma_start3A_569 = tpu.memref_squeeze %dma_start3A_568 : memref<1x128xi32, #tpu.memory_space<vmem>> -> memref<128xi32, #tpu.memory_space<vmem>>
        %dma_start3A_570 = arith.constant 0 : i32
        %dma_start3A_571 = arith.constant 0 : i32
        %dma_start3A_572 = tpu.memref_slice %arg2[%dma_start3A_570, %dma_start3A_571] : memref<10000x48xf32, #tpu.memory_space<hbm>> -> memref<10000x48xf32, #tpu.memory_space<hbm>>
        tpu.enqueue_indirect_dma source(%dma_start3A_572 : memref<10000x48xf32, #tpu.memory_space<hbm>>) target(%dma_start3A_566 : memref<128x48xf32, #tpu.memory_space<vmem>>) offsets(%dma_start3A_569 : memref<128xi32, #tpu.memory_space<vmem>>) semaphore(%arg13 : memref<!tpu.dma_semaphore, #tpu.memory_space<semaphore_mem>>)
        %dma_start3A_573 = arith.constant 2 : i32
        %dma_start3A_574 = arith.constant 0 : i32
        %dma_start3A_575 = arith.constant 0 : i32
        %dma_start3A_576 = tpu.memref_slice %arg10[%dma_start3A_573, %dma_start3A_574, %dma_start3A_575] : memref<4x128x16xf32, #tpu.memory_space<vmem>> -> memref<1x128x16xf32, #tpu.memory_space<vmem>>
        %dma_start3A_577 = tpu.memref_squeeze %dma_start3A_576 : memref<1x128x16xf32, #tpu.memory_space<vmem>> -> memref<128x16xf32, #tpu.memory_space<vmem>>
        %dma_start3A_578 = arith.constant 0 : i32
        %dma_start3A_579 = tpu.memref_slice %arg8[%add3A_561, %dma_start3A_578] : memref<30x128xi32, #tpu.memory_space<vmem>> -> memref<1x128xi32, #tpu.memory_space<vmem>>
        %dma_start3A_580 = tpu.memref_squeeze %dma_start3A_579 : memref<1x128xi32, #tpu.memory_space<vmem>> -> memref<128xi32, #tpu.memory_space<vmem>>
        %dma_start3A_581 = arith.constant 0 : i32
        %dma_start3A_582 = arith.constant 0 : i32
        %dma_start3A_583 = tpu.memref_slice %arg3[%dma_start3A_581, %dma_start3A_582] : memref<10112x16xf32, #tpu.memory_space<hbm>> -> memref<10112x16xf32, #tpu.memory_space<hbm>>
        tpu.enqueue_indirect_dma source(%dma_start3A_583 : memref<10112x16xf32, #tpu.memory_space<hbm>>) target(%dma_start3A_577 : memref<128x16xf32, #tpu.memory_space<vmem>>) offsets(%dma_start3A_580 : memref<128xi32, #tpu.memory_space<vmem>>) semaphore(%arg17 : memref<!tpu.dma_semaphore, #tpu.memory_space<semaphore_mem>>)
      } else {
      }
      %mul3A_459 = arith.constant 4 : i32
      %mul3A_460 = arith.muli %while3A_248, %mul3A_459 : i32
      %add3A_461 = arith.constant 3 : i32
      %add3A_462 = arith.addi %mul3A_460, %add3A_461 : i32
      %add3A_463 = arith.addi %add3A_4, %add3A_462 : i32
      %sub3A_464 = arith.constant 640 : i32
      %sub3A_465 = arith.subi %add3A_463, %sub3A_464 : i32
      %mul3A_466 = arith.constant 128 : i32
      %mul3A_467 = arith.muli %sub3A_465, %mul3A_466 : i32
      %dma_wait3A_468 = arith.constant 3 : i32
      %dma_wait3A_469 = arith.constant 0 : i32
      %dma_wait3A_470 = arith.constant 0 : i32
      %dma_wait3A_471 = tpu.memref_slice %arg9[%dma_wait3A_468, %dma_wait3A_469, %dma_wait3A_470] : memref<4x128x48xf32, #tpu.memory_space<vmem>> -> memref<1x128x48xf32, #tpu.memory_space<vmem>>
      %dma_wait3A_472 = tpu.memref_squeeze %dma_wait3A_471 : memref<1x128x48xf32, #tpu.memory_space<vmem>> -> memref<128x48xf32, #tpu.memory_space<vmem>>
      %dma_wait3A_473 = arith.constant 0 : i32
      %dma_wait3A_474 = arith.constant 0 : i32
      %dma_wait3A_475 = tpu.memref_slice %arg6[%dma_wait3A_473, %dma_wait3A_474] : memref<81920x128xf32, #tpu.memory_space<hbm>> -> memref<128x48xf32, #tpu.memory_space<hbm>>
      %dma_wait3A_476 = arith.constant 0 : i32
      %dma_wait3A_477 = arith.constant 0 : i32
      %dma_wait3A_478 = tpu.memref_slice %arg9[%dma_wait3A_468, %dma_wait3A_476, %dma_wait3A_477] : memref<4x128x48xf32, #tpu.memory_space<vmem>> -> memref<1x128x48xf32, #tpu.memory_space<vmem>>
      %dma_wait3A_479 = tpu.memref_squeeze %dma_wait3A_478 : memref<1x128x48xf32, #tpu.memory_space<vmem>> -> memref<128x48xf32, #tpu.memory_space<vmem>>
      %dma_wait3A_480 = arith.constant 0 : i32
      %dma_wait3A_481 = arith.constant 0 : i32
      %dma_wait3A_482 = tpu.memref_slice %arg6[%dma_wait3A_480, %dma_wait3A_481] : memref<81920x128xf32, #tpu.memory_space<hbm>> -> memref<128x48xf32, #tpu.memory_space<hbm>>
      tpu.wait_dma2 semaphore(%arg14 : memref<!tpu.dma_semaphore, #tpu.memory_space<semaphore_mem>>) src(%dma_wait3A_482 : memref<128x48xf32, #tpu.memory_space<hbm>>) dst(%dma_wait3A_479 : memref<128x48xf32, #tpu.memory_space<vmem>>)
      %dma_wait3A_483 = arith.constant 3 : i32
      %dma_wait3A_484 = arith.constant 0 : i32
      %dma_wait3A_485 = arith.constant 0 : i32
      %dma_wait3A_486 = tpu.memref_slice %arg10[%dma_wait3A_483, %dma_wait3A_484, %dma_wait3A_485] : memref<4x128x16xf32, #tpu.memory_space<vmem>> -> memref<1x128x16xf32, #tpu.memory_space<vmem>>
      %dma_wait3A_487 = tpu.memref_squeeze %dma_wait3A_486 : memref<1x128x16xf32, #tpu.memory_space<vmem>> -> memref<128x16xf32, #tpu.memory_space<vmem>>
      %dma_wait3A_488 = arith.constant 0 : i32
      %dma_wait3A_489 = arith.constant 0 : i32
      %dma_wait3A_490 = tpu.memref_slice %arg6[%dma_wait3A_488, %dma_wait3A_489] : memref<81920x128xf32, #tpu.memory_space<hbm>> -> memref<128x16xf32, #tpu.memory_space<hbm>>
      %dma_wait3A_491 = arith.constant 0 : i32
      %dma_wait3A_492 = arith.constant 0 : i32
      %dma_wait3A_493 = tpu.memref_slice %arg10[%dma_wait3A_483, %dma_wait3A_491, %dma_wait3A_492] : memref<4x128x16xf32, #tpu.memory_space<vmem>> -> memref<1x128x16xf32, #tpu.memory_space<vmem>>
      %dma_wait3A_494 = tpu.memref_squeeze %dma_wait3A_493 : memref<1x128x16xf32, #tpu.memory_space<vmem>> -> memref<128x16xf32, #tpu.memory_space<vmem>>
      %dma_wait3A_495 = arith.constant 0 : i32
      %dma_wait3A_496 = arith.constant 0 : i32
      %dma_wait3A_497 = tpu.memref_slice %arg6[%dma_wait3A_495, %dma_wait3A_496] : memref<81920x128xf32, #tpu.memory_space<hbm>> -> memref<128x16xf32, #tpu.memory_space<hbm>>
      tpu.wait_dma2 semaphore(%arg18 : memref<!tpu.dma_semaphore, #tpu.memory_space<semaphore_mem>>) src(%dma_wait3A_497 : memref<128x16xf32, #tpu.memory_space<hbm>>) dst(%dma_wait3A_494 : memref<128x16xf32, #tpu.memory_space<vmem>>)
      %dma_start3A_498 = arith.constant 3 : i32
      %dma_start3A_499 = arith.constant 0 : i32
      %dma_start3A_500 = arith.constant 0 : i32
      %dma_start3A_501 = tpu.memref_slice %arg9[%dma_start3A_498, %dma_start3A_499, %dma_start3A_500] : memref<4x128x48xf32, #tpu.memory_space<vmem>> -> memref<1x128x48xf32, #tpu.memory_space<vmem>>
      %dma_start3A_502 = tpu.memref_squeeze %dma_start3A_501 : memref<1x128x48xf32, #tpu.memory_space<vmem>> -> memref<128x48xf32, #tpu.memory_space<vmem>>
      %dma_start3A_503 = arith.constant 0 : i32
      %dma_start3A_504 = tpu.memref_slice %arg6[%mul3A_467, %dma_start3A_503] : memref<81920x128xf32, #tpu.memory_space<hbm>> -> memref<128x48xf32, #tpu.memory_space<hbm>>
      %dma_start3A_505 = arith.constant 0 : i32
      %dma_start3A_506 = tpu.memref_slice %arg6[%mul3A_467, %dma_start3A_505] : memref<81920x128xf32, #tpu.memory_space<hbm>> -> memref<128x48xf32, #tpu.memory_space<hbm>>
      %dma_start3A_507 = arith.constant 0 : i32
      %dma_start3A_508 = arith.constant 0 : i32
      %dma_start3A_509 = tpu.memref_slice %arg9[%dma_start3A_498, %dma_start3A_507, %dma_start3A_508] : memref<4x128x48xf32, #tpu.memory_space<vmem>> -> memref<1x128x48xf32, #tpu.memory_space<vmem>>
      %dma_start3A_510 = tpu.memref_squeeze %dma_start3A_509 : memref<1x128x48xf32, #tpu.memory_space<vmem>> -> memref<128x48xf32, #tpu.memory_space<vmem>>
      tpu.enqueue_dma source(%dma_start3A_510 : memref<128x48xf32, #tpu.memory_space<vmem>>) target(%dma_start3A_506 : memref<128x48xf32, #tpu.memory_space<hbm>>) target_semaphore(%arg22 : memref<!tpu.dma_semaphore, #tpu.memory_space<semaphore_mem>>)
      %dma_start3A_511 = arith.constant 3 : i32
      %dma_start3A_512 = arith.constant 0 : i32
      %dma_start3A_513 = arith.constant 0 : i32
      %dma_start3A_514 = tpu.memref_slice %arg10[%dma_start3A_511, %dma_start3A_512, %dma_start3A_513] : memref<4x128x16xf32, #tpu.memory_space<vmem>> -> memref<1x128x16xf32, #tpu.memory_space<vmem>>
      %dma_start3A_515 = tpu.memref_squeeze %dma_start3A_514 : memref<1x128x16xf32, #tpu.memory_space<vmem>> -> memref<128x16xf32, #tpu.memory_space<vmem>>
      %dma_start3A_516 = arith.constant 48 : i32
      %dma_start3A_517 = tpu.memref_slice %arg6[%mul3A_467, %dma_start3A_516] : memref<81920x128xf32, #tpu.memory_space<hbm>> -> memref<128x16xf32, #tpu.memory_space<hbm>>
      %dma_start3A_518 = arith.constant 48 : i32
      %dma_start3A_519 = tpu.memref_slice %arg6[%mul3A_467, %dma_start3A_518] : memref<81920x128xf32, #tpu.memory_space<hbm>> -> memref<128x16xf32, #tpu.memory_space<hbm>>
      %dma_start3A_520 = arith.constant 0 : i32
      %dma_start3A_521 = arith.constant 0 : i32
      %dma_start3A_522 = tpu.memref_slice %arg10[%dma_start3A_511, %dma_start3A_520, %dma_start3A_521] : memref<4x128x16xf32, #tpu.memory_space<vmem>> -> memref<1x128x16xf32, #tpu.memory_space<vmem>>
      %dma_start3A_523 = tpu.memref_squeeze %dma_start3A_522 : memref<1x128x16xf32, #tpu.memory_space<vmem>> -> memref<128x16xf32, #tpu.memory_space<vmem>>
      tpu.enqueue_dma source(%dma_start3A_523 : memref<128x16xf32, #tpu.memory_space<vmem>>) target(%dma_start3A_519 : memref<128x16xf32, #tpu.memory_space<hbm>>) target_semaphore(%arg26 : memref<!tpu.dma_semaphore, #tpu.memory_space<semaphore_mem>>)
      %add3A_524 = arith.constant 4 : i32
      %add3A_525 = arith.addi %add3A_462, %add3A_524 : i32
      %lt3A_526 = arith.cmpi slt, %add3A_525, %select_n3A : i32
      %convert_element_type3A_527 = arith.extui %lt3A_526 : i1 to i32
      %cond3A_528 = arith.constant 0 : i32
      %cond3A_529 = arith.cmpi ne, %convert_element_type3A_527, %cond3A_528 : i32
      scf.if %cond3A_529 {
        %dma_wait3A_530 = arith.constant 3 : i32
        %dma_wait3A_531 = arith.constant 0 : i32
        %dma_wait3A_532 = arith.constant 0 : i32
        %dma_wait3A_533 = tpu.memref_slice %arg9[%dma_wait3A_530, %dma_wait3A_531, %dma_wait3A_532] : memref<4x128x48xf32, #tpu.memory_space<vmem>> -> memref<1x128x48xf32, #tpu.memory_space<vmem>>
        %dma_wait3A_534 = tpu.memref_squeeze %dma_wait3A_533 : memref<1x128x48xf32, #tpu.memory_space<vmem>> -> memref<128x48xf32, #tpu.memory_space<vmem>>
        %dma_wait3A_535 = arith.constant 0 : i32
        %dma_wait3A_536 = arith.constant 0 : i32
        %dma_wait3A_537 = tpu.memref_slice %arg6[%dma_wait3A_535, %dma_wait3A_536] : memref<81920x128xf32, #tpu.memory_space<hbm>> -> memref<128x48xf32, #tpu.memory_space<hbm>>
        %dma_wait3A_538 = arith.constant 0 : i32
        %dma_wait3A_539 = arith.constant 0 : i32
        %dma_wait3A_540 = tpu.memref_slice %arg6[%dma_wait3A_538, %dma_wait3A_539] : memref<81920x128xf32, #tpu.memory_space<hbm>> -> memref<128x48xf32, #tpu.memory_space<hbm>>
        %dma_wait3A_541 = arith.constant 0 : i32
        %dma_wait3A_542 = arith.constant 0 : i32
        %dma_wait3A_543 = tpu.memref_slice %arg9[%dma_wait3A_530, %dma_wait3A_541, %dma_wait3A_542] : memref<4x128x48xf32, #tpu.memory_space<vmem>> -> memref<1x128x48xf32, #tpu.memory_space<vmem>>
        %dma_wait3A_544 = tpu.memref_squeeze %dma_wait3A_543 : memref<1x128x48xf32, #tpu.memory_space<vmem>> -> memref<128x48xf32, #tpu.memory_space<vmem>>
        tpu.wait_dma2 semaphore(%arg22 : memref<!tpu.dma_semaphore, #tpu.memory_space<semaphore_mem>>) src(%dma_wait3A_544 : memref<128x48xf32, #tpu.memory_space<vmem>>) dst(%dma_wait3A_540 : memref<128x48xf32, #tpu.memory_space<hbm>>)
        %dma_wait3A_545 = arith.constant 3 : i32
        %dma_wait3A_546 = arith.constant 0 : i32
        %dma_wait3A_547 = arith.constant 0 : i32
        %dma_wait3A_548 = tpu.memref_slice %arg10[%dma_wait3A_545, %dma_wait3A_546, %dma_wait3A_547] : memref<4x128x16xf32, #tpu.memory_space<vmem>> -> memref<1x128x16xf32, #tpu.memory_space<vmem>>
        %dma_wait3A_549 = tpu.memref_squeeze %dma_wait3A_548 : memref<1x128x16xf32, #tpu.memory_space<vmem>> -> memref<128x16xf32, #tpu.memory_space<vmem>>
        %dma_wait3A_550 = arith.constant 0 : i32
        %dma_wait3A_551 = arith.constant 48 : i32
        %dma_wait3A_552 = tpu.memref_slice %arg6[%dma_wait3A_550, %dma_wait3A_551] : memref<81920x128xf32, #tpu.memory_space<hbm>> -> memref<128x16xf32, #tpu.memory_space<hbm>>
        %dma_wait3A_553 = arith.constant 0 : i32
        %dma_wait3A_554 = arith.constant 48 : i32
        %dma_wait3A_555 = tpu.memref_slice %arg6[%dma_wait3A_553, %dma_wait3A_554] : memref<81920x128xf32, #tpu.memory_space<hbm>> -> memref<128x16xf32, #tpu.memory_space<hbm>>
        %dma_wait3A_556 = arith.constant 0 : i32
        %dma_wait3A_557 = arith.constant 0 : i32
        %dma_wait3A_558 = tpu.memref_slice %arg10[%dma_wait3A_545, %dma_wait3A_556, %dma_wait3A_557] : memref<4x128x16xf32, #tpu.memory_space<vmem>> -> memref<1x128x16xf32, #tpu.memory_space<vmem>>
        %dma_wait3A_559 = tpu.memref_squeeze %dma_wait3A_558 : memref<1x128x16xf32, #tpu.memory_space<vmem>> -> memref<128x16xf32, #tpu.memory_space<vmem>>
        tpu.wait_dma2 semaphore(%arg26 : memref<!tpu.dma_semaphore, #tpu.memory_space<semaphore_mem>>) src(%dma_wait3A_559 : memref<128x16xf32, #tpu.memory_space<vmem>>) dst(%dma_wait3A_555 : memref<128x16xf32, #tpu.memory_space<hbm>>)
        %add3A_560 = arith.constant 4 : i32
        %add3A_561 = arith.addi %add3A_462, %add3A_560 : i32
        %dma_start3A_562 = arith.constant 3 : i32
        %dma_start3A_563 = arith.constant 0 : i32
        %dma_start3A_564 = arith.constant 0 : i32
        %dma_start3A_565 = tpu.memref_slice %arg9[%dma_start3A_562, %dma_start3A_563, %dma_start3A_564] : memref<4x128x48xf32, #tpu.memory_space<vmem>> -> memref<1x128x48xf32, #tpu.memory_space<vmem>>
        %dma_start3A_566 = tpu.memref_squeeze %dma_start3A_565 : memref<1x128x48xf32, #tpu.memory_space<vmem>> -> memref<128x48xf32, #tpu.memory_space<vmem>>
        %dma_start3A_567 = arith.constant 0 : i32
        %dma_start3A_568 = tpu.memref_slice %arg7[%add3A_561, %dma_start3A_567] : memref<30x128xi32, #tpu.memory_space<vmem>> -> memref<1x128xi32, #tpu.memory_space<vmem>>
        %dma_start3A_569 = tpu.memref_squeeze %dma_start3A_568 : memref<1x128xi32, #tpu.memory_space<vmem>> -> memref<128xi32, #tpu.memory_space<vmem>>
        %dma_start3A_570 = arith.constant 0 : i32
        %dma_start3A_571 = arith.constant 0 : i32
        %dma_start3A_572 = tpu.memref_slice %arg2[%dma_start3A_570, %dma_start3A_571] : memref<10000x48xf32, #tpu.memory_space<hbm>> -> memref<10000x48xf32, #tpu.memory_space<hbm>>
        tpu.enqueue_indirect_dma source(%dma_start3A_572 : memref<10000x48xf32, #tpu.memory_space<hbm>>) target(%dma_start3A_566 : memref<128x48xf32, #tpu.memory_space<vmem>>) offsets(%dma_start3A_569 : memref<128xi32, #tpu.memory_space<vmem>>) semaphore(%arg14 : memref<!tpu.dma_semaphore, #tpu.memory_space<semaphore_mem>>)
        %dma_start3A_573 = arith.constant 3 : i32
        %dma_start3A_574 = arith.constant 0 : i32
        %dma_start3A_575 = arith.constant 0 : i32
        %dma_start3A_576 = tpu.memref_slice %arg10[%dma_start3A_573, %dma_start3A_574, %dma_start3A_575] : memref<4x128x16xf32, #tpu.memory_space<vmem>> -> memref<1x128x16xf32, #tpu.memory_space<vmem>>
        %dma_start3A_577 = tpu.memref_squeeze %dma_start3A_576 : memref<1x128x16xf32, #tpu.memory_space<vmem>> -> memref<128x16xf32, #tpu.memory_space<vmem>>
        %dma_start3A_578 = arith.constant 0 : i32
        %dma_start3A_579 = tpu.memref_slice %arg8[%add3A_561, %dma_start3A_578] : memref<30x128xi32, #tpu.memory_space<vmem>> -> memref<1x128xi32, #tpu.memory_space<vmem>>
        %dma_start3A_580 = tpu.memref_squeeze %dma_start3A_579 : memref<1x128xi32, #tpu.memory_space<vmem>> -> memref<128xi32, #tpu.memory_space<vmem>>
        %dma_start3A_581 = arith.constant 0 : i32
        %dma_start3A_582 = arith.constant 0 : i32
        %dma_start3A_583 = tpu.memref_slice %arg3[%dma_start3A_581, %dma_start3A_582] : memref<10112x16xf32, #tpu.memory_space<hbm>> -> memref<10112x16xf32, #tpu.memory_space<hbm>>
        tpu.enqueue_indirect_dma source(%dma_start3A_583 : memref<10112x16xf32, #tpu.memory_space<hbm>>) target(%dma_start3A_577 : memref<128x16xf32, #tpu.memory_space<vmem>>) offsets(%dma_start3A_580 : memref<128xi32, #tpu.memory_space<vmem>>) semaphore(%arg18 : memref<!tpu.dma_semaphore, #tpu.memory_space<semaphore_mem>>)
      } else {
      }
    }
    %while3A_128 = arith.constant 1 : i32
    scf.for %while3A_248 = %while3A_126 to %while3A_122 step %while3A_128  : i32 {
      %mul3A_249 = arith.constant 4 : i32
      %mul3A_250 = arith.muli %while3A_248, %mul3A_249 : i32
      %add3A_251 = arith.constant 0 : i32
      %add3A_252 = arith.addi %mul3A_250, %add3A_251 : i32
      %add3A_253 = arith.addi %add3A_4, %add3A_252 : i32
      %sub3A_254 = arith.constant 640 : i32
      %sub3A_255 = arith.subi %add3A_253, %sub3A_254 : i32
      %mul3A_256 = arith.constant 128 : i32
      %mul3A_257 = arith.muli %sub3A_255, %mul3A_256 : i32
      %dma_wait3A_258 = arith.constant 0 : i32
      %dma_wait3A_259 = arith.constant 0 : i32
      %dma_wait3A_260 = arith.constant 0 : i32
      %dma_wait3A_261 = tpu.memref_slice %arg9[%dma_wait3A_258, %dma_wait3A_259, %dma_wait3A_260] : memref<4x128x48xf32, #tpu.memory_space<vmem>> -> memref<1x128x48xf32, #tpu.memory_space<vmem>>
      %dma_wait3A_262 = tpu.memref_squeeze %dma_wait3A_261 : memref<1x128x48xf32, #tpu.memory_space<vmem>> -> memref<128x48xf32, #tpu.memory_space<vmem>>
      %dma_wait3A_263 = arith.constant 0 : i32
      %dma_wait3A_264 = arith.constant 0 : i32
      %dma_wait3A_265 = tpu.memref_slice %arg6[%dma_wait3A_263, %dma_wait3A_264] : memref<81920x128xf32, #tpu.memory_space<hbm>> -> memref<128x48xf32, #tpu.memory_space<hbm>>
      %dma_wait3A_266 = arith.constant 0 : i32
      %dma_wait3A_267 = arith.constant 0 : i32
      %dma_wait3A_268 = tpu.memref_slice %arg9[%dma_wait3A_258, %dma_wait3A_266, %dma_wait3A_267] : memref<4x128x48xf32, #tpu.memory_space<vmem>> -> memref<1x128x48xf32, #tpu.memory_space<vmem>>
      %dma_wait3A_269 = tpu.memref_squeeze %dma_wait3A_268 : memref<1x128x48xf32, #tpu.memory_space<vmem>> -> memref<128x48xf32, #tpu.memory_space<vmem>>
      %dma_wait3A_270 = arith.constant 0 : i32
      %dma_wait3A_271 = arith.constant 0 : i32
      %dma_wait3A_272 = tpu.memref_slice %arg6[%dma_wait3A_270, %dma_wait3A_271] : memref<81920x128xf32, #tpu.memory_space<hbm>> -> memref<128x48xf32, #tpu.memory_space<hbm>>
      tpu.wait_dma2 semaphore(%arg11 : memref<!tpu.dma_semaphore, #tpu.memory_space<semaphore_mem>>) src(%dma_wait3A_272 : memref<128x48xf32, #tpu.memory_space<hbm>>) dst(%dma_wait3A_269 : memref<128x48xf32, #tpu.memory_space<vmem>>)
      %dma_wait3A_273 = arith.constant 0 : i32
      %dma_wait3A_274 = arith.constant 0 : i32
      %dma_wait3A_275 = arith.constant 0 : i32
      %dma_wait3A_276 = tpu.memref_slice %arg10[%dma_wait3A_273, %dma_wait3A_274, %dma_wait3A_275] : memref<4x128x16xf32, #tpu.memory_space<vmem>> -> memref<1x128x16xf32, #tpu.memory_space<vmem>>
      %dma_wait3A_277 = tpu.memref_squeeze %dma_wait3A_276 : memref<1x128x16xf32, #tpu.memory_space<vmem>> -> memref<128x16xf32, #tpu.memory_space<vmem>>
      %dma_wait3A_278 = arith.constant 0 : i32
      %dma_wait3A_279 = arith.constant 0 : i32
      %dma_wait3A_280 = tpu.memref_slice %arg6[%dma_wait3A_278, %dma_wait3A_279] : memref<81920x128xf32, #tpu.memory_space<hbm>> -> memref<128x16xf32, #tpu.memory_space<hbm>>
      %dma_wait3A_281 = arith.constant 0 : i32
      %dma_wait3A_282 = arith.constant 0 : i32
      %dma_wait3A_283 = tpu.memref_slice %arg10[%dma_wait3A_273, %dma_wait3A_281, %dma_wait3A_282] : memref<4x128x16xf32, #tpu.memory_space<vmem>> -> memref<1x128x16xf32, #tpu.memory_space<vmem>>
      %dma_wait3A_284 = tpu.memref_squeeze %dma_wait3A_283 : memref<1x128x16xf32, #tpu.memory_space<vmem>> -> memref<128x16xf32, #tpu.memory_space<vmem>>
      %dma_wait3A_285 = arith.constant 0 : i32
      %dma_wait3A_286 = arith.constant 0 : i32
      %dma_wait3A_287 = tpu.memref_slice %arg6[%dma_wait3A_285, %dma_wait3A_286] : memref<81920x128xf32, #tpu.memory_space<hbm>> -> memref<128x16xf32, #tpu.memory_space<hbm>>
      tpu.wait_dma2 semaphore(%arg15 : memref<!tpu.dma_semaphore, #tpu.memory_space<semaphore_mem>>) src(%dma_wait3A_287 : memref<128x16xf32, #tpu.memory_space<hbm>>) dst(%dma_wait3A_284 : memref<128x16xf32, #tpu.memory_space<vmem>>)
      %dma_start3A_288 = arith.constant 0 : i32
      %dma_start3A_289 = arith.constant 0 : i32
      %dma_start3A_290 = arith.constant 0 : i32
      %dma_start3A_291 = tpu.memref_slice %arg9[%dma_start3A_288, %dma_start3A_289, %dma_start3A_290] : memref<4x128x48xf32, #tpu.memory_space<vmem>> -> memref<1x128x48xf32, #tpu.memory_space<vmem>>
      %dma_start3A_292 = tpu.memref_squeeze %dma_start3A_291 : memref<1x128x48xf32, #tpu.memory_space<vmem>> -> memref<128x48xf32, #tpu.memory_space<vmem>>
      %dma_start3A_293 = arith.constant 0 : i32
      %dma_start3A_294 = tpu.memref_slice %arg6[%mul3A_257, %dma_start3A_293] : memref<81920x128xf32, #tpu.memory_space<hbm>> -> memref<128x48xf32, #tpu.memory_space<hbm>>
      %dma_start3A_295 = arith.constant 0 : i32
      %dma_start3A_296 = tpu.memref_slice %arg6[%mul3A_257, %dma_start3A_295] : memref<81920x128xf32, #tpu.memory_space<hbm>> -> memref<128x48xf32, #tpu.memory_space<hbm>>
      %dma_start3A_297 = arith.constant 0 : i32
      %dma_start3A_298 = arith.constant 0 : i32
      %dma_start3A_299 = tpu.memref_slice %arg9[%dma_start3A_288, %dma_start3A_297, %dma_start3A_298] : memref<4x128x48xf32, #tpu.memory_space<vmem>> -> memref<1x128x48xf32, #tpu.memory_space<vmem>>
      %dma_start3A_300 = tpu.memref_squeeze %dma_start3A_299 : memref<1x128x48xf32, #tpu.memory_space<vmem>> -> memref<128x48xf32, #tpu.memory_space<vmem>>
      tpu.enqueue_dma source(%dma_start3A_300 : memref<128x48xf32, #tpu.memory_space<vmem>>) target(%dma_start3A_296 : memref<128x48xf32, #tpu.memory_space<hbm>>) target_semaphore(%arg19 : memref<!tpu.dma_semaphore, #tpu.memory_space<semaphore_mem>>)
      %dma_start3A_301 = arith.constant 0 : i32
      %dma_start3A_302 = arith.constant 0 : i32
      %dma_start3A_303 = arith.constant 0 : i32
      %dma_start3A_304 = tpu.memref_slice %arg10[%dma_start3A_301, %dma_start3A_302, %dma_start3A_303] : memref<4x128x16xf32, #tpu.memory_space<vmem>> -> memref<1x128x16xf32, #tpu.memory_space<vmem>>
      %dma_start3A_305 = tpu.memref_squeeze %dma_start3A_304 : memref<1x128x16xf32, #tpu.memory_space<vmem>> -> memref<128x16xf32, #tpu.memory_space<vmem>>
      %dma_start3A_306 = arith.constant 48 : i32
      %dma_start3A_307 = tpu.memref_slice %arg6[%mul3A_257, %dma_start3A_306] : memref<81920x128xf32, #tpu.memory_space<hbm>> -> memref<128x16xf32, #tpu.memory_space<hbm>>
      %dma_start3A_308 = arith.constant 48 : i32
      %dma_start3A_309 = tpu.memref_slice %arg6[%mul3A_257, %dma_start3A_308] : memref<81920x128xf32, #tpu.memory_space<hbm>> -> memref<128x16xf32, #tpu.memory_space<hbm>>
      %dma_start3A_310 = arith.constant 0 : i32
      %dma_start3A_311 = arith.constant 0 : i32
      %dma_start3A_312 = tpu.memref_slice %arg10[%dma_start3A_301, %dma_start3A_310, %dma_start3A_311] : memref<4x128x16xf32, #tpu.memory_space<vmem>> -> memref<1x128x16xf32, #tpu.memory_space<vmem>>
      %dma_start3A_313 = tpu.memref_squeeze %dma_start3A_312 : memref<1x128x16xf32, #tpu.memory_space<vmem>> -> memref<128x16xf32, #tpu.memory_space<vmem>>
      tpu.enqueue_dma source(%dma_start3A_313 : memref<128x16xf32, #tpu.memory_space<vmem>>) target(%dma_start3A_309 : memref<128x16xf32, #tpu.memory_space<hbm>>) target_semaphore(%arg23 : memref<!tpu.dma_semaphore, #tpu.memory_space<semaphore_mem>>)
      %add3A_314 = arith.constant 4 : i32
      %add3A_315 = arith.addi %add3A_252, %add3A_314 : i32
      %lt3A = arith.cmpi slt, %add3A_315, %select_n3A : i32
      %convert_element_type3A = arith.extui %lt3A : i1 to i32
      %cond3A = arith.constant 0 : i32
      %cond3A_316 = arith.cmpi ne, %convert_element_type3A, %cond3A : i32
      scf.if %cond3A_316 {
        %dma_wait3A_530 = arith.constant 0 : i32
        %dma_wait3A_531 = arith.constant 0 : i32
        %dma_wait3A_532 = arith.constant 0 : i32
        %dma_wait3A_533 = tpu.memref_slice %arg9[%dma_wait3A_530, %dma_wait3A_531, %dma_wait3A_532] : memref<4x128x48xf32, #tpu.memory_space<vmem>> -> memref<1x128x48xf32, #tpu.memory_space<vmem>>
        %dma_wait3A_534 = tpu.memref_squeeze %dma_wait3A_533 : memref<1x128x48xf32, #tpu.memory_space<vmem>> -> memref<128x48xf32, #tpu.memory_space<vmem>>
        %dma_wait3A_535 = arith.constant 0 : i32
        %dma_wait3A_536 = arith.constant 0 : i32
        %dma_wait3A_537 = tpu.memref_slice %arg6[%dma_wait3A_535, %dma_wait3A_536] : memref<81920x128xf32, #tpu.memory_space<hbm>> -> memref<128x48xf32, #tpu.memory_space<hbm>>
        %dma_wait3A_538 = arith.constant 0 : i32
        %dma_wait3A_539 = arith.constant 0 : i32
        %dma_wait3A_540 = tpu.memref_slice %arg6[%dma_wait3A_538, %dma_wait3A_539] : memref<81920x128xf32, #tpu.memory_space<hbm>> -> memref<128x48xf32, #tpu.memory_space<hbm>>
        %dma_wait3A_541 = arith.constant 0 : i32
        %dma_wait3A_542 = arith.constant 0 : i32
        %dma_wait3A_543 = tpu.memref_slice %arg9[%dma_wait3A_530, %dma_wait3A_541, %dma_wait3A_542] : memref<4x128x48xf32, #tpu.memory_space<vmem>> -> memref<1x128x48xf32, #tpu.memory_space<vmem>>
        %dma_wait3A_544 = tpu.memref_squeeze %dma_wait3A_543 : memref<1x128x48xf32, #tpu.memory_space<vmem>> -> memref<128x48xf32, #tpu.memory_space<vmem>>
        tpu.wait_dma2 semaphore(%arg19 : memref<!tpu.dma_semaphore, #tpu.memory_space<semaphore_mem>>) src(%dma_wait3A_544 : memref<128x48xf32, #tpu.memory_space<vmem>>) dst(%dma_wait3A_540 : memref<128x48xf32, #tpu.memory_space<hbm>>)
        %dma_wait3A_545 = arith.constant 0 : i32
        %dma_wait3A_546 = arith.constant 0 : i32
        %dma_wait3A_547 = arith.constant 0 : i32
        %dma_wait3A_548 = tpu.memref_slice %arg10[%dma_wait3A_545, %dma_wait3A_546, %dma_wait3A_547] : memref<4x128x16xf32, #tpu.memory_space<vmem>> -> memref<1x128x16xf32, #tpu.memory_space<vmem>>
        %dma_wait3A_549 = tpu.memref_squeeze %dma_wait3A_548 : memref<1x128x16xf32, #tpu.memory_space<vmem>> -> memref<128x16xf32, #tpu.memory_space<vmem>>
        %dma_wait3A_550 = arith.constant 0 : i32
        %dma_wait3A_551 = arith.constant 48 : i32
        %dma_wait3A_552 = tpu.memref_slice %arg6[%dma_wait3A_550, %dma_wait3A_551] : memref<81920x128xf32, #tpu.memory_space<hbm>> -> memref<128x16xf32, #tpu.memory_space<hbm>>
        %dma_wait3A_553 = arith.constant 0 : i32
        %dma_wait3A_554 = arith.constant 48 : i32
        %dma_wait3A_555 = tpu.memref_slice %arg6[%dma_wait3A_553, %dma_wait3A_554] : memref<81920x128xf32, #tpu.memory_space<hbm>> -> memref<128x16xf32, #tpu.memory_space<hbm>>
        %dma_wait3A_556 = arith.constant 0 : i32
        %dma_wait3A_557 = arith.constant 0 : i32
        %dma_wait3A_558 = tpu.memref_slice %arg10[%dma_wait3A_545, %dma_wait3A_556, %dma_wait3A_557] : memref<4x128x16xf32, #tpu.memory_space<vmem>> -> memref<1x128x16xf32, #tpu.memory_space<vmem>>
        %dma_wait3A_559 = tpu.memref_squeeze %dma_wait3A_558 : memref<1x128x16xf32, #tpu.memory_space<vmem>> -> memref<128x16xf32, #tpu.memory_space<vmem>>
        tpu.wait_dma2 semaphore(%arg23 : memref<!tpu.dma_semaphore, #tpu.memory_space<semaphore_mem>>) src(%dma_wait3A_559 : memref<128x16xf32, #tpu.memory_space<vmem>>) dst(%dma_wait3A_555 : memref<128x16xf32, #tpu.memory_space<hbm>>)
        %add3A_560 = arith.constant 4 : i32
        %add3A_561 = arith.addi %add3A_252, %add3A_560 : i32
        %dma_start3A_562 = arith.constant 0 : i32
        %dma_start3A_563 = arith.constant 0 : i32
        %dma_start3A_564 = arith.constant 0 : i32
        %dma_start3A_565 = tpu.memref_slice %arg9[%dma_start3A_562, %dma_start3A_563, %dma_start3A_564] : memref<4x128x48xf32, #tpu.memory_space<vmem>> -> memref<1x128x48xf32, #tpu.memory_space<vmem>>
        %dma_start3A_566 = tpu.memref_squeeze %dma_start3A_565 : memref<1x128x48xf32, #tpu.memory_space<vmem>> -> memref<128x48xf32, #tpu.memory_space<vmem>>
        %dma_start3A_567 = arith.constant 0 : i32
        %dma_start3A_568 = tpu.memref_slice %arg7[%add3A_561, %dma_start3A_567] : memref<30x128xi32, #tpu.memory_space<vmem>> -> memref<1x128xi32, #tpu.memory_space<vmem>>
        %dma_start3A_569 = tpu.memref_squeeze %dma_start3A_568 : memref<1x128xi32, #tpu.memory_space<vmem>> -> memref<128xi32, #tpu.memory_space<vmem>>
        %dma_start3A_570 = arith.constant 0 : i32
        %dma_start3A_571 = arith.constant 0 : i32
        %dma_start3A_572 = tpu.memref_slice %arg2[%dma_start3A_570, %dma_start3A_571] : memref<10000x48xf32, #tpu.memory_space<hbm>> -> memref<10000x48xf32, #tpu.memory_space<hbm>>
        tpu.enqueue_indirect_dma source(%dma_start3A_572 : memref<10000x48xf32, #tpu.memory_space<hbm>>) target(%dma_start3A_566 : memref<128x48xf32, #tpu.memory_space<vmem>>) offsets(%dma_start3A_569 : memref<128xi32, #tpu.memory_space<vmem>>) semaphore(%arg11 : memref<!tpu.dma_semaphore, #tpu.memory_space<semaphore_mem>>)
        %dma_start3A_573 = arith.constant 0 : i32
        %dma_start3A_574 = arith.constant 0 : i32
        %dma_start3A_575 = arith.constant 0 : i32
        %dma_start3A_576 = tpu.memref_slice %arg10[%dma_start3A_573, %dma_start3A_574, %dma_start3A_575] : memref<4x128x16xf32, #tpu.memory_space<vmem>> -> memref<1x128x16xf32, #tpu.memory_space<vmem>>
        %dma_start3A_577 = tpu.memref_squeeze %dma_start3A_576 : memref<1x128x16xf32, #tpu.memory_space<vmem>> -> memref<128x16xf32, #tpu.memory_space<vmem>>
        %dma_start3A_578 = arith.constant 0 : i32
        %dma_start3A_579 = tpu.memref_slice %arg8[%add3A_561, %dma_start3A_578] : memref<30x128xi32, #tpu.memory_space<vmem>> -> memref<1x128xi32, #tpu.memory_space<vmem>>
        %dma_start3A_580 = tpu.memref_squeeze %dma_start3A_579 : memref<1x128xi32, #tpu.memory_space<vmem>> -> memref<128xi32, #tpu.memory_space<vmem>>
        %dma_start3A_581 = arith.constant 0 : i32
        %dma_start3A_582 = arith.constant 0 : i32
        %dma_start3A_583 = tpu.memref_slice %arg3[%dma_start3A_581, %dma_start3A_582] : memref<10112x16xf32, #tpu.memory_space<hbm>> -> memref<10112x16xf32, #tpu.memory_space<hbm>>
        tpu.enqueue_indirect_dma source(%dma_start3A_583 : memref<10112x16xf32, #tpu.memory_space<hbm>>) target(%dma_start3A_577 : memref<128x16xf32, #tpu.memory_space<vmem>>) offsets(%dma_start3A_580 : memref<128xi32, #tpu.memory_space<vmem>>) semaphore(%arg15 : memref<!tpu.dma_semaphore, #tpu.memory_space<semaphore_mem>>)
      } else {
      }
      %mul3A_317 = arith.constant 4 : i32
      %mul3A_318 = arith.muli %while3A_248, %mul3A_317 : i32
      %add3A_319 = arith.constant 1 : i32
      %add3A_320 = arith.addi %mul3A_318, %add3A_319 : i32
      %add3A_321 = arith.addi %add3A_4, %add3A_320 : i32
      %sub3A_322 = arith.constant 640 : i32
      %sub3A_323 = arith.subi %add3A_321, %sub3A_322 : i32
      %mul3A_324 = arith.constant 128 : i32
      %mul3A_325 = arith.muli %sub3A_323, %mul3A_324 : i32
      %dma_wait3A_326 = arith.constant 1 : i32
      %dma_wait3A_327 = arith.constant 0 : i32
      %dma_wait3A_328 = arith.constant 0 : i32
      %dma_wait3A_329 = tpu.memref_slice %arg9[%dma_wait3A_326, %dma_wait3A_327, %dma_wait3A_328] : memref<4x128x48xf32, #tpu.memory_space<vmem>> -> memref<1x128x48xf32, #tpu.memory_space<vmem>>
      %dma_wait3A_330 = tpu.memref_squeeze %dma_wait3A_329 : memref<1x128x48xf32, #tpu.memory_space<vmem>> -> memref<128x48xf32, #tpu.memory_space<vmem>>
      %dma_wait3A_331 = arith.constant 0 : i32
      %dma_wait3A_332 = arith.constant 0 : i32
      %dma_wait3A_333 = tpu.memref_slice %arg6[%dma_wait3A_331, %dma_wait3A_332] : memref<81920x128xf32, #tpu.memory_space<hbm>> -> memref<128x48xf32, #tpu.memory_space<hbm>>
      %dma_wait3A_334 = arith.constant 0 : i32
      %dma_wait3A_335 = arith.constant 0 : i32
      %dma_wait3A_336 = tpu.memref_slice %arg9[%dma_wait3A_326, %dma_wait3A_334, %dma_wait3A_335] : memref<4x128x48xf32, #tpu.memory_space<vmem>> -> memref<1x128x48xf32, #tpu.memory_space<vmem>>
      %dma_wait3A_337 = tpu.memref_squeeze %dma_wait3A_336 : memref<1x128x48xf32, #tpu.memory_space<vmem>> -> memref<128x48xf32, #tpu.memory_space<vmem>>
      %dma_wait3A_338 = arith.constant 0 : i32
      %dma_wait3A_339 = arith.constant 0 : i32
      %dma_wait3A_340 = tpu.memref_slice %arg6[%dma_wait3A_338, %dma_wait3A_339] : memref<81920x128xf32, #tpu.memory_space<hbm>> -> memref<128x48xf32, #tpu.memory_space<hbm>>
      tpu.wait_dma2 semaphore(%arg12 : memref<!tpu.dma_semaphore, #tpu.memory_space<semaphore_mem>>) src(%dma_wait3A_340 : memref<128x48xf32, #tpu.memory_space<hbm>>) dst(%dma_wait3A_337 : memref<128x48xf32, #tpu.memory_space<vmem>>)
      %dma_wait3A_341 = arith.constant 1 : i32
      %dma_wait3A_342 = arith.constant 0 : i32
      %dma_wait3A_343 = arith.constant 0 : i32
      %dma_wait3A_344 = tpu.memref_slice %arg10[%dma_wait3A_341, %dma_wait3A_342, %dma_wait3A_343] : memref<4x128x16xf32, #tpu.memory_space<vmem>> -> memref<1x128x16xf32, #tpu.memory_space<vmem>>
      %dma_wait3A_345 = tpu.memref_squeeze %dma_wait3A_344 : memref<1x128x16xf32, #tpu.memory_space<vmem>> -> memref<128x16xf32, #tpu.memory_space<vmem>>
      %dma_wait3A_346 = arith.constant 0 : i32
      %dma_wait3A_347 = arith.constant 0 : i32
      %dma_wait3A_348 = tpu.memref_slice %arg6[%dma_wait3A_346, %dma_wait3A_347] : memref<81920x128xf32, #tpu.memory_space<hbm>> -> memref<128x16xf32, #tpu.memory_space<hbm>>
      %dma_wait3A_349 = arith.constant 0 : i32
      %dma_wait3A_350 = arith.constant 0 : i32
      %dma_wait3A_351 = tpu.memref_slice %arg10[%dma_wait3A_341, %dma_wait3A_349, %dma_wait3A_350] : memref<4x128x16xf32, #tpu.memory_space<vmem>> -> memref<1x128x16xf32, #tpu.memory_space<vmem>>
      %dma_wait3A_352 = tpu.memref_squeeze %dma_wait3A_351 : memref<1x128x16xf32, #tpu.memory_space<vmem>> -> memref<128x16xf32, #tpu.memory_space<vmem>>
      %dma_wait3A_353 = arith.constant 0 : i32
      %dma_wait3A_354 = arith.constant 0 : i32
      %dma_wait3A_355 = tpu.memref_slice %arg6[%dma_wait3A_353, %dma_wait3A_354] : memref<81920x128xf32, #tpu.memory_space<hbm>> -> memref<128x16xf32, #tpu.memory_space<hbm>>
      tpu.wait_dma2 semaphore(%arg16 : memref<!tpu.dma_semaphore, #tpu.memory_space<semaphore_mem>>) src(%dma_wait3A_355 : memref<128x16xf32, #tpu.memory_space<hbm>>) dst(%dma_wait3A_352 : memref<128x16xf32, #tpu.memory_space<vmem>>)
      %dma_start3A_356 = arith.constant 1 : i32
      %dma_start3A_357 = arith.constant 0 : i32
      %dma_start3A_358 = arith.constant 0 : i32
      %dma_start3A_359 = tpu.memref_slice %arg9[%dma_start3A_356, %dma_start3A_357, %dma_start3A_358] : memref<4x128x48xf32, #tpu.memory_space<vmem>> -> memref<1x128x48xf32, #tpu.memory_space<vmem>>
      %dma_start3A_360 = tpu.memref_squeeze %dma_start3A_359 : memref<1x128x48xf32, #tpu.memory_space<vmem>> -> memref<128x48xf32, #tpu.memory_space<vmem>>
      %dma_start3A_361 = arith.constant 0 : i32
      %dma_start3A_362 = tpu.memref_slice %arg6[%mul3A_325, %dma_start3A_361] : memref<81920x128xf32, #tpu.memory_space<hbm>> -> memref<128x48xf32, #tpu.memory_space<hbm>>
      %dma_start3A_363 = arith.constant 0 : i32
      %dma_start3A_364 = tpu.memref_slice %arg6[%mul3A_325, %dma_start3A_363] : memref<81920x128xf32, #tpu.memory_space<hbm>> -> memref<128x48xf32, #tpu.memory_space<hbm>>
      %dma_start3A_365 = arith.constant 0 : i32
      %dma_start3A_366 = arith.constant 0 : i32
      %dma_start3A_367 = tpu.memref_slice %arg9[%dma_start3A_356, %dma_start3A_365, %dma_start3A_366] : memref<4x128x48xf32, #tpu.memory_space<vmem>> -> memref<1x128x48xf32, #tpu.memory_space<vmem>>
      %dma_start3A_368 = tpu.memref_squeeze %dma_start3A_367 : memref<1x128x48xf32, #tpu.memory_space<vmem>> -> memref<128x48xf32, #tpu.memory_space<vmem>>
      tpu.enqueue_dma source(%dma_start3A_368 : memref<128x48xf32, #tpu.memory_space<vmem>>) target(%dma_start3A_364 : memref<128x48xf32, #tpu.memory_space<hbm>>) target_semaphore(%arg20 : memref<!tpu.dma_semaphore, #tpu.memory_space<semaphore_mem>>)
      %dma_start3A_369 = arith.constant 1 : i32
      %dma_start3A_370 = arith.constant 0 : i32
      %dma_start3A_371 = arith.constant 0 : i32
      %dma_start3A_372 = tpu.memref_slice %arg10[%dma_start3A_369, %dma_start3A_370, %dma_start3A_371] : memref<4x128x16xf32, #tpu.memory_space<vmem>> -> memref<1x128x16xf32, #tpu.memory_space<vmem>>
      %dma_start3A_373 = tpu.memref_squeeze %dma_start3A_372 : memref<1x128x16xf32, #tpu.memory_space<vmem>> -> memref<128x16xf32, #tpu.memory_space<vmem>>
      %dma_start3A_374 = arith.constant 48 : i32
      %dma_start3A_375 = tpu.memref_slice %arg6[%mul3A_325, %dma_start3A_374] : memref<81920x128xf32, #tpu.memory_space<hbm>> -> memref<128x16xf32, #tpu.memory_space<hbm>>
      %dma_start3A_376 = arith.constant 48 : i32
      %dma_start3A_377 = tpu.memref_slice %arg6[%mul3A_325, %dma_start3A_376] : memref<81920x128xf32, #tpu.memory_space<hbm>> -> memref<128x16xf32, #tpu.memory_space<hbm>>
      %dma_start3A_378 = arith.constant 0 : i32
      %dma_start3A_379 = arith.constant 0 : i32
      %dma_start3A_380 = tpu.memref_slice %arg10[%dma_start3A_369, %dma_start3A_378, %dma_start3A_379] : memref<4x128x16xf32, #tpu.memory_space<vmem>> -> memref<1x128x16xf32, #tpu.memory_space<vmem>>
      %dma_start3A_381 = tpu.memref_squeeze %dma_start3A_380 : memref<1x128x16xf32, #tpu.memory_space<vmem>> -> memref<128x16xf32, #tpu.memory_space<vmem>>
      tpu.enqueue_dma source(%dma_start3A_381 : memref<128x16xf32, #tpu.memory_space<vmem>>) target(%dma_start3A_377 : memref<128x16xf32, #tpu.memory_space<hbm>>) target_semaphore(%arg24 : memref<!tpu.dma_semaphore, #tpu.memory_space<semaphore_mem>>)
      %add3A_382 = arith.constant 4 : i32
      %add3A_383 = arith.addi %add3A_320, %add3A_382 : i32
      %lt3A_384 = arith.cmpi slt, %add3A_383, %select_n3A : i32
      %convert_element_type3A_385 = arith.extui %lt3A_384 : i1 to i32
      %cond3A_386 = arith.constant 0 : i32
      %cond3A_387 = arith.cmpi ne, %convert_element_type3A_385, %cond3A_386 : i32
      scf.if %cond3A_387 {
        %dma_wait3A_530 = arith.constant 1 : i32
        %dma_wait3A_531 = arith.constant 0 : i32
        %dma_wait3A_532 = arith.constant 0 : i32
        %dma_wait3A_533 = tpu.memref_slice %arg9[%dma_wait3A_530, %dma_wait3A_531, %dma_wait3A_532] : memref<4x128x48xf32, #tpu.memory_space<vmem>> -> memref<1x128x48xf32, #tpu.memory_space<vmem>>
        %dma_wait3A_534 = tpu.memref_squeeze %dma_wait3A_533 : memref<1x128x48xf32, #tpu.memory_space<vmem>> -> memref<128x48xf32, #tpu.memory_space<vmem>>
        %dma_wait3A_535 = arith.constant 0 : i32
        %dma_wait3A_536 = arith.constant 0 : i32
        %dma_wait3A_537 = tpu.memref_slice %arg6[%dma_wait3A_535, %dma_wait3A_536] : memref<81920x128xf32, #tpu.memory_space<hbm>> -> memref<128x48xf32, #tpu.memory_space<hbm>>
        %dma_wait3A_538 = arith.constant 0 : i32
        %dma_wait3A_539 = arith.constant 0 : i32
        %dma_wait3A_540 = tpu.memref_slice %arg6[%dma_wait3A_538, %dma_wait3A_539] : memref<81920x128xf32, #tpu.memory_space<hbm>> -> memref<128x48xf32, #tpu.memory_space<hbm>>
        %dma_wait3A_541 = arith.constant 0 : i32
        %dma_wait3A_542 = arith.constant 0 : i32
        %dma_wait3A_543 = tpu.memref_slice %arg9[%dma_wait3A_530, %dma_wait3A_541, %dma_wait3A_542] : memref<4x128x48xf32, #tpu.memory_space<vmem>> -> memref<1x128x48xf32, #tpu.memory_space<vmem>>
        %dma_wait3A_544 = tpu.memref_squeeze %dma_wait3A_543 : memref<1x128x48xf32, #tpu.memory_space<vmem>> -> memref<128x48xf32, #tpu.memory_space<vmem>>
        tpu.wait_dma2 semaphore(%arg20 : memref<!tpu.dma_semaphore, #tpu.memory_space<semaphore_mem>>) src(%dma_wait3A_544 : memref<128x48xf32, #tpu.memory_space<vmem>>) dst(%dma_wait3A_540 : memref<128x48xf32, #tpu.memory_space<hbm>>)
        %dma_wait3A_545 = arith.constant 1 : i32
        %dma_wait3A_546 = arith.constant 0 : i32
        %dma_wait3A_547 = arith.constant 0 : i32
        %dma_wait3A_548 = tpu.memref_slice %arg10[%dma_wait3A_545, %dma_wait3A_546, %dma_wait3A_547] : memref<4x128x16xf32, #tpu.memory_space<vmem>> -> memref<1x128x16xf32, #tpu.memory_space<vmem>>
        %dma_wait3A_549 = tpu.memref_squeeze %dma_wait3A_548 : memref<1x128x16xf32, #tpu.memory_space<vmem>> -> memref<128x16xf32, #tpu.memory_space<vmem>>
        %dma_wait3A_550 = arith.constant 0 : i32
        %dma_wait3A_551 = arith.constant 48 : i32
        %dma_wait3A_552 = tpu.memref_slice %arg6[%dma_wait3A_550, %dma_wait3A_551] : memref<81920x128xf32, #tpu.memory_space<hbm>> -> memref<128x16xf32, #tpu.memory_space<hbm>>
        %dma_wait3A_553 = arith.constant 0 : i32
        %dma_wait3A_554 = arith.constant 48 : i32
        %dma_wait3A_555 = tpu.memref_slice %arg6[%dma_wait3A_553, %dma_wait3A_554] : memref<81920x128xf32, #tpu.memory_space<hbm>> -> memref<128x16xf32, #tpu.memory_space<hbm>>
        %dma_wait3A_556 = arith.constant 0 : i32
        %dma_wait3A_557 = arith.constant 0 : i32
        %dma_wait3A_558 = tpu.memref_slice %arg10[%dma_wait3A_545, %dma_wait3A_556, %dma_wait3A_557] : memref<4x128x16xf32, #tpu.memory_space<vmem>> -> memref<1x128x16xf32, #tpu.memory_space<vmem>>
        %dma_wait3A_559 = tpu.memref_squeeze %dma_wait3A_558 : memref<1x128x16xf32, #tpu.memory_space<vmem>> -> memref<128x16xf32, #tpu.memory_space<vmem>>
        tpu.wait_dma2 semaphore(%arg24 : memref<!tpu.dma_semaphore, #tpu.memory_space<semaphore_mem>>) src(%dma_wait3A_559 : memref<128x16xf32, #tpu.memory_space<vmem>>) dst(%dma_wait3A_555 : memref<128x16xf32, #tpu.memory_space<hbm>>)
        %add3A_560 = arith.constant 4 : i32
        %add3A_561 = arith.addi %add3A_320, %add3A_560 : i32
        %dma_start3A_562 = arith.constant 1 : i32
        %dma_start3A_563 = arith.constant 0 : i32
        %dma_start3A_564 = arith.constant 0 : i32
        %dma_start3A_565 = tpu.memref_slice %arg9[%dma_start3A_562, %dma_start3A_563, %dma_start3A_564] : memref<4x128x48xf32, #tpu.memory_space<vmem>> -> memref<1x128x48xf32, #tpu.memory_space<vmem>>
        %dma_start3A_566 = tpu.memref_squeeze %dma_start3A_565 : memref<1x128x48xf32, #tpu.memory_space<vmem>> -> memref<128x48xf32, #tpu.memory_space<vmem>>
        %dma_start3A_567 = arith.constant 0 : i32
        %dma_start3A_568 = tpu.memref_slice %arg7[%add3A_561, %dma_start3A_567] : memref<30x128xi32, #tpu.memory_space<vmem>> -> memref<1x128xi32, #tpu.memory_space<vmem>>
        %dma_start3A_569 = tpu.memref_squeeze %dma_start3A_568 : memref<1x128xi32, #tpu.memory_space<vmem>> -> memref<128xi32, #tpu.memory_space<vmem>>
        %dma_start3A_570 = arith.constant 0 : i32
        %dma_start3A_571 = arith.constant 0 : i32
        %dma_start3A_572 = tpu.memref_slice %arg2[%dma_start3A_570, %dma_start3A_571] : memref<10000x48xf32, #tpu.memory_space<hbm>> -> memref<10000x48xf32, #tpu.memory_space<hbm>>
        tpu.enqueue_indirect_dma source(%dma_start3A_572 : memref<10000x48xf32, #tpu.memory_space<hbm>>) target(%dma_start3A_566 : memref<128x48xf32, #tpu.memory_space<vmem>>) offsets(%dma_start3A_569 : memref<128xi32, #tpu.memory_space<vmem>>) semaphore(%arg12 : memref<!tpu.dma_semaphore, #tpu.memory_space<semaphore_mem>>)
        %dma_start3A_573 = arith.constant 1 : i32
        %dma_start3A_574 = arith.constant 0 : i32
        %dma_start3A_575 = arith.constant 0 : i32
        %dma_start3A_576 = tpu.memref_slice %arg10[%dma_start3A_573, %dma_start3A_574, %dma_start3A_575] : memref<4x128x16xf32, #tpu.memory_space<vmem>> -> memref<1x128x16xf32, #tpu.memory_space<vmem>>
        %dma_start3A_577 = tpu.memref_squeeze %dma_start3A_576 : memref<1x128x16xf32, #tpu.memory_space<vmem>> -> memref<128x16xf32, #tpu.memory_space<vmem>>
        %dma_start3A_578 = arith.constant 0 : i32
        %dma_start3A_579 = tpu.memref_slice %arg8[%add3A_561, %dma_start3A_578] : memref<30x128xi32, #tpu.memory_space<vmem>> -> memref<1x128xi32, #tpu.memory_space<vmem>>
        %dma_start3A_580 = tpu.memref_squeeze %dma_start3A_579 : memref<1x128xi32, #tpu.memory_space<vmem>> -> memref<128xi32, #tpu.memory_space<vmem>>
        %dma_start3A_581 = arith.constant 0 : i32
        %dma_start3A_582 = arith.constant 0 : i32
        %dma_start3A_583 = tpu.memref_slice %arg3[%dma_start3A_581, %dma_start3A_582] : memref<10112x16xf32, #tpu.memory_space<hbm>> -> memref<10112x16xf32, #tpu.memory_space<hbm>>
        tpu.enqueue_indirect_dma source(%dma_start3A_583 : memref<10112x16xf32, #tpu.memory_space<hbm>>) target(%dma_start3A_577 : memref<128x16xf32, #tpu.memory_space<vmem>>) offsets(%dma_start3A_580 : memref<128xi32, #tpu.memory_space<vmem>>) semaphore(%arg16 : memref<!tpu.dma_semaphore, #tpu.memory_space<semaphore_mem>>)
      } else {
      }
      %mul3A_388 = arith.constant 4 : i32
      %mul3A_389 = arith.muli %while3A_248, %mul3A_388 : i32
      %add3A_390 = arith.constant 2 : i32
      %add3A_391 = arith.addi %mul3A_389, %add3A_390 : i32
      %add3A_392 = arith.addi %add3A_4, %add3A_391 : i32
      %sub3A_393 = arith.constant 640 : i32
      %sub3A_394 = arith.subi %add3A_392, %sub3A_393 : i32
      %mul3A_395 = arith.constant 128 : i32
      %mul3A_396 = arith.muli %sub3A_394, %mul3A_395 : i32
      %dma_wait3A_397 = arith.constant 2 : i32
      %dma_wait3A_398 = arith.constant 0 : i32
      %dma_wait3A_399 = arith.constant 0 : i32
      %dma_wait3A_400 = tpu.memref_slice %arg9[%dma_wait3A_397, %dma_wait3A_398, %dma_wait3A_399] : memref<4x128x48xf32, #tpu.memory_space<vmem>> -> memref<1x128x48xf32, #tpu.memory_space<vmem>>
      %dma_wait3A_401 = tpu.memref_squeeze %dma_wait3A_400 : memref<1x128x48xf32, #tpu.memory_space<vmem>> -> memref<128x48xf32, #tpu.memory_space<vmem>>
      %dma_wait3A_402 = arith.constant 0 : i32
      %dma_wait3A_403 = arith.constant 0 : i32
      %dma_wait3A_404 = tpu.memref_slice %arg6[%dma_wait3A_402, %dma_wait3A_403] : memref<81920x128xf32, #tpu.memory_space<hbm>> -> memref<128x48xf32, #tpu.memory_space<hbm>>
      %dma_wait3A_405 = arith.constant 0 : i32
      %dma_wait3A_406 = arith.constant 0 : i32
      %dma_wait3A_407 = tpu.memref_slice %arg9[%dma_wait3A_397, %dma_wait3A_405, %dma_wait3A_406] : memref<4x128x48xf32, #tpu.memory_space<vmem>> -> memref<1x128x48xf32, #tpu.memory_space<vmem>>
      %dma_wait3A_408 = tpu.memref_squeeze %dma_wait3A_407 : memref<1x128x48xf32, #tpu.memory_space<vmem>> -> memref<128x48xf32, #tpu.memory_space<vmem>>
      %dma_wait3A_409 = arith.constant 0 : i32
      %dma_wait3A_410 = arith.constant 0 : i32
      %dma_wait3A_411 = tpu.memref_slice %arg6[%dma_wait3A_409, %dma_wait3A_410] : memref<81920x128xf32, #tpu.memory_space<hbm>> -> memref<128x48xf32, #tpu.memory_space<hbm>>
      tpu.wait_dma2 semaphore(%arg13 : memref<!tpu.dma_semaphore, #tpu.memory_space<semaphore_mem>>) src(%dma_wait3A_411 : memref<128x48xf32, #tpu.memory_space<hbm>>) dst(%dma_wait3A_408 : memref<128x48xf32, #tpu.memory_space<vmem>>)
      %dma_wait3A_412 = arith.constant 2 : i32
      %dma_wait3A_413 = arith.constant 0 : i32
      %dma_wait3A_414 = arith.constant 0 : i32
      %dma_wait3A_415 = tpu.memref_slice %arg10[%dma_wait3A_412, %dma_wait3A_413, %dma_wait3A_414] : memref<4x128x16xf32, #tpu.memory_space<vmem>> -> memref<1x128x16xf32, #tpu.memory_space<vmem>>
      %dma_wait3A_416 = tpu.memref_squeeze %dma_wait3A_415 : memref<1x128x16xf32, #tpu.memory_space<vmem>> -> memref<128x16xf32, #tpu.memory_space<vmem>>
      %dma_wait3A_417 = arith.constant 0 : i32
      %dma_wait3A_418 = arith.constant 0 : i32
      %dma_wait3A_419 = tpu.memref_slice %arg6[%dma_wait3A_417, %dma_wait3A_418] : memref<81920x128xf32, #tpu.memory_space<hbm>> -> memref<128x16xf32, #tpu.memory_space<hbm>>
      %dma_wait3A_420 = arith.constant 0 : i32
      %dma_wait3A_421 = arith.constant 0 : i32
      %dma_wait3A_422 = tpu.memref_slice %arg10[%dma_wait3A_412, %dma_wait3A_420, %dma_wait3A_421] : memref<4x128x16xf32, #tpu.memory_space<vmem>> -> memref<1x128x16xf32, #tpu.memory_space<vmem>>
      %dma_wait3A_423 = tpu.memref_squeeze %dma_wait3A_422 : memref<1x128x16xf32, #tpu.memory_space<vmem>> -> memref<128x16xf32, #tpu.memory_space<vmem>>
      %dma_wait3A_424 = arith.constant 0 : i32
      %dma_wait3A_425 = arith.constant 0 : i32
      %dma_wait3A_426 = tpu.memref_slice %arg6[%dma_wait3A_424, %dma_wait3A_425] : memref<81920x128xf32, #tpu.memory_space<hbm>> -> memref<128x16xf32, #tpu.memory_space<hbm>>
      tpu.wait_dma2 semaphore(%arg17 : memref<!tpu.dma_semaphore, #tpu.memory_space<semaphore_mem>>) src(%dma_wait3A_426 : memref<128x16xf32, #tpu.memory_space<hbm>>) dst(%dma_wait3A_423 : memref<128x16xf32, #tpu.memory_space<vmem>>)
      %dma_start3A_427 = arith.constant 2 : i32
      %dma_start3A_428 = arith.constant 0 : i32
      %dma_start3A_429 = arith.constant 0 : i32
      %dma_start3A_430 = tpu.memref_slice %arg9[%dma_start3A_427, %dma_start3A_428, %dma_start3A_429] : memref<4x128x48xf32, #tpu.memory_space<vmem>> -> memref<1x128x48xf32, #tpu.memory_space<vmem>>
      %dma_start3A_431 = tpu.memref_squeeze %dma_start3A_430 : memref<1x128x48xf32, #tpu.memory_space<vmem>> -> memref<128x48xf32, #tpu.memory_space<vmem>>
      %dma_start3A_432 = arith.constant 0 : i32
      %dma_start3A_433 = tpu.memref_slice %arg6[%mul3A_396, %dma_start3A_432] : memref<81920x128xf32, #tpu.memory_space<hbm>> -> memref<128x48xf32, #tpu.memory_space<hbm>>
      %dma_start3A_434 = arith.constant 0 : i32
      %dma_start3A_435 = tpu.memref_slice %arg6[%mul3A_396, %dma_start3A_434] : memref<81920x128xf32, #tpu.memory_space<hbm>> -> memref<128x48xf32, #tpu.memory_space<hbm>>
      %dma_start3A_436 = arith.constant 0 : i32
      %dma_start3A_437 = arith.constant 0 : i32
      %dma_start3A_438 = tpu.memref_slice %arg9[%dma_start3A_427, %dma_start3A_436, %dma_start3A_437] : memref<4x128x48xf32, #tpu.memory_space<vmem>> -> memref<1x128x48xf32, #tpu.memory_space<vmem>>
      %dma_start3A_439 = tpu.memref_squeeze %dma_start3A_438 : memref<1x128x48xf32, #tpu.memory_space<vmem>> -> memref<128x48xf32, #tpu.memory_space<vmem>>
      tpu.enqueue_dma source(%dma_start3A_439 : memref<128x48xf32, #tpu.memory_space<vmem>>) target(%dma_start3A_435 : memref<128x48xf32, #tpu.memory_space<hbm>>) target_semaphore(%arg21 : memref<!tpu.dma_semaphore, #tpu.memory_space<semaphore_mem>>)
      %dma_start3A_440 = arith.constant 2 : i32
      %dma_start3A_441 = arith.constant 0 : i32
      %dma_start3A_442 = arith.constant 0 : i32
      %dma_start3A_443 = tpu.memref_slice %arg10[%dma_start3A_440, %dma_start3A_441, %dma_start3A_442] : memref<4x128x16xf32, #tpu.memory_space<vmem>> -> memref<1x128x16xf32, #tpu.memory_space<vmem>>
      %dma_start3A_444 = tpu.memref_squeeze %dma_start3A_443 : memref<1x128x16xf32, #tpu.memory_space<vmem>> -> memref<128x16xf32, #tpu.memory_space<vmem>>
      %dma_start3A_445 = arith.constant 48 : i32
      %dma_start3A_446 = tpu.memref_slice %arg6[%mul3A_396, %dma_start3A_445] : memref<81920x128xf32, #tpu.memory_space<hbm>> -> memref<128x16xf32, #tpu.memory_space<hbm>>
      %dma_start3A_447 = arith.constant 48 : i32
      %dma_start3A_448 = tpu.memref_slice %arg6[%mul3A_396, %dma_start3A_447] : memref<81920x128xf32, #tpu.memory_space<hbm>> -> memref<128x16xf32, #tpu.memory_space<hbm>>
      %dma_start3A_449 = arith.constant 0 : i32
      %dma_start3A_450 = arith.constant 0 : i32
      %dma_start3A_451 = tpu.memref_slice %arg10[%dma_start3A_440, %dma_start3A_449, %dma_start3A_450] : memref<4x128x16xf32, #tpu.memory_space<vmem>> -> memref<1x128x16xf32, #tpu.memory_space<vmem>>
      %dma_start3A_452 = tpu.memref_squeeze %dma_start3A_451 : memref<1x128x16xf32, #tpu.memory_space<vmem>> -> memref<128x16xf32, #tpu.memory_space<vmem>>
      tpu.enqueue_dma source(%dma_start3A_452 : memref<128x16xf32, #tpu.memory_space<vmem>>) target(%dma_start3A_448 : memref<128x16xf32, #tpu.memory_space<hbm>>) target_semaphore(%arg25 : memref<!tpu.dma_semaphore, #tpu.memory_space<semaphore_mem>>)
      %add3A_453 = arith.constant 4 : i32
      %add3A_454 = arith.addi %add3A_391, %add3A_453 : i32
      %lt3A_455 = arith.cmpi slt, %add3A_454, %select_n3A : i32
      %convert_element_type3A_456 = arith.extui %lt3A_455 : i1 to i32
      %cond3A_457 = arith.constant 0 : i32
      %cond3A_458 = arith.cmpi ne, %convert_element_type3A_456, %cond3A_457 : i32
      scf.if %cond3A_458 {
        %dma_wait3A_530 = arith.constant 2 : i32
        %dma_wait3A_531 = arith.constant 0 : i32
        %dma_wait3A_532 = arith.constant 0 : i32
        %dma_wait3A_533 = tpu.memref_slice %arg9[%dma_wait3A_530, %dma_wait3A_531, %dma_wait3A_532] : memref<4x128x48xf32, #tpu.memory_space<vmem>> -> memref<1x128x48xf32, #tpu.memory_space<vmem>>
        %dma_wait3A_534 = tpu.memref_squeeze %dma_wait3A_533 : memref<1x128x48xf32, #tpu.memory_space<vmem>> -> memref<128x48xf32, #tpu.memory_space<vmem>>
        %dma_wait3A_535 = arith.constant 0 : i32
        %dma_wait3A_536 = arith.constant 0 : i32
        %dma_wait3A_537 = tpu.memref_slice %arg6[%dma_wait3A_535, %dma_wait3A_536] : memref<81920x128xf32, #tpu.memory_space<hbm>> -> memref<128x48xf32, #tpu.memory_space<hbm>>
        %dma_wait3A_538 = arith.constant 0 : i32
        %dma_wait3A_539 = arith.constant 0 : i32
        %dma_wait3A_540 = tpu.memref_slice %arg6[%dma_wait3A_538, %dma_wait3A_539] : memref<81920x128xf32, #tpu.memory_space<hbm>> -> memref<128x48xf32, #tpu.memory_space<hbm>>
        %dma_wait3A_541 = arith.constant 0 : i32
        %dma_wait3A_542 = arith.constant 0 : i32
        %dma_wait3A_543 = tpu.memref_slice %arg9[%dma_wait3A_530, %dma_wait3A_541, %dma_wait3A_542] : memref<4x128x48xf32, #tpu.memory_space<vmem>> -> memref<1x128x48xf32, #tpu.memory_space<vmem>>
        %dma_wait3A_544 = tpu.memref_squeeze %dma_wait3A_543 : memref<1x128x48xf32, #tpu.memory_space<vmem>> -> memref<128x48xf32, #tpu.memory_space<vmem>>
        tpu.wait_dma2 semaphore(%arg21 : memref<!tpu.dma_semaphore, #tpu.memory_space<semaphore_mem>>) src(%dma_wait3A_544 : memref<128x48xf32, #tpu.memory_space<vmem>>) dst(%dma_wait3A_540 : memref<128x48xf32, #tpu.memory_space<hbm>>)
        %dma_wait3A_545 = arith.constant 2 : i32
        %dma_wait3A_546 = arith.constant 0 : i32
        %dma_wait3A_547 = arith.constant 0 : i32
        %dma_wait3A_548 = tpu.memref_slice %arg10[%dma_wait3A_545, %dma_wait3A_546, %dma_wait3A_547] : memref<4x128x16xf32, #tpu.memory_space<vmem>> -> memref<1x128x16xf32, #tpu.memory_space<vmem>>
        %dma_wait3A_549 = tpu.memref_squeeze %dma_wait3A_548 : memref<1x128x16xf32, #tpu.memory_space<vmem>> -> memref<128x16xf32, #tpu.memory_space<vmem>>
        %dma_wait3A_550 = arith.constant 0 : i32
        %dma_wait3A_551 = arith.constant 48 : i32
        %dma_wait3A_552 = tpu.memref_slice %arg6[%dma_wait3A_550, %dma_wait3A_551] : memref<81920x128xf32, #tpu.memory_space<hbm>> -> memref<128x16xf32, #tpu.memory_space<hbm>>
        %dma_wait3A_553 = arith.constant 0 : i32
        %dma_wait3A_554 = arith.constant 48 : i32
        %dma_wait3A_555 = tpu.memref_slice %arg6[%dma_wait3A_553, %dma_wait3A_554] : memref<81920x128xf32, #tpu.memory_space<hbm>> -> memref<128x16xf32, #tpu.memory_space<hbm>>
        %dma_wait3A_556 = arith.constant 0 : i32
        %dma_wait3A_557 = arith.constant 0 : i32
        %dma_wait3A_558 = tpu.memref_slice %arg10[%dma_wait3A_545, %dma_wait3A_556, %dma_wait3A_557] : memref<4x128x16xf32, #tpu.memory_space<vmem>> -> memref<1x128x16xf32, #tpu.memory_space<vmem>>
        %dma_wait3A_559 = tpu.memref_squeeze %dma_wait3A_558 : memref<1x128x16xf32, #tpu.memory_space<vmem>> -> memref<128x16xf32, #tpu.memory_space<vmem>>
        tpu.wait_dma2 semaphore(%arg25 : memref<!tpu.dma_semaphore, #tpu.memory_space<semaphore_mem>>) src(%dma_wait3A_559 : memref<128x16xf32, #tpu.memory_space<vmem>>) dst(%dma_wait3A_555 : memref<128x16xf32, #tpu.memory_space<hbm>>)
        %add3A_560 = arith.constant 4 : i32
        %add3A_561 = arith.addi %add3A_391, %add3A_560 : i32
        %dma_start3A_562 = arith.constant 2 : i32
        %dma_start3A_563 = arith.constant 0 : i32
        %dma_start3A_564 = arith.constant 0 : i32
        %dma_start3A_565 = tpu.memref_slice %arg9[%dma_start3A_562, %dma_start3A_563, %dma_start3A_564] : memref<4x128x48xf32, #tpu.memory_space<vmem>> -> memref<1x128x48xf32, #tpu.memory_space<vmem>>
        %dma_start3A_566 = tpu.memref_squeeze %dma_start3A_565 : memref<1x128x48xf32, #tpu.memory_space<vmem>> -> memref<128x48xf32, #tpu.memory_space<vmem>>
        %dma_start3A_567 = arith.constant 0 : i32
        %dma_start3A_568 = tpu.memref_slice %arg7[%add3A_561, %dma_start3A_567] : memref<30x128xi32, #tpu.memory_space<vmem>> -> memref<1x128xi32, #tpu.memory_space<vmem>>
        %dma_start3A_569 = tpu.memref_squeeze %dma_start3A_568 : memref<1x128xi32, #tpu.memory_space<vmem>> -> memref<128xi32, #tpu.memory_space<vmem>>
        %dma_start3A_570 = arith.constant 0 : i32
        %dma_start3A_571 = arith.constant 0 : i32
        %dma_start3A_572 = tpu.memref_slice %arg2[%dma_start3A_570, %dma_start3A_571] : memref<10000x48xf32, #tpu.memory_space<hbm>> -> memref<10000x48xf32, #tpu.memory_space<hbm>>
        tpu.enqueue_indirect_dma source(%dma_start3A_572 : memref<10000x48xf32, #tpu.memory_space<hbm>>) target(%dma_start3A_566 : memref<128x48xf32, #tpu.memory_space<vmem>>) offsets(%dma_start3A_569 : memref<128xi32, #tpu.memory_space<vmem>>) semaphore(%arg13 : memref<!tpu.dma_semaphore, #tpu.memory_space<semaphore_mem>>)
        %dma_start3A_573 = arith.constant 2 : i32
        %dma_start3A_574 = arith.constant 0 : i32
        %dma_start3A_575 = arith.constant 0 : i32
        %dma_start3A_576 = tpu.memref_slice %arg10[%dma_start3A_573, %dma_start3A_574, %dma_start3A_575] : memref<4x128x16xf32, #tpu.memory_space<vmem>> -> memref<1x128x16xf32, #tpu.memory_space<vmem>>
        %dma_start3A_577 = tpu.memref_squeeze %dma_start3A_576 : memref<1x128x16xf32, #tpu.memory_space<vmem>> -> memref<128x16xf32, #tpu.memory_space<vmem>>
        %dma_start3A_578 = arith.constant 0 : i32
        %dma_start3A_579 = tpu.memref_slice %arg8[%add3A_561, %dma_start3A_578] : memref<30x128xi32, #tpu.memory_space<vmem>> -> memref<1x128xi32, #tpu.memory_space<vmem>>
        %dma_start3A_580 = tpu.memref_squeeze %dma_start3A_579 : memref<1x128xi32, #tpu.memory_space<vmem>> -> memref<128xi32, #tpu.memory_space<vmem>>
        %dma_start3A_581 = arith.constant 0 : i32
        %dma_start3A_582 = arith.constant 0 : i32
        %dma_start3A_583 = tpu.memref_slice %arg3[%dma_start3A_581, %dma_start3A_582] : memref<10112x16xf32, #tpu.memory_space<hbm>> -> memref<10112x16xf32, #tpu.memory_space<hbm>>
        tpu.enqueue_indirect_dma source(%dma_start3A_583 : memref<10112x16xf32, #tpu.memory_space<hbm>>) target(%dma_start3A_577 : memref<128x16xf32, #tpu.memory_space<vmem>>) offsets(%dma_start3A_580 : memref<128xi32, #tpu.memory_space<vmem>>) semaphore(%arg17 : memref<!tpu.dma_semaphore, #tpu.memory_space<semaphore_mem>>)
      } else {
      }
      %mul3A_459 = arith.constant 4 : i32
      %mul3A_460 = arith.muli %while3A_248, %mul3A_459 : i32
      %add3A_461 = arith.constant 3 : i32
      %add3A_462 = arith.addi %mul3A_460, %add3A_461 : i32
      %add3A_463 = arith.addi %add3A_4, %add3A_462 : i32
      %sub3A_464 = arith.constant 640 : i32
      %sub3A_465 = arith.subi %add3A_463, %sub3A_464 : i32
      %mul3A_466 = arith.constant 128 : i32
      %mul3A_467 = arith.muli %sub3A_465, %mul3A_466 : i32
      %dma_wait3A_468 = arith.constant 3 : i32
      %dma_wait3A_469 = arith.constant 0 : i32
      %dma_wait3A_470 = arith.constant 0 : i32
      %dma_wait3A_471 = tpu.memref_slice %arg9[%dma_wait3A_468, %dma_wait3A_469, %dma_wait3A_470] : memref<4x128x48xf32, #tpu.memory_space<vmem>> -> memref<1x128x48xf32, #tpu.memory_space<vmem>>
      %dma_wait3A_472 = tpu.memref_squeeze %dma_wait3A_471 : memref<1x128x48xf32, #tpu.memory_space<vmem>> -> memref<128x48xf32, #tpu.memory_space<vmem>>
      %dma_wait3A_473 = arith.constant 0 : i32
      %dma_wait3A_474 = arith.constant 0 : i32
      %dma_wait3A_475 = tpu.memref_slice %arg6[%dma_wait3A_473, %dma_wait3A_474] : memref<81920x128xf32, #tpu.memory_space<hbm>> -> memref<128x48xf32, #tpu.memory_space<hbm>>
      %dma_wait3A_476 = arith.constant 0 : i32
      %dma_wait3A_477 = arith.constant 0 : i32
      %dma_wait3A_478 = tpu.memref_slice %arg9[%dma_wait3A_468, %dma_wait3A_476, %dma_wait3A_477] : memref<4x128x48xf32, #tpu.memory_space<vmem>> -> memref<1x128x48xf32, #tpu.memory_space<vmem>>
      %dma_wait3A_479 = tpu.memref_squeeze %dma_wait3A_478 : memref<1x128x48xf32, #tpu.memory_space<vmem>> -> memref<128x48xf32, #tpu.memory_space<vmem>>
      %dma_wait3A_480 = arith.constant 0 : i32
      %dma_wait3A_481 = arith.constant 0 : i32
      %dma_wait3A_482 = tpu.memref_slice %arg6[%dma_wait3A_480, %dma_wait3A_481] : memref<81920x128xf32, #tpu.memory_space<hbm>> -> memref<128x48xf32, #tpu.memory_space<hbm>>
      tpu.wait_dma2 semaphore(%arg14 : memref<!tpu.dma_semaphore, #tpu.memory_space<semaphore_mem>>) src(%dma_wait3A_482 : memref<128x48xf32, #tpu.memory_space<hbm>>) dst(%dma_wait3A_479 : memref<128x48xf32, #tpu.memory_space<vmem>>)
      %dma_wait3A_483 = arith.constant 3 : i32
      %dma_wait3A_484 = arith.constant 0 : i32
      %dma_wait3A_485 = arith.constant 0 : i32
      %dma_wait3A_486 = tpu.memref_slice %arg10[%dma_wait3A_483, %dma_wait3A_484, %dma_wait3A_485] : memref<4x128x16xf32, #tpu.memory_space<vmem>> -> memref<1x128x16xf32, #tpu.memory_space<vmem>>
      %dma_wait3A_487 = tpu.memref_squeeze %dma_wait3A_486 : memref<1x128x16xf32, #tpu.memory_space<vmem>> -> memref<128x16xf32, #tpu.memory_space<vmem>>
      %dma_wait3A_488 = arith.constant 0 : i32
      %dma_wait3A_489 = arith.constant 0 : i32
      %dma_wait3A_490 = tpu.memref_slice %arg6[%dma_wait3A_488, %dma_wait3A_489] : memref<81920x128xf32, #tpu.memory_space<hbm>> -> memref<128x16xf32, #tpu.memory_space<hbm>>
      %dma_wait3A_491 = arith.constant 0 : i32
      %dma_wait3A_492 = arith.constant 0 : i32
      %dma_wait3A_493 = tpu.memref_slice %arg10[%dma_wait3A_483, %dma_wait3A_491, %dma_wait3A_492] : memref<4x128x16xf32, #tpu.memory_space<vmem>> -> memref<1x128x16xf32, #tpu.memory_space<vmem>>
      %dma_wait3A_494 = tpu.memref_squeeze %dma_wait3A_493 : memref<1x128x16xf32, #tpu.memory_space<vmem>> -> memref<128x16xf32, #tpu.memory_space<vmem>>
      %dma_wait3A_495 = arith.constant 0 : i32
      %dma_wait3A_496 = arith.constant 0 : i32
      %dma_wait3A_497 = tpu.memref_slice %arg6[%dma_wait3A_495, %dma_wait3A_496] : memref<81920x128xf32, #tpu.memory_space<hbm>> -> memref<128x16xf32, #tpu.memory_space<hbm>>
      tpu.wait_dma2 semaphore(%arg18 : memref<!tpu.dma_semaphore, #tpu.memory_space<semaphore_mem>>) src(%dma_wait3A_497 : memref<128x16xf32, #tpu.memory_space<hbm>>) dst(%dma_wait3A_494 : memref<128x16xf32, #tpu.memory_space<vmem>>)
      %dma_start3A_498 = arith.constant 3 : i32
      %dma_start3A_499 = arith.constant 0 : i32
      %dma_start3A_500 = arith.constant 0 : i32
      %dma_start3A_501 = tpu.memref_slice %arg9[%dma_start3A_498, %dma_start3A_499, %dma_start3A_500] : memref<4x128x48xf32, #tpu.memory_space<vmem>> -> memref<1x128x48xf32, #tpu.memory_space<vmem>>
      %dma_start3A_502 = tpu.memref_squeeze %dma_start3A_501 : memref<1x128x48xf32, #tpu.memory_space<vmem>> -> memref<128x48xf32, #tpu.memory_space<vmem>>
      %dma_start3A_503 = arith.constant 0 : i32
      %dma_start3A_504 = tpu.memref_slice %arg6[%mul3A_467, %dma_start3A_503] : memref<81920x128xf32, #tpu.memory_space<hbm>> -> memref<128x48xf32, #tpu.memory_space<hbm>>
      %dma_start3A_505 = arith.constant 0 : i32
      %dma_start3A_506 = tpu.memref_slice %arg6[%mul3A_467, %dma_start3A_505] : memref<81920x128xf32, #tpu.memory_space<hbm>> -> memref<128x48xf32, #tpu.memory_space<hbm>>
      %dma_start3A_507 = arith.constant 0 : i32
      %dma_start3A_508 = arith.constant 0 : i32
      %dma_start3A_509 = tpu.memref_slice %arg9[%dma_start3A_498, %dma_start3A_507, %dma_start3A_508] : memref<4x128x48xf32, #tpu.memory_space<vmem>> -> memref<1x128x48xf32, #tpu.memory_space<vmem>>
      %dma_start3A_510 = tpu.memref_squeeze %dma_start3A_509 : memref<1x128x48xf32, #tpu.memory_space<vmem>> -> memref<128x48xf32, #tpu.memory_space<vmem>>
      tpu.enqueue_dma source(%dma_start3A_510 : memref<128x48xf32, #tpu.memory_space<vmem>>) target(%dma_start3A_506 : memref<128x48xf32, #tpu.memory_space<hbm>>) target_semaphore(%arg22 : memref<!tpu.dma_semaphore, #tpu.memory_space<semaphore_mem>>)
      %dma_start3A_511 = arith.constant 3 : i32
      %dma_start3A_512 = arith.constant 0 : i32
      %dma_start3A_513 = arith.constant 0 : i32
      %dma_start3A_514 = tpu.memref_slice %arg10[%dma_start3A_511, %dma_start3A_512, %dma_start3A_513] : memref<4x128x16xf32, #tpu.memory_space<vmem>> -> memref<1x128x16xf32, #tpu.memory_space<vmem>>
      %dma_start3A_515 = tpu.memref_squeeze %dma_start3A_514 : memref<1x128x16xf32, #tpu.memory_space<vmem>> -> memref<128x16xf32, #tpu.memory_space<vmem>>
      %dma_start3A_516 = arith.constant 48 : i32
      %dma_start3A_517 = tpu.memref_slice %arg6[%mul3A_467, %dma_start3A_516] : memref<81920x128xf32, #tpu.memory_space<hbm>> -> memref<128x16xf32, #tpu.memory_space<hbm>>
      %dma_start3A_518 = arith.constant 48 : i32
      %dma_start3A_519 = tpu.memref_slice %arg6[%mul3A_467, %dma_start3A_518] : memref<81920x128xf32, #tpu.memory_space<hbm>> -> memref<128x16xf32, #tpu.memory_space<hbm>>
      %dma_start3A_520 = arith.constant 0 : i32
      %dma_start3A_521 = arith.constant 0 : i32
      %dma_start3A_522 = tpu.memref_slice %arg10[%dma_start3A_511, %dma_start3A_520, %dma_start3A_521] : memref<4x128x16xf32, #tpu.memory_space<vmem>> -> memref<1x128x16xf32, #tpu.memory_space<vmem>>
      %dma_start3A_523 = tpu.memref_squeeze %dma_start3A_522 : memref<1x128x16xf32, #tpu.memory_space<vmem>> -> memref<128x16xf32, #tpu.memory_space<vmem>>
      tpu.enqueue_dma source(%dma_start3A_523 : memref<128x16xf32, #tpu.memory_space<vmem>>) target(%dma_start3A_519 : memref<128x16xf32, #tpu.memory_space<hbm>>) target_semaphore(%arg26 : memref<!tpu.dma_semaphore, #tpu.memory_space<semaphore_mem>>)
      %add3A_524 = arith.constant 4 : i32
      %add3A_525 = arith.addi %add3A_462, %add3A_524 : i32
      %lt3A_526 = arith.cmpi slt, %add3A_525, %select_n3A : i32
      %convert_element_type3A_527 = arith.extui %lt3A_526 : i1 to i32
      %cond3A_528 = arith.constant 0 : i32
      %cond3A_529 = arith.cmpi ne, %convert_element_type3A_527, %cond3A_528 : i32
      scf.if %cond3A_529 {
        %dma_wait3A_530 = arith.constant 3 : i32
        %dma_wait3A_531 = arith.constant 0 : i32
        %dma_wait3A_532 = arith.constant 0 : i32
        %dma_wait3A_533 = tpu.memref_slice %arg9[%dma_wait3A_530, %dma_wait3A_531, %dma_wait3A_532] : memref<4x128x48xf32, #tpu.memory_space<vmem>> -> memref<1x128x48xf32, #tpu.memory_space<vmem>>
        %dma_wait3A_534 = tpu.memref_squeeze %dma_wait3A_533 : memref<1x128x48xf32, #tpu.memory_space<vmem>> -> memref<128x48xf32, #tpu.memory_space<vmem>>
        %dma_wait3A_535 = arith.constant 0 : i32
        %dma_wait3A_536 = arith.constant 0 : i32
        %dma_wait3A_537 = tpu.memref_slice %arg6[%dma_wait3A_535, %dma_wait3A_536] : memref<81920x128xf32, #tpu.memory_space<hbm>> -> memref<128x48xf32, #tpu.memory_space<hbm>>
        %dma_wait3A_538 = arith.constant 0 : i32
        %dma_wait3A_539 = arith.constant 0 : i32
        %dma_wait3A_540 = tpu.memref_slice %arg6[%dma_wait3A_538, %dma_wait3A_539] : memref<81920x128xf32, #tpu.memory_space<hbm>> -> memref<128x48xf32, #tpu.memory_space<hbm>>
        %dma_wait3A_541 = arith.constant 0 : i32
        %dma_wait3A_542 = arith.constant 0 : i32
        %dma_wait3A_543 = tpu.memref_slice %arg9[%dma_wait3A_530, %dma_wait3A_541, %dma_wait3A_542] : memref<4x128x48xf32, #tpu.memory_space<vmem>> -> memref<1x128x48xf32, #tpu.memory_space<vmem>>
        %dma_wait3A_544 = tpu.memref_squeeze %dma_wait3A_543 : memref<1x128x48xf32, #tpu.memory_space<vmem>> -> memref<128x48xf32, #tpu.memory_space<vmem>>
        tpu.wait_dma2 semaphore(%arg22 : memref<!tpu.dma_semaphore, #tpu.memory_space<semaphore_mem>>) src(%dma_wait3A_544 : memref<128x48xf32, #tpu.memory_space<vmem>>) dst(%dma_wait3A_540 : memref<128x48xf32, #tpu.memory_space<hbm>>)
        %dma_wait3A_545 = arith.constant 3 : i32
        %dma_wait3A_546 = arith.constant 0 : i32
        %dma_wait3A_547 = arith.constant 0 : i32
        %dma_wait3A_548 = tpu.memref_slice %arg10[%dma_wait3A_545, %dma_wait3A_546, %dma_wait3A_547] : memref<4x128x16xf32, #tpu.memory_space<vmem>> -> memref<1x128x16xf32, #tpu.memory_space<vmem>>
        %dma_wait3A_549 = tpu.memref_squeeze %dma_wait3A_548 : memref<1x128x16xf32, #tpu.memory_space<vmem>> -> memref<128x16xf32, #tpu.memory_space<vmem>>
        %dma_wait3A_550 = arith.constant 0 : i32
        %dma_wait3A_551 = arith.constant 48 : i32
        %dma_wait3A_552 = tpu.memref_slice %arg6[%dma_wait3A_550, %dma_wait3A_551] : memref<81920x128xf32, #tpu.memory_space<hbm>> -> memref<128x16xf32, #tpu.memory_space<hbm>>
        %dma_wait3A_553 = arith.constant 0 : i32
        %dma_wait3A_554 = arith.constant 48 : i32
        %dma_wait3A_555 = tpu.memref_slice %arg6[%dma_wait3A_553, %dma_wait3A_554] : memref<81920x128xf32, #tpu.memory_space<hbm>> -> memref<128x16xf32, #tpu.memory_space<hbm>>
        %dma_wait3A_556 = arith.constant 0 : i32
        %dma_wait3A_557 = arith.constant 0 : i32
        %dma_wait3A_558 = tpu.memref_slice %arg10[%dma_wait3A_545, %dma_wait3A_556, %dma_wait3A_557] : memref<4x128x16xf32, #tpu.memory_space<vmem>> -> memref<1x128x16xf32, #tpu.memory_space<vmem>>
        %dma_wait3A_559 = tpu.memref_squeeze %dma_wait3A_558 : memref<1x128x16xf32, #tpu.memory_space<vmem>> -> memref<128x16xf32, #tpu.memory_space<vmem>>
        tpu.wait_dma2 semaphore(%arg26 : memref<!tpu.dma_semaphore, #tpu.memory_space<semaphore_mem>>) src(%dma_wait3A_559 : memref<128x16xf32, #tpu.memory_space<vmem>>) dst(%dma_wait3A_555 : memref<128x16xf32, #tpu.memory_space<hbm>>)
        %add3A_560 = arith.constant 4 : i32
        %add3A_561 = arith.addi %add3A_462, %add3A_560 : i32
        %dma_start3A_562 = arith.constant 3 : i32
        %dma_start3A_563 = arith.constant 0 : i32
        %dma_start3A_564 = arith.constant 0 : i32
        %dma_start3A_565 = tpu.memref_slice %arg9[%dma_start3A_562, %dma_start3A_563, %dma_start3A_564] : memref<4x128x48xf32, #tpu.memory_space<vmem>> -> memref<1x128x48xf32, #tpu.memory_space<vmem>>
        %dma_start3A_566 = tpu.memref_squeeze %dma_start3A_565 : memref<1x128x48xf32, #tpu.memory_space<vmem>> -> memref<128x48xf32, #tpu.memory_space<vmem>>
        %dma_start3A_567 = arith.constant 0 : i32
        %dma_start3A_568 = tpu.memref_slice %arg7[%add3A_561, %dma_start3A_567] : memref<30x128xi32, #tpu.memory_space<vmem>> -> memref<1x128xi32, #tpu.memory_space<vmem>>
        %dma_start3A_569 = tpu.memref_squeeze %dma_start3A_568 : memref<1x128xi32, #tpu.memory_space<vmem>> -> memref<128xi32, #tpu.memory_space<vmem>>
        %dma_start3A_570 = arith.constant 0 : i32
        %dma_start3A_571 = arith.constant 0 : i32
        %dma_start3A_572 = tpu.memref_slice %arg2[%dma_start3A_570, %dma_start3A_571] : memref<10000x48xf32, #tpu.memory_space<hbm>> -> memref<10000x48xf32, #tpu.memory_space<hbm>>
        tpu.enqueue_indirect_dma source(%dma_start3A_572 : memref<10000x48xf32, #tpu.memory_space<hbm>>) target(%dma_start3A_566 : memref<128x48xf32, #tpu.memory_space<vmem>>) offsets(%dma_start3A_569 : memref<128xi32, #tpu.memory_space<vmem>>) semaphore(%arg14 : memref<!tpu.dma_semaphore, #tpu.memory_space<semaphore_mem>>)
        %dma_start3A_573 = arith.constant 3 : i32
        %dma_start3A_574 = arith.constant 0 : i32
        %dma_start3A_575 = arith.constant 0 : i32
        %dma_start3A_576 = tpu.memref_slice %arg10[%dma_start3A_573, %dma_start3A_574, %dma_start3A_575] : memref<4x128x16xf32, #tpu.memory_space<vmem>> -> memref<1x128x16xf32, #tpu.memory_space<vmem>>
        %dma_start3A_577 = tpu.memref_squeeze %dma_start3A_576 : memref<1x128x16xf32, #tpu.memory_space<vmem>> -> memref<128x16xf32, #tpu.memory_space<vmem>>
        %dma_start3A_578 = arith.constant 0 : i32
        %dma_start3A_579 = tpu.memref_slice %arg8[%add3A_561, %dma_start3A_578] : memref<30x128xi32, #tpu.memory_space<vmem>> -> memref<1x128xi32, #tpu.memory_space<vmem>>
        %dma_start3A_580 = tpu.memref_squeeze %dma_start3A_579 : memref<1x128xi32, #tpu.memory_space<vmem>> -> memref<128xi32, #tpu.memory_space<vmem>>
        %dma_start3A_581 = arith.constant 0 : i32
        %dma_start3A_582 = arith.constant 0 : i32
        %dma_start3A_583 = tpu.memref_slice %arg3[%dma_start3A_581, %dma_start3A_582] : memref<10112x16xf32, #tpu.memory_space<hbm>> -> memref<10112x16xf32, #tpu.memory_space<hbm>>
        tpu.enqueue_indirect_dma source(%dma_start3A_583 : memref<10112x16xf32, #tpu.memory_space<hbm>>) target(%dma_start3A_577 : memref<128x16xf32, #tpu.memory_space<vmem>>) offsets(%dma_start3A_580 : memref<128xi32, #tpu.memory_space<vmem>>) semaphore(%arg18 : memref<!tpu.dma_semaphore, #tpu.memory_space<semaphore_mem>>)
      } else {
      }
    }
    %dma_wait3A = arith.constant 0 : i32
    %dma_wait3A_129 = arith.constant 0 : i32
    %dma_wait3A_130 = arith.constant 0 : i32
    %dma_wait3A_131 = tpu.memref_slice %arg9[%dma_wait3A, %dma_wait3A_129, %dma_wait3A_130] : memref<4x128x48xf32, #tpu.memory_space<vmem>> -> memref<1x128x48xf32, #tpu.memory_space<vmem>>
    %dma_wait3A_132 = tpu.memref_squeeze %dma_wait3A_131 : memref<1x128x48xf32, #tpu.memory_space<vmem>> -> memref<128x48xf32, #tpu.memory_space<vmem>>
    %dma_wait3A_133 = arith.constant 0 : i32
    %dma_wait3A_134 = arith.constant 0 : i32
    %dma_wait3A_135 = tpu.memref_slice %arg6[%dma_wait3A_133, %dma_wait3A_134] : memref<81920x128xf32, #tpu.memory_space<hbm>> -> memref<128x48xf32, #tpu.memory_space<hbm>>
    %dma_wait3A_136 = arith.constant 0 : i32
    %dma_wait3A_137 = arith.constant 0 : i32
    %dma_wait3A_138 = tpu.memref_slice %arg6[%dma_wait3A_136, %dma_wait3A_137] : memref<81920x128xf32, #tpu.memory_space<hbm>> -> memref<128x48xf32, #tpu.memory_space<hbm>>
    %dma_wait3A_139 = arith.constant 0 : i32
    %dma_wait3A_140 = arith.constant 0 : i32
    %dma_wait3A_141 = tpu.memref_slice %arg9[%dma_wait3A, %dma_wait3A_139, %dma_wait3A_140] : memref<4x128x48xf32, #tpu.memory_space<vmem>> -> memref<1x128x48xf32, #tpu.memory_space<vmem>>
    %dma_wait3A_142 = tpu.memref_squeeze %dma_wait3A_141 : memref<1x128x48xf32, #tpu.memory_space<vmem>> -> memref<128x48xf32, #tpu.memory_space<vmem>>
    tpu.wait_dma2 semaphore(%arg19 : memref<!tpu.dma_semaphore, #tpu.memory_space<semaphore_mem>>) src(%dma_wait3A_142 : memref<128x48xf32, #tpu.memory_space<vmem>>) dst(%dma_wait3A_138 : memref<128x48xf32, #tpu.memory_space<hbm>>)
    %dma_wait3A_143 = arith.constant 0 : i32
    %dma_wait3A_144 = arith.constant 0 : i32
    %dma_wait3A_145 = arith.constant 0 : i32
    %dma_wait3A_146 = tpu.memref_slice %arg10[%dma_wait3A_143, %dma_wait3A_144, %dma_wait3A_145] : memref<4x128x16xf32, #tpu.memory_space<vmem>> -> memref<1x128x16xf32, #tpu.memory_space<vmem>>
    %dma_wait3A_147 = tpu.memref_squeeze %dma_wait3A_146 : memref<1x128x16xf32, #tpu.memory_space<vmem>> -> memref<128x16xf32, #tpu.memory_space<vmem>>
    %dma_wait3A_148 = arith.constant 0 : i32
    %dma_wait3A_149 = arith.constant 48 : i32
    %dma_wait3A_150 = tpu.memref_slice %arg6[%dma_wait3A_148, %dma_wait3A_149] : memref<81920x128xf32, #tpu.memory_space<hbm>> -> memref<128x16xf32, #tpu.memory_space<hbm>>
    %dma_wait3A_151 = arith.constant 0 : i32
    %dma_wait3A_152 = arith.constant 48 : i32
    %dma_wait3A_153 = tpu.memref_slice %arg6[%dma_wait3A_151, %dma_wait3A_152] : memref<81920x128xf32, #tpu.memory_space<hbm>> -> memref<128x16xf32, #tpu.memory_space<hbm>>
    %dma_wait3A_154 = arith.constant 0 : i32
    %dma_wait3A_155 = arith.constant 0 : i32
    %dma_wait3A_156 = tpu.memref_slice %arg10[%dma_wait3A_143, %dma_wait3A_154, %dma_wait3A_155] : memref<4x128x16xf32, #tpu.memory_space<vmem>> -> memref<1x128x16xf32, #tpu.memory_space<vmem>>
    %dma_wait3A_157 = tpu.memref_squeeze %dma_wait3A_156 : memref<1x128x16xf32, #tpu.memory_space<vmem>> -> memref<128x16xf32, #tpu.memory_space<vmem>>
    tpu.wait_dma2 semaphore(%arg23 : memref<!tpu.dma_semaphore, #tpu.memory_space<semaphore_mem>>) src(%dma_wait3A_157 : memref<128x16xf32, #tpu.memory_space<vmem>>) dst(%dma_wait3A_153 : memref<128x16xf32, #tpu.memory_space<hbm>>)
    %dma_wait3A_158 = arith.constant 1 : i32
    %dma_wait3A_159 = arith.constant 0 : i32
    %dma_wait3A_160 = arith.constant 0 : i32
    %dma_wait3A_161 = tpu.memref_slice %arg9[%dma_wait3A_158, %dma_wait3A_159, %dma_wait3A_160] : memref<4x128x48xf32, #tpu.memory_space<vmem>> -> memref<1x128x48xf32, #tpu.memory_space<vmem>>
    %dma_wait3A_162 = tpu.memref_squeeze %dma_wait3A_161 : memref<1x128x48xf32, #tpu.memory_space<vmem>> -> memref<128x48xf32, #tpu.memory_space<vmem>>
    %dma_wait3A_163 = arith.constant 0 : i32
    %dma_wait3A_164 = arith.constant 0 : i32
    %dma_wait3A_165 = tpu.memref_slice %arg6[%dma_wait3A_163, %dma_wait3A_164] : memref<81920x128xf32, #tpu.memory_space<hbm>> -> memref<128x48xf32, #tpu.memory_space<hbm>>
    %dma_wait3A_166 = arith.constant 0 : i32
    %dma_wait3A_167 = arith.constant 0 : i32
    %dma_wait3A_168 = tpu.memref_slice %arg6[%dma_wait3A_166, %dma_wait3A_167] : memref<81920x128xf32, #tpu.memory_space<hbm>> -> memref<128x48xf32, #tpu.memory_space<hbm>>
    %dma_wait3A_169 = arith.constant 0 : i32
    %dma_wait3A_170 = arith.constant 0 : i32
    %dma_wait3A_171 = tpu.memref_slice %arg9[%dma_wait3A_158, %dma_wait3A_169, %dma_wait3A_170] : memref<4x128x48xf32, #tpu.memory_space<vmem>> -> memref<1x128x48xf32, #tpu.memory_space<vmem>>
    %dma_wait3A_172 = tpu.memref_squeeze %dma_wait3A_171 : memref<1x128x48xf32, #tpu.memory_space<vmem>> -> memref<128x48xf32, #tpu.memory_space<vmem>>
    tpu.wait_dma2 semaphore(%arg20 : memref<!tpu.dma_semaphore, #tpu.memory_space<semaphore_mem>>) src(%dma_wait3A_172 : memref<128x48xf32, #tpu.memory_space<vmem>>) dst(%dma_wait3A_168 : memref<128x48xf32, #tpu.memory_space<hbm>>)
    %dma_wait3A_173 = arith.constant 1 : i32
    %dma_wait3A_174 = arith.constant 0 : i32
    %dma_wait3A_175 = arith.constant 0 : i32
    %dma_wait3A_176 = tpu.memref_slice %arg10[%dma_wait3A_173, %dma_wait3A_174, %dma_wait3A_175] : memref<4x128x16xf32, #tpu.memory_space<vmem>> -> memref<1x128x16xf32, #tpu.memory_space<vmem>>
    %dma_wait3A_177 = tpu.memref_squeeze %dma_wait3A_176 : memref<1x128x16xf32, #tpu.memory_space<vmem>> -> memref<128x16xf32, #tpu.memory_space<vmem>>
    %dma_wait3A_178 = arith.constant 0 : i32
    %dma_wait3A_179 = arith.constant 48 : i32
    %dma_wait3A_180 = tpu.memref_slice %arg6[%dma_wait3A_178, %dma_wait3A_179] : memref<81920x128xf32, #tpu.memory_space<hbm>> -> memref<128x16xf32, #tpu.memory_space<hbm>>
    %dma_wait3A_181 = arith.constant 0 : i32
    %dma_wait3A_182 = arith.constant 48 : i32
    %dma_wait3A_183 = tpu.memref_slice %arg6[%dma_wait3A_181, %dma_wait3A_182] : memref<81920x128xf32, #tpu.memory_space<hbm>> -> memref<128x16xf32, #tpu.memory_space<hbm>>
    %dma_wait3A_184 = arith.constant 0 : i32
    %dma_wait3A_185 = arith.constant 0 : i32
    %dma_wait3A_186 = tpu.memref_slice %arg10[%dma_wait3A_173, %dma_wait3A_184, %dma_wait3A_185] : memref<4x128x16xf32, #tpu.memory_space<vmem>> -> memref<1x128x16xf32, #tpu.memory_space<vmem>>
    %dma_wait3A_187 = tpu.memref_squeeze %dma_wait3A_186 : memref<1x128x16xf32, #tpu.memory_space<vmem>> -> memref<128x16xf32, #tpu.memory_space<vmem>>
    tpu.wait_dma2 semaphore(%arg24 : memref<!tpu.dma_semaphore, #tpu.memory_space<semaphore_mem>>) src(%dma_wait3A_187 : memref<128x16xf32, #tpu.memory_space<vmem>>) dst(%dma_wait3A_183 : memref<128x16xf32, #tpu.memory_space<hbm>>)
    %dma_wait3A_188 = arith.constant 2 : i32
    %dma_wait3A_189 = arith.constant 0 : i32
    %dma_wait3A_190 = arith.constant 0 : i32
    %dma_wait3A_191 = tpu.memref_slice %arg9[%dma_wait3A_188, %dma_wait3A_189, %dma_wait3A_190] : memref<4x128x48xf32, #tpu.memory_space<vmem>> -> memref<1x128x48xf32, #tpu.memory_space<vmem>>
    %dma_wait3A_192 = tpu.memref_squeeze %dma_wait3A_191 : memref<1x128x48xf32, #tpu.memory_space<vmem>> -> memref<128x48xf32, #tpu.memory_space<vmem>>
    %dma_wait3A_193 = arith.constant 0 : i32
    %dma_wait3A_194 = arith.constant 0 : i32
    %dma_wait3A_195 = tpu.memref_slice %arg6[%dma_wait3A_193, %dma_wait3A_194] : memref<81920x128xf32, #tpu.memory_space<hbm>> -> memref<128x48xf32, #tpu.memory_space<hbm>>
    %dma_wait3A_196 = arith.constant 0 : i32
    %dma_wait3A_197 = arith.constant 0 : i32
    %dma_wait3A_198 = tpu.memref_slice %arg6[%dma_wait3A_196, %dma_wait3A_197] : memref<81920x128xf32, #tpu.memory_space<hbm>> -> memref<128x48xf32, #tpu.memory_space<hbm>>
    %dma_wait3A_199 = arith.constant 0 : i32
    %dma_wait3A_200 = arith.constant 0 : i32
    %dma_wait3A_201 = tpu.memref_slice %arg9[%dma_wait3A_188, %dma_wait3A_199, %dma_wait3A_200] : memref<4x128x48xf32, #tpu.memory_space<vmem>> -> memref<1x128x48xf32, #tpu.memory_space<vmem>>
    %dma_wait3A_202 = tpu.memref_squeeze %dma_wait3A_201 : memref<1x128x48xf32, #tpu.memory_space<vmem>> -> memref<128x48xf32, #tpu.memory_space<vmem>>
    tpu.wait_dma2 semaphore(%arg21 : memref<!tpu.dma_semaphore, #tpu.memory_space<semaphore_mem>>) src(%dma_wait3A_202 : memref<128x48xf32, #tpu.memory_space<vmem>>) dst(%dma_wait3A_198 : memref<128x48xf32, #tpu.memory_space<hbm>>)
    %dma_wait3A_203 = arith.constant 2 : i32
    %dma_wait3A_204 = arith.constant 0 : i32
    %dma_wait3A_205 = arith.constant 0 : i32
    %dma_wait3A_206 = tpu.memref_slice %arg10[%dma_wait3A_203, %dma_wait3A_204, %dma_wait3A_205] : memref<4x128x16xf32, #tpu.memory_space<vmem>> -> memref<1x128x16xf32, #tpu.memory_space<vmem>>
    %dma_wait3A_207 = tpu.memref_squeeze %dma_wait3A_206 : memref<1x128x16xf32, #tpu.memory_space<vmem>> -> memref<128x16xf32, #tpu.memory_space<vmem>>
    %dma_wait3A_208 = arith.constant 0 : i32
    %dma_wait3A_209 = arith.constant 48 : i32
    %dma_wait3A_210 = tpu.memref_slice %arg6[%dma_wait3A_208, %dma_wait3A_209] : memref<81920x128xf32, #tpu.memory_space<hbm>> -> memref<128x16xf32, #tpu.memory_space<hbm>>
    %dma_wait3A_211 = arith.constant 0 : i32
    %dma_wait3A_212 = arith.constant 48 : i32
    %dma_wait3A_213 = tpu.memref_slice %arg6[%dma_wait3A_211, %dma_wait3A_212] : memref<81920x128xf32, #tpu.memory_space<hbm>> -> memref<128x16xf32, #tpu.memory_space<hbm>>
    %dma_wait3A_214 = arith.constant 0 : i32
    %dma_wait3A_215 = arith.constant 0 : i32
    %dma_wait3A_216 = tpu.memref_slice %arg10[%dma_wait3A_203, %dma_wait3A_214, %dma_wait3A_215] : memref<4x128x16xf32, #tpu.memory_space<vmem>> -> memref<1x128x16xf32, #tpu.memory_space<vmem>>
    %dma_wait3A_217 = tpu.memref_squeeze %dma_wait3A_216 : memref<1x128x16xf32, #tpu.memory_space<vmem>> -> memref<128x16xf32, #tpu.memory_space<vmem>>
    tpu.wait_dma2 semaphore(%arg25 : memref<!tpu.dma_semaphore, #tpu.memory_space<semaphore_mem>>) src(%dma_wait3A_217 : memref<128x16xf32, #tpu.memory_space<vmem>>) dst(%dma_wait3A_213 : memref<128x16xf32, #tpu.memory_space<hbm>>)
    %dma_wait3A_218 = arith.constant 3 : i32
    %dma_wait3A_219 = arith.constant 0 : i32
    %dma_wait3A_220 = arith.constant 0 : i32
    %dma_wait3A_221 = tpu.memref_slice %arg9[%dma_wait3A_218, %dma_wait3A_219, %dma_wait3A_220] : memref<4x128x48xf32, #tpu.memory_space<vmem>> -> memref<1x128x48xf32, #tpu.memory_space<vmem>>
    %dma_wait3A_222 = tpu.memref_squeeze %dma_wait3A_221 : memref<1x128x48xf32, #tpu.memory_space<vmem>> -> memref<128x48xf32, #tpu.memory_space<vmem>>
    %dma_wait3A_223 = arith.constant 0 : i32
    %dma_wait3A_224 = arith.constant 0 : i32
    %dma_wait3A_225 = tpu.memref_slice %arg6[%dma_wait3A_223, %dma_wait3A_224] : memref<81920x128xf32, #tpu.memory_space<hbm>> -> memref<128x48xf32, #tpu.memory_space<hbm>>
    %dma_wait3A_226 = arith.constant 0 : i32
    %dma_wait3A_227 = arith.constant 0 : i32
    %dma_wait3A_228 = tpu.memref_slice %arg6[%dma_wait3A_226, %dma_wait3A_227] : memref<81920x128xf32, #tpu.memory_space<hbm>> -> memref<128x48xf32, #tpu.memory_space<hbm>>
    %dma_wait3A_229 = arith.constant 0 : i32
    %dma_wait3A_230 = arith.constant 0 : i32
    %dma_wait3A_231 = tpu.memref_slice %arg9[%dma_wait3A_218, %dma_wait3A_229, %dma_wait3A_230] : memref<4x128x48xf32, #tpu.memory_space<vmem>> -> memref<1x128x48xf32, #tpu.memory_space<vmem>>
    %dma_wait3A_232 = tpu.memref_squeeze %dma_wait3A_231 : memref<1x128x48xf32, #tpu.memory_space<vmem>> -> memref<128x48xf32, #tpu.memory_space<vmem>>
    tpu.wait_dma2 semaphore(%arg22 : memref<!tpu.dma_semaphore, #tpu.memory_space<semaphore_mem>>) src(%dma_wait3A_232 : memref<128x48xf32, #tpu.memory_space<vmem>>) dst(%dma_wait3A_228 : memref<128x48xf32, #tpu.memory_space<hbm>>)
    %dma_wait3A_233 = arith.constant 3 : i32
    %dma_wait3A_234 = arith.constant 0 : i32
    %dma_wait3A_235 = arith.constant 0 : i32
    %dma_wait3A_236 = tpu.memref_slice %arg10[%dma_wait3A_233, %dma_wait3A_234, %dma_wait3A_235] : memref<4x128x16xf32, #tpu.memory_space<vmem>> -> memref<1x128x16xf32, #tpu.memory_space<vmem>>
    %dma_wait3A_237 = tpu.memref_squeeze %dma_wait3A_236 : memref<1x128x16xf32, #tpu.memory_space<vmem>> -> memref<128x16xf32, #tpu.memory_space<vmem>>
    %dma_wait3A_238 = arith.constant 0 : i32
    %dma_wait3A_239 = arith.constant 48 : i32
    %dma_wait3A_240 = tpu.memref_slice %arg6[%dma_wait3A_238, %dma_wait3A_239] : memref<81920x128xf32, #tpu.memory_space<hbm>> -> memref<128x16xf32, #tpu.memory_space<hbm>>
    %dma_wait3A_241 = arith.constant 0 : i32
    %dma_wait3A_242 = arith.constant 48 : i32
    %dma_wait3A_243 = tpu.memref_slice %arg6[%dma_wait3A_241, %dma_wait3A_242] : memref<81920x128xf32, #tpu.memory_space<hbm>> -> memref<128x16xf32, #tpu.memory_space<hbm>>
    %dma_wait3A_244 = arith.constant 0 : i32
    %dma_wait3A_245 = arith.constant 0 : i32
    %dma_wait3A_246 = tpu.memref_slice %arg10[%dma_wait3A_233, %dma_wait3A_244, %dma_wait3A_245] : memref<4x128x16xf32, #tpu.memory_space<vmem>> -> memref<1x128x16xf32, #tpu.memory_space<vmem>>
    %dma_wait3A_247 = tpu.memref_squeeze %dma_wait3A_246 : memref<1x128x16xf32, #tpu.memory_space<vmem>> -> memref<128x16xf32, #tpu.memory_space<vmem>>
    tpu.wait_dma2 semaphore(%arg26 : memref<!tpu.dma_semaphore, #tpu.memory_space<semaphore_mem>>) src(%dma_wait3A_247 : memref<128x16xf32, #tpu.memory_space<vmem>>) dst(%dma_wait3A_243 : memref<128x16xf32, #tpu.memory_space<hbm>>)
    return
  }
}

#map = affine_map<(d0, d1) -> (0, 0)>
module attributes {stable_mosaic.version = 14 : i64} {
  func.func @k(%arg0: i32, %arg1: i32, %arg2: memref<10000x48xf32, #tpu.memory_space<hbm>>, %arg3: memref<10112x16xf32, #tpu.memory_space<hbm>>, %arg4: memref<1320x128xi32, #tpu.memory_space<hbm>>, %arg5: memref<1320x128xi32, #tpu.memory_space<hbm>>, %arg6: memref<81920x128xf32, #tpu.memory_space<hbm>>, %arg7: memref<30x128xi32, #tpu.memory_space<vmem>>, %arg8: memref<30x128xi32, #tpu.memory_space<vmem>>, %arg9: memref<4x128x48xf32, #tpu.memory_space<vmem>>, %arg10: memref<4x128x16xf32, #tpu.memory_space<vmem>>, %arg11: memref<!tpu.dma_semaphore, #tpu.memory_space<semaphore_mem>>, %arg12: memref<!tpu.dma_semaphore, #tpu.memory_space<semaphore_mem>>, %arg13: memref<!tpu.dma_semaphore, #tpu.memory_space<semaphore_mem>>, %arg14: memref<!tpu.dma_semaphore, #tpu.memory_space<semaphore_mem>>, %arg15: memref<!tpu.dma_semaphore, #tpu.memory_space<semaphore_mem>>, %arg16: memref<!tpu.dma_semaphore, #tpu.memory_space<semaphore_mem>>, %arg17: memref<!tpu.dma_semaphore, #tpu.memory_space<semaphore_mem>>, %arg18: memref<!tpu.dma_semaphore, #tpu.memory_space<semaphore_mem>>, %arg19: memref<!tpu.dma_semaphore, #tpu.memory_space<semaphore_mem>>, %arg20: memref<!tpu.dma_semaphore, #tpu.memory_space<semaphore_mem>>, %arg21: memref<!tpu.dma_semaphore, #tpu.memory_space<semaphore_mem>>, %arg22: memref<!tpu.dma_semaphore, #tpu.memory_space<semaphore_mem>>, %arg23: memref<!tpu.dma_semaphore, #tpu.memory_space<semaphore_mem>>, %arg24: memref<!tpu.dma_semaphore, #tpu.memory_space<semaphore_mem>>, %arg25: memref<!tpu.dma_semaphore, #tpu.memory_space<semaphore_mem>>, %arg26: memref<!tpu.dma_semaphore, #tpu.memory_space<semaphore_mem>>) attributes {dimension_semantics = [#tpu.dimension_semantics<core_parallel>, #tpu.dimension_semantics<subcore_parallel>], iteration_bounds = array<i64: 2, 16>, scalar_prefetch = 0 : i64, scratch_operands = 20 : i64, tpu.core_type = #tpu.core_type<sc_vector_subcore>, window_params = [{transform_indices = #map}, {transform_indices = #map}, {transform_indices = #map}, {transform_indices = #map}, {transform_indices = #map}]} {
    %mul3A = arith.constant 40 : i32
    %mul3A_0 = arith.muli %arg1, %mul3A : i32
    %add3A = arith.constant 0 : i32
    %add3A_1 = arith.addi %add3A, %mul3A_0 : i32
    %mul3A_2 = arith.constant 20 : i32
    %mul3A_3 = arith.muli %arg0, %mul3A_2 : i32
    %add3A_4 = arith.addi %add3A_1, %mul3A_3 : i32
    %eq3A = arith.constant 0 : i32
    %eq3A_5 = arith.cmpi eq, %arg0, %eq3A : i32
    %jit3A = arith.constant 20 : i32
    %jit3A_6 = arith.constant 20 : i32
    %select_n3A = arith.select %eq3A_5, %jit3A, %jit3A_6 : i32
    "tpu.region"() ({
      %run_scoped3A = tpu.sem_alloc : memref<!tpu.dma_semaphore, #tpu.memory_space<semaphore_mem>>
      %dma_start3A_248 = arith.constant 0 : i32
      %dma_start3A_249 = tpu.memref_slice %arg4[%add3A_4, %dma_start3A_248] : memref<1320x128xi32, #tpu.memory_space<hbm>> -> memref<30x128xi32, #tpu.memory_space<hbm>>
      %dma_start3A_250 = arith.constant 0 : i32
      %dma_start3A_251 = tpu.memref_slice %arg4[%add3A_4, %dma_start3A_250] : memref<1320x128xi32, #tpu.memory_space<hbm>> -> memref<30x128xi32, #tpu.memory_space<hbm>>
      tpu.enqueue_dma source(%dma_start3A_251 : memref<30x128xi32, #tpu.memory_space<hbm>>) target(%arg7 : memref<30x128xi32, #tpu.memory_space<vmem>>) target_semaphore(%run_scoped3A : memref<!tpu.dma_semaphore, #tpu.memory_space<semaphore_mem>>)
      %dma_wait3A_252 = arith.constant 0 : i32
      %dma_wait3A_253 = tpu.memref_slice %arg4[%add3A_4, %dma_wait3A_252] : memref<1320x128xi32, #tpu.memory_space<hbm>> -> memref<30x128xi32, #tpu.memory_space<hbm>>
      %dma_wait3A_254 = arith.constant 0 : i32
      %dma_wait3A_255 = tpu.memref_slice %arg4[%add3A_4, %dma_wait3A_254] : memref<1320x128xi32, #tpu.memory_space<hbm>> -> memref<30x128xi32, #tpu.memory_space<hbm>>
      tpu.wait_dma2 semaphore(%run_scoped3A : memref<!tpu.dma_semaphore, #tpu.memory_space<semaphore_mem>>) src(%dma_wait3A_255 : memref<30x128xi32, #tpu.memory_space<hbm>>) dst(%arg7 : memref<30x128xi32, #tpu.memory_space<vmem>>)
      tpu.yield
    }) : () -> ()
    "tpu.region"() ({
      %run_scoped3A = tpu.sem_alloc : memref<!tpu.dma_semaphore, #tpu.memory_space<semaphore_mem>>
      %dma_start3A_248 = arith.constant 0 : i32
      %dma_start3A_249 = tpu.memref_slice %arg5[%add3A_4, %dma_start3A_248] : memref<1320x128xi32, #tpu.memory_space<hbm>> -> memref<30x128xi32, #tpu.memory_space<hbm>>
      %dma_start3A_250 = arith.constant 0 : i32
      %dma_start3A_251 = tpu.memref_slice %arg5[%add3A_4, %dma_start3A_250] : memref<1320x128xi32, #tpu.memory_space<hbm>> -> memref<30x128xi32, #tpu.memory_space<hbm>>
      tpu.enqueue_dma source(%dma_start3A_251 : memref<30x128xi32, #tpu.memory_space<hbm>>) target(%arg8 : memref<30x128xi32, #tpu.memory_space<vmem>>) target_semaphore(%run_scoped3A : memref<!tpu.dma_semaphore, #tpu.memory_space<semaphore_mem>>)
      %dma_wait3A_252 = arith.constant 0 : i32
      %dma_wait3A_253 = tpu.memref_slice %arg5[%add3A_4, %dma_wait3A_252] : memref<1320x128xi32, #tpu.memory_space<hbm>> -> memref<30x128xi32, #tpu.memory_space<hbm>>
      %dma_wait3A_254 = arith.constant 0 : i32
      %dma_wait3A_255 = tpu.memref_slice %arg5[%add3A_4, %dma_wait3A_254] : memref<1320x128xi32, #tpu.memory_space<hbm>> -> memref<30x128xi32, #tpu.memory_space<hbm>>
      tpu.wait_dma2 semaphore(%run_scoped3A : memref<!tpu.dma_semaphore, #tpu.memory_space<semaphore_mem>>) src(%dma_wait3A_255 : memref<30x128xi32, #tpu.memory_space<hbm>>) dst(%arg8 : memref<30x128xi32, #tpu.memory_space<vmem>>)
      tpu.yield
    }) : () -> ()
    %dma_start3A = arith.constant 0 : i32
    %dma_start3A_7 = arith.constant 0 : i32
    %dma_start3A_8 = arith.constant 0 : i32
    %dma_start3A_9 = arith.constant 0 : i32
    %dma_start3A_10 = tpu.memref_slice %arg9[%dma_start3A_7, %dma_start3A_8, %dma_start3A_9] : memref<4x128x48xf32, #tpu.memory_space<vmem>> -> memref<1x128x48xf32, #tpu.memory_space<vmem>>
    %dma_start3A_11 = tpu.memref_squeeze %dma_start3A_10 : memref<1x128x48xf32, #tpu.memory_space<vmem>> -> memref<128x48xf32, #tpu.memory_space<vmem>>
    %dma_start3A_12 = arith.constant 0 : i32
    %dma_start3A_13 = tpu.memref_slice %arg7[%dma_start3A, %dma_start3A_12] : memref<30x128xi32, #tpu.memory_space<vmem>> -> memref<1x128xi32, #tpu.memory_space<vmem>>
    %dma_start3A_14 = tpu.memref_squeeze %dma_start3A_13 : memref<1x128xi32, #tpu.memory_space<vmem>> -> memref<128xi32, #tpu.memory_space<vmem>>
    %dma_start3A_15 = arith.constant 0 : i32
    %dma_start3A_16 = arith.constant 0 : i32
    %dma_start3A_17 = tpu.memref_slice %arg2[%dma_start3A_15, %dma_start3A_16] : memref<10000x48xf32, #tpu.memory_space<hbm>> -> memref<10000x48xf32, #tpu.memory_space<hbm>>
    tpu.enqueue_indirect_dma source(%dma_start3A_17 : memref<10000x48xf32, #tpu.memory_space<hbm>>) target(%dma_start3A_11 : memref<128x48xf32, #tpu.memory_space<vmem>>) offsets(%dma_start3A_14 : memref<128xi32, #tpu.memory_space<vmem>>) semaphore(%arg11 : memref<!tpu.dma_semaphore, #tpu.memory_space<semaphore_mem>>)
    %dma_start3A_18 = arith.constant 0 : i32
    %dma_start3A_19 = arith.constant 0 : i32
    %dma_start3A_20 = arith.constant 0 : i32
    %dma_start3A_21 = arith.constant 0 : i32
    %dma_start3A_22 = tpu.memref_slice %arg10[%dma_start3A_19, %dma_start3A_20, %dma_start3A_21] : memref<4x128x16xf32, #tpu.memory_space<vmem>> -> memref<1x128x16xf32, #tpu.memory_space<vmem>>
    %dma_start3A_23 = tpu.memref_squeeze %dma_start3A_22 : memref<1x128x16xf32, #tpu.memory_space<vmem>> -> memref<128x16xf32, #tpu.memory_space<vmem>>
    %dma_start3A_24 = arith.constant 0 : i32
    %dma_start3A_25 = tpu.memref_slice %arg8[%dma_start3A_18, %dma_start3A_24] : memref<30x128xi32, #tpu.memory_space<vmem>> -> memref<1x128xi32, #tpu.memory_space<vmem>>
    %dma_start3A_26 = tpu.memref_squeeze %dma_start3A_25 : memref<1x128xi32, #tpu.memory_space<vmem>> -> memref<128xi32, #tpu.memory_space<vmem>>
    %dma_start3A_27 = arith.constant 0 : i32
    %dma_start3A_28 = arith.constant 0 : i32
    %dma_start3A_29 = tpu.memref_slice %arg3[%dma_start3A_27, %dma_start3A_28] : memref<10112x16xf32, #tpu.memory_space<hbm>> -> memref<10112x16xf32, #tpu.memory_space<hbm>>
    tpu.enqueue_indirect_dma source(%dma_start3A_29 : memref<10112x16xf32, #tpu.memory_space<hbm>>) target(%dma_start3A_23 : memref<128x16xf32, #tpu.memory_space<vmem>>) offsets(%dma_start3A_26 : memref<128xi32, #tpu.memory_space<vmem>>) semaphore(%arg15 : memref<!tpu.dma_semaphore, #tpu.memory_space<semaphore_mem>>)
    %dma_start3A_30 = arith.constant 1 : i32
    %dma_start3A_31 = arith.constant 1 : i32
    %dma_start3A_32 = arith.constant 0 : i32
    %dma_start3A_33 = arith.constant 0 : i32
    %dma_start3A_34 = tpu.memref_slice %arg9[%dma_start3A_31, %dma_start3A_32, %dma_start3A_33] : memref<4x128x48xf32, #tpu.memory_space<vmem>> -> memref<1x128x48xf32, #tpu.memory_space<vmem>>
    %dma_start3A_35 = tpu.memref_squeeze %dma_start3A_34 : memref<1x128x48xf32, #tpu.memory_space<vmem>> -> memref<128x48xf32, #tpu.memory_space<vmem>>
    %dma_start3A_36 = arith.constant 0 : i32
    %dma_start3A_37 = tpu.memref_slice %arg7[%dma_start3A_30, %dma_start3A_36] : memref<30x128xi32, #tpu.memory_space<vmem>> -> memref<1x128xi32, #tpu.memory_space<vmem>>
    %dma_start3A_38 = tpu.memref_squeeze %dma_start3A_37 : memref<1x128xi32, #tpu.memory_space<vmem>> -> memref<128xi32, #tpu.memory_space<vmem>>
    %dma_start3A_39 = arith.constant 0 : i32
    %dma_start3A_40 = arith.constant 0 : i32
    %dma_start3A_41 = tpu.memref_slice %arg2[%dma_start3A_39, %dma_start3A_40] : memref<10000x48xf32, #tpu.memory_space<hbm>> -> memref<10000x48xf32, #tpu.memory_space<hbm>>
    tpu.enqueue_indirect_dma source(%dma_start3A_41 : memref<10000x48xf32, #tpu.memory_space<hbm>>) target(%dma_start3A_35 : memref<128x48xf32, #tpu.memory_space<vmem>>) offsets(%dma_start3A_38 : memref<128xi32, #tpu.memory_space<vmem>>) semaphore(%arg12 : memref<!tpu.dma_semaphore, #tpu.memory_space<semaphore_mem>>)
    %dma_start3A_42 = arith.constant 1 : i32
    %dma_start3A_43 = arith.constant 1 : i32
    %dma_start3A_44 = arith.constant 0 : i32
    %dma_start3A_45 = arith.constant 0 : i32
    %dma_start3A_46 = tpu.memref_slice %arg10[%dma_start3A_43, %dma_start3A_44, %dma_start3A_45] : memref<4x128x16xf32, #tpu.memory_space<vmem>> -> memref<1x128x16xf32, #tpu.memory_space<vmem>>
    %dma_start3A_47 = tpu.memref_squeeze %dma_start3A_46 : memref<1x128x16xf32, #tpu.memory_space<vmem>> -> memref<128x16xf32, #tpu.memory_space<vmem>>
    %dma_start3A_48 = arith.constant 0 : i32
    %dma_start3A_49 = tpu.memref_slice %arg8[%dma_start3A_42, %dma_start3A_48] : memref<30x128xi32, #tpu.memory_space<vmem>> -> memref<1x128xi32, #tpu.memory_space<vmem>>
    %dma_start3A_50 = tpu.memref_squeeze %dma_start3A_49 : memref<1x128xi32, #tpu.memory_space<vmem>> -> memref<128xi32, #tpu.memory_space<vmem>>
    %dma_start3A_51 = arith.constant 0 : i32
    %dma_start3A_52 = arith.constant 0 : i32
    %dma_start3A_53 = tpu.memref_slice %arg3[%dma_start3A_51, %dma_start3A_52] : memref<10112x16xf32, #tpu.memory_space<hbm>> -> memref<10112x16xf32, #tpu.memory_space<hbm>>
    tpu.enqueue_indirect_dma source(%dma_start3A_53 : memref<10112x16xf32, #tpu.memory_space<hbm>>) target(%dma_start3A_47 : memref<128x16xf32, #tpu.memory_space<vmem>>) offsets(%dma_start3A_50 : memref<128xi32, #tpu.memory_space<vmem>>) semaphore(%arg16 : memref<!tpu.dma_semaphore, #tpu.memory_space<semaphore_mem>>)
    %dma_start3A_54 = arith.constant 2 : i32
    %dma_start3A_55 = arith.constant 2 : i32
    %dma_start3A_56 = arith.constant 0 : i32
    %dma_start3A_57 = arith.constant 0 : i32
    %dma_start3A_58 = tpu.memref_slice %arg9[%dma_start3A_55, %dma_start3A_56, %dma_start3A_57] : memref<4x128x48xf32, #tpu.memory_space<vmem>> -> memref<1x128x48xf32, #tpu.memory_space<vmem>>
    %dma_start3A_59 = tpu.memref_squeeze %dma_start3A_58 : memref<1x128x48xf32, #tpu.memory_space<vmem>> -> memref<128x48xf32, #tpu.memory_space<vmem>>
    %dma_start3A_60 = arith.constant 0 : i32
    %dma_start3A_61 = tpu.memref_slice %arg7[%dma_start3A_54, %dma_start3A_60] : memref<30x128xi32, #tpu.memory_space<vmem>> -> memref<1x128xi32, #tpu.memory_space<vmem>>
    %dma_start3A_62 = tpu.memref_squeeze %dma_start3A_61 : memref<1x128xi32, #tpu.memory_space<vmem>> -> memref<128xi32, #tpu.memory_space<vmem>>
    %dma_start3A_63 = arith.constant 0 : i32
    %dma_start3A_64 = arith.constant 0 : i32
    %dma_start3A_65 = tpu.memref_slice %arg2[%dma_start3A_63, %dma_start3A_64] : memref<10000x48xf32, #tpu.memory_space<hbm>> -> memref<10000x48xf32, #tpu.memory_space<hbm>>
    tpu.enqueue_indirect_dma source(%dma_start3A_65 : memref<10000x48xf32, #tpu.memory_space<hbm>>) target(%dma_start3A_59 : memref<128x48xf32, #tpu.memory_space<vmem>>) offsets(%dma_start3A_62 : memref<128xi32, #tpu.memory_space<vmem>>) semaphore(%arg13 : memref<!tpu.dma_semaphore, #tpu.memory_space<semaphore_mem>>)
    %dma_start3A_66 = arith.constant 2 : i32
    %dma_start3A_67 = arith.constant 2 : i32
    %dma_start3A_68 = arith.constant 0 : i32
    %dma_start3A_69 = arith.constant 0 : i32
    %dma_start3A_70 = tpu.memref_slice %arg10[%dma_start3A_67, %dma_start3A_68, %dma_start3A_69] : memref<4x128x16xf32, #tpu.memory_space<vmem>> -> memref<1x128x16xf32, #tpu.memory_space<vmem>>
    %dma_start3A_71 = tpu.memref_squeeze %dma_start3A_70 : memref<1x128x16xf32, #tpu.memory_space<vmem>> -> memref<128x16xf32, #tpu.memory_space<vmem>>
    %dma_start3A_72 = arith.constant 0 : i32
    %dma_start3A_73 = tpu.memref_slice %arg8[%dma_start3A_66, %dma_start3A_72] : memref<30x128xi32, #tpu.memory_space<vmem>> -> memref<1x128xi32, #tpu.memory_space<vmem>>
    %dma_start3A_74 = tpu.memref_squeeze %dma_start3A_73 : memref<1x128xi32, #tpu.memory_space<vmem>> -> memref<128xi32, #tpu.memory_space<vmem>>
    %dma_start3A_75 = arith.constant 0 : i32
    %dma_start3A_76 = arith.constant 0 : i32
    %dma_start3A_77 = tpu.memref_slice %arg3[%dma_start3A_75, %dma_start3A_76] : memref<10112x16xf32, #tpu.memory_space<hbm>> -> memref<10112x16xf32, #tpu.memory_space<hbm>>
    tpu.enqueue_indirect_dma source(%dma_start3A_77 : memref<10112x16xf32, #tpu.memory_space<hbm>>) target(%dma_start3A_71 : memref<128x16xf32, #tpu.memory_space<vmem>>) offsets(%dma_start3A_74 : memref<128xi32, #tpu.memory_space<vmem>>) semaphore(%arg17 : memref<!tpu.dma_semaphore, #tpu.memory_space<semaphore_mem>>)
    %dma_start3A_78 = arith.constant 3 : i32
    %dma_start3A_79 = arith.constant 3 : i32
    %dma_start3A_80 = arith.constant 0 : i32
    %dma_start3A_81 = arith.constant 0 : i32
    %dma_start3A_82 = tpu.memref_slice %arg9[%dma_start3A_79, %dma_start3A_80, %dma_start3A_81] : memref<4x128x48xf32, #tpu.memory_space<vmem>> -> memref<1x128x48xf32, #tpu.memory_space<vmem>>
    %dma_start3A_83 = tpu.memref_squeeze %dma_start3A_82 : memref<1x128x48xf32, #tpu.memory_space<vmem>> -> memref<128x48xf32, #tpu.memory_space<vmem>>
    %dma_start3A_84 = arith.constant 0 : i32
    %dma_start3A_85 = tpu.memref_slice %arg7[%dma_start3A_78, %dma_start3A_84] : memref<30x128xi32, #tpu.memory_space<vmem>> -> memref<1x128xi32, #tpu.memory_space<vmem>>
    %dma_start3A_86 = tpu.memref_squeeze %dma_start3A_85 : memref<1x128xi32, #tpu.memory_space<vmem>> -> memref<128xi32, #tpu.memory_space<vmem>>
    %dma_start3A_87 = arith.constant 0 : i32
    %dma_start3A_88 = arith.constant 0 : i32
    %dma_start3A_89 = tpu.memref_slice %arg2[%dma_start3A_87, %dma_start3A_88] : memref<10000x48xf32, #tpu.memory_space<hbm>> -> memref<10000x48xf32, #tpu.memory_space<hbm>>
    tpu.enqueue_indirect_dma source(%dma_start3A_89 : memref<10000x48xf32, #tpu.memory_space<hbm>>) target(%dma_start3A_83 : memref<128x48xf32, #tpu.memory_space<vmem>>) offsets(%dma_start3A_86 : memref<128xi32, #tpu.memory_space<vmem>>) semaphore(%arg14 : memref<!tpu.dma_semaphore, #tpu.memory_space<semaphore_mem>>)
    %dma_start3A_90 = arith.constant 3 : i32
    %dma_start3A_91 = arith.constant 3 : i32
    %dma_start3A_92 = arith.constant 0 : i32
    %dma_start3A_93 = arith.constant 0 : i32
    %dma_start3A_94 = tpu.memref_slice %arg10[%dma_start3A_91, %dma_start3A_92, %dma_start3A_93] : memref<4x128x16xf32, #tpu.memory_space<vmem>> -> memref<1x128x16xf32, #tpu.memory_space<vmem>>
    %dma_start3A_95 = tpu.memref_squeeze %dma_start3A_94 : memref<1x128x16xf32, #tpu.memory_space<vmem>> -> memref<128x16xf32, #tpu.memory_space<vmem>>
    %dma_start3A_96 = arith.constant 0 : i32
    %dma_start3A_97 = tpu.memref_slice %arg8[%dma_start3A_90, %dma_start3A_96] : memref<30x128xi32, #tpu.memory_space<vmem>> -> memref<1x128xi32, #tpu.memory_space<vmem>>
    %dma_start3A_98 = tpu.memref_squeeze %dma_start3A_97 : memref<1x128xi32, #tpu.memory_space<vmem>> -> memref<128xi32, #tpu.memory_space<vmem>>
    %dma_start3A_99 = arith.constant 0 : i32
    %dma_start3A_100 = arith.constant 0 : i32
    %dma_start3A_101 = tpu.memref_slice %arg3[%dma_start3A_99, %dma_start3A_100] : memref<10112x16xf32, #tpu.memory_space<hbm>> -> memref<10112x16xf32, #tpu.memory_space<hbm>>
    tpu.enqueue_indirect_dma source(%dma_start3A_101 : memref<10112x16xf32, #tpu.memory_space<hbm>>) target(%dma_start3A_95 : memref<128x16xf32, #tpu.memory_space<vmem>>) offsets(%dma_start3A_98 : memref<128xi32, #tpu.memory_space<vmem>>) semaphore(%arg18 : memref<!tpu.dma_semaphore, #tpu.memory_space<semaphore_mem>>)
    %jit3A_102 = arith.constant 4 : i32
    %div3A = arith.divsi %select_n3A, %jit3A_102 : i32
    %sign3A = arith.constant 0 : i32
    %sign3A_103 = arith.cmpi sgt, %select_n3A, %sign3A : i32
    %sign3A_104 = arith.extui %sign3A_103 : i1 to i32
    %sign3A_105 = arith.constant 0 : i32
    %sign3A_106 = arith.cmpi slt, %select_n3A, %sign3A_105 : i32
    %sign3A_107 = arith.extui %sign3A_106 : i1 to i32
    %sign3A_108 = arith.subi %sign3A_104, %sign3A_107 : i32
    %sign3A_109 = arith.constant 0 : i32
    %sign3A_110 = arith.cmpi sgt, %jit3A_102, %sign3A_109 : i32
    %sign3A_111 = arith.extui %sign3A_110 : i1 to i32
    %sign3A_112 = arith.constant 0 : i32
    %sign3A_113 = arith.cmpi slt, %jit3A_102, %sign3A_112 : i32
    %sign3A_114 = arith.extui %sign3A_113 : i1 to i32
    %sign3A_115 = arith.subi %sign3A_111, %sign3A_114 : i32
    %ne3A = arith.cmpi ne, %sign3A_108, %sign3A_115 : i32
    %rem3A = arith.remsi %select_n3A, %jit3A_102 : i32
    %ne3A_116 = arith.constant 0 : i32
    %ne3A_117 = arith.cmpi ne, %rem3A, %ne3A_116 : i32
    %and3A = arith.andi %ne3A, %ne3A_117 : i1
    %sub3A = arith.constant 1 : i32
    %sub3A_118 = arith.subi %div3A, %sub3A : i32
    %select_n3A_119 = arith.select %and3A, %sub3A_118, %div3A : i32
    %while3A = arith.constant 0 : i32
    %while3A_120 = arith.constant 0 : i32
    %while3A_121 = arith.subi %select_n3A_119, %while3A_120 : i32
    %while3A_122 = arith.addi %while3A_120, %while3A_121 : i32
    %while3A_123 = arith.constant 1 : i32
    %while3A_124 = arith.divsi %while3A_121, %while3A_123 : i32
    %while3A_125 = arith.muli %while3A_124, %while3A_123 : i32
    %while3A_126 = arith.addi %while3A_120, %while3A_125 : i32
    %while3A_127 = arith.constant 1 : i32
    scf.for %while3A_248 = %while3A_120 to %while3A_126 step %while3A_127  : i32 {
      %mul3A_249 = arith.constant 4 : i32
      %mul3A_250 = arith.muli %while3A_248, %mul3A_249 : i32
      %add3A_251 = arith.constant 0 : i32
      %add3A_252 = arith.addi %mul3A_250, %add3A_251 : i32
      %add3A_253 = arith.addi %add3A_4, %add3A_252 : i32
      %sub3A_254 = arith.constant 0 : i32
      %sub3A_255 = arith.subi %add3A_253, %sub3A_254 : i32
      %mul3A_256 = arith.constant 128 : i32
      %mul3A_257 = arith.muli %sub3A_255, %mul3A_256 : i32
      %dma_wait3A_258 = arith.constant 0 : i32
      %dma_wait3A_259 = arith.constant 0 : i32
      %dma_wait3A_260 = arith.constant 0 : i32
      %dma_wait3A_261 = tpu.memref_slice %arg9[%dma_wait3A_258, %dma_wait3A_259, %dma_wait3A_260] : memref<4x128x48xf32, #tpu.memory_space<vmem>> -> memref<1x128x48xf32, #tpu.memory_space<vmem>>
      %dma_wait3A_262 = tpu.memref_squeeze %dma_wait3A_261 : memref<1x128x48xf32, #tpu.memory_space<vmem>> -> memref<128x48xf32, #tpu.memory_space<vmem>>
      %dma_wait3A_263 = arith.constant 0 : i32
      %dma_wait3A_264 = arith.constant 0 : i32
      %dma_wait3A_265 = tpu.memref_slice %arg6[%dma_wait3A_263, %dma_wait3A_264] : memref<81920x128xf32, #tpu.memory_space<hbm>> -> memref<128x48xf32, #tpu.memory_space<hbm>>
      %dma_wait3A_266 = arith.constant 0 : i32
      %dma_wait3A_267 = arith.constant 0 : i32
      %dma_wait3A_268 = tpu.memref_slice %arg9[%dma_wait3A_258, %dma_wait3A_266, %dma_wait3A_267] : memref<4x128x48xf32, #tpu.memory_space<vmem>> -> memref<1x128x48xf32, #tpu.memory_space<vmem>>
      %dma_wait3A_269 = tpu.memref_squeeze %dma_wait3A_268 : memref<1x128x48xf32, #tpu.memory_space<vmem>> -> memref<128x48xf32, #tpu.memory_space<vmem>>
      %dma_wait3A_270 = arith.constant 0 : i32
      %dma_wait3A_271 = arith.constant 0 : i32
      %dma_wait3A_272 = tpu.memref_slice %arg6[%dma_wait3A_270, %dma_wait3A_271] : memref<81920x128xf32, #tpu.memory_space<hbm>> -> memref<128x48xf32, #tpu.memory_space<hbm>>
      tpu.wait_dma2 semaphore(%arg11 : memref<!tpu.dma_semaphore, #tpu.memory_space<semaphore_mem>>) src(%dma_wait3A_272 : memref<128x48xf32, #tpu.memory_space<hbm>>) dst(%dma_wait3A_269 : memref<128x48xf32, #tpu.memory_space<vmem>>)
      %dma_wait3A_273 = arith.constant 0 : i32
      %dma_wait3A_274 = arith.constant 0 : i32
      %dma_wait3A_275 = arith.constant 0 : i32
      %dma_wait3A_276 = tpu.memref_slice %arg10[%dma_wait3A_273, %dma_wait3A_274, %dma_wait3A_275] : memref<4x128x16xf32, #tpu.memory_space<vmem>> -> memref<1x128x16xf32, #tpu.memory_space<vmem>>
      %dma_wait3A_277 = tpu.memref_squeeze %dma_wait3A_276 : memref<1x128x16xf32, #tpu.memory_space<vmem>> -> memref<128x16xf32, #tpu.memory_space<vmem>>
      %dma_wait3A_278 = arith.constant 0 : i32
      %dma_wait3A_279 = arith.constant 0 : i32
      %dma_wait3A_280 = tpu.memref_slice %arg6[%dma_wait3A_278, %dma_wait3A_279] : memref<81920x128xf32, #tpu.memory_space<hbm>> -> memref<128x16xf32, #tpu.memory_space<hbm>>
      %dma_wait3A_281 = arith.constant 0 : i32
      %dma_wait3A_282 = arith.constant 0 : i32
      %dma_wait3A_283 = tpu.memref_slice %arg10[%dma_wait3A_273, %dma_wait3A_281, %dma_wait3A_282] : memref<4x128x16xf32, #tpu.memory_space<vmem>> -> memref<1x128x16xf32, #tpu.memory_space<vmem>>
      %dma_wait3A_284 = tpu.memref_squeeze %dma_wait3A_283 : memref<1x128x16xf32, #tpu.memory_space<vmem>> -> memref<128x16xf32, #tpu.memory_space<vmem>>
      %dma_wait3A_285 = arith.constant 0 : i32
      %dma_wait3A_286 = arith.constant 0 : i32
      %dma_wait3A_287 = tpu.memref_slice %arg6[%dma_wait3A_285, %dma_wait3A_286] : memref<81920x128xf32, #tpu.memory_space<hbm>> -> memref<128x16xf32, #tpu.memory_space<hbm>>
      tpu.wait_dma2 semaphore(%arg15 : memref<!tpu.dma_semaphore, #tpu.memory_space<semaphore_mem>>) src(%dma_wait3A_287 : memref<128x16xf32, #tpu.memory_space<hbm>>) dst(%dma_wait3A_284 : memref<128x16xf32, #tpu.memory_space<vmem>>)
      %dma_start3A_288 = arith.constant 0 : i32
      %dma_start3A_289 = arith.constant 0 : i32
      %dma_start3A_290 = arith.constant 0 : i32
      %dma_start3A_291 = tpu.memref_slice %arg9[%dma_start3A_288, %dma_start3A_289, %dma_start3A_290] : memref<4x128x48xf32, #tpu.memory_space<vmem>> -> memref<1x128x48xf32, #tpu.memory_space<vmem>>
      %dma_start3A_292 = tpu.memref_squeeze %dma_start3A_291 : memref<1x128x48xf32, #tpu.memory_space<vmem>> -> memref<128x48xf32, #tpu.memory_space<vmem>>
      %dma_start3A_293 = arith.constant 0 : i32
      %dma_start3A_294 = tpu.memref_slice %arg6[%mul3A_257, %dma_start3A_293] : memref<81920x128xf32, #tpu.memory_space<hbm>> -> memref<128x48xf32, #tpu.memory_space<hbm>>
      %dma_start3A_295 = arith.constant 0 : i32
      %dma_start3A_296 = tpu.memref_slice %arg6[%mul3A_257, %dma_start3A_295] : memref<81920x128xf32, #tpu.memory_space<hbm>> -> memref<128x48xf32, #tpu.memory_space<hbm>>
      %dma_start3A_297 = arith.constant 0 : i32
      %dma_start3A_298 = arith.constant 0 : i32
      %dma_start3A_299 = tpu.memref_slice %arg9[%dma_start3A_288, %dma_start3A_297, %dma_start3A_298] : memref<4x128x48xf32, #tpu.memory_space<vmem>> -> memref<1x128x48xf32, #tpu.memory_space<vmem>>
      %dma_start3A_300 = tpu.memref_squeeze %dma_start3A_299 : memref<1x128x48xf32, #tpu.memory_space<vmem>> -> memref<128x48xf32, #tpu.memory_space<vmem>>
      tpu.enqueue_dma source(%dma_start3A_300 : memref<128x48xf32, #tpu.memory_space<vmem>>) target(%dma_start3A_296 : memref<128x48xf32, #tpu.memory_space<hbm>>) target_semaphore(%arg19 : memref<!tpu.dma_semaphore, #tpu.memory_space<semaphore_mem>>)
      %dma_start3A_301 = arith.constant 0 : i32
      %dma_start3A_302 = arith.constant 0 : i32
      %dma_start3A_303 = arith.constant 0 : i32
      %dma_start3A_304 = tpu.memref_slice %arg10[%dma_start3A_301, %dma_start3A_302, %dma_start3A_303] : memref<4x128x16xf32, #tpu.memory_space<vmem>> -> memref<1x128x16xf32, #tpu.memory_space<vmem>>
      %dma_start3A_305 = tpu.memref_squeeze %dma_start3A_304 : memref<1x128x16xf32, #tpu.memory_space<vmem>> -> memref<128x16xf32, #tpu.memory_space<vmem>>
      %dma_start3A_306 = arith.constant 48 : i32
      %dma_start3A_307 = tpu.memref_slice %arg6[%mul3A_257, %dma_start3A_306] : memref<81920x128xf32, #tpu.memory_space<hbm>> -> memref<128x16xf32, #tpu.memory_space<hbm>>
      %dma_start3A_308 = arith.constant 48 : i32
      %dma_start3A_309 = tpu.memref_slice %arg6[%mul3A_257, %dma_start3A_308] : memref<81920x128xf32, #tpu.memory_space<hbm>> -> memref<128x16xf32, #tpu.memory_space<hbm>>
      %dma_start3A_310 = arith.constant 0 : i32
      %dma_start3A_311 = arith.constant 0 : i32
      %dma_start3A_312 = tpu.memref_slice %arg10[%dma_start3A_301, %dma_start3A_310, %dma_start3A_311] : memref<4x128x16xf32, #tpu.memory_space<vmem>> -> memref<1x128x16xf32, #tpu.memory_space<vmem>>
      %dma_start3A_313 = tpu.memref_squeeze %dma_start3A_312 : memref<1x128x16xf32, #tpu.memory_space<vmem>> -> memref<128x16xf32, #tpu.memory_space<vmem>>
      tpu.enqueue_dma source(%dma_start3A_313 : memref<128x16xf32, #tpu.memory_space<vmem>>) target(%dma_start3A_309 : memref<128x16xf32, #tpu.memory_space<hbm>>) target_semaphore(%arg23 : memref<!tpu.dma_semaphore, #tpu.memory_space<semaphore_mem>>)
      %add3A_314 = arith.constant 4 : i32
      %add3A_315 = arith.addi %add3A_252, %add3A_314 : i32
      %lt3A = arith.cmpi slt, %add3A_315, %select_n3A : i32
      %convert_element_type3A = arith.extui %lt3A : i1 to i32
      %cond3A = arith.constant 0 : i32
      %cond3A_316 = arith.cmpi ne, %convert_element_type3A, %cond3A : i32
      scf.if %cond3A_316 {
        %dma_wait3A_530 = arith.constant 0 : i32
        %dma_wait3A_531 = arith.constant 0 : i32
        %dma_wait3A_532 = arith.constant 0 : i32
        %dma_wait3A_533 = tpu.memref_slice %arg9[%dma_wait3A_530, %dma_wait3A_531, %dma_wait3A_532] : memref<4x128x48xf32, #tpu.memory_space<vmem>> -> memref<1x128x48xf32, #tpu.memory_space<vmem>>
        %dma_wait3A_534 = tpu.memref_squeeze %dma_wait3A_533 : memref<1x128x48xf32, #tpu.memory_space<vmem>> -> memref<128x48xf32, #tpu.memory_space<vmem>>
        %dma_wait3A_535 = arith.constant 0 : i32
        %dma_wait3A_536 = arith.constant 0 : i32
        %dma_wait3A_537 = tpu.memref_slice %arg6[%dma_wait3A_535, %dma_wait3A_536] : memref<81920x128xf32, #tpu.memory_space<hbm>> -> memref<128x48xf32, #tpu.memory_space<hbm>>
        %dma_wait3A_538 = arith.constant 0 : i32
        %dma_wait3A_539 = arith.constant 0 : i32
        %dma_wait3A_540 = tpu.memref_slice %arg6[%dma_wait3A_538, %dma_wait3A_539] : memref<81920x128xf32, #tpu.memory_space<hbm>> -> memref<128x48xf32, #tpu.memory_space<hbm>>
        %dma_wait3A_541 = arith.constant 0 : i32
        %dma_wait3A_542 = arith.constant 0 : i32
        %dma_wait3A_543 = tpu.memref_slice %arg9[%dma_wait3A_530, %dma_wait3A_541, %dma_wait3A_542] : memref<4x128x48xf32, #tpu.memory_space<vmem>> -> memref<1x128x48xf32, #tpu.memory_space<vmem>>
        %dma_wait3A_544 = tpu.memref_squeeze %dma_wait3A_543 : memref<1x128x48xf32, #tpu.memory_space<vmem>> -> memref<128x48xf32, #tpu.memory_space<vmem>>
        tpu.wait_dma2 semaphore(%arg19 : memref<!tpu.dma_semaphore, #tpu.memory_space<semaphore_mem>>) src(%dma_wait3A_544 : memref<128x48xf32, #tpu.memory_space<vmem>>) dst(%dma_wait3A_540 : memref<128x48xf32, #tpu.memory_space<hbm>>)
        %dma_wait3A_545 = arith.constant 0 : i32
        %dma_wait3A_546 = arith.constant 0 : i32
        %dma_wait3A_547 = arith.constant 0 : i32
        %dma_wait3A_548 = tpu.memref_slice %arg10[%dma_wait3A_545, %dma_wait3A_546, %dma_wait3A_547] : memref<4x128x16xf32, #tpu.memory_space<vmem>> -> memref<1x128x16xf32, #tpu.memory_space<vmem>>
        %dma_wait3A_549 = tpu.memref_squeeze %dma_wait3A_548 : memref<1x128x16xf32, #tpu.memory_space<vmem>> -> memref<128x16xf32, #tpu.memory_space<vmem>>
        %dma_wait3A_550 = arith.constant 0 : i32
        %dma_wait3A_551 = arith.constant 48 : i32
        %dma_wait3A_552 = tpu.memref_slice %arg6[%dma_wait3A_550, %dma_wait3A_551] : memref<81920x128xf32, #tpu.memory_space<hbm>> -> memref<128x16xf32, #tpu.memory_space<hbm>>
        %dma_wait3A_553 = arith.constant 0 : i32
        %dma_wait3A_554 = arith.constant 48 : i32
        %dma_wait3A_555 = tpu.memref_slice %arg6[%dma_wait3A_553, %dma_wait3A_554] : memref<81920x128xf32, #tpu.memory_space<hbm>> -> memref<128x16xf32, #tpu.memory_space<hbm>>
        %dma_wait3A_556 = arith.constant 0 : i32
        %dma_wait3A_557 = arith.constant 0 : i32
        %dma_wait3A_558 = tpu.memref_slice %arg10[%dma_wait3A_545, %dma_wait3A_556, %dma_wait3A_557] : memref<4x128x16xf32, #tpu.memory_space<vmem>> -> memref<1x128x16xf32, #tpu.memory_space<vmem>>
        %dma_wait3A_559 = tpu.memref_squeeze %dma_wait3A_558 : memref<1x128x16xf32, #tpu.memory_space<vmem>> -> memref<128x16xf32, #tpu.memory_space<vmem>>
        tpu.wait_dma2 semaphore(%arg23 : memref<!tpu.dma_semaphore, #tpu.memory_space<semaphore_mem>>) src(%dma_wait3A_559 : memref<128x16xf32, #tpu.memory_space<vmem>>) dst(%dma_wait3A_555 : memref<128x16xf32, #tpu.memory_space<hbm>>)
        %add3A_560 = arith.constant 4 : i32
        %add3A_561 = arith.addi %add3A_252, %add3A_560 : i32
        %dma_start3A_562 = arith.constant 0 : i32
        %dma_start3A_563 = arith.constant 0 : i32
        %dma_start3A_564 = arith.constant 0 : i32
        %dma_start3A_565 = tpu.memref_slice %arg9[%dma_start3A_562, %dma_start3A_563, %dma_start3A_564] : memref<4x128x48xf32, #tpu.memory_space<vmem>> -> memref<1x128x48xf32, #tpu.memory_space<vmem>>
        %dma_start3A_566 = tpu.memref_squeeze %dma_start3A_565 : memref<1x128x48xf32, #tpu.memory_space<vmem>> -> memref<128x48xf32, #tpu.memory_space<vmem>>
        %dma_start3A_567 = arith.constant 0 : i32
        %dma_start3A_568 = tpu.memref_slice %arg7[%add3A_561, %dma_start3A_567] : memref<30x128xi32, #tpu.memory_space<vmem>> -> memref<1x128xi32, #tpu.memory_space<vmem>>
        %dma_start3A_569 = tpu.memref_squeeze %dma_start3A_568 : memref<1x128xi32, #tpu.memory_space<vmem>> -> memref<128xi32, #tpu.memory_space<vmem>>
        %dma_start3A_570 = arith.constant 0 : i32
        %dma_start3A_571 = arith.constant 0 : i32
        %dma_start3A_572 = tpu.memref_slice %arg2[%dma_start3A_570, %dma_start3A_571] : memref<10000x48xf32, #tpu.memory_space<hbm>> -> memref<10000x48xf32, #tpu.memory_space<hbm>>
        tpu.enqueue_indirect_dma source(%dma_start3A_572 : memref<10000x48xf32, #tpu.memory_space<hbm>>) target(%dma_start3A_566 : memref<128x48xf32, #tpu.memory_space<vmem>>) offsets(%dma_start3A_569 : memref<128xi32, #tpu.memory_space<vmem>>) semaphore(%arg11 : memref<!tpu.dma_semaphore, #tpu.memory_space<semaphore_mem>>)
        %dma_start3A_573 = arith.constant 0 : i32
        %dma_start3A_574 = arith.constant 0 : i32
        %dma_start3A_575 = arith.constant 0 : i32
        %dma_start3A_576 = tpu.memref_slice %arg10[%dma_start3A_573, %dma_start3A_574, %dma_start3A_575] : memref<4x128x16xf32, #tpu.memory_space<vmem>> -> memref<1x128x16xf32, #tpu.memory_space<vmem>>
        %dma_start3A_577 = tpu.memref_squeeze %dma_start3A_576 : memref<1x128x16xf32, #tpu.memory_space<vmem>> -> memref<128x16xf32, #tpu.memory_space<vmem>>
        %dma_start3A_578 = arith.constant 0 : i32
        %dma_start3A_579 = tpu.memref_slice %arg8[%add3A_561, %dma_start3A_578] : memref<30x128xi32, #tpu.memory_space<vmem>> -> memref<1x128xi32, #tpu.memory_space<vmem>>
        %dma_start3A_580 = tpu.memref_squeeze %dma_start3A_579 : memref<1x128xi32, #tpu.memory_space<vmem>> -> memref<128xi32, #tpu.memory_space<vmem>>
        %dma_start3A_581 = arith.constant 0 : i32
        %dma_start3A_582 = arith.constant 0 : i32
        %dma_start3A_583 = tpu.memref_slice %arg3[%dma_start3A_581, %dma_start3A_582] : memref<10112x16xf32, #tpu.memory_space<hbm>> -> memref<10112x16xf32, #tpu.memory_space<hbm>>
        tpu.enqueue_indirect_dma source(%dma_start3A_583 : memref<10112x16xf32, #tpu.memory_space<hbm>>) target(%dma_start3A_577 : memref<128x16xf32, #tpu.memory_space<vmem>>) offsets(%dma_start3A_580 : memref<128xi32, #tpu.memory_space<vmem>>) semaphore(%arg15 : memref<!tpu.dma_semaphore, #tpu.memory_space<semaphore_mem>>)
      } else {
      }
      %mul3A_317 = arith.constant 4 : i32
      %mul3A_318 = arith.muli %while3A_248, %mul3A_317 : i32
      %add3A_319 = arith.constant 1 : i32
      %add3A_320 = arith.addi %mul3A_318, %add3A_319 : i32
      %add3A_321 = arith.addi %add3A_4, %add3A_320 : i32
      %sub3A_322 = arith.constant 0 : i32
      %sub3A_323 = arith.subi %add3A_321, %sub3A_322 : i32
      %mul3A_324 = arith.constant 128 : i32
      %mul3A_325 = arith.muli %sub3A_323, %mul3A_324 : i32
      %dma_wait3A_326 = arith.constant 1 : i32
      %dma_wait3A_327 = arith.constant 0 : i32
      %dma_wait3A_328 = arith.constant 0 : i32
      %dma_wait3A_329 = tpu.memref_slice %arg9[%dma_wait3A_326, %dma_wait3A_327, %dma_wait3A_328] : memref<4x128x48xf32, #tpu.memory_space<vmem>> -> memref<1x128x48xf32, #tpu.memory_space<vmem>>
      %dma_wait3A_330 = tpu.memref_squeeze %dma_wait3A_329 : memref<1x128x48xf32, #tpu.memory_space<vmem>> -> memref<128x48xf32, #tpu.memory_space<vmem>>
      %dma_wait3A_331 = arith.constant 0 : i32
      %dma_wait3A_332 = arith.constant 0 : i32
      %dma_wait3A_333 = tpu.memref_slice %arg6[%dma_wait3A_331, %dma_wait3A_332] : memref<81920x128xf32, #tpu.memory_space<hbm>> -> memref<128x48xf32, #tpu.memory_space<hbm>>
      %dma_wait3A_334 = arith.constant 0 : i32
      %dma_wait3A_335 = arith.constant 0 : i32
      %dma_wait3A_336 = tpu.memref_slice %arg9[%dma_wait3A_326, %dma_wait3A_334, %dma_wait3A_335] : memref<4x128x48xf32, #tpu.memory_space<vmem>> -> memref<1x128x48xf32, #tpu.memory_space<vmem>>
      %dma_wait3A_337 = tpu.memref_squeeze %dma_wait3A_336 : memref<1x128x48xf32, #tpu.memory_space<vmem>> -> memref<128x48xf32, #tpu.memory_space<vmem>>
      %dma_wait3A_338 = arith.constant 0 : i32
      %dma_wait3A_339 = arith.constant 0 : i32
      %dma_wait3A_340 = tpu.memref_slice %arg6[%dma_wait3A_338, %dma_wait3A_339] : memref<81920x128xf32, #tpu.memory_space<hbm>> -> memref<128x48xf32, #tpu.memory_space<hbm>>
      tpu.wait_dma2 semaphore(%arg12 : memref<!tpu.dma_semaphore, #tpu.memory_space<semaphore_mem>>) src(%dma_wait3A_340 : memref<128x48xf32, #tpu.memory_space<hbm>>) dst(%dma_wait3A_337 : memref<128x48xf32, #tpu.memory_space<vmem>>)
      %dma_wait3A_341 = arith.constant 1 : i32
      %dma_wait3A_342 = arith.constant 0 : i32
      %dma_wait3A_343 = arith.constant 0 : i32
      %dma_wait3A_344 = tpu.memref_slice %arg10[%dma_wait3A_341, %dma_wait3A_342, %dma_wait3A_343] : memref<4x128x16xf32, #tpu.memory_space<vmem>> -> memref<1x128x16xf32, #tpu.memory_space<vmem>>
      %dma_wait3A_345 = tpu.memref_squeeze %dma_wait3A_344 : memref<1x128x16xf32, #tpu.memory_space<vmem>> -> memref<128x16xf32, #tpu.memory_space<vmem>>
      %dma_wait3A_346 = arith.constant 0 : i32
      %dma_wait3A_347 = arith.constant 0 : i32
      %dma_wait3A_348 = tpu.memref_slice %arg6[%dma_wait3A_346, %dma_wait3A_347] : memref<81920x128xf32, #tpu.memory_space<hbm>> -> memref<128x16xf32, #tpu.memory_space<hbm>>
      %dma_wait3A_349 = arith.constant 0 : i32
      %dma_wait3A_350 = arith.constant 0 : i32
      %dma_wait3A_351 = tpu.memref_slice %arg10[%dma_wait3A_341, %dma_wait3A_349, %dma_wait3A_350] : memref<4x128x16xf32, #tpu.memory_space<vmem>> -> memref<1x128x16xf32, #tpu.memory_space<vmem>>
      %dma_wait3A_352 = tpu.memref_squeeze %dma_wait3A_351 : memref<1x128x16xf32, #tpu.memory_space<vmem>> -> memref<128x16xf32, #tpu.memory_space<vmem>>
      %dma_wait3A_353 = arith.constant 0 : i32
      %dma_wait3A_354 = arith.constant 0 : i32
      %dma_wait3A_355 = tpu.memref_slice %arg6[%dma_wait3A_353, %dma_wait3A_354] : memref<81920x128xf32, #tpu.memory_space<hbm>> -> memref<128x16xf32, #tpu.memory_space<hbm>>
      tpu.wait_dma2 semaphore(%arg16 : memref<!tpu.dma_semaphore, #tpu.memory_space<semaphore_mem>>) src(%dma_wait3A_355 : memref<128x16xf32, #tpu.memory_space<hbm>>) dst(%dma_wait3A_352 : memref<128x16xf32, #tpu.memory_space<vmem>>)
      %dma_start3A_356 = arith.constant 1 : i32
      %dma_start3A_357 = arith.constant 0 : i32
      %dma_start3A_358 = arith.constant 0 : i32
      %dma_start3A_359 = tpu.memref_slice %arg9[%dma_start3A_356, %dma_start3A_357, %dma_start3A_358] : memref<4x128x48xf32, #tpu.memory_space<vmem>> -> memref<1x128x48xf32, #tpu.memory_space<vmem>>
      %dma_start3A_360 = tpu.memref_squeeze %dma_start3A_359 : memref<1x128x48xf32, #tpu.memory_space<vmem>> -> memref<128x48xf32, #tpu.memory_space<vmem>>
      %dma_start3A_361 = arith.constant 0 : i32
      %dma_start3A_362 = tpu.memref_slice %arg6[%mul3A_325, %dma_start3A_361] : memref<81920x128xf32, #tpu.memory_space<hbm>> -> memref<128x48xf32, #tpu.memory_space<hbm>>
      %dma_start3A_363 = arith.constant 0 : i32
      %dma_start3A_364 = tpu.memref_slice %arg6[%mul3A_325, %dma_start3A_363] : memref<81920x128xf32, #tpu.memory_space<hbm>> -> memref<128x48xf32, #tpu.memory_space<hbm>>
      %dma_start3A_365 = arith.constant 0 : i32
      %dma_start3A_366 = arith.constant 0 : i32
      %dma_start3A_367 = tpu.memref_slice %arg9[%dma_start3A_356, %dma_start3A_365, %dma_start3A_366] : memref<4x128x48xf32, #tpu.memory_space<vmem>> -> memref<1x128x48xf32, #tpu.memory_space<vmem>>
      %dma_start3A_368 = tpu.memref_squeeze %dma_start3A_367 : memref<1x128x48xf32, #tpu.memory_space<vmem>> -> memref<128x48xf32, #tpu.memory_space<vmem>>
      tpu.enqueue_dma source(%dma_start3A_368 : memref<128x48xf32, #tpu.memory_space<vmem>>) target(%dma_start3A_364 : memref<128x48xf32, #tpu.memory_space<hbm>>) target_semaphore(%arg20 : memref<!tpu.dma_semaphore, #tpu.memory_space<semaphore_mem>>)
      %dma_start3A_369 = arith.constant 1 : i32
      %dma_start3A_370 = arith.constant 0 : i32
      %dma_start3A_371 = arith.constant 0 : i32
      %dma_start3A_372 = tpu.memref_slice %arg10[%dma_start3A_369, %dma_start3A_370, %dma_start3A_371] : memref<4x128x16xf32, #tpu.memory_space<vmem>> -> memref<1x128x16xf32, #tpu.memory_space<vmem>>
      %dma_start3A_373 = tpu.memref_squeeze %dma_start3A_372 : memref<1x128x16xf32, #tpu.memory_space<vmem>> -> memref<128x16xf32, #tpu.memory_space<vmem>>
      %dma_start3A_374 = arith.constant 48 : i32
      %dma_start3A_375 = tpu.memref_slice %arg6[%mul3A_325, %dma_start3A_374] : memref<81920x128xf32, #tpu.memory_space<hbm>> -> memref<128x16xf32, #tpu.memory_space<hbm>>
      %dma_start3A_376 = arith.constant 48 : i32
      %dma_start3A_377 = tpu.memref_slice %arg6[%mul3A_325, %dma_start3A_376] : memref<81920x128xf32, #tpu.memory_space<hbm>> -> memref<128x16xf32, #tpu.memory_space<hbm>>
      %dma_start3A_378 = arith.constant 0 : i32
      %dma_start3A_379 = arith.constant 0 : i32
      %dma_start3A_380 = tpu.memref_slice %arg10[%dma_start3A_369, %dma_start3A_378, %dma_start3A_379] : memref<4x128x16xf32, #tpu.memory_space<vmem>> -> memref<1x128x16xf32, #tpu.memory_space<vmem>>
      %dma_start3A_381 = tpu.memref_squeeze %dma_start3A_380 : memref<1x128x16xf32, #tpu.memory_space<vmem>> -> memref<128x16xf32, #tpu.memory_space<vmem>>
      tpu.enqueue_dma source(%dma_start3A_381 : memref<128x16xf32, #tpu.memory_space<vmem>>) target(%dma_start3A_377 : memref<128x16xf32, #tpu.memory_space<hbm>>) target_semaphore(%arg24 : memref<!tpu.dma_semaphore, #tpu.memory_space<semaphore_mem>>)
      %add3A_382 = arith.constant 4 : i32
      %add3A_383 = arith.addi %add3A_320, %add3A_382 : i32
      %lt3A_384 = arith.cmpi slt, %add3A_383, %select_n3A : i32
      %convert_element_type3A_385 = arith.extui %lt3A_384 : i1 to i32
      %cond3A_386 = arith.constant 0 : i32
      %cond3A_387 = arith.cmpi ne, %convert_element_type3A_385, %cond3A_386 : i32
      scf.if %cond3A_387 {
        %dma_wait3A_530 = arith.constant 1 : i32
        %dma_wait3A_531 = arith.constant 0 : i32
        %dma_wait3A_532 = arith.constant 0 : i32
        %dma_wait3A_533 = tpu.memref_slice %arg9[%dma_wait3A_530, %dma_wait3A_531, %dma_wait3A_532] : memref<4x128x48xf32, #tpu.memory_space<vmem>> -> memref<1x128x48xf32, #tpu.memory_space<vmem>>
        %dma_wait3A_534 = tpu.memref_squeeze %dma_wait3A_533 : memref<1x128x48xf32, #tpu.memory_space<vmem>> -> memref<128x48xf32, #tpu.memory_space<vmem>>
        %dma_wait3A_535 = arith.constant 0 : i32
        %dma_wait3A_536 = arith.constant 0 : i32
        %dma_wait3A_537 = tpu.memref_slice %arg6[%dma_wait3A_535, %dma_wait3A_536] : memref<81920x128xf32, #tpu.memory_space<hbm>> -> memref<128x48xf32, #tpu.memory_space<hbm>>
        %dma_wait3A_538 = arith.constant 0 : i32
        %dma_wait3A_539 = arith.constant 0 : i32
        %dma_wait3A_540 = tpu.memref_slice %arg6[%dma_wait3A_538, %dma_wait3A_539] : memref<81920x128xf32, #tpu.memory_space<hbm>> -> memref<128x48xf32, #tpu.memory_space<hbm>>
        %dma_wait3A_541 = arith.constant 0 : i32
        %dma_wait3A_542 = arith.constant 0 : i32
        %dma_wait3A_543 = tpu.memref_slice %arg9[%dma_wait3A_530, %dma_wait3A_541, %dma_wait3A_542] : memref<4x128x48xf32, #tpu.memory_space<vmem>> -> memref<1x128x48xf32, #tpu.memory_space<vmem>>
        %dma_wait3A_544 = tpu.memref_squeeze %dma_wait3A_543 : memref<1x128x48xf32, #tpu.memory_space<vmem>> -> memref<128x48xf32, #tpu.memory_space<vmem>>
        tpu.wait_dma2 semaphore(%arg20 : memref<!tpu.dma_semaphore, #tpu.memory_space<semaphore_mem>>) src(%dma_wait3A_544 : memref<128x48xf32, #tpu.memory_space<vmem>>) dst(%dma_wait3A_540 : memref<128x48xf32, #tpu.memory_space<hbm>>)
        %dma_wait3A_545 = arith.constant 1 : i32
        %dma_wait3A_546 = arith.constant 0 : i32
        %dma_wait3A_547 = arith.constant 0 : i32
        %dma_wait3A_548 = tpu.memref_slice %arg10[%dma_wait3A_545, %dma_wait3A_546, %dma_wait3A_547] : memref<4x128x16xf32, #tpu.memory_space<vmem>> -> memref<1x128x16xf32, #tpu.memory_space<vmem>>
        %dma_wait3A_549 = tpu.memref_squeeze %dma_wait3A_548 : memref<1x128x16xf32, #tpu.memory_space<vmem>> -> memref<128x16xf32, #tpu.memory_space<vmem>>
        %dma_wait3A_550 = arith.constant 0 : i32
        %dma_wait3A_551 = arith.constant 48 : i32
        %dma_wait3A_552 = tpu.memref_slice %arg6[%dma_wait3A_550, %dma_wait3A_551] : memref<81920x128xf32, #tpu.memory_space<hbm>> -> memref<128x16xf32, #tpu.memory_space<hbm>>
        %dma_wait3A_553 = arith.constant 0 : i32
        %dma_wait3A_554 = arith.constant 48 : i32
        %dma_wait3A_555 = tpu.memref_slice %arg6[%dma_wait3A_553, %dma_wait3A_554] : memref<81920x128xf32, #tpu.memory_space<hbm>> -> memref<128x16xf32, #tpu.memory_space<hbm>>
        %dma_wait3A_556 = arith.constant 0 : i32
        %dma_wait3A_557 = arith.constant 0 : i32
        %dma_wait3A_558 = tpu.memref_slice %arg10[%dma_wait3A_545, %dma_wait3A_556, %dma_wait3A_557] : memref<4x128x16xf32, #tpu.memory_space<vmem>> -> memref<1x128x16xf32, #tpu.memory_space<vmem>>
        %dma_wait3A_559 = tpu.memref_squeeze %dma_wait3A_558 : memref<1x128x16xf32, #tpu.memory_space<vmem>> -> memref<128x16xf32, #tpu.memory_space<vmem>>
        tpu.wait_dma2 semaphore(%arg24 : memref<!tpu.dma_semaphore, #tpu.memory_space<semaphore_mem>>) src(%dma_wait3A_559 : memref<128x16xf32, #tpu.memory_space<vmem>>) dst(%dma_wait3A_555 : memref<128x16xf32, #tpu.memory_space<hbm>>)
        %add3A_560 = arith.constant 4 : i32
        %add3A_561 = arith.addi %add3A_320, %add3A_560 : i32
        %dma_start3A_562 = arith.constant 1 : i32
        %dma_start3A_563 = arith.constant 0 : i32
        %dma_start3A_564 = arith.constant 0 : i32
        %dma_start3A_565 = tpu.memref_slice %arg9[%dma_start3A_562, %dma_start3A_563, %dma_start3A_564] : memref<4x128x48xf32, #tpu.memory_space<vmem>> -> memref<1x128x48xf32, #tpu.memory_space<vmem>>
        %dma_start3A_566 = tpu.memref_squeeze %dma_start3A_565 : memref<1x128x48xf32, #tpu.memory_space<vmem>> -> memref<128x48xf32, #tpu.memory_space<vmem>>
        %dma_start3A_567 = arith.constant 0 : i32
        %dma_start3A_568 = tpu.memref_slice %arg7[%add3A_561, %dma_start3A_567] : memref<30x128xi32, #tpu.memory_space<vmem>> -> memref<1x128xi32, #tpu.memory_space<vmem>>
        %dma_start3A_569 = tpu.memref_squeeze %dma_start3A_568 : memref<1x128xi32, #tpu.memory_space<vmem>> -> memref<128xi32, #tpu.memory_space<vmem>>
        %dma_start3A_570 = arith.constant 0 : i32
        %dma_start3A_571 = arith.constant 0 : i32
        %dma_start3A_572 = tpu.memref_slice %arg2[%dma_start3A_570, %dma_start3A_571] : memref<10000x48xf32, #tpu.memory_space<hbm>> -> memref<10000x48xf32, #tpu.memory_space<hbm>>
        tpu.enqueue_indirect_dma source(%dma_start3A_572 : memref<10000x48xf32, #tpu.memory_space<hbm>>) target(%dma_start3A_566 : memref<128x48xf32, #tpu.memory_space<vmem>>) offsets(%dma_start3A_569 : memref<128xi32, #tpu.memory_space<vmem>>) semaphore(%arg12 : memref<!tpu.dma_semaphore, #tpu.memory_space<semaphore_mem>>)
        %dma_start3A_573 = arith.constant 1 : i32
        %dma_start3A_574 = arith.constant 0 : i32
        %dma_start3A_575 = arith.constant 0 : i32
        %dma_start3A_576 = tpu.memref_slice %arg10[%dma_start3A_573, %dma_start3A_574, %dma_start3A_575] : memref<4x128x16xf32, #tpu.memory_space<vmem>> -> memref<1x128x16xf32, #tpu.memory_space<vmem>>
        %dma_start3A_577 = tpu.memref_squeeze %dma_start3A_576 : memref<1x128x16xf32, #tpu.memory_space<vmem>> -> memref<128x16xf32, #tpu.memory_space<vmem>>
        %dma_start3A_578 = arith.constant 0 : i32
        %dma_start3A_579 = tpu.memref_slice %arg8[%add3A_561, %dma_start3A_578] : memref<30x128xi32, #tpu.memory_space<vmem>> -> memref<1x128xi32, #tpu.memory_space<vmem>>
        %dma_start3A_580 = tpu.memref_squeeze %dma_start3A_579 : memref<1x128xi32, #tpu.memory_space<vmem>> -> memref<128xi32, #tpu.memory_space<vmem>>
        %dma_start3A_581 = arith.constant 0 : i32
        %dma_start3A_582 = arith.constant 0 : i32
        %dma_start3A_583 = tpu.memref_slice %arg3[%dma_start3A_581, %dma_start3A_582] : memref<10112x16xf32, #tpu.memory_space<hbm>> -> memref<10112x16xf32, #tpu.memory_space<hbm>>
        tpu.enqueue_indirect_dma source(%dma_start3A_583 : memref<10112x16xf32, #tpu.memory_space<hbm>>) target(%dma_start3A_577 : memref<128x16xf32, #tpu.memory_space<vmem>>) offsets(%dma_start3A_580 : memref<128xi32, #tpu.memory_space<vmem>>) semaphore(%arg16 : memref<!tpu.dma_semaphore, #tpu.memory_space<semaphore_mem>>)
      } else {
      }
      %mul3A_388 = arith.constant 4 : i32
      %mul3A_389 = arith.muli %while3A_248, %mul3A_388 : i32
      %add3A_390 = arith.constant 2 : i32
      %add3A_391 = arith.addi %mul3A_389, %add3A_390 : i32
      %add3A_392 = arith.addi %add3A_4, %add3A_391 : i32
      %sub3A_393 = arith.constant 0 : i32
      %sub3A_394 = arith.subi %add3A_392, %sub3A_393 : i32
      %mul3A_395 = arith.constant 128 : i32
      %mul3A_396 = arith.muli %sub3A_394, %mul3A_395 : i32
      %dma_wait3A_397 = arith.constant 2 : i32
      %dma_wait3A_398 = arith.constant 0 : i32
      %dma_wait3A_399 = arith.constant 0 : i32
      %dma_wait3A_400 = tpu.memref_slice %arg9[%dma_wait3A_397, %dma_wait3A_398, %dma_wait3A_399] : memref<4x128x48xf32, #tpu.memory_space<vmem>> -> memref<1x128x48xf32, #tpu.memory_space<vmem>>
      %dma_wait3A_401 = tpu.memref_squeeze %dma_wait3A_400 : memref<1x128x48xf32, #tpu.memory_space<vmem>> -> memref<128x48xf32, #tpu.memory_space<vmem>>
      %dma_wait3A_402 = arith.constant 0 : i32
      %dma_wait3A_403 = arith.constant 0 : i32
      %dma_wait3A_404 = tpu.memref_slice %arg6[%dma_wait3A_402, %dma_wait3A_403] : memref<81920x128xf32, #tpu.memory_space<hbm>> -> memref<128x48xf32, #tpu.memory_space<hbm>>
      %dma_wait3A_405 = arith.constant 0 : i32
      %dma_wait3A_406 = arith.constant 0 : i32
      %dma_wait3A_407 = tpu.memref_slice %arg9[%dma_wait3A_397, %dma_wait3A_405, %dma_wait3A_406] : memref<4x128x48xf32, #tpu.memory_space<vmem>> -> memref<1x128x48xf32, #tpu.memory_space<vmem>>
      %dma_wait3A_408 = tpu.memref_squeeze %dma_wait3A_407 : memref<1x128x48xf32, #tpu.memory_space<vmem>> -> memref<128x48xf32, #tpu.memory_space<vmem>>
      %dma_wait3A_409 = arith.constant 0 : i32
      %dma_wait3A_410 = arith.constant 0 : i32
      %dma_wait3A_411 = tpu.memref_slice %arg6[%dma_wait3A_409, %dma_wait3A_410] : memref<81920x128xf32, #tpu.memory_space<hbm>> -> memref<128x48xf32, #tpu.memory_space<hbm>>
      tpu.wait_dma2 semaphore(%arg13 : memref<!tpu.dma_semaphore, #tpu.memory_space<semaphore_mem>>) src(%dma_wait3A_411 : memref<128x48xf32, #tpu.memory_space<hbm>>) dst(%dma_wait3A_408 : memref<128x48xf32, #tpu.memory_space<vmem>>)
      %dma_wait3A_412 = arith.constant 2 : i32
      %dma_wait3A_413 = arith.constant 0 : i32
      %dma_wait3A_414 = arith.constant 0 : i32
      %dma_wait3A_415 = tpu.memref_slice %arg10[%dma_wait3A_412, %dma_wait3A_413, %dma_wait3A_414] : memref<4x128x16xf32, #tpu.memory_space<vmem>> -> memref<1x128x16xf32, #tpu.memory_space<vmem>>
      %dma_wait3A_416 = tpu.memref_squeeze %dma_wait3A_415 : memref<1x128x16xf32, #tpu.memory_space<vmem>> -> memref<128x16xf32, #tpu.memory_space<vmem>>
      %dma_wait3A_417 = arith.constant 0 : i32
      %dma_wait3A_418 = arith.constant 0 : i32
      %dma_wait3A_419 = tpu.memref_slice %arg6[%dma_wait3A_417, %dma_wait3A_418] : memref<81920x128xf32, #tpu.memory_space<hbm>> -> memref<128x16xf32, #tpu.memory_space<hbm>>
      %dma_wait3A_420 = arith.constant 0 : i32
      %dma_wait3A_421 = arith.constant 0 : i32
      %dma_wait3A_422 = tpu.memref_slice %arg10[%dma_wait3A_412, %dma_wait3A_420, %dma_wait3A_421] : memref<4x128x16xf32, #tpu.memory_space<vmem>> -> memref<1x128x16xf32, #tpu.memory_space<vmem>>
      %dma_wait3A_423 = tpu.memref_squeeze %dma_wait3A_422 : memref<1x128x16xf32, #tpu.memory_space<vmem>> -> memref<128x16xf32, #tpu.memory_space<vmem>>
      %dma_wait3A_424 = arith.constant 0 : i32
      %dma_wait3A_425 = arith.constant 0 : i32
      %dma_wait3A_426 = tpu.memref_slice %arg6[%dma_wait3A_424, %dma_wait3A_425] : memref<81920x128xf32, #tpu.memory_space<hbm>> -> memref<128x16xf32, #tpu.memory_space<hbm>>
      tpu.wait_dma2 semaphore(%arg17 : memref<!tpu.dma_semaphore, #tpu.memory_space<semaphore_mem>>) src(%dma_wait3A_426 : memref<128x16xf32, #tpu.memory_space<hbm>>) dst(%dma_wait3A_423 : memref<128x16xf32, #tpu.memory_space<vmem>>)
      %dma_start3A_427 = arith.constant 2 : i32
      %dma_start3A_428 = arith.constant 0 : i32
      %dma_start3A_429 = arith.constant 0 : i32
      %dma_start3A_430 = tpu.memref_slice %arg9[%dma_start3A_427, %dma_start3A_428, %dma_start3A_429] : memref<4x128x48xf32, #tpu.memory_space<vmem>> -> memref<1x128x48xf32, #tpu.memory_space<vmem>>
      %dma_start3A_431 = tpu.memref_squeeze %dma_start3A_430 : memref<1x128x48xf32, #tpu.memory_space<vmem>> -> memref<128x48xf32, #tpu.memory_space<vmem>>
      %dma_start3A_432 = arith.constant 0 : i32
      %dma_start3A_433 = tpu.memref_slice %arg6[%mul3A_396, %dma_start3A_432] : memref<81920x128xf32, #tpu.memory_space<hbm>> -> memref<128x48xf32, #tpu.memory_space<hbm>>
      %dma_start3A_434 = arith.constant 0 : i32
      %dma_start3A_435 = tpu.memref_slice %arg6[%mul3A_396, %dma_start3A_434] : memref<81920x128xf32, #tpu.memory_space<hbm>> -> memref<128x48xf32, #tpu.memory_space<hbm>>
      %dma_start3A_436 = arith.constant 0 : i32
      %dma_start3A_437 = arith.constant 0 : i32
      %dma_start3A_438 = tpu.memref_slice %arg9[%dma_start3A_427, %dma_start3A_436, %dma_start3A_437] : memref<4x128x48xf32, #tpu.memory_space<vmem>> -> memref<1x128x48xf32, #tpu.memory_space<vmem>>
      %dma_start3A_439 = tpu.memref_squeeze %dma_start3A_438 : memref<1x128x48xf32, #tpu.memory_space<vmem>> -> memref<128x48xf32, #tpu.memory_space<vmem>>
      tpu.enqueue_dma source(%dma_start3A_439 : memref<128x48xf32, #tpu.memory_space<vmem>>) target(%dma_start3A_435 : memref<128x48xf32, #tpu.memory_space<hbm>>) target_semaphore(%arg21 : memref<!tpu.dma_semaphore, #tpu.memory_space<semaphore_mem>>)
      %dma_start3A_440 = arith.constant 2 : i32
      %dma_start3A_441 = arith.constant 0 : i32
      %dma_start3A_442 = arith.constant 0 : i32
      %dma_start3A_443 = tpu.memref_slice %arg10[%dma_start3A_440, %dma_start3A_441, %dma_start3A_442] : memref<4x128x16xf32, #tpu.memory_space<vmem>> -> memref<1x128x16xf32, #tpu.memory_space<vmem>>
      %dma_start3A_444 = tpu.memref_squeeze %dma_start3A_443 : memref<1x128x16xf32, #tpu.memory_space<vmem>> -> memref<128x16xf32, #tpu.memory_space<vmem>>
      %dma_start3A_445 = arith.constant 48 : i32
      %dma_start3A_446 = tpu.memref_slice %arg6[%mul3A_396, %dma_start3A_445] : memref<81920x128xf32, #tpu.memory_space<hbm>> -> memref<128x16xf32, #tpu.memory_space<hbm>>
      %dma_start3A_447 = arith.constant 48 : i32
      %dma_start3A_448 = tpu.memref_slice %arg6[%mul3A_396, %dma_start3A_447] : memref<81920x128xf32, #tpu.memory_space<hbm>> -> memref<128x16xf32, #tpu.memory_space<hbm>>
      %dma_start3A_449 = arith.constant 0 : i32
      %dma_start3A_450 = arith.constant 0 : i32
      %dma_start3A_451 = tpu.memref_slice %arg10[%dma_start3A_440, %dma_start3A_449, %dma_start3A_450] : memref<4x128x16xf32, #tpu.memory_space<vmem>> -> memref<1x128x16xf32, #tpu.memory_space<vmem>>
      %dma_start3A_452 = tpu.memref_squeeze %dma_start3A_451 : memref<1x128x16xf32, #tpu.memory_space<vmem>> -> memref<128x16xf32, #tpu.memory_space<vmem>>
      tpu.enqueue_dma source(%dma_start3A_452 : memref<128x16xf32, #tpu.memory_space<vmem>>) target(%dma_start3A_448 : memref<128x16xf32, #tpu.memory_space<hbm>>) target_semaphore(%arg25 : memref<!tpu.dma_semaphore, #tpu.memory_space<semaphore_mem>>)
      %add3A_453 = arith.constant 4 : i32
      %add3A_454 = arith.addi %add3A_391, %add3A_453 : i32
      %lt3A_455 = arith.cmpi slt, %add3A_454, %select_n3A : i32
      %convert_element_type3A_456 = arith.extui %lt3A_455 : i1 to i32
      %cond3A_457 = arith.constant 0 : i32
      %cond3A_458 = arith.cmpi ne, %convert_element_type3A_456, %cond3A_457 : i32
      scf.if %cond3A_458 {
        %dma_wait3A_530 = arith.constant 2 : i32
        %dma_wait3A_531 = arith.constant 0 : i32
        %dma_wait3A_532 = arith.constant 0 : i32
        %dma_wait3A_533 = tpu.memref_slice %arg9[%dma_wait3A_530, %dma_wait3A_531, %dma_wait3A_532] : memref<4x128x48xf32, #tpu.memory_space<vmem>> -> memref<1x128x48xf32, #tpu.memory_space<vmem>>
        %dma_wait3A_534 = tpu.memref_squeeze %dma_wait3A_533 : memref<1x128x48xf32, #tpu.memory_space<vmem>> -> memref<128x48xf32, #tpu.memory_space<vmem>>
        %dma_wait3A_535 = arith.constant 0 : i32
        %dma_wait3A_536 = arith.constant 0 : i32
        %dma_wait3A_537 = tpu.memref_slice %arg6[%dma_wait3A_535, %dma_wait3A_536] : memref<81920x128xf32, #tpu.memory_space<hbm>> -> memref<128x48xf32, #tpu.memory_space<hbm>>
        %dma_wait3A_538 = arith.constant 0 : i32
        %dma_wait3A_539 = arith.constant 0 : i32
        %dma_wait3A_540 = tpu.memref_slice %arg6[%dma_wait3A_538, %dma_wait3A_539] : memref<81920x128xf32, #tpu.memory_space<hbm>> -> memref<128x48xf32, #tpu.memory_space<hbm>>
        %dma_wait3A_541 = arith.constant 0 : i32
        %dma_wait3A_542 = arith.constant 0 : i32
        %dma_wait3A_543 = tpu.memref_slice %arg9[%dma_wait3A_530, %dma_wait3A_541, %dma_wait3A_542] : memref<4x128x48xf32, #tpu.memory_space<vmem>> -> memref<1x128x48xf32, #tpu.memory_space<vmem>>
        %dma_wait3A_544 = tpu.memref_squeeze %dma_wait3A_543 : memref<1x128x48xf32, #tpu.memory_space<vmem>> -> memref<128x48xf32, #tpu.memory_space<vmem>>
        tpu.wait_dma2 semaphore(%arg21 : memref<!tpu.dma_semaphore, #tpu.memory_space<semaphore_mem>>) src(%dma_wait3A_544 : memref<128x48xf32, #tpu.memory_space<vmem>>) dst(%dma_wait3A_540 : memref<128x48xf32, #tpu.memory_space<hbm>>)
        %dma_wait3A_545 = arith.constant 2 : i32
        %dma_wait3A_546 = arith.constant 0 : i32
        %dma_wait3A_547 = arith.constant 0 : i32
        %dma_wait3A_548 = tpu.memref_slice %arg10[%dma_wait3A_545, %dma_wait3A_546, %dma_wait3A_547] : memref<4x128x16xf32, #tpu.memory_space<vmem>> -> memref<1x128x16xf32, #tpu.memory_space<vmem>>
        %dma_wait3A_549 = tpu.memref_squeeze %dma_wait3A_548 : memref<1x128x16xf32, #tpu.memory_space<vmem>> -> memref<128x16xf32, #tpu.memory_space<vmem>>
        %dma_wait3A_550 = arith.constant 0 : i32
        %dma_wait3A_551 = arith.constant 48 : i32
        %dma_wait3A_552 = tpu.memref_slice %arg6[%dma_wait3A_550, %dma_wait3A_551] : memref<81920x128xf32, #tpu.memory_space<hbm>> -> memref<128x16xf32, #tpu.memory_space<hbm>>
        %dma_wait3A_553 = arith.constant 0 : i32
        %dma_wait3A_554 = arith.constant 48 : i32
        %dma_wait3A_555 = tpu.memref_slice %arg6[%dma_wait3A_553, %dma_wait3A_554] : memref<81920x128xf32, #tpu.memory_space<hbm>> -> memref<128x16xf32, #tpu.memory_space<hbm>>
        %dma_wait3A_556 = arith.constant 0 : i32
        %dma_wait3A_557 = arith.constant 0 : i32
        %dma_wait3A_558 = tpu.memref_slice %arg10[%dma_wait3A_545, %dma_wait3A_556, %dma_wait3A_557] : memref<4x128x16xf32, #tpu.memory_space<vmem>> -> memref<1x128x16xf32, #tpu.memory_space<vmem>>
        %dma_wait3A_559 = tpu.memref_squeeze %dma_wait3A_558 : memref<1x128x16xf32, #tpu.memory_space<vmem>> -> memref<128x16xf32, #tpu.memory_space<vmem>>
        tpu.wait_dma2 semaphore(%arg25 : memref<!tpu.dma_semaphore, #tpu.memory_space<semaphore_mem>>) src(%dma_wait3A_559 : memref<128x16xf32, #tpu.memory_space<vmem>>) dst(%dma_wait3A_555 : memref<128x16xf32, #tpu.memory_space<hbm>>)
        %add3A_560 = arith.constant 4 : i32
        %add3A_561 = arith.addi %add3A_391, %add3A_560 : i32
        %dma_start3A_562 = arith.constant 2 : i32
        %dma_start3A_563 = arith.constant 0 : i32
        %dma_start3A_564 = arith.constant 0 : i32
        %dma_start3A_565 = tpu.memref_slice %arg9[%dma_start3A_562, %dma_start3A_563, %dma_start3A_564] : memref<4x128x48xf32, #tpu.memory_space<vmem>> -> memref<1x128x48xf32, #tpu.memory_space<vmem>>
        %dma_start3A_566 = tpu.memref_squeeze %dma_start3A_565 : memref<1x128x48xf32, #tpu.memory_space<vmem>> -> memref<128x48xf32, #tpu.memory_space<vmem>>
        %dma_start3A_567 = arith.constant 0 : i32
        %dma_start3A_568 = tpu.memref_slice %arg7[%add3A_561, %dma_start3A_567] : memref<30x128xi32, #tpu.memory_space<vmem>> -> memref<1x128xi32, #tpu.memory_space<vmem>>
        %dma_start3A_569 = tpu.memref_squeeze %dma_start3A_568 : memref<1x128xi32, #tpu.memory_space<vmem>> -> memref<128xi32, #tpu.memory_space<vmem>>
        %dma_start3A_570 = arith.constant 0 : i32
        %dma_start3A_571 = arith.constant 0 : i32
        %dma_start3A_572 = tpu.memref_slice %arg2[%dma_start3A_570, %dma_start3A_571] : memref<10000x48xf32, #tpu.memory_space<hbm>> -> memref<10000x48xf32, #tpu.memory_space<hbm>>
        tpu.enqueue_indirect_dma source(%dma_start3A_572 : memref<10000x48xf32, #tpu.memory_space<hbm>>) target(%dma_start3A_566 : memref<128x48xf32, #tpu.memory_space<vmem>>) offsets(%dma_start3A_569 : memref<128xi32, #tpu.memory_space<vmem>>) semaphore(%arg13 : memref<!tpu.dma_semaphore, #tpu.memory_space<semaphore_mem>>)
        %dma_start3A_573 = arith.constant 2 : i32
        %dma_start3A_574 = arith.constant 0 : i32
        %dma_start3A_575 = arith.constant 0 : i32
        %dma_start3A_576 = tpu.memref_slice %arg10[%dma_start3A_573, %dma_start3A_574, %dma_start3A_575] : memref<4x128x16xf32, #tpu.memory_space<vmem>> -> memref<1x128x16xf32, #tpu.memory_space<vmem>>
        %dma_start3A_577 = tpu.memref_squeeze %dma_start3A_576 : memref<1x128x16xf32, #tpu.memory_space<vmem>> -> memref<128x16xf32, #tpu.memory_space<vmem>>
        %dma_start3A_578 = arith.constant 0 : i32
        %dma_start3A_579 = tpu.memref_slice %arg8[%add3A_561, %dma_start3A_578] : memref<30x128xi32, #tpu.memory_space<vmem>> -> memref<1x128xi32, #tpu.memory_space<vmem>>
        %dma_start3A_580 = tpu.memref_squeeze %dma_start3A_579 : memref<1x128xi32, #tpu.memory_space<vmem>> -> memref<128xi32, #tpu.memory_space<vmem>>
        %dma_start3A_581 = arith.constant 0 : i32
        %dma_start3A_582 = arith.constant 0 : i32
        %dma_start3A_583 = tpu.memref_slice %arg3[%dma_start3A_581, %dma_start3A_582] : memref<10112x16xf32, #tpu.memory_space<hbm>> -> memref<10112x16xf32, #tpu.memory_space<hbm>>
        tpu.enqueue_indirect_dma source(%dma_start3A_583 : memref<10112x16xf32, #tpu.memory_space<hbm>>) target(%dma_start3A_577 : memref<128x16xf32, #tpu.memory_space<vmem>>) offsets(%dma_start3A_580 : memref<128xi32, #tpu.memory_space<vmem>>) semaphore(%arg17 : memref<!tpu.dma_semaphore, #tpu.memory_space<semaphore_mem>>)
      } else {
      }
      %mul3A_459 = arith.constant 4 : i32
      %mul3A_460 = arith.muli %while3A_248, %mul3A_459 : i32
      %add3A_461 = arith.constant 3 : i32
      %add3A_462 = arith.addi %mul3A_460, %add3A_461 : i32
      %add3A_463 = arith.addi %add3A_4, %add3A_462 : i32
      %sub3A_464 = arith.constant 0 : i32
      %sub3A_465 = arith.subi %add3A_463, %sub3A_464 : i32
      %mul3A_466 = arith.constant 128 : i32
      %mul3A_467 = arith.muli %sub3A_465, %mul3A_466 : i32
      %dma_wait3A_468 = arith.constant 3 : i32
      %dma_wait3A_469 = arith.constant 0 : i32
      %dma_wait3A_470 = arith.constant 0 : i32
      %dma_wait3A_471 = tpu.memref_slice %arg9[%dma_wait3A_468, %dma_wait3A_469, %dma_wait3A_470] : memref<4x128x48xf32, #tpu.memory_space<vmem>> -> memref<1x128x48xf32, #tpu.memory_space<vmem>>
      %dma_wait3A_472 = tpu.memref_squeeze %dma_wait3A_471 : memref<1x128x48xf32, #tpu.memory_space<vmem>> -> memref<128x48xf32, #tpu.memory_space<vmem>>
      %dma_wait3A_473 = arith.constant 0 : i32
      %dma_wait3A_474 = arith.constant 0 : i32
      %dma_wait3A_475 = tpu.memref_slice %arg6[%dma_wait3A_473, %dma_wait3A_474] : memref<81920x128xf32, #tpu.memory_space<hbm>> -> memref<128x48xf32, #tpu.memory_space<hbm>>
      %dma_wait3A_476 = arith.constant 0 : i32
      %dma_wait3A_477 = arith.constant 0 : i32
      %dma_wait3A_478 = tpu.memref_slice %arg9[%dma_wait3A_468, %dma_wait3A_476, %dma_wait3A_477] : memref<4x128x48xf32, #tpu.memory_space<vmem>> -> memref<1x128x48xf32, #tpu.memory_space<vmem>>
      %dma_wait3A_479 = tpu.memref_squeeze %dma_wait3A_478 : memref<1x128x48xf32, #tpu.memory_space<vmem>> -> memref<128x48xf32, #tpu.memory_space<vmem>>
      %dma_wait3A_480 = arith.constant 0 : i32
      %dma_wait3A_481 = arith.constant 0 : i32
      %dma_wait3A_482 = tpu.memref_slice %arg6[%dma_wait3A_480, %dma_wait3A_481] : memref<81920x128xf32, #tpu.memory_space<hbm>> -> memref<128x48xf32, #tpu.memory_space<hbm>>
      tpu.wait_dma2 semaphore(%arg14 : memref<!tpu.dma_semaphore, #tpu.memory_space<semaphore_mem>>) src(%dma_wait3A_482 : memref<128x48xf32, #tpu.memory_space<hbm>>) dst(%dma_wait3A_479 : memref<128x48xf32, #tpu.memory_space<vmem>>)
      %dma_wait3A_483 = arith.constant 3 : i32
      %dma_wait3A_484 = arith.constant 0 : i32
      %dma_wait3A_485 = arith.constant 0 : i32
      %dma_wait3A_486 = tpu.memref_slice %arg10[%dma_wait3A_483, %dma_wait3A_484, %dma_wait3A_485] : memref<4x128x16xf32, #tpu.memory_space<vmem>> -> memref<1x128x16xf32, #tpu.memory_space<vmem>>
      %dma_wait3A_487 = tpu.memref_squeeze %dma_wait3A_486 : memref<1x128x16xf32, #tpu.memory_space<vmem>> -> memref<128x16xf32, #tpu.memory_space<vmem>>
      %dma_wait3A_488 = arith.constant 0 : i32
      %dma_wait3A_489 = arith.constant 0 : i32
      %dma_wait3A_490 = tpu.memref_slice %arg6[%dma_wait3A_488, %dma_wait3A_489] : memref<81920x128xf32, #tpu.memory_space<hbm>> -> memref<128x16xf32, #tpu.memory_space<hbm>>
      %dma_wait3A_491 = arith.constant 0 : i32
      %dma_wait3A_492 = arith.constant 0 : i32
      %dma_wait3A_493 = tpu.memref_slice %arg10[%dma_wait3A_483, %dma_wait3A_491, %dma_wait3A_492] : memref<4x128x16xf32, #tpu.memory_space<vmem>> -> memref<1x128x16xf32, #tpu.memory_space<vmem>>
      %dma_wait3A_494 = tpu.memref_squeeze %dma_wait3A_493 : memref<1x128x16xf32, #tpu.memory_space<vmem>> -> memref<128x16xf32, #tpu.memory_space<vmem>>
      %dma_wait3A_495 = arith.constant 0 : i32
      %dma_wait3A_496 = arith.constant 0 : i32
      %dma_wait3A_497 = tpu.memref_slice %arg6[%dma_wait3A_495, %dma_wait3A_496] : memref<81920x128xf32, #tpu.memory_space<hbm>> -> memref<128x16xf32, #tpu.memory_space<hbm>>
      tpu.wait_dma2 semaphore(%arg18 : memref<!tpu.dma_semaphore, #tpu.memory_space<semaphore_mem>>) src(%dma_wait3A_497 : memref<128x16xf32, #tpu.memory_space<hbm>>) dst(%dma_wait3A_494 : memref<128x16xf32, #tpu.memory_space<vmem>>)
      %dma_start3A_498 = arith.constant 3 : i32
      %dma_start3A_499 = arith.constant 0 : i32
      %dma_start3A_500 = arith.constant 0 : i32
      %dma_start3A_501 = tpu.memref_slice %arg9[%dma_start3A_498, %dma_start3A_499, %dma_start3A_500] : memref<4x128x48xf32, #tpu.memory_space<vmem>> -> memref<1x128x48xf32, #tpu.memory_space<vmem>>
      %dma_start3A_502 = tpu.memref_squeeze %dma_start3A_501 : memref<1x128x48xf32, #tpu.memory_space<vmem>> -> memref<128x48xf32, #tpu.memory_space<vmem>>
      %dma_start3A_503 = arith.constant 0 : i32
      %dma_start3A_504 = tpu.memref_slice %arg6[%mul3A_467, %dma_start3A_503] : memref<81920x128xf32, #tpu.memory_space<hbm>> -> memref<128x48xf32, #tpu.memory_space<hbm>>
      %dma_start3A_505 = arith.constant 0 : i32
      %dma_start3A_506 = tpu.memref_slice %arg6[%mul3A_467, %dma_start3A_505] : memref<81920x128xf32, #tpu.memory_space<hbm>> -> memref<128x48xf32, #tpu.memory_space<hbm>>
      %dma_start3A_507 = arith.constant 0 : i32
      %dma_start3A_508 = arith.constant 0 : i32
      %dma_start3A_509 = tpu.memref_slice %arg9[%dma_start3A_498, %dma_start3A_507, %dma_start3A_508] : memref<4x128x48xf32, #tpu.memory_space<vmem>> -> memref<1x128x48xf32, #tpu.memory_space<vmem>>
      %dma_start3A_510 = tpu.memref_squeeze %dma_start3A_509 : memref<1x128x48xf32, #tpu.memory_space<vmem>> -> memref<128x48xf32, #tpu.memory_space<vmem>>
      tpu.enqueue_dma source(%dma_start3A_510 : memref<128x48xf32, #tpu.memory_space<vmem>>) target(%dma_start3A_506 : memref<128x48xf32, #tpu.memory_space<hbm>>) target_semaphore(%arg22 : memref<!tpu.dma_semaphore, #tpu.memory_space<semaphore_mem>>)
      %dma_start3A_511 = arith.constant 3 : i32
      %dma_start3A_512 = arith.constant 0 : i32
      %dma_start3A_513 = arith.constant 0 : i32
      %dma_start3A_514 = tpu.memref_slice %arg10[%dma_start3A_511, %dma_start3A_512, %dma_start3A_513] : memref<4x128x16xf32, #tpu.memory_space<vmem>> -> memref<1x128x16xf32, #tpu.memory_space<vmem>>
      %dma_start3A_515 = tpu.memref_squeeze %dma_start3A_514 : memref<1x128x16xf32, #tpu.memory_space<vmem>> -> memref<128x16xf32, #tpu.memory_space<vmem>>
      %dma_start3A_516 = arith.constant 48 : i32
      %dma_start3A_517 = tpu.memref_slice %arg6[%mul3A_467, %dma_start3A_516] : memref<81920x128xf32, #tpu.memory_space<hbm>> -> memref<128x16xf32, #tpu.memory_space<hbm>>
      %dma_start3A_518 = arith.constant 48 : i32
      %dma_start3A_519 = tpu.memref_slice %arg6[%mul3A_467, %dma_start3A_518] : memref<81920x128xf32, #tpu.memory_space<hbm>> -> memref<128x16xf32, #tpu.memory_space<hbm>>
      %dma_start3A_520 = arith.constant 0 : i32
      %dma_start3A_521 = arith.constant 0 : i32
      %dma_start3A_522 = tpu.memref_slice %arg10[%dma_start3A_511, %dma_start3A_520, %dma_start3A_521] : memref<4x128x16xf32, #tpu.memory_space<vmem>> -> memref<1x128x16xf32, #tpu.memory_space<vmem>>
      %dma_start3A_523 = tpu.memref_squeeze %dma_start3A_522 : memref<1x128x16xf32, #tpu.memory_space<vmem>> -> memref<128x16xf32, #tpu.memory_space<vmem>>
      tpu.enqueue_dma source(%dma_start3A_523 : memref<128x16xf32, #tpu.memory_space<vmem>>) target(%dma_start3A_519 : memref<128x16xf32, #tpu.memory_space<hbm>>) target_semaphore(%arg26 : memref<!tpu.dma_semaphore, #tpu.memory_space<semaphore_mem>>)
      %add3A_524 = arith.constant 4 : i32
      %add3A_525 = arith.addi %add3A_462, %add3A_524 : i32
      %lt3A_526 = arith.cmpi slt, %add3A_525, %select_n3A : i32
      %convert_element_type3A_527 = arith.extui %lt3A_526 : i1 to i32
      %cond3A_528 = arith.constant 0 : i32
      %cond3A_529 = arith.cmpi ne, %convert_element_type3A_527, %cond3A_528 : i32
      scf.if %cond3A_529 {
        %dma_wait3A_530 = arith.constant 3 : i32
        %dma_wait3A_531 = arith.constant 0 : i32
        %dma_wait3A_532 = arith.constant 0 : i32
        %dma_wait3A_533 = tpu.memref_slice %arg9[%dma_wait3A_530, %dma_wait3A_531, %dma_wait3A_532] : memref<4x128x48xf32, #tpu.memory_space<vmem>> -> memref<1x128x48xf32, #tpu.memory_space<vmem>>
        %dma_wait3A_534 = tpu.memref_squeeze %dma_wait3A_533 : memref<1x128x48xf32, #tpu.memory_space<vmem>> -> memref<128x48xf32, #tpu.memory_space<vmem>>
        %dma_wait3A_535 = arith.constant 0 : i32
        %dma_wait3A_536 = arith.constant 0 : i32
        %dma_wait3A_537 = tpu.memref_slice %arg6[%dma_wait3A_535, %dma_wait3A_536] : memref<81920x128xf32, #tpu.memory_space<hbm>> -> memref<128x48xf32, #tpu.memory_space<hbm>>
        %dma_wait3A_538 = arith.constant 0 : i32
        %dma_wait3A_539 = arith.constant 0 : i32
        %dma_wait3A_540 = tpu.memref_slice %arg6[%dma_wait3A_538, %dma_wait3A_539] : memref<81920x128xf32, #tpu.memory_space<hbm>> -> memref<128x48xf32, #tpu.memory_space<hbm>>
        %dma_wait3A_541 = arith.constant 0 : i32
        %dma_wait3A_542 = arith.constant 0 : i32
        %dma_wait3A_543 = tpu.memref_slice %arg9[%dma_wait3A_530, %dma_wait3A_541, %dma_wait3A_542] : memref<4x128x48xf32, #tpu.memory_space<vmem>> -> memref<1x128x48xf32, #tpu.memory_space<vmem>>
        %dma_wait3A_544 = tpu.memref_squeeze %dma_wait3A_543 : memref<1x128x48xf32, #tpu.memory_space<vmem>> -> memref<128x48xf32, #tpu.memory_space<vmem>>
        tpu.wait_dma2 semaphore(%arg22 : memref<!tpu.dma_semaphore, #tpu.memory_space<semaphore_mem>>) src(%dma_wait3A_544 : memref<128x48xf32, #tpu.memory_space<vmem>>) dst(%dma_wait3A_540 : memref<128x48xf32, #tpu.memory_space<hbm>>)
        %dma_wait3A_545 = arith.constant 3 : i32
        %dma_wait3A_546 = arith.constant 0 : i32
        %dma_wait3A_547 = arith.constant 0 : i32
        %dma_wait3A_548 = tpu.memref_slice %arg10[%dma_wait3A_545, %dma_wait3A_546, %dma_wait3A_547] : memref<4x128x16xf32, #tpu.memory_space<vmem>> -> memref<1x128x16xf32, #tpu.memory_space<vmem>>
        %dma_wait3A_549 = tpu.memref_squeeze %dma_wait3A_548 : memref<1x128x16xf32, #tpu.memory_space<vmem>> -> memref<128x16xf32, #tpu.memory_space<vmem>>
        %dma_wait3A_550 = arith.constant 0 : i32
        %dma_wait3A_551 = arith.constant 48 : i32
        %dma_wait3A_552 = tpu.memref_slice %arg6[%dma_wait3A_550, %dma_wait3A_551] : memref<81920x128xf32, #tpu.memory_space<hbm>> -> memref<128x16xf32, #tpu.memory_space<hbm>>
        %dma_wait3A_553 = arith.constant 0 : i32
        %dma_wait3A_554 = arith.constant 48 : i32
        %dma_wait3A_555 = tpu.memref_slice %arg6[%dma_wait3A_553, %dma_wait3A_554] : memref<81920x128xf32, #tpu.memory_space<hbm>> -> memref<128x16xf32, #tpu.memory_space<hbm>>
        %dma_wait3A_556 = arith.constant 0 : i32
        %dma_wait3A_557 = arith.constant 0 : i32
        %dma_wait3A_558 = tpu.memref_slice %arg10[%dma_wait3A_545, %dma_wait3A_556, %dma_wait3A_557] : memref<4x128x16xf32, #tpu.memory_space<vmem>> -> memref<1x128x16xf32, #tpu.memory_space<vmem>>
        %dma_wait3A_559 = tpu.memref_squeeze %dma_wait3A_558 : memref<1x128x16xf32, #tpu.memory_space<vmem>> -> memref<128x16xf32, #tpu.memory_space<vmem>>
        tpu.wait_dma2 semaphore(%arg26 : memref<!tpu.dma_semaphore, #tpu.memory_space<semaphore_mem>>) src(%dma_wait3A_559 : memref<128x16xf32, #tpu.memory_space<vmem>>) dst(%dma_wait3A_555 : memref<128x16xf32, #tpu.memory_space<hbm>>)
        %add3A_560 = arith.constant 4 : i32
        %add3A_561 = arith.addi %add3A_462, %add3A_560 : i32
        %dma_start3A_562 = arith.constant 3 : i32
        %dma_start3A_563 = arith.constant 0 : i32
        %dma_start3A_564 = arith.constant 0 : i32
        %dma_start3A_565 = tpu.memref_slice %arg9[%dma_start3A_562, %dma_start3A_563, %dma_start3A_564] : memref<4x128x48xf32, #tpu.memory_space<vmem>> -> memref<1x128x48xf32, #tpu.memory_space<vmem>>
        %dma_start3A_566 = tpu.memref_squeeze %dma_start3A_565 : memref<1x128x48xf32, #tpu.memory_space<vmem>> -> memref<128x48xf32, #tpu.memory_space<vmem>>
        %dma_start3A_567 = arith.constant 0 : i32
        %dma_start3A_568 = tpu.memref_slice %arg7[%add3A_561, %dma_start3A_567] : memref<30x128xi32, #tpu.memory_space<vmem>> -> memref<1x128xi32, #tpu.memory_space<vmem>>
        %dma_start3A_569 = tpu.memref_squeeze %dma_start3A_568 : memref<1x128xi32, #tpu.memory_space<vmem>> -> memref<128xi32, #tpu.memory_space<vmem>>
        %dma_start3A_570 = arith.constant 0 : i32
        %dma_start3A_571 = arith.constant 0 : i32
        %dma_start3A_572 = tpu.memref_slice %arg2[%dma_start3A_570, %dma_start3A_571] : memref<10000x48xf32, #tpu.memory_space<hbm>> -> memref<10000x48xf32, #tpu.memory_space<hbm>>
        tpu.enqueue_indirect_dma source(%dma_start3A_572 : memref<10000x48xf32, #tpu.memory_space<hbm>>) target(%dma_start3A_566 : memref<128x48xf32, #tpu.memory_space<vmem>>) offsets(%dma_start3A_569 : memref<128xi32, #tpu.memory_space<vmem>>) semaphore(%arg14 : memref<!tpu.dma_semaphore, #tpu.memory_space<semaphore_mem>>)
        %dma_start3A_573 = arith.constant 3 : i32
        %dma_start3A_574 = arith.constant 0 : i32
        %dma_start3A_575 = arith.constant 0 : i32
        %dma_start3A_576 = tpu.memref_slice %arg10[%dma_start3A_573, %dma_start3A_574, %dma_start3A_575] : memref<4x128x16xf32, #tpu.memory_space<vmem>> -> memref<1x128x16xf32, #tpu.memory_space<vmem>>
        %dma_start3A_577 = tpu.memref_squeeze %dma_start3A_576 : memref<1x128x16xf32, #tpu.memory_space<vmem>> -> memref<128x16xf32, #tpu.memory_space<vmem>>
        %dma_start3A_578 = arith.constant 0 : i32
        %dma_start3A_579 = tpu.memref_slice %arg8[%add3A_561, %dma_start3A_578] : memref<30x128xi32, #tpu.memory_space<vmem>> -> memref<1x128xi32, #tpu.memory_space<vmem>>
        %dma_start3A_580 = tpu.memref_squeeze %dma_start3A_579 : memref<1x128xi32, #tpu.memory_space<vmem>> -> memref<128xi32, #tpu.memory_space<vmem>>
        %dma_start3A_581 = arith.constant 0 : i32
        %dma_start3A_582 = arith.constant 0 : i32
        %dma_start3A_583 = tpu.memref_slice %arg3[%dma_start3A_581, %dma_start3A_582] : memref<10112x16xf32, #tpu.memory_space<hbm>> -> memref<10112x16xf32, #tpu.memory_space<hbm>>
        tpu.enqueue_indirect_dma source(%dma_start3A_583 : memref<10112x16xf32, #tpu.memory_space<hbm>>) target(%dma_start3A_577 : memref<128x16xf32, #tpu.memory_space<vmem>>) offsets(%dma_start3A_580 : memref<128xi32, #tpu.memory_space<vmem>>) semaphore(%arg18 : memref<!tpu.dma_semaphore, #tpu.memory_space<semaphore_mem>>)
      } else {
      }
    }
    %while3A_128 = arith.constant 1 : i32
    scf.for %while3A_248 = %while3A_126 to %while3A_122 step %while3A_128  : i32 {
      %mul3A_249 = arith.constant 4 : i32
      %mul3A_250 = arith.muli %while3A_248, %mul3A_249 : i32
      %add3A_251 = arith.constant 0 : i32
      %add3A_252 = arith.addi %mul3A_250, %add3A_251 : i32
      %add3A_253 = arith.addi %add3A_4, %add3A_252 : i32
      %sub3A_254 = arith.constant 0 : i32
      %sub3A_255 = arith.subi %add3A_253, %sub3A_254 : i32
      %mul3A_256 = arith.constant 128 : i32
      %mul3A_257 = arith.muli %sub3A_255, %mul3A_256 : i32
      %dma_wait3A_258 = arith.constant 0 : i32
      %dma_wait3A_259 = arith.constant 0 : i32
      %dma_wait3A_260 = arith.constant 0 : i32
      %dma_wait3A_261 = tpu.memref_slice %arg9[%dma_wait3A_258, %dma_wait3A_259, %dma_wait3A_260] : memref<4x128x48xf32, #tpu.memory_space<vmem>> -> memref<1x128x48xf32, #tpu.memory_space<vmem>>
      %dma_wait3A_262 = tpu.memref_squeeze %dma_wait3A_261 : memref<1x128x48xf32, #tpu.memory_space<vmem>> -> memref<128x48xf32, #tpu.memory_space<vmem>>
      %dma_wait3A_263 = arith.constant 0 : i32
      %dma_wait3A_264 = arith.constant 0 : i32
      %dma_wait3A_265 = tpu.memref_slice %arg6[%dma_wait3A_263, %dma_wait3A_264] : memref<81920x128xf32, #tpu.memory_space<hbm>> -> memref<128x48xf32, #tpu.memory_space<hbm>>
      %dma_wait3A_266 = arith.constant 0 : i32
      %dma_wait3A_267 = arith.constant 0 : i32
      %dma_wait3A_268 = tpu.memref_slice %arg9[%dma_wait3A_258, %dma_wait3A_266, %dma_wait3A_267] : memref<4x128x48xf32, #tpu.memory_space<vmem>> -> memref<1x128x48xf32, #tpu.memory_space<vmem>>
      %dma_wait3A_269 = tpu.memref_squeeze %dma_wait3A_268 : memref<1x128x48xf32, #tpu.memory_space<vmem>> -> memref<128x48xf32, #tpu.memory_space<vmem>>
      %dma_wait3A_270 = arith.constant 0 : i32
      %dma_wait3A_271 = arith.constant 0 : i32
      %dma_wait3A_272 = tpu.memref_slice %arg6[%dma_wait3A_270, %dma_wait3A_271] : memref<81920x128xf32, #tpu.memory_space<hbm>> -> memref<128x48xf32, #tpu.memory_space<hbm>>
      tpu.wait_dma2 semaphore(%arg11 : memref<!tpu.dma_semaphore, #tpu.memory_space<semaphore_mem>>) src(%dma_wait3A_272 : memref<128x48xf32, #tpu.memory_space<hbm>>) dst(%dma_wait3A_269 : memref<128x48xf32, #tpu.memory_space<vmem>>)
      %dma_wait3A_273 = arith.constant 0 : i32
      %dma_wait3A_274 = arith.constant 0 : i32
      %dma_wait3A_275 = arith.constant 0 : i32
      %dma_wait3A_276 = tpu.memref_slice %arg10[%dma_wait3A_273, %dma_wait3A_274, %dma_wait3A_275] : memref<4x128x16xf32, #tpu.memory_space<vmem>> -> memref<1x128x16xf32, #tpu.memory_space<vmem>>
      %dma_wait3A_277 = tpu.memref_squeeze %dma_wait3A_276 : memref<1x128x16xf32, #tpu.memory_space<vmem>> -> memref<128x16xf32, #tpu.memory_space<vmem>>
      %dma_wait3A_278 = arith.constant 0 : i32
      %dma_wait3A_279 = arith.constant 0 : i32
      %dma_wait3A_280 = tpu.memref_slice %arg6[%dma_wait3A_278, %dma_wait3A_279] : memref<81920x128xf32, #tpu.memory_space<hbm>> -> memref<128x16xf32, #tpu.memory_space<hbm>>
      %dma_wait3A_281 = arith.constant 0 : i32
      %dma_wait3A_282 = arith.constant 0 : i32
      %dma_wait3A_283 = tpu.memref_slice %arg10[%dma_wait3A_273, %dma_wait3A_281, %dma_wait3A_282] : memref<4x128x16xf32, #tpu.memory_space<vmem>> -> memref<1x128x16xf32, #tpu.memory_space<vmem>>
      %dma_wait3A_284 = tpu.memref_squeeze %dma_wait3A_283 : memref<1x128x16xf32, #tpu.memory_space<vmem>> -> memref<128x16xf32, #tpu.memory_space<vmem>>
      %dma_wait3A_285 = arith.constant 0 : i32
      %dma_wait3A_286 = arith.constant 0 : i32
      %dma_wait3A_287 = tpu.memref_slice %arg6[%dma_wait3A_285, %dma_wait3A_286] : memref<81920x128xf32, #tpu.memory_space<hbm>> -> memref<128x16xf32, #tpu.memory_space<hbm>>
      tpu.wait_dma2 semaphore(%arg15 : memref<!tpu.dma_semaphore, #tpu.memory_space<semaphore_mem>>) src(%dma_wait3A_287 : memref<128x16xf32, #tpu.memory_space<hbm>>) dst(%dma_wait3A_284 : memref<128x16xf32, #tpu.memory_space<vmem>>)
      %dma_start3A_288 = arith.constant 0 : i32
      %dma_start3A_289 = arith.constant 0 : i32
      %dma_start3A_290 = arith.constant 0 : i32
      %dma_start3A_291 = tpu.memref_slice %arg9[%dma_start3A_288, %dma_start3A_289, %dma_start3A_290] : memref<4x128x48xf32, #tpu.memory_space<vmem>> -> memref<1x128x48xf32, #tpu.memory_space<vmem>>
      %dma_start3A_292 = tpu.memref_squeeze %dma_start3A_291 : memref<1x128x48xf32, #tpu.memory_space<vmem>> -> memref<128x48xf32, #tpu.memory_space<vmem>>
      %dma_start3A_293 = arith.constant 0 : i32
      %dma_start3A_294 = tpu.memref_slice %arg6[%mul3A_257, %dma_start3A_293] : memref<81920x128xf32, #tpu.memory_space<hbm>> -> memref<128x48xf32, #tpu.memory_space<hbm>>
      %dma_start3A_295 = arith.constant 0 : i32
      %dma_start3A_296 = tpu.memref_slice %arg6[%mul3A_257, %dma_start3A_295] : memref<81920x128xf32, #tpu.memory_space<hbm>> -> memref<128x48xf32, #tpu.memory_space<hbm>>
      %dma_start3A_297 = arith.constant 0 : i32
      %dma_start3A_298 = arith.constant 0 : i32
      %dma_start3A_299 = tpu.memref_slice %arg9[%dma_start3A_288, %dma_start3A_297, %dma_start3A_298] : memref<4x128x48xf32, #tpu.memory_space<vmem>> -> memref<1x128x48xf32, #tpu.memory_space<vmem>>
      %dma_start3A_300 = tpu.memref_squeeze %dma_start3A_299 : memref<1x128x48xf32, #tpu.memory_space<vmem>> -> memref<128x48xf32, #tpu.memory_space<vmem>>
      tpu.enqueue_dma source(%dma_start3A_300 : memref<128x48xf32, #tpu.memory_space<vmem>>) target(%dma_start3A_296 : memref<128x48xf32, #tpu.memory_space<hbm>>) target_semaphore(%arg19 : memref<!tpu.dma_semaphore, #tpu.memory_space<semaphore_mem>>)
      %dma_start3A_301 = arith.constant 0 : i32
      %dma_start3A_302 = arith.constant 0 : i32
      %dma_start3A_303 = arith.constant 0 : i32
      %dma_start3A_304 = tpu.memref_slice %arg10[%dma_start3A_301, %dma_start3A_302, %dma_start3A_303] : memref<4x128x16xf32, #tpu.memory_space<vmem>> -> memref<1x128x16xf32, #tpu.memory_space<vmem>>
      %dma_start3A_305 = tpu.memref_squeeze %dma_start3A_304 : memref<1x128x16xf32, #tpu.memory_space<vmem>> -> memref<128x16xf32, #tpu.memory_space<vmem>>
      %dma_start3A_306 = arith.constant 48 : i32
      %dma_start3A_307 = tpu.memref_slice %arg6[%mul3A_257, %dma_start3A_306] : memref<81920x128xf32, #tpu.memory_space<hbm>> -> memref<128x16xf32, #tpu.memory_space<hbm>>
      %dma_start3A_308 = arith.constant 48 : i32
      %dma_start3A_309 = tpu.memref_slice %arg6[%mul3A_257, %dma_start3A_308] : memref<81920x128xf32, #tpu.memory_space<hbm>> -> memref<128x16xf32, #tpu.memory_space<hbm>>
      %dma_start3A_310 = arith.constant 0 : i32
      %dma_start3A_311 = arith.constant 0 : i32
      %dma_start3A_312 = tpu.memref_slice %arg10[%dma_start3A_301, %dma_start3A_310, %dma_start3A_311] : memref<4x128x16xf32, #tpu.memory_space<vmem>> -> memref<1x128x16xf32, #tpu.memory_space<vmem>>
      %dma_start3A_313 = tpu.memref_squeeze %dma_start3A_312 : memref<1x128x16xf32, #tpu.memory_space<vmem>> -> memref<128x16xf32, #tpu.memory_space<vmem>>
      tpu.enqueue_dma source(%dma_start3A_313 : memref<128x16xf32, #tpu.memory_space<vmem>>) target(%dma_start3A_309 : memref<128x16xf32, #tpu.memory_space<hbm>>) target_semaphore(%arg23 : memref<!tpu.dma_semaphore, #tpu.memory_space<semaphore_mem>>)
      %add3A_314 = arith.constant 4 : i32
      %add3A_315 = arith.addi %add3A_252, %add3A_314 : i32
      %lt3A = arith.cmpi slt, %add3A_315, %select_n3A : i32
      %convert_element_type3A = arith.extui %lt3A : i1 to i32
      %cond3A = arith.constant 0 : i32
      %cond3A_316 = arith.cmpi ne, %convert_element_type3A, %cond3A : i32
      scf.if %cond3A_316 {
        %dma_wait3A_530 = arith.constant 0 : i32
        %dma_wait3A_531 = arith.constant 0 : i32
        %dma_wait3A_532 = arith.constant 0 : i32
        %dma_wait3A_533 = tpu.memref_slice %arg9[%dma_wait3A_530, %dma_wait3A_531, %dma_wait3A_532] : memref<4x128x48xf32, #tpu.memory_space<vmem>> -> memref<1x128x48xf32, #tpu.memory_space<vmem>>
        %dma_wait3A_534 = tpu.memref_squeeze %dma_wait3A_533 : memref<1x128x48xf32, #tpu.memory_space<vmem>> -> memref<128x48xf32, #tpu.memory_space<vmem>>
        %dma_wait3A_535 = arith.constant 0 : i32
        %dma_wait3A_536 = arith.constant 0 : i32
        %dma_wait3A_537 = tpu.memref_slice %arg6[%dma_wait3A_535, %dma_wait3A_536] : memref<81920x128xf32, #tpu.memory_space<hbm>> -> memref<128x48xf32, #tpu.memory_space<hbm>>
        %dma_wait3A_538 = arith.constant 0 : i32
        %dma_wait3A_539 = arith.constant 0 : i32
        %dma_wait3A_540 = tpu.memref_slice %arg6[%dma_wait3A_538, %dma_wait3A_539] : memref<81920x128xf32, #tpu.memory_space<hbm>> -> memref<128x48xf32, #tpu.memory_space<hbm>>
        %dma_wait3A_541 = arith.constant 0 : i32
        %dma_wait3A_542 = arith.constant 0 : i32
        %dma_wait3A_543 = tpu.memref_slice %arg9[%dma_wait3A_530, %dma_wait3A_541, %dma_wait3A_542] : memref<4x128x48xf32, #tpu.memory_space<vmem>> -> memref<1x128x48xf32, #tpu.memory_space<vmem>>
        %dma_wait3A_544 = tpu.memref_squeeze %dma_wait3A_543 : memref<1x128x48xf32, #tpu.memory_space<vmem>> -> memref<128x48xf32, #tpu.memory_space<vmem>>
        tpu.wait_dma2 semaphore(%arg19 : memref<!tpu.dma_semaphore, #tpu.memory_space<semaphore_mem>>) src(%dma_wait3A_544 : memref<128x48xf32, #tpu.memory_space<vmem>>) dst(%dma_wait3A_540 : memref<128x48xf32, #tpu.memory_space<hbm>>)
        %dma_wait3A_545 = arith.constant 0 : i32
        %dma_wait3A_546 = arith.constant 0 : i32
        %dma_wait3A_547 = arith.constant 0 : i32
        %dma_wait3A_548 = tpu.memref_slice %arg10[%dma_wait3A_545, %dma_wait3A_546, %dma_wait3A_547] : memref<4x128x16xf32, #tpu.memory_space<vmem>> -> memref<1x128x16xf32, #tpu.memory_space<vmem>>
        %dma_wait3A_549 = tpu.memref_squeeze %dma_wait3A_548 : memref<1x128x16xf32, #tpu.memory_space<vmem>> -> memref<128x16xf32, #tpu.memory_space<vmem>>
        %dma_wait3A_550 = arith.constant 0 : i32
        %dma_wait3A_551 = arith.constant 48 : i32
        %dma_wait3A_552 = tpu.memref_slice %arg6[%dma_wait3A_550, %dma_wait3A_551] : memref<81920x128xf32, #tpu.memory_space<hbm>> -> memref<128x16xf32, #tpu.memory_space<hbm>>
        %dma_wait3A_553 = arith.constant 0 : i32
        %dma_wait3A_554 = arith.constant 48 : i32
        %dma_wait3A_555 = tpu.memref_slice %arg6[%dma_wait3A_553, %dma_wait3A_554] : memref<81920x128xf32, #tpu.memory_space<hbm>> -> memref<128x16xf32, #tpu.memory_space<hbm>>
        %dma_wait3A_556 = arith.constant 0 : i32
        %dma_wait3A_557 = arith.constant 0 : i32
        %dma_wait3A_558 = tpu.memref_slice %arg10[%dma_wait3A_545, %dma_wait3A_556, %dma_wait3A_557] : memref<4x128x16xf32, #tpu.memory_space<vmem>> -> memref<1x128x16xf32, #tpu.memory_space<vmem>>
        %dma_wait3A_559 = tpu.memref_squeeze %dma_wait3A_558 : memref<1x128x16xf32, #tpu.memory_space<vmem>> -> memref<128x16xf32, #tpu.memory_space<vmem>>
        tpu.wait_dma2 semaphore(%arg23 : memref<!tpu.dma_semaphore, #tpu.memory_space<semaphore_mem>>) src(%dma_wait3A_559 : memref<128x16xf32, #tpu.memory_space<vmem>>) dst(%dma_wait3A_555 : memref<128x16xf32, #tpu.memory_space<hbm>>)
        %add3A_560 = arith.constant 4 : i32
        %add3A_561 = arith.addi %add3A_252, %add3A_560 : i32
        %dma_start3A_562 = arith.constant 0 : i32
        %dma_start3A_563 = arith.constant 0 : i32
        %dma_start3A_564 = arith.constant 0 : i32
        %dma_start3A_565 = tpu.memref_slice %arg9[%dma_start3A_562, %dma_start3A_563, %dma_start3A_564] : memref<4x128x48xf32, #tpu.memory_space<vmem>> -> memref<1x128x48xf32, #tpu.memory_space<vmem>>
        %dma_start3A_566 = tpu.memref_squeeze %dma_start3A_565 : memref<1x128x48xf32, #tpu.memory_space<vmem>> -> memref<128x48xf32, #tpu.memory_space<vmem>>
        %dma_start3A_567 = arith.constant 0 : i32
        %dma_start3A_568 = tpu.memref_slice %arg7[%add3A_561, %dma_start3A_567] : memref<30x128xi32, #tpu.memory_space<vmem>> -> memref<1x128xi32, #tpu.memory_space<vmem>>
        %dma_start3A_569 = tpu.memref_squeeze %dma_start3A_568 : memref<1x128xi32, #tpu.memory_space<vmem>> -> memref<128xi32, #tpu.memory_space<vmem>>
        %dma_start3A_570 = arith.constant 0 : i32
        %dma_start3A_571 = arith.constant 0 : i32
        %dma_start3A_572 = tpu.memref_slice %arg2[%dma_start3A_570, %dma_start3A_571] : memref<10000x48xf32, #tpu.memory_space<hbm>> -> memref<10000x48xf32, #tpu.memory_space<hbm>>
        tpu.enqueue_indirect_dma source(%dma_start3A_572 : memref<10000x48xf32, #tpu.memory_space<hbm>>) target(%dma_start3A_566 : memref<128x48xf32, #tpu.memory_space<vmem>>) offsets(%dma_start3A_569 : memref<128xi32, #tpu.memory_space<vmem>>) semaphore(%arg11 : memref<!tpu.dma_semaphore, #tpu.memory_space<semaphore_mem>>)
        %dma_start3A_573 = arith.constant 0 : i32
        %dma_start3A_574 = arith.constant 0 : i32
        %dma_start3A_575 = arith.constant 0 : i32
        %dma_start3A_576 = tpu.memref_slice %arg10[%dma_start3A_573, %dma_start3A_574, %dma_start3A_575] : memref<4x128x16xf32, #tpu.memory_space<vmem>> -> memref<1x128x16xf32, #tpu.memory_space<vmem>>
        %dma_start3A_577 = tpu.memref_squeeze %dma_start3A_576 : memref<1x128x16xf32, #tpu.memory_space<vmem>> -> memref<128x16xf32, #tpu.memory_space<vmem>>
        %dma_start3A_578 = arith.constant 0 : i32
        %dma_start3A_579 = tpu.memref_slice %arg8[%add3A_561, %dma_start3A_578] : memref<30x128xi32, #tpu.memory_space<vmem>> -> memref<1x128xi32, #tpu.memory_space<vmem>>
        %dma_start3A_580 = tpu.memref_squeeze %dma_start3A_579 : memref<1x128xi32, #tpu.memory_space<vmem>> -> memref<128xi32, #tpu.memory_space<vmem>>
        %dma_start3A_581 = arith.constant 0 : i32
        %dma_start3A_582 = arith.constant 0 : i32
        %dma_start3A_583 = tpu.memref_slice %arg3[%dma_start3A_581, %dma_start3A_582] : memref<10112x16xf32, #tpu.memory_space<hbm>> -> memref<10112x16xf32, #tpu.memory_space<hbm>>
        tpu.enqueue_indirect_dma source(%dma_start3A_583 : memref<10112x16xf32, #tpu.memory_space<hbm>>) target(%dma_start3A_577 : memref<128x16xf32, #tpu.memory_space<vmem>>) offsets(%dma_start3A_580 : memref<128xi32, #tpu.memory_space<vmem>>) semaphore(%arg15 : memref<!tpu.dma_semaphore, #tpu.memory_space<semaphore_mem>>)
      } else {
      }
      %mul3A_317 = arith.constant 4 : i32
      %mul3A_318 = arith.muli %while3A_248, %mul3A_317 : i32
      %add3A_319 = arith.constant 1 : i32
      %add3A_320 = arith.addi %mul3A_318, %add3A_319 : i32
      %add3A_321 = arith.addi %add3A_4, %add3A_320 : i32
      %sub3A_322 = arith.constant 0 : i32
      %sub3A_323 = arith.subi %add3A_321, %sub3A_322 : i32
      %mul3A_324 = arith.constant 128 : i32
      %mul3A_325 = arith.muli %sub3A_323, %mul3A_324 : i32
      %dma_wait3A_326 = arith.constant 1 : i32
      %dma_wait3A_327 = arith.constant 0 : i32
      %dma_wait3A_328 = arith.constant 0 : i32
      %dma_wait3A_329 = tpu.memref_slice %arg9[%dma_wait3A_326, %dma_wait3A_327, %dma_wait3A_328] : memref<4x128x48xf32, #tpu.memory_space<vmem>> -> memref<1x128x48xf32, #tpu.memory_space<vmem>>
      %dma_wait3A_330 = tpu.memref_squeeze %dma_wait3A_329 : memref<1x128x48xf32, #tpu.memory_space<vmem>> -> memref<128x48xf32, #tpu.memory_space<vmem>>
      %dma_wait3A_331 = arith.constant 0 : i32
      %dma_wait3A_332 = arith.constant 0 : i32
      %dma_wait3A_333 = tpu.memref_slice %arg6[%dma_wait3A_331, %dma_wait3A_332] : memref<81920x128xf32, #tpu.memory_space<hbm>> -> memref<128x48xf32, #tpu.memory_space<hbm>>
      %dma_wait3A_334 = arith.constant 0 : i32
      %dma_wait3A_335 = arith.constant 0 : i32
      %dma_wait3A_336 = tpu.memref_slice %arg9[%dma_wait3A_326, %dma_wait3A_334, %dma_wait3A_335] : memref<4x128x48xf32, #tpu.memory_space<vmem>> -> memref<1x128x48xf32, #tpu.memory_space<vmem>>
      %dma_wait3A_337 = tpu.memref_squeeze %dma_wait3A_336 : memref<1x128x48xf32, #tpu.memory_space<vmem>> -> memref<128x48xf32, #tpu.memory_space<vmem>>
      %dma_wait3A_338 = arith.constant 0 : i32
      %dma_wait3A_339 = arith.constant 0 : i32
      %dma_wait3A_340 = tpu.memref_slice %arg6[%dma_wait3A_338, %dma_wait3A_339] : memref<81920x128xf32, #tpu.memory_space<hbm>> -> memref<128x48xf32, #tpu.memory_space<hbm>>
      tpu.wait_dma2 semaphore(%arg12 : memref<!tpu.dma_semaphore, #tpu.memory_space<semaphore_mem>>) src(%dma_wait3A_340 : memref<128x48xf32, #tpu.memory_space<hbm>>) dst(%dma_wait3A_337 : memref<128x48xf32, #tpu.memory_space<vmem>>)
      %dma_wait3A_341 = arith.constant 1 : i32
      %dma_wait3A_342 = arith.constant 0 : i32
      %dma_wait3A_343 = arith.constant 0 : i32
      %dma_wait3A_344 = tpu.memref_slice %arg10[%dma_wait3A_341, %dma_wait3A_342, %dma_wait3A_343] : memref<4x128x16xf32, #tpu.memory_space<vmem>> -> memref<1x128x16xf32, #tpu.memory_space<vmem>>
      %dma_wait3A_345 = tpu.memref_squeeze %dma_wait3A_344 : memref<1x128x16xf32, #tpu.memory_space<vmem>> -> memref<128x16xf32, #tpu.memory_space<vmem>>
      %dma_wait3A_346 = arith.constant 0 : i32
      %dma_wait3A_347 = arith.constant 0 : i32
      %dma_wait3A_348 = tpu.memref_slice %arg6[%dma_wait3A_346, %dma_wait3A_347] : memref<81920x128xf32, #tpu.memory_space<hbm>> -> memref<128x16xf32, #tpu.memory_space<hbm>>
      %dma_wait3A_349 = arith.constant 0 : i32
      %dma_wait3A_350 = arith.constant 0 : i32
      %dma_wait3A_351 = tpu.memref_slice %arg10[%dma_wait3A_341, %dma_wait3A_349, %dma_wait3A_350] : memref<4x128x16xf32, #tpu.memory_space<vmem>> -> memref<1x128x16xf32, #tpu.memory_space<vmem>>
      %dma_wait3A_352 = tpu.memref_squeeze %dma_wait3A_351 : memref<1x128x16xf32, #tpu.memory_space<vmem>> -> memref<128x16xf32, #tpu.memory_space<vmem>>
      %dma_wait3A_353 = arith.constant 0 : i32
      %dma_wait3A_354 = arith.constant 0 : i32
      %dma_wait3A_355 = tpu.memref_slice %arg6[%dma_wait3A_353, %dma_wait3A_354] : memref<81920x128xf32, #tpu.memory_space<hbm>> -> memref<128x16xf32, #tpu.memory_space<hbm>>
      tpu.wait_dma2 semaphore(%arg16 : memref<!tpu.dma_semaphore, #tpu.memory_space<semaphore_mem>>) src(%dma_wait3A_355 : memref<128x16xf32, #tpu.memory_space<hbm>>) dst(%dma_wait3A_352 : memref<128x16xf32, #tpu.memory_space<vmem>>)
      %dma_start3A_356 = arith.constant 1 : i32
      %dma_start3A_357 = arith.constant 0 : i32
      %dma_start3A_358 = arith.constant 0 : i32
      %dma_start3A_359 = tpu.memref_slice %arg9[%dma_start3A_356, %dma_start3A_357, %dma_start3A_358] : memref<4x128x48xf32, #tpu.memory_space<vmem>> -> memref<1x128x48xf32, #tpu.memory_space<vmem>>
      %dma_start3A_360 = tpu.memref_squeeze %dma_start3A_359 : memref<1x128x48xf32, #tpu.memory_space<vmem>> -> memref<128x48xf32, #tpu.memory_space<vmem>>
      %dma_start3A_361 = arith.constant 0 : i32
      %dma_start3A_362 = tpu.memref_slice %arg6[%mul3A_325, %dma_start3A_361] : memref<81920x128xf32, #tpu.memory_space<hbm>> -> memref<128x48xf32, #tpu.memory_space<hbm>>
      %dma_start3A_363 = arith.constant 0 : i32
      %dma_start3A_364 = tpu.memref_slice %arg6[%mul3A_325, %dma_start3A_363] : memref<81920x128xf32, #tpu.memory_space<hbm>> -> memref<128x48xf32, #tpu.memory_space<hbm>>
      %dma_start3A_365 = arith.constant 0 : i32
      %dma_start3A_366 = arith.constant 0 : i32
      %dma_start3A_367 = tpu.memref_slice %arg9[%dma_start3A_356, %dma_start3A_365, %dma_start3A_366] : memref<4x128x48xf32, #tpu.memory_space<vmem>> -> memref<1x128x48xf32, #tpu.memory_space<vmem>>
      %dma_start3A_368 = tpu.memref_squeeze %dma_start3A_367 : memref<1x128x48xf32, #tpu.memory_space<vmem>> -> memref<128x48xf32, #tpu.memory_space<vmem>>
      tpu.enqueue_dma source(%dma_start3A_368 : memref<128x48xf32, #tpu.memory_space<vmem>>) target(%dma_start3A_364 : memref<128x48xf32, #tpu.memory_space<hbm>>) target_semaphore(%arg20 : memref<!tpu.dma_semaphore, #tpu.memory_space<semaphore_mem>>)
      %dma_start3A_369 = arith.constant 1 : i32
      %dma_start3A_370 = arith.constant 0 : i32
      %dma_start3A_371 = arith.constant 0 : i32
      %dma_start3A_372 = tpu.memref_slice %arg10[%dma_start3A_369, %dma_start3A_370, %dma_start3A_371] : memref<4x128x16xf32, #tpu.memory_space<vmem>> -> memref<1x128x16xf32, #tpu.memory_space<vmem>>
      %dma_start3A_373 = tpu.memref_squeeze %dma_start3A_372 : memref<1x128x16xf32, #tpu.memory_space<vmem>> -> memref<128x16xf32, #tpu.memory_space<vmem>>
      %dma_start3A_374 = arith.constant 48 : i32
      %dma_start3A_375 = tpu.memref_slice %arg6[%mul3A_325, %dma_start3A_374] : memref<81920x128xf32, #tpu.memory_space<hbm>> -> memref<128x16xf32, #tpu.memory_space<hbm>>
      %dma_start3A_376 = arith.constant 48 : i32
      %dma_start3A_377 = tpu.memref_slice %arg6[%mul3A_325, %dma_start3A_376] : memref<81920x128xf32, #tpu.memory_space<hbm>> -> memref<128x16xf32, #tpu.memory_space<hbm>>
      %dma_start3A_378 = arith.constant 0 : i32
      %dma_start3A_379 = arith.constant 0 : i32
      %dma_start3A_380 = tpu.memref_slice %arg10[%dma_start3A_369, %dma_start3A_378, %dma_start3A_379] : memref<4x128x16xf32, #tpu.memory_space<vmem>> -> memref<1x128x16xf32, #tpu.memory_space<vmem>>
      %dma_start3A_381 = tpu.memref_squeeze %dma_start3A_380 : memref<1x128x16xf32, #tpu.memory_space<vmem>> -> memref<128x16xf32, #tpu.memory_space<vmem>>
      tpu.enqueue_dma source(%dma_start3A_381 : memref<128x16xf32, #tpu.memory_space<vmem>>) target(%dma_start3A_377 : memref<128x16xf32, #tpu.memory_space<hbm>>) target_semaphore(%arg24 : memref<!tpu.dma_semaphore, #tpu.memory_space<semaphore_mem>>)
      %add3A_382 = arith.constant 4 : i32
      %add3A_383 = arith.addi %add3A_320, %add3A_382 : i32
      %lt3A_384 = arith.cmpi slt, %add3A_383, %select_n3A : i32
      %convert_element_type3A_385 = arith.extui %lt3A_384 : i1 to i32
      %cond3A_386 = arith.constant 0 : i32
      %cond3A_387 = arith.cmpi ne, %convert_element_type3A_385, %cond3A_386 : i32
      scf.if %cond3A_387 {
        %dma_wait3A_530 = arith.constant 1 : i32
        %dma_wait3A_531 = arith.constant 0 : i32
        %dma_wait3A_532 = arith.constant 0 : i32
        %dma_wait3A_533 = tpu.memref_slice %arg9[%dma_wait3A_530, %dma_wait3A_531, %dma_wait3A_532] : memref<4x128x48xf32, #tpu.memory_space<vmem>> -> memref<1x128x48xf32, #tpu.memory_space<vmem>>
        %dma_wait3A_534 = tpu.memref_squeeze %dma_wait3A_533 : memref<1x128x48xf32, #tpu.memory_space<vmem>> -> memref<128x48xf32, #tpu.memory_space<vmem>>
        %dma_wait3A_535 = arith.constant 0 : i32
        %dma_wait3A_536 = arith.constant 0 : i32
        %dma_wait3A_537 = tpu.memref_slice %arg6[%dma_wait3A_535, %dma_wait3A_536] : memref<81920x128xf32, #tpu.memory_space<hbm>> -> memref<128x48xf32, #tpu.memory_space<hbm>>
        %dma_wait3A_538 = arith.constant 0 : i32
        %dma_wait3A_539 = arith.constant 0 : i32
        %dma_wait3A_540 = tpu.memref_slice %arg6[%dma_wait3A_538, %dma_wait3A_539] : memref<81920x128xf32, #tpu.memory_space<hbm>> -> memref<128x48xf32, #tpu.memory_space<hbm>>
        %dma_wait3A_541 = arith.constant 0 : i32
        %dma_wait3A_542 = arith.constant 0 : i32
        %dma_wait3A_543 = tpu.memref_slice %arg9[%dma_wait3A_530, %dma_wait3A_541, %dma_wait3A_542] : memref<4x128x48xf32, #tpu.memory_space<vmem>> -> memref<1x128x48xf32, #tpu.memory_space<vmem>>
        %dma_wait3A_544 = tpu.memref_squeeze %dma_wait3A_543 : memref<1x128x48xf32, #tpu.memory_space<vmem>> -> memref<128x48xf32, #tpu.memory_space<vmem>>
        tpu.wait_dma2 semaphore(%arg20 : memref<!tpu.dma_semaphore, #tpu.memory_space<semaphore_mem>>) src(%dma_wait3A_544 : memref<128x48xf32, #tpu.memory_space<vmem>>) dst(%dma_wait3A_540 : memref<128x48xf32, #tpu.memory_space<hbm>>)
        %dma_wait3A_545 = arith.constant 1 : i32
        %dma_wait3A_546 = arith.constant 0 : i32
        %dma_wait3A_547 = arith.constant 0 : i32
        %dma_wait3A_548 = tpu.memref_slice %arg10[%dma_wait3A_545, %dma_wait3A_546, %dma_wait3A_547] : memref<4x128x16xf32, #tpu.memory_space<vmem>> -> memref<1x128x16xf32, #tpu.memory_space<vmem>>
        %dma_wait3A_549 = tpu.memref_squeeze %dma_wait3A_548 : memref<1x128x16xf32, #tpu.memory_space<vmem>> -> memref<128x16xf32, #tpu.memory_space<vmem>>
        %dma_wait3A_550 = arith.constant 0 : i32
        %dma_wait3A_551 = arith.constant 48 : i32
        %dma_wait3A_552 = tpu.memref_slice %arg6[%dma_wait3A_550, %dma_wait3A_551] : memref<81920x128xf32, #tpu.memory_space<hbm>> -> memref<128x16xf32, #tpu.memory_space<hbm>>
        %dma_wait3A_553 = arith.constant 0 : i32
        %dma_wait3A_554 = arith.constant 48 : i32
        %dma_wait3A_555 = tpu.memref_slice %arg6[%dma_wait3A_553, %dma_wait3A_554] : memref<81920x128xf32, #tpu.memory_space<hbm>> -> memref<128x16xf32, #tpu.memory_space<hbm>>
        %dma_wait3A_556 = arith.constant 0 : i32
        %dma_wait3A_557 = arith.constant 0 : i32
        %dma_wait3A_558 = tpu.memref_slice %arg10[%dma_wait3A_545, %dma_wait3A_556, %dma_wait3A_557] : memref<4x128x16xf32, #tpu.memory_space<vmem>> -> memref<1x128x16xf32, #tpu.memory_space<vmem>>
        %dma_wait3A_559 = tpu.memref_squeeze %dma_wait3A_558 : memref<1x128x16xf32, #tpu.memory_space<vmem>> -> memref<128x16xf32, #tpu.memory_space<vmem>>
        tpu.wait_dma2 semaphore(%arg24 : memref<!tpu.dma_semaphore, #tpu.memory_space<semaphore_mem>>) src(%dma_wait3A_559 : memref<128x16xf32, #tpu.memory_space<vmem>>) dst(%dma_wait3A_555 : memref<128x16xf32, #tpu.memory_space<hbm>>)
        %add3A_560 = arith.constant 4 : i32
        %add3A_561 = arith.addi %add3A_320, %add3A_560 : i32
        %dma_start3A_562 = arith.constant 1 : i32
        %dma_start3A_563 = arith.constant 0 : i32
        %dma_start3A_564 = arith.constant 0 : i32
        %dma_start3A_565 = tpu.memref_slice %arg9[%dma_start3A_562, %dma_start3A_563, %dma_start3A_564] : memref<4x128x48xf32, #tpu.memory_space<vmem>> -> memref<1x128x48xf32, #tpu.memory_space<vmem>>
        %dma_start3A_566 = tpu.memref_squeeze %dma_start3A_565 : memref<1x128x48xf32, #tpu.memory_space<vmem>> -> memref<128x48xf32, #tpu.memory_space<vmem>>
        %dma_start3A_567 = arith.constant 0 : i32
        %dma_start3A_568 = tpu.memref_slice %arg7[%add3A_561, %dma_start3A_567] : memref<30x128xi32, #tpu.memory_space<vmem>> -> memref<1x128xi32, #tpu.memory_space<vmem>>
        %dma_start3A_569 = tpu.memref_squeeze %dma_start3A_568 : memref<1x128xi32, #tpu.memory_space<vmem>> -> memref<128xi32, #tpu.memory_space<vmem>>
        %dma_start3A_570 = arith.constant 0 : i32
        %dma_start3A_571 = arith.constant 0 : i32
        %dma_start3A_572 = tpu.memref_slice %arg2[%dma_start3A_570, %dma_start3A_571] : memref<10000x48xf32, #tpu.memory_space<hbm>> -> memref<10000x48xf32, #tpu.memory_space<hbm>>
        tpu.enqueue_indirect_dma source(%dma_start3A_572 : memref<10000x48xf32, #tpu.memory_space<hbm>>) target(%dma_start3A_566 : memref<128x48xf32, #tpu.memory_space<vmem>>) offsets(%dma_start3A_569 : memref<128xi32, #tpu.memory_space<vmem>>) semaphore(%arg12 : memref<!tpu.dma_semaphore, #tpu.memory_space<semaphore_mem>>)
        %dma_start3A_573 = arith.constant 1 : i32
        %dma_start3A_574 = arith.constant 0 : i32
        %dma_start3A_575 = arith.constant 0 : i32
        %dma_start3A_576 = tpu.memref_slice %arg10[%dma_start3A_573, %dma_start3A_574, %dma_start3A_575] : memref<4x128x16xf32, #tpu.memory_space<vmem>> -> memref<1x128x16xf32, #tpu.memory_space<vmem>>
        %dma_start3A_577 = tpu.memref_squeeze %dma_start3A_576 : memref<1x128x16xf32, #tpu.memory_space<vmem>> -> memref<128x16xf32, #tpu.memory_space<vmem>>
        %dma_start3A_578 = arith.constant 0 : i32
        %dma_start3A_579 = tpu.memref_slice %arg8[%add3A_561, %dma_start3A_578] : memref<30x128xi32, #tpu.memory_space<vmem>> -> memref<1x128xi32, #tpu.memory_space<vmem>>
        %dma_start3A_580 = tpu.memref_squeeze %dma_start3A_579 : memref<1x128xi32, #tpu.memory_space<vmem>> -> memref<128xi32, #tpu.memory_space<vmem>>
        %dma_start3A_581 = arith.constant 0 : i32
        %dma_start3A_582 = arith.constant 0 : i32
        %dma_start3A_583 = tpu.memref_slice %arg3[%dma_start3A_581, %dma_start3A_582] : memref<10112x16xf32, #tpu.memory_space<hbm>> -> memref<10112x16xf32, #tpu.memory_space<hbm>>
        tpu.enqueue_indirect_dma source(%dma_start3A_583 : memref<10112x16xf32, #tpu.memory_space<hbm>>) target(%dma_start3A_577 : memref<128x16xf32, #tpu.memory_space<vmem>>) offsets(%dma_start3A_580 : memref<128xi32, #tpu.memory_space<vmem>>) semaphore(%arg16 : memref<!tpu.dma_semaphore, #tpu.memory_space<semaphore_mem>>)
      } else {
      }
      %mul3A_388 = arith.constant 4 : i32
      %mul3A_389 = arith.muli %while3A_248, %mul3A_388 : i32
      %add3A_390 = arith.constant 2 : i32
      %add3A_391 = arith.addi %mul3A_389, %add3A_390 : i32
      %add3A_392 = arith.addi %add3A_4, %add3A_391 : i32
      %sub3A_393 = arith.constant 0 : i32
      %sub3A_394 = arith.subi %add3A_392, %sub3A_393 : i32
      %mul3A_395 = arith.constant 128 : i32
      %mul3A_396 = arith.muli %sub3A_394, %mul3A_395 : i32
      %dma_wait3A_397 = arith.constant 2 : i32
      %dma_wait3A_398 = arith.constant 0 : i32
      %dma_wait3A_399 = arith.constant 0 : i32
      %dma_wait3A_400 = tpu.memref_slice %arg9[%dma_wait3A_397, %dma_wait3A_398, %dma_wait3A_399] : memref<4x128x48xf32, #tpu.memory_space<vmem>> -> memref<1x128x48xf32, #tpu.memory_space<vmem>>
      %dma_wait3A_401 = tpu.memref_squeeze %dma_wait3A_400 : memref<1x128x48xf32, #tpu.memory_space<vmem>> -> memref<128x48xf32, #tpu.memory_space<vmem>>
      %dma_wait3A_402 = arith.constant 0 : i32
      %dma_wait3A_403 = arith.constant 0 : i32
      %dma_wait3A_404 = tpu.memref_slice %arg6[%dma_wait3A_402, %dma_wait3A_403] : memref<81920x128xf32, #tpu.memory_space<hbm>> -> memref<128x48xf32, #tpu.memory_space<hbm>>
      %dma_wait3A_405 = arith.constant 0 : i32
      %dma_wait3A_406 = arith.constant 0 : i32
      %dma_wait3A_407 = tpu.memref_slice %arg9[%dma_wait3A_397, %dma_wait3A_405, %dma_wait3A_406] : memref<4x128x48xf32, #tpu.memory_space<vmem>> -> memref<1x128x48xf32, #tpu.memory_space<vmem>>
      %dma_wait3A_408 = tpu.memref_squeeze %dma_wait3A_407 : memref<1x128x48xf32, #tpu.memory_space<vmem>> -> memref<128x48xf32, #tpu.memory_space<vmem>>
      %dma_wait3A_409 = arith.constant 0 : i32
      %dma_wait3A_410 = arith.constant 0 : i32
      %dma_wait3A_411 = tpu.memref_slice %arg6[%dma_wait3A_409, %dma_wait3A_410] : memref<81920x128xf32, #tpu.memory_space<hbm>> -> memref<128x48xf32, #tpu.memory_space<hbm>>
      tpu.wait_dma2 semaphore(%arg13 : memref<!tpu.dma_semaphore, #tpu.memory_space<semaphore_mem>>) src(%dma_wait3A_411 : memref<128x48xf32, #tpu.memory_space<hbm>>) dst(%dma_wait3A_408 : memref<128x48xf32, #tpu.memory_space<vmem>>)
      %dma_wait3A_412 = arith.constant 2 : i32
      %dma_wait3A_413 = arith.constant 0 : i32
      %dma_wait3A_414 = arith.constant 0 : i32
      %dma_wait3A_415 = tpu.memref_slice %arg10[%dma_wait3A_412, %dma_wait3A_413, %dma_wait3A_414] : memref<4x128x16xf32, #tpu.memory_space<vmem>> -> memref<1x128x16xf32, #tpu.memory_space<vmem>>
      %dma_wait3A_416 = tpu.memref_squeeze %dma_wait3A_415 : memref<1x128x16xf32, #tpu.memory_space<vmem>> -> memref<128x16xf32, #tpu.memory_space<vmem>>
      %dma_wait3A_417 = arith.constant 0 : i32
      %dma_wait3A_418 = arith.constant 0 : i32
      %dma_wait3A_419 = tpu.memref_slice %arg6[%dma_wait3A_417, %dma_wait3A_418] : memref<81920x128xf32, #tpu.memory_space<hbm>> -> memref<128x16xf32, #tpu.memory_space<hbm>>
      %dma_wait3A_420 = arith.constant 0 : i32
      %dma_wait3A_421 = arith.constant 0 : i32
      %dma_wait3A_422 = tpu.memref_slice %arg10[%dma_wait3A_412, %dma_wait3A_420, %dma_wait3A_421] : memref<4x128x16xf32, #tpu.memory_space<vmem>> -> memref<1x128x16xf32, #tpu.memory_space<vmem>>
      %dma_wait3A_423 = tpu.memref_squeeze %dma_wait3A_422 : memref<1x128x16xf32, #tpu.memory_space<vmem>> -> memref<128x16xf32, #tpu.memory_space<vmem>>
      %dma_wait3A_424 = arith.constant 0 : i32
      %dma_wait3A_425 = arith.constant 0 : i32
      %dma_wait3A_426 = tpu.memref_slice %arg6[%dma_wait3A_424, %dma_wait3A_425] : memref<81920x128xf32, #tpu.memory_space<hbm>> -> memref<128x16xf32, #tpu.memory_space<hbm>>
      tpu.wait_dma2 semaphore(%arg17 : memref<!tpu.dma_semaphore, #tpu.memory_space<semaphore_mem>>) src(%dma_wait3A_426 : memref<128x16xf32, #tpu.memory_space<hbm>>) dst(%dma_wait3A_423 : memref<128x16xf32, #tpu.memory_space<vmem>>)
      %dma_start3A_427 = arith.constant 2 : i32
      %dma_start3A_428 = arith.constant 0 : i32
      %dma_start3A_429 = arith.constant 0 : i32
      %dma_start3A_430 = tpu.memref_slice %arg9[%dma_start3A_427, %dma_start3A_428, %dma_start3A_429] : memref<4x128x48xf32, #tpu.memory_space<vmem>> -> memref<1x128x48xf32, #tpu.memory_space<vmem>>
      %dma_start3A_431 = tpu.memref_squeeze %dma_start3A_430 : memref<1x128x48xf32, #tpu.memory_space<vmem>> -> memref<128x48xf32, #tpu.memory_space<vmem>>
      %dma_start3A_432 = arith.constant 0 : i32
      %dma_start3A_433 = tpu.memref_slice %arg6[%mul3A_396, %dma_start3A_432] : memref<81920x128xf32, #tpu.memory_space<hbm>> -> memref<128x48xf32, #tpu.memory_space<hbm>>
      %dma_start3A_434 = arith.constant 0 : i32
      %dma_start3A_435 = tpu.memref_slice %arg6[%mul3A_396, %dma_start3A_434] : memref<81920x128xf32, #tpu.memory_space<hbm>> -> memref<128x48xf32, #tpu.memory_space<hbm>>
      %dma_start3A_436 = arith.constant 0 : i32
      %dma_start3A_437 = arith.constant 0 : i32
      %dma_start3A_438 = tpu.memref_slice %arg9[%dma_start3A_427, %dma_start3A_436, %dma_start3A_437] : memref<4x128x48xf32, #tpu.memory_space<vmem>> -> memref<1x128x48xf32, #tpu.memory_space<vmem>>
      %dma_start3A_439 = tpu.memref_squeeze %dma_start3A_438 : memref<1x128x48xf32, #tpu.memory_space<vmem>> -> memref<128x48xf32, #tpu.memory_space<vmem>>
      tpu.enqueue_dma source(%dma_start3A_439 : memref<128x48xf32, #tpu.memory_space<vmem>>) target(%dma_start3A_435 : memref<128x48xf32, #tpu.memory_space<hbm>>) target_semaphore(%arg21 : memref<!tpu.dma_semaphore, #tpu.memory_space<semaphore_mem>>)
      %dma_start3A_440 = arith.constant 2 : i32
      %dma_start3A_441 = arith.constant 0 : i32
      %dma_start3A_442 = arith.constant 0 : i32
      %dma_start3A_443 = tpu.memref_slice %arg10[%dma_start3A_440, %dma_start3A_441, %dma_start3A_442] : memref<4x128x16xf32, #tpu.memory_space<vmem>> -> memref<1x128x16xf32, #tpu.memory_space<vmem>>
      %dma_start3A_444 = tpu.memref_squeeze %dma_start3A_443 : memref<1x128x16xf32, #tpu.memory_space<vmem>> -> memref<128x16xf32, #tpu.memory_space<vmem>>
      %dma_start3A_445 = arith.constant 48 : i32
      %dma_start3A_446 = tpu.memref_slice %arg6[%mul3A_396, %dma_start3A_445] : memref<81920x128xf32, #tpu.memory_space<hbm>> -> memref<128x16xf32, #tpu.memory_space<hbm>>
      %dma_start3A_447 = arith.constant 48 : i32
      %dma_start3A_448 = tpu.memref_slice %arg6[%mul3A_396, %dma_start3A_447] : memref<81920x128xf32, #tpu.memory_space<hbm>> -> memref<128x16xf32, #tpu.memory_space<hbm>>
      %dma_start3A_449 = arith.constant 0 : i32
      %dma_start3A_450 = arith.constant 0 : i32
      %dma_start3A_451 = tpu.memref_slice %arg10[%dma_start3A_440, %dma_start3A_449, %dma_start3A_450] : memref<4x128x16xf32, #tpu.memory_space<vmem>> -> memref<1x128x16xf32, #tpu.memory_space<vmem>>
      %dma_start3A_452 = tpu.memref_squeeze %dma_start3A_451 : memref<1x128x16xf32, #tpu.memory_space<vmem>> -> memref<128x16xf32, #tpu.memory_space<vmem>>
      tpu.enqueue_dma source(%dma_start3A_452 : memref<128x16xf32, #tpu.memory_space<vmem>>) target(%dma_start3A_448 : memref<128x16xf32, #tpu.memory_space<hbm>>) target_semaphore(%arg25 : memref<!tpu.dma_semaphore, #tpu.memory_space<semaphore_mem>>)
      %add3A_453 = arith.constant 4 : i32
      %add3A_454 = arith.addi %add3A_391, %add3A_453 : i32
      %lt3A_455 = arith.cmpi slt, %add3A_454, %select_n3A : i32
      %convert_element_type3A_456 = arith.extui %lt3A_455 : i1 to i32
      %cond3A_457 = arith.constant 0 : i32
      %cond3A_458 = arith.cmpi ne, %convert_element_type3A_456, %cond3A_457 : i32
      scf.if %cond3A_458 {
        %dma_wait3A_530 = arith.constant 2 : i32
        %dma_wait3A_531 = arith.constant 0 : i32
        %dma_wait3A_532 = arith.constant 0 : i32
        %dma_wait3A_533 = tpu.memref_slice %arg9[%dma_wait3A_530, %dma_wait3A_531, %dma_wait3A_532] : memref<4x128x48xf32, #tpu.memory_space<vmem>> -> memref<1x128x48xf32, #tpu.memory_space<vmem>>
        %dma_wait3A_534 = tpu.memref_squeeze %dma_wait3A_533 : memref<1x128x48xf32, #tpu.memory_space<vmem>> -> memref<128x48xf32, #tpu.memory_space<vmem>>
        %dma_wait3A_535 = arith.constant 0 : i32
        %dma_wait3A_536 = arith.constant 0 : i32
        %dma_wait3A_537 = tpu.memref_slice %arg6[%dma_wait3A_535, %dma_wait3A_536] : memref<81920x128xf32, #tpu.memory_space<hbm>> -> memref<128x48xf32, #tpu.memory_space<hbm>>
        %dma_wait3A_538 = arith.constant 0 : i32
        %dma_wait3A_539 = arith.constant 0 : i32
        %dma_wait3A_540 = tpu.memref_slice %arg6[%dma_wait3A_538, %dma_wait3A_539] : memref<81920x128xf32, #tpu.memory_space<hbm>> -> memref<128x48xf32, #tpu.memory_space<hbm>>
        %dma_wait3A_541 = arith.constant 0 : i32
        %dma_wait3A_542 = arith.constant 0 : i32
        %dma_wait3A_543 = tpu.memref_slice %arg9[%dma_wait3A_530, %dma_wait3A_541, %dma_wait3A_542] : memref<4x128x48xf32, #tpu.memory_space<vmem>> -> memref<1x128x48xf32, #tpu.memory_space<vmem>>
        %dma_wait3A_544 = tpu.memref_squeeze %dma_wait3A_543 : memref<1x128x48xf32, #tpu.memory_space<vmem>> -> memref<128x48xf32, #tpu.memory_space<vmem>>
        tpu.wait_dma2 semaphore(%arg21 : memref<!tpu.dma_semaphore, #tpu.memory_space<semaphore_mem>>) src(%dma_wait3A_544 : memref<128x48xf32, #tpu.memory_space<vmem>>) dst(%dma_wait3A_540 : memref<128x48xf32, #tpu.memory_space<hbm>>)
        %dma_wait3A_545 = arith.constant 2 : i32
        %dma_wait3A_546 = arith.constant 0 : i32
        %dma_wait3A_547 = arith.constant 0 : i32
        %dma_wait3A_548 = tpu.memref_slice %arg10[%dma_wait3A_545, %dma_wait3A_546, %dma_wait3A_547] : memref<4x128x16xf32, #tpu.memory_space<vmem>> -> memref<1x128x16xf32, #tpu.memory_space<vmem>>
        %dma_wait3A_549 = tpu.memref_squeeze %dma_wait3A_548 : memref<1x128x16xf32, #tpu.memory_space<vmem>> -> memref<128x16xf32, #tpu.memory_space<vmem>>
        %dma_wait3A_550 = arith.constant 0 : i32
        %dma_wait3A_551 = arith.constant 48 : i32
        %dma_wait3A_552 = tpu.memref_slice %arg6[%dma_wait3A_550, %dma_wait3A_551] : memref<81920x128xf32, #tpu.memory_space<hbm>> -> memref<128x16xf32, #tpu.memory_space<hbm>>
        %dma_wait3A_553 = arith.constant 0 : i32
        %dma_wait3A_554 = arith.constant 48 : i32
        %dma_wait3A_555 = tpu.memref_slice %arg6[%dma_wait3A_553, %dma_wait3A_554] : memref<81920x128xf32, #tpu.memory_space<hbm>> -> memref<128x16xf32, #tpu.memory_space<hbm>>
        %dma_wait3A_556 = arith.constant 0 : i32
        %dma_wait3A_557 = arith.constant 0 : i32
        %dma_wait3A_558 = tpu.memref_slice %arg10[%dma_wait3A_545, %dma_wait3A_556, %dma_wait3A_557] : memref<4x128x16xf32, #tpu.memory_space<vmem>> -> memref<1x128x16xf32, #tpu.memory_space<vmem>>
        %dma_wait3A_559 = tpu.memref_squeeze %dma_wait3A_558 : memref<1x128x16xf32, #tpu.memory_space<vmem>> -> memref<128x16xf32, #tpu.memory_space<vmem>>
        tpu.wait_dma2 semaphore(%arg25 : memref<!tpu.dma_semaphore, #tpu.memory_space<semaphore_mem>>) src(%dma_wait3A_559 : memref<128x16xf32, #tpu.memory_space<vmem>>) dst(%dma_wait3A_555 : memref<128x16xf32, #tpu.memory_space<hbm>>)
        %add3A_560 = arith.constant 4 : i32
        %add3A_561 = arith.addi %add3A_391, %add3A_560 : i32
        %dma_start3A_562 = arith.constant 2 : i32
        %dma_start3A_563 = arith.constant 0 : i32
        %dma_start3A_564 = arith.constant 0 : i32
        %dma_start3A_565 = tpu.memref_slice %arg9[%dma_start3A_562, %dma_start3A_563, %dma_start3A_564] : memref<4x128x48xf32, #tpu.memory_space<vmem>> -> memref<1x128x48xf32, #tpu.memory_space<vmem>>
        %dma_start3A_566 = tpu.memref_squeeze %dma_start3A_565 : memref<1x128x48xf32, #tpu.memory_space<vmem>> -> memref<128x48xf32, #tpu.memory_space<vmem>>
        %dma_start3A_567 = arith.constant 0 : i32
        %dma_start3A_568 = tpu.memref_slice %arg7[%add3A_561, %dma_start3A_567] : memref<30x128xi32, #tpu.memory_space<vmem>> -> memref<1x128xi32, #tpu.memory_space<vmem>>
        %dma_start3A_569 = tpu.memref_squeeze %dma_start3A_568 : memref<1x128xi32, #tpu.memory_space<vmem>> -> memref<128xi32, #tpu.memory_space<vmem>>
        %dma_start3A_570 = arith.constant 0 : i32
        %dma_start3A_571 = arith.constant 0 : i32
        %dma_start3A_572 = tpu.memref_slice %arg2[%dma_start3A_570, %dma_start3A_571] : memref<10000x48xf32, #tpu.memory_space<hbm>> -> memref<10000x48xf32, #tpu.memory_space<hbm>>
        tpu.enqueue_indirect_dma source(%dma_start3A_572 : memref<10000x48xf32, #tpu.memory_space<hbm>>) target(%dma_start3A_566 : memref<128x48xf32, #tpu.memory_space<vmem>>) offsets(%dma_start3A_569 : memref<128xi32, #tpu.memory_space<vmem>>) semaphore(%arg13 : memref<!tpu.dma_semaphore, #tpu.memory_space<semaphore_mem>>)
        %dma_start3A_573 = arith.constant 2 : i32
        %dma_start3A_574 = arith.constant 0 : i32
        %dma_start3A_575 = arith.constant 0 : i32
        %dma_start3A_576 = tpu.memref_slice %arg10[%dma_start3A_573, %dma_start3A_574, %dma_start3A_575] : memref<4x128x16xf32, #tpu.memory_space<vmem>> -> memref<1x128x16xf32, #tpu.memory_space<vmem>>
        %dma_start3A_577 = tpu.memref_squeeze %dma_start3A_576 : memref<1x128x16xf32, #tpu.memory_space<vmem>> -> memref<128x16xf32, #tpu.memory_space<vmem>>
        %dma_start3A_578 = arith.constant 0 : i32
        %dma_start3A_579 = tpu.memref_slice %arg8[%add3A_561, %dma_start3A_578] : memref<30x128xi32, #tpu.memory_space<vmem>> -> memref<1x128xi32, #tpu.memory_space<vmem>>
        %dma_start3A_580 = tpu.memref_squeeze %dma_start3A_579 : memref<1x128xi32, #tpu.memory_space<vmem>> -> memref<128xi32, #tpu.memory_space<vmem>>
        %dma_start3A_581 = arith.constant 0 : i32
        %dma_start3A_582 = arith.constant 0 : i32
        %dma_start3A_583 = tpu.memref_slice %arg3[%dma_start3A_581, %dma_start3A_582] : memref<10112x16xf32, #tpu.memory_space<hbm>> -> memref<10112x16xf32, #tpu.memory_space<hbm>>
        tpu.enqueue_indirect_dma source(%dma_start3A_583 : memref<10112x16xf32, #tpu.memory_space<hbm>>) target(%dma_start3A_577 : memref<128x16xf32, #tpu.memory_space<vmem>>) offsets(%dma_start3A_580 : memref<128xi32, #tpu.memory_space<vmem>>) semaphore(%arg17 : memref<!tpu.dma_semaphore, #tpu.memory_space<semaphore_mem>>)
      } else {
      }
      %mul3A_459 = arith.constant 4 : i32
      %mul3A_460 = arith.muli %while3A_248, %mul3A_459 : i32
      %add3A_461 = arith.constant 3 : i32
      %add3A_462 = arith.addi %mul3A_460, %add3A_461 : i32
      %add3A_463 = arith.addi %add3A_4, %add3A_462 : i32
      %sub3A_464 = arith.constant 0 : i32
      %sub3A_465 = arith.subi %add3A_463, %sub3A_464 : i32
      %mul3A_466 = arith.constant 128 : i32
      %mul3A_467 = arith.muli %sub3A_465, %mul3A_466 : i32
      %dma_wait3A_468 = arith.constant 3 : i32
      %dma_wait3A_469 = arith.constant 0 : i32
      %dma_wait3A_470 = arith.constant 0 : i32
      %dma_wait3A_471 = tpu.memref_slice %arg9[%dma_wait3A_468, %dma_wait3A_469, %dma_wait3A_470] : memref<4x128x48xf32, #tpu.memory_space<vmem>> -> memref<1x128x48xf32, #tpu.memory_space<vmem>>
      %dma_wait3A_472 = tpu.memref_squeeze %dma_wait3A_471 : memref<1x128x48xf32, #tpu.memory_space<vmem>> -> memref<128x48xf32, #tpu.memory_space<vmem>>
      %dma_wait3A_473 = arith.constant 0 : i32
      %dma_wait3A_474 = arith.constant 0 : i32
      %dma_wait3A_475 = tpu.memref_slice %arg6[%dma_wait3A_473, %dma_wait3A_474] : memref<81920x128xf32, #tpu.memory_space<hbm>> -> memref<128x48xf32, #tpu.memory_space<hbm>>
      %dma_wait3A_476 = arith.constant 0 : i32
      %dma_wait3A_477 = arith.constant 0 : i32
      %dma_wait3A_478 = tpu.memref_slice %arg9[%dma_wait3A_468, %dma_wait3A_476, %dma_wait3A_477] : memref<4x128x48xf32, #tpu.memory_space<vmem>> -> memref<1x128x48xf32, #tpu.memory_space<vmem>>
      %dma_wait3A_479 = tpu.memref_squeeze %dma_wait3A_478 : memref<1x128x48xf32, #tpu.memory_space<vmem>> -> memref<128x48xf32, #tpu.memory_space<vmem>>
      %dma_wait3A_480 = arith.constant 0 : i32
      %dma_wait3A_481 = arith.constant 0 : i32
      %dma_wait3A_482 = tpu.memref_slice %arg6[%dma_wait3A_480, %dma_wait3A_481] : memref<81920x128xf32, #tpu.memory_space<hbm>> -> memref<128x48xf32, #tpu.memory_space<hbm>>
      tpu.wait_dma2 semaphore(%arg14 : memref<!tpu.dma_semaphore, #tpu.memory_space<semaphore_mem>>) src(%dma_wait3A_482 : memref<128x48xf32, #tpu.memory_space<hbm>>) dst(%dma_wait3A_479 : memref<128x48xf32, #tpu.memory_space<vmem>>)
      %dma_wait3A_483 = arith.constant 3 : i32
      %dma_wait3A_484 = arith.constant 0 : i32
      %dma_wait3A_485 = arith.constant 0 : i32
      %dma_wait3A_486 = tpu.memref_slice %arg10[%dma_wait3A_483, %dma_wait3A_484, %dma_wait3A_485] : memref<4x128x16xf32, #tpu.memory_space<vmem>> -> memref<1x128x16xf32, #tpu.memory_space<vmem>>
      %dma_wait3A_487 = tpu.memref_squeeze %dma_wait3A_486 : memref<1x128x16xf32, #tpu.memory_space<vmem>> -> memref<128x16xf32, #tpu.memory_space<vmem>>
      %dma_wait3A_488 = arith.constant 0 : i32
      %dma_wait3A_489 = arith.constant 0 : i32
      %dma_wait3A_490 = tpu.memref_slice %arg6[%dma_wait3A_488, %dma_wait3A_489] : memref<81920x128xf32, #tpu.memory_space<hbm>> -> memref<128x16xf32, #tpu.memory_space<hbm>>
      %dma_wait3A_491 = arith.constant 0 : i32
      %dma_wait3A_492 = arith.constant 0 : i32
      %dma_wait3A_493 = tpu.memref_slice %arg10[%dma_wait3A_483, %dma_wait3A_491, %dma_wait3A_492] : memref<4x128x16xf32, #tpu.memory_space<vmem>> -> memref<1x128x16xf32, #tpu.memory_space<vmem>>
      %dma_wait3A_494 = tpu.memref_squeeze %dma_wait3A_493 : memref<1x128x16xf32, #tpu.memory_space<vmem>> -> memref<128x16xf32, #tpu.memory_space<vmem>>
      %dma_wait3A_495 = arith.constant 0 : i32
      %dma_wait3A_496 = arith.constant 0 : i32
      %dma_wait3A_497 = tpu.memref_slice %arg6[%dma_wait3A_495, %dma_wait3A_496] : memref<81920x128xf32, #tpu.memory_space<hbm>> -> memref<128x16xf32, #tpu.memory_space<hbm>>
      tpu.wait_dma2 semaphore(%arg18 : memref<!tpu.dma_semaphore, #tpu.memory_space<semaphore_mem>>) src(%dma_wait3A_497 : memref<128x16xf32, #tpu.memory_space<hbm>>) dst(%dma_wait3A_494 : memref<128x16xf32, #tpu.memory_space<vmem>>)
      %dma_start3A_498 = arith.constant 3 : i32
      %dma_start3A_499 = arith.constant 0 : i32
      %dma_start3A_500 = arith.constant 0 : i32
      %dma_start3A_501 = tpu.memref_slice %arg9[%dma_start3A_498, %dma_start3A_499, %dma_start3A_500] : memref<4x128x48xf32, #tpu.memory_space<vmem>> -> memref<1x128x48xf32, #tpu.memory_space<vmem>>
      %dma_start3A_502 = tpu.memref_squeeze %dma_start3A_501 : memref<1x128x48xf32, #tpu.memory_space<vmem>> -> memref<128x48xf32, #tpu.memory_space<vmem>>
      %dma_start3A_503 = arith.constant 0 : i32
      %dma_start3A_504 = tpu.memref_slice %arg6[%mul3A_467, %dma_start3A_503] : memref<81920x128xf32, #tpu.memory_space<hbm>> -> memref<128x48xf32, #tpu.memory_space<hbm>>
      %dma_start3A_505 = arith.constant 0 : i32
      %dma_start3A_506 = tpu.memref_slice %arg6[%mul3A_467, %dma_start3A_505] : memref<81920x128xf32, #tpu.memory_space<hbm>> -> memref<128x48xf32, #tpu.memory_space<hbm>>
      %dma_start3A_507 = arith.constant 0 : i32
      %dma_start3A_508 = arith.constant 0 : i32
      %dma_start3A_509 = tpu.memref_slice %arg9[%dma_start3A_498, %dma_start3A_507, %dma_start3A_508] : memref<4x128x48xf32, #tpu.memory_space<vmem>> -> memref<1x128x48xf32, #tpu.memory_space<vmem>>
      %dma_start3A_510 = tpu.memref_squeeze %dma_start3A_509 : memref<1x128x48xf32, #tpu.memory_space<vmem>> -> memref<128x48xf32, #tpu.memory_space<vmem>>
      tpu.enqueue_dma source(%dma_start3A_510 : memref<128x48xf32, #tpu.memory_space<vmem>>) target(%dma_start3A_506 : memref<128x48xf32, #tpu.memory_space<hbm>>) target_semaphore(%arg22 : memref<!tpu.dma_semaphore, #tpu.memory_space<semaphore_mem>>)
      %dma_start3A_511 = arith.constant 3 : i32
      %dma_start3A_512 = arith.constant 0 : i32
      %dma_start3A_513 = arith.constant 0 : i32
      %dma_start3A_514 = tpu.memref_slice %arg10[%dma_start3A_511, %dma_start3A_512, %dma_start3A_513] : memref<4x128x16xf32, #tpu.memory_space<vmem>> -> memref<1x128x16xf32, #tpu.memory_space<vmem>>
      %dma_start3A_515 = tpu.memref_squeeze %dma_start3A_514 : memref<1x128x16xf32, #tpu.memory_space<vmem>> -> memref<128x16xf32, #tpu.memory_space<vmem>>
      %dma_start3A_516 = arith.constant 48 : i32
      %dma_start3A_517 = tpu.memref_slice %arg6[%mul3A_467, %dma_start3A_516] : memref<81920x128xf32, #tpu.memory_space<hbm>> -> memref<128x16xf32, #tpu.memory_space<hbm>>
      %dma_start3A_518 = arith.constant 48 : i32
      %dma_start3A_519 = tpu.memref_slice %arg6[%mul3A_467, %dma_start3A_518] : memref<81920x128xf32, #tpu.memory_space<hbm>> -> memref<128x16xf32, #tpu.memory_space<hbm>>
      %dma_start3A_520 = arith.constant 0 : i32
      %dma_start3A_521 = arith.constant 0 : i32
      %dma_start3A_522 = tpu.memref_slice %arg10[%dma_start3A_511, %dma_start3A_520, %dma_start3A_521] : memref<4x128x16xf32, #tpu.memory_space<vmem>> -> memref<1x128x16xf32, #tpu.memory_space<vmem>>
      %dma_start3A_523 = tpu.memref_squeeze %dma_start3A_522 : memref<1x128x16xf32, #tpu.memory_space<vmem>> -> memref<128x16xf32, #tpu.memory_space<vmem>>
      tpu.enqueue_dma source(%dma_start3A_523 : memref<128x16xf32, #tpu.memory_space<vmem>>) target(%dma_start3A_519 : memref<128x16xf32, #tpu.memory_space<hbm>>) target_semaphore(%arg26 : memref<!tpu.dma_semaphore, #tpu.memory_space<semaphore_mem>>)
      %add3A_524 = arith.constant 4 : i32
      %add3A_525 = arith.addi %add3A_462, %add3A_524 : i32
      %lt3A_526 = arith.cmpi slt, %add3A_525, %select_n3A : i32
      %convert_element_type3A_527 = arith.extui %lt3A_526 : i1 to i32
      %cond3A_528 = arith.constant 0 : i32
      %cond3A_529 = arith.cmpi ne, %convert_element_type3A_527, %cond3A_528 : i32
      scf.if %cond3A_529 {
        %dma_wait3A_530 = arith.constant 3 : i32
        %dma_wait3A_531 = arith.constant 0 : i32
        %dma_wait3A_532 = arith.constant 0 : i32
        %dma_wait3A_533 = tpu.memref_slice %arg9[%dma_wait3A_530, %dma_wait3A_531, %dma_wait3A_532] : memref<4x128x48xf32, #tpu.memory_space<vmem>> -> memref<1x128x48xf32, #tpu.memory_space<vmem>>
        %dma_wait3A_534 = tpu.memref_squeeze %dma_wait3A_533 : memref<1x128x48xf32, #tpu.memory_space<vmem>> -> memref<128x48xf32, #tpu.memory_space<vmem>>
        %dma_wait3A_535 = arith.constant 0 : i32
        %dma_wait3A_536 = arith.constant 0 : i32
        %dma_wait3A_537 = tpu.memref_slice %arg6[%dma_wait3A_535, %dma_wait3A_536] : memref<81920x128xf32, #tpu.memory_space<hbm>> -> memref<128x48xf32, #tpu.memory_space<hbm>>
        %dma_wait3A_538 = arith.constant 0 : i32
        %dma_wait3A_539 = arith.constant 0 : i32
        %dma_wait3A_540 = tpu.memref_slice %arg6[%dma_wait3A_538, %dma_wait3A_539] : memref<81920x128xf32, #tpu.memory_space<hbm>> -> memref<128x48xf32, #tpu.memory_space<hbm>>
        %dma_wait3A_541 = arith.constant 0 : i32
        %dma_wait3A_542 = arith.constant 0 : i32
        %dma_wait3A_543 = tpu.memref_slice %arg9[%dma_wait3A_530, %dma_wait3A_541, %dma_wait3A_542] : memref<4x128x48xf32, #tpu.memory_space<vmem>> -> memref<1x128x48xf32, #tpu.memory_space<vmem>>
        %dma_wait3A_544 = tpu.memref_squeeze %dma_wait3A_543 : memref<1x128x48xf32, #tpu.memory_space<vmem>> -> memref<128x48xf32, #tpu.memory_space<vmem>>
        tpu.wait_dma2 semaphore(%arg22 : memref<!tpu.dma_semaphore, #tpu.memory_space<semaphore_mem>>) src(%dma_wait3A_544 : memref<128x48xf32, #tpu.memory_space<vmem>>) dst(%dma_wait3A_540 : memref<128x48xf32, #tpu.memory_space<hbm>>)
        %dma_wait3A_545 = arith.constant 3 : i32
        %dma_wait3A_546 = arith.constant 0 : i32
        %dma_wait3A_547 = arith.constant 0 : i32
        %dma_wait3A_548 = tpu.memref_slice %arg10[%dma_wait3A_545, %dma_wait3A_546, %dma_wait3A_547] : memref<4x128x16xf32, #tpu.memory_space<vmem>> -> memref<1x128x16xf32, #tpu.memory_space<vmem>>
        %dma_wait3A_549 = tpu.memref_squeeze %dma_wait3A_548 : memref<1x128x16xf32, #tpu.memory_space<vmem>> -> memref<128x16xf32, #tpu.memory_space<vmem>>
        %dma_wait3A_550 = arith.constant 0 : i32
        %dma_wait3A_551 = arith.constant 48 : i32
        %dma_wait3A_552 = tpu.memref_slice %arg6[%dma_wait3A_550, %dma_wait3A_551] : memref<81920x128xf32, #tpu.memory_space<hbm>> -> memref<128x16xf32, #tpu.memory_space<hbm>>
        %dma_wait3A_553 = arith.constant 0 : i32
        %dma_wait3A_554 = arith.constant 48 : i32
        %dma_wait3A_555 = tpu.memref_slice %arg6[%dma_wait3A_553, %dma_wait3A_554] : memref<81920x128xf32, #tpu.memory_space<hbm>> -> memref<128x16xf32, #tpu.memory_space<hbm>>
        %dma_wait3A_556 = arith.constant 0 : i32
        %dma_wait3A_557 = arith.constant 0 : i32
        %dma_wait3A_558 = tpu.memref_slice %arg10[%dma_wait3A_545, %dma_wait3A_556, %dma_wait3A_557] : memref<4x128x16xf32, #tpu.memory_space<vmem>> -> memref<1x128x16xf32, #tpu.memory_space<vmem>>
        %dma_wait3A_559 = tpu.memref_squeeze %dma_wait3A_558 : memref<1x128x16xf32, #tpu.memory_space<vmem>> -> memref<128x16xf32, #tpu.memory_space<vmem>>
        tpu.wait_dma2 semaphore(%arg26 : memref<!tpu.dma_semaphore, #tpu.memory_space<semaphore_mem>>) src(%dma_wait3A_559 : memref<128x16xf32, #tpu.memory_space<vmem>>) dst(%dma_wait3A_555 : memref<128x16xf32, #tpu.memory_space<hbm>>)
        %add3A_560 = arith.constant 4 : i32
        %add3A_561 = arith.addi %add3A_462, %add3A_560 : i32
        %dma_start3A_562 = arith.constant 3 : i32
        %dma_start3A_563 = arith.constant 0 : i32
        %dma_start3A_564 = arith.constant 0 : i32
        %dma_start3A_565 = tpu.memref_slice %arg9[%dma_start3A_562, %dma_start3A_563, %dma_start3A_564] : memref<4x128x48xf32, #tpu.memory_space<vmem>> -> memref<1x128x48xf32, #tpu.memory_space<vmem>>
        %dma_start3A_566 = tpu.memref_squeeze %dma_start3A_565 : memref<1x128x48xf32, #tpu.memory_space<vmem>> -> memref<128x48xf32, #tpu.memory_space<vmem>>
        %dma_start3A_567 = arith.constant 0 : i32
        %dma_start3A_568 = tpu.memref_slice %arg7[%add3A_561, %dma_start3A_567] : memref<30x128xi32, #tpu.memory_space<vmem>> -> memref<1x128xi32, #tpu.memory_space<vmem>>
        %dma_start3A_569 = tpu.memref_squeeze %dma_start3A_568 : memref<1x128xi32, #tpu.memory_space<vmem>> -> memref<128xi32, #tpu.memory_space<vmem>>
        %dma_start3A_570 = arith.constant 0 : i32
        %dma_start3A_571 = arith.constant 0 : i32
        %dma_start3A_572 = tpu.memref_slice %arg2[%dma_start3A_570, %dma_start3A_571] : memref<10000x48xf32, #tpu.memory_space<hbm>> -> memref<10000x48xf32, #tpu.memory_space<hbm>>
        tpu.enqueue_indirect_dma source(%dma_start3A_572 : memref<10000x48xf32, #tpu.memory_space<hbm>>) target(%dma_start3A_566 : memref<128x48xf32, #tpu.memory_space<vmem>>) offsets(%dma_start3A_569 : memref<128xi32, #tpu.memory_space<vmem>>) semaphore(%arg14 : memref<!tpu.dma_semaphore, #tpu.memory_space<semaphore_mem>>)
        %dma_start3A_573 = arith.constant 3 : i32
        %dma_start3A_574 = arith.constant 0 : i32
        %dma_start3A_575 = arith.constant 0 : i32
        %dma_start3A_576 = tpu.memref_slice %arg10[%dma_start3A_573, %dma_start3A_574, %dma_start3A_575] : memref<4x128x16xf32, #tpu.memory_space<vmem>> -> memref<1x128x16xf32, #tpu.memory_space<vmem>>
        %dma_start3A_577 = tpu.memref_squeeze %dma_start3A_576 : memref<1x128x16xf32, #tpu.memory_space<vmem>> -> memref<128x16xf32, #tpu.memory_space<vmem>>
        %dma_start3A_578 = arith.constant 0 : i32
        %dma_start3A_579 = tpu.memref_slice %arg8[%add3A_561, %dma_start3A_578] : memref<30x128xi32, #tpu.memory_space<vmem>> -> memref<1x128xi32, #tpu.memory_space<vmem>>
        %dma_start3A_580 = tpu.memref_squeeze %dma_start3A_579 : memref<1x128xi32, #tpu.memory_space<vmem>> -> memref<128xi32, #tpu.memory_space<vmem>>
        %dma_start3A_581 = arith.constant 0 : i32
        %dma_start3A_582 = arith.constant 0 : i32
        %dma_start3A_583 = tpu.memref_slice %arg3[%dma_start3A_581, %dma_start3A_582] : memref<10112x16xf32, #tpu.memory_space<hbm>> -> memref<10112x16xf32, #tpu.memory_space<hbm>>
        tpu.enqueue_indirect_dma source(%dma_start3A_583 : memref<10112x16xf32, #tpu.memory_space<hbm>>) target(%dma_start3A_577 : memref<128x16xf32, #tpu.memory_space<vmem>>) offsets(%dma_start3A_580 : memref<128xi32, #tpu.memory_space<vmem>>) semaphore(%arg18 : memref<!tpu.dma_semaphore, #tpu.memory_space<semaphore_mem>>)
      } else {
      }
    }
    %dma_wait3A = arith.constant 0 : i32
    %dma_wait3A_129 = arith.constant 0 : i32
    %dma_wait3A_130 = arith.constant 0 : i32
    %dma_wait3A_131 = tpu.memref_slice %arg9[%dma_wait3A, %dma_wait3A_129, %dma_wait3A_130] : memref<4x128x48xf32, #tpu.memory_space<vmem>> -> memref<1x128x48xf32, #tpu.memory_space<vmem>>
    %dma_wait3A_132 = tpu.memref_squeeze %dma_wait3A_131 : memref<1x128x48xf32, #tpu.memory_space<vmem>> -> memref<128x48xf32, #tpu.memory_space<vmem>>
    %dma_wait3A_133 = arith.constant 0 : i32
    %dma_wait3A_134 = arith.constant 0 : i32
    %dma_wait3A_135 = tpu.memref_slice %arg6[%dma_wait3A_133, %dma_wait3A_134] : memref<81920x128xf32, #tpu.memory_space<hbm>> -> memref<128x48xf32, #tpu.memory_space<hbm>>
    %dma_wait3A_136 = arith.constant 0 : i32
    %dma_wait3A_137 = arith.constant 0 : i32
    %dma_wait3A_138 = tpu.memref_slice %arg6[%dma_wait3A_136, %dma_wait3A_137] : memref<81920x128xf32, #tpu.memory_space<hbm>> -> memref<128x48xf32, #tpu.memory_space<hbm>>
    %dma_wait3A_139 = arith.constant 0 : i32
    %dma_wait3A_140 = arith.constant 0 : i32
    %dma_wait3A_141 = tpu.memref_slice %arg9[%dma_wait3A, %dma_wait3A_139, %dma_wait3A_140] : memref<4x128x48xf32, #tpu.memory_space<vmem>> -> memref<1x128x48xf32, #tpu.memory_space<vmem>>
    %dma_wait3A_142 = tpu.memref_squeeze %dma_wait3A_141 : memref<1x128x48xf32, #tpu.memory_space<vmem>> -> memref<128x48xf32, #tpu.memory_space<vmem>>
    tpu.wait_dma2 semaphore(%arg19 : memref<!tpu.dma_semaphore, #tpu.memory_space<semaphore_mem>>) src(%dma_wait3A_142 : memref<128x48xf32, #tpu.memory_space<vmem>>) dst(%dma_wait3A_138 : memref<128x48xf32, #tpu.memory_space<hbm>>)
    %dma_wait3A_143 = arith.constant 0 : i32
    %dma_wait3A_144 = arith.constant 0 : i32
    %dma_wait3A_145 = arith.constant 0 : i32
    %dma_wait3A_146 = tpu.memref_slice %arg10[%dma_wait3A_143, %dma_wait3A_144, %dma_wait3A_145] : memref<4x128x16xf32, #tpu.memory_space<vmem>> -> memref<1x128x16xf32, #tpu.memory_space<vmem>>
    %dma_wait3A_147 = tpu.memref_squeeze %dma_wait3A_146 : memref<1x128x16xf32, #tpu.memory_space<vmem>> -> memref<128x16xf32, #tpu.memory_space<vmem>>
    %dma_wait3A_148 = arith.constant 0 : i32
    %dma_wait3A_149 = arith.constant 48 : i32
    %dma_wait3A_150 = tpu.memref_slice %arg6[%dma_wait3A_148, %dma_wait3A_149] : memref<81920x128xf32, #tpu.memory_space<hbm>> -> memref<128x16xf32, #tpu.memory_space<hbm>>
    %dma_wait3A_151 = arith.constant 0 : i32
    %dma_wait3A_152 = arith.constant 48 : i32
    %dma_wait3A_153 = tpu.memref_slice %arg6[%dma_wait3A_151, %dma_wait3A_152] : memref<81920x128xf32, #tpu.memory_space<hbm>> -> memref<128x16xf32, #tpu.memory_space<hbm>>
    %dma_wait3A_154 = arith.constant 0 : i32
    %dma_wait3A_155 = arith.constant 0 : i32
    %dma_wait3A_156 = tpu.memref_slice %arg10[%dma_wait3A_143, %dma_wait3A_154, %dma_wait3A_155] : memref<4x128x16xf32, #tpu.memory_space<vmem>> -> memref<1x128x16xf32, #tpu.memory_space<vmem>>
    %dma_wait3A_157 = tpu.memref_squeeze %dma_wait3A_156 : memref<1x128x16xf32, #tpu.memory_space<vmem>> -> memref<128x16xf32, #tpu.memory_space<vmem>>
    tpu.wait_dma2 semaphore(%arg23 : memref<!tpu.dma_semaphore, #tpu.memory_space<semaphore_mem>>) src(%dma_wait3A_157 : memref<128x16xf32, #tpu.memory_space<vmem>>) dst(%dma_wait3A_153 : memref<128x16xf32, #tpu.memory_space<hbm>>)
    %dma_wait3A_158 = arith.constant 1 : i32
    %dma_wait3A_159 = arith.constant 0 : i32
    %dma_wait3A_160 = arith.constant 0 : i32
    %dma_wait3A_161 = tpu.memref_slice %arg9[%dma_wait3A_158, %dma_wait3A_159, %dma_wait3A_160] : memref<4x128x48xf32, #tpu.memory_space<vmem>> -> memref<1x128x48xf32, #tpu.memory_space<vmem>>
    %dma_wait3A_162 = tpu.memref_squeeze %dma_wait3A_161 : memref<1x128x48xf32, #tpu.memory_space<vmem>> -> memref<128x48xf32, #tpu.memory_space<vmem>>
    %dma_wait3A_163 = arith.constant 0 : i32
    %dma_wait3A_164 = arith.constant 0 : i32
    %dma_wait3A_165 = tpu.memref_slice %arg6[%dma_wait3A_163, %dma_wait3A_164] : memref<81920x128xf32, #tpu.memory_space<hbm>> -> memref<128x48xf32, #tpu.memory_space<hbm>>
    %dma_wait3A_166 = arith.constant 0 : i32
    %dma_wait3A_167 = arith.constant 0 : i32
    %dma_wait3A_168 = tpu.memref_slice %arg6[%dma_wait3A_166, %dma_wait3A_167] : memref<81920x128xf32, #tpu.memory_space<hbm>> -> memref<128x48xf32, #tpu.memory_space<hbm>>
    %dma_wait3A_169 = arith.constant 0 : i32
    %dma_wait3A_170 = arith.constant 0 : i32
    %dma_wait3A_171 = tpu.memref_slice %arg9[%dma_wait3A_158, %dma_wait3A_169, %dma_wait3A_170] : memref<4x128x48xf32, #tpu.memory_space<vmem>> -> memref<1x128x48xf32, #tpu.memory_space<vmem>>
    %dma_wait3A_172 = tpu.memref_squeeze %dma_wait3A_171 : memref<1x128x48xf32, #tpu.memory_space<vmem>> -> memref<128x48xf32, #tpu.memory_space<vmem>>
    tpu.wait_dma2 semaphore(%arg20 : memref<!tpu.dma_semaphore, #tpu.memory_space<semaphore_mem>>) src(%dma_wait3A_172 : memref<128x48xf32, #tpu.memory_space<vmem>>) dst(%dma_wait3A_168 : memref<128x48xf32, #tpu.memory_space<hbm>>)
    %dma_wait3A_173 = arith.constant 1 : i32
    %dma_wait3A_174 = arith.constant 0 : i32
    %dma_wait3A_175 = arith.constant 0 : i32
    %dma_wait3A_176 = tpu.memref_slice %arg10[%dma_wait3A_173, %dma_wait3A_174, %dma_wait3A_175] : memref<4x128x16xf32, #tpu.memory_space<vmem>> -> memref<1x128x16xf32, #tpu.memory_space<vmem>>
    %dma_wait3A_177 = tpu.memref_squeeze %dma_wait3A_176 : memref<1x128x16xf32, #tpu.memory_space<vmem>> -> memref<128x16xf32, #tpu.memory_space<vmem>>
    %dma_wait3A_178 = arith.constant 0 : i32
    %dma_wait3A_179 = arith.constant 48 : i32
    %dma_wait3A_180 = tpu.memref_slice %arg6[%dma_wait3A_178, %dma_wait3A_179] : memref<81920x128xf32, #tpu.memory_space<hbm>> -> memref<128x16xf32, #tpu.memory_space<hbm>>
    %dma_wait3A_181 = arith.constant 0 : i32
    %dma_wait3A_182 = arith.constant 48 : i32
    %dma_wait3A_183 = tpu.memref_slice %arg6[%dma_wait3A_181, %dma_wait3A_182] : memref<81920x128xf32, #tpu.memory_space<hbm>> -> memref<128x16xf32, #tpu.memory_space<hbm>>
    %dma_wait3A_184 = arith.constant 0 : i32
    %dma_wait3A_185 = arith.constant 0 : i32
    %dma_wait3A_186 = tpu.memref_slice %arg10[%dma_wait3A_173, %dma_wait3A_184, %dma_wait3A_185] : memref<4x128x16xf32, #tpu.memory_space<vmem>> -> memref<1x128x16xf32, #tpu.memory_space<vmem>>
    %dma_wait3A_187 = tpu.memref_squeeze %dma_wait3A_186 : memref<1x128x16xf32, #tpu.memory_space<vmem>> -> memref<128x16xf32, #tpu.memory_space<vmem>>
    tpu.wait_dma2 semaphore(%arg24 : memref<!tpu.dma_semaphore, #tpu.memory_space<semaphore_mem>>) src(%dma_wait3A_187 : memref<128x16xf32, #tpu.memory_space<vmem>>) dst(%dma_wait3A_183 : memref<128x16xf32, #tpu.memory_space<hbm>>)
    %dma_wait3A_188 = arith.constant 2 : i32
    %dma_wait3A_189 = arith.constant 0 : i32
    %dma_wait3A_190 = arith.constant 0 : i32
    %dma_wait3A_191 = tpu.memref_slice %arg9[%dma_wait3A_188, %dma_wait3A_189, %dma_wait3A_190] : memref<4x128x48xf32, #tpu.memory_space<vmem>> -> memref<1x128x48xf32, #tpu.memory_space<vmem>>
    %dma_wait3A_192 = tpu.memref_squeeze %dma_wait3A_191 : memref<1x128x48xf32, #tpu.memory_space<vmem>> -> memref<128x48xf32, #tpu.memory_space<vmem>>
    %dma_wait3A_193 = arith.constant 0 : i32
    %dma_wait3A_194 = arith.constant 0 : i32
    %dma_wait3A_195 = tpu.memref_slice %arg6[%dma_wait3A_193, %dma_wait3A_194] : memref<81920x128xf32, #tpu.memory_space<hbm>> -> memref<128x48xf32, #tpu.memory_space<hbm>>
    %dma_wait3A_196 = arith.constant 0 : i32
    %dma_wait3A_197 = arith.constant 0 : i32
    %dma_wait3A_198 = tpu.memref_slice %arg6[%dma_wait3A_196, %dma_wait3A_197] : memref<81920x128xf32, #tpu.memory_space<hbm>> -> memref<128x48xf32, #tpu.memory_space<hbm>>
    %dma_wait3A_199 = arith.constant 0 : i32
    %dma_wait3A_200 = arith.constant 0 : i32
    %dma_wait3A_201 = tpu.memref_slice %arg9[%dma_wait3A_188, %dma_wait3A_199, %dma_wait3A_200] : memref<4x128x48xf32, #tpu.memory_space<vmem>> -> memref<1x128x48xf32, #tpu.memory_space<vmem>>
    %dma_wait3A_202 = tpu.memref_squeeze %dma_wait3A_201 : memref<1x128x48xf32, #tpu.memory_space<vmem>> -> memref<128x48xf32, #tpu.memory_space<vmem>>
    tpu.wait_dma2 semaphore(%arg21 : memref<!tpu.dma_semaphore, #tpu.memory_space<semaphore_mem>>) src(%dma_wait3A_202 : memref<128x48xf32, #tpu.memory_space<vmem>>) dst(%dma_wait3A_198 : memref<128x48xf32, #tpu.memory_space<hbm>>)
    %dma_wait3A_203 = arith.constant 2 : i32
    %dma_wait3A_204 = arith.constant 0 : i32
    %dma_wait3A_205 = arith.constant 0 : i32
    %dma_wait3A_206 = tpu.memref_slice %arg10[%dma_wait3A_203, %dma_wait3A_204, %dma_wait3A_205] : memref<4x128x16xf32, #tpu.memory_space<vmem>> -> memref<1x128x16xf32, #tpu.memory_space<vmem>>
    %dma_wait3A_207 = tpu.memref_squeeze %dma_wait3A_206 : memref<1x128x16xf32, #tpu.memory_space<vmem>> -> memref<128x16xf32, #tpu.memory_space<vmem>>
    %dma_wait3A_208 = arith.constant 0 : i32
    %dma_wait3A_209 = arith.constant 48 : i32
    %dma_wait3A_210 = tpu.memref_slice %arg6[%dma_wait3A_208, %dma_wait3A_209] : memref<81920x128xf32, #tpu.memory_space<hbm>> -> memref<128x16xf32, #tpu.memory_space<hbm>>
    %dma_wait3A_211 = arith.constant 0 : i32
    %dma_wait3A_212 = arith.constant 48 : i32
    %dma_wait3A_213 = tpu.memref_slice %arg6[%dma_wait3A_211, %dma_wait3A_212] : memref<81920x128xf32, #tpu.memory_space<hbm>> -> memref<128x16xf32, #tpu.memory_space<hbm>>
    %dma_wait3A_214 = arith.constant 0 : i32
    %dma_wait3A_215 = arith.constant 0 : i32
    %dma_wait3A_216 = tpu.memref_slice %arg10[%dma_wait3A_203, %dma_wait3A_214, %dma_wait3A_215] : memref<4x128x16xf32, #tpu.memory_space<vmem>> -> memref<1x128x16xf32, #tpu.memory_space<vmem>>
    %dma_wait3A_217 = tpu.memref_squeeze %dma_wait3A_216 : memref<1x128x16xf32, #tpu.memory_space<vmem>> -> memref<128x16xf32, #tpu.memory_space<vmem>>
    tpu.wait_dma2 semaphore(%arg25 : memref<!tpu.dma_semaphore, #tpu.memory_space<semaphore_mem>>) src(%dma_wait3A_217 : memref<128x16xf32, #tpu.memory_space<vmem>>) dst(%dma_wait3A_213 : memref<128x16xf32, #tpu.memory_space<hbm>>)
    %dma_wait3A_218 = arith.constant 3 : i32
    %dma_wait3A_219 = arith.constant 0 : i32
    %dma_wait3A_220 = arith.constant 0 : i32
    %dma_wait3A_221 = tpu.memref_slice %arg9[%dma_wait3A_218, %dma_wait3A_219, %dma_wait3A_220] : memref<4x128x48xf32, #tpu.memory_space<vmem>> -> memref<1x128x48xf32, #tpu.memory_space<vmem>>
    %dma_wait3A_222 = tpu.memref_squeeze %dma_wait3A_221 : memref<1x128x48xf32, #tpu.memory_space<vmem>> -> memref<128x48xf32, #tpu.memory_space<vmem>>
    %dma_wait3A_223 = arith.constant 0 : i32
    %dma_wait3A_224 = arith.constant 0 : i32
    %dma_wait3A_225 = tpu.memref_slice %arg6[%dma_wait3A_223, %dma_wait3A_224] : memref<81920x128xf32, #tpu.memory_space<hbm>> -> memref<128x48xf32, #tpu.memory_space<hbm>>
    %dma_wait3A_226 = arith.constant 0 : i32
    %dma_wait3A_227 = arith.constant 0 : i32
    %dma_wait3A_228 = tpu.memref_slice %arg6[%dma_wait3A_226, %dma_wait3A_227] : memref<81920x128xf32, #tpu.memory_space<hbm>> -> memref<128x48xf32, #tpu.memory_space<hbm>>
    %dma_wait3A_229 = arith.constant 0 : i32
    %dma_wait3A_230 = arith.constant 0 : i32
    %dma_wait3A_231 = tpu.memref_slice %arg9[%dma_wait3A_218, %dma_wait3A_229, %dma_wait3A_230] : memref<4x128x48xf32, #tpu.memory_space<vmem>> -> memref<1x128x48xf32, #tpu.memory_space<vmem>>
    %dma_wait3A_232 = tpu.memref_squeeze %dma_wait3A_231 : memref<1x128x48xf32, #tpu.memory_space<vmem>> -> memref<128x48xf32, #tpu.memory_space<vmem>>
    tpu.wait_dma2 semaphore(%arg22 : memref<!tpu.dma_semaphore, #tpu.memory_space<semaphore_mem>>) src(%dma_wait3A_232 : memref<128x48xf32, #tpu.memory_space<vmem>>) dst(%dma_wait3A_228 : memref<128x48xf32, #tpu.memory_space<hbm>>)
    %dma_wait3A_233 = arith.constant 3 : i32
    %dma_wait3A_234 = arith.constant 0 : i32
    %dma_wait3A_235 = arith.constant 0 : i32
    %dma_wait3A_236 = tpu.memref_slice %arg10[%dma_wait3A_233, %dma_wait3A_234, %dma_wait3A_235] : memref<4x128x16xf32, #tpu.memory_space<vmem>> -> memref<1x128x16xf32, #tpu.memory_space<vmem>>
    %dma_wait3A_237 = tpu.memref_squeeze %dma_wait3A_236 : memref<1x128x16xf32, #tpu.memory_space<vmem>> -> memref<128x16xf32, #tpu.memory_space<vmem>>
    %dma_wait3A_238 = arith.constant 0 : i32
    %dma_wait3A_239 = arith.constant 48 : i32
    %dma_wait3A_240 = tpu.memref_slice %arg6[%dma_wait3A_238, %dma_wait3A_239] : memref<81920x128xf32, #tpu.memory_space<hbm>> -> memref<128x16xf32, #tpu.memory_space<hbm>>
    %dma_wait3A_241 = arith.constant 0 : i32
    %dma_wait3A_242 = arith.constant 48 : i32
    %dma_wait3A_243 = tpu.memref_slice %arg6[%dma_wait3A_241, %dma_wait3A_242] : memref<81920x128xf32, #tpu.memory_space<hbm>> -> memref<128x16xf32, #tpu.memory_space<hbm>>
    %dma_wait3A_244 = arith.constant 0 : i32
    %dma_wait3A_245 = arith.constant 0 : i32
    %dma_wait3A_246 = tpu.memref_slice %arg10[%dma_wait3A_233, %dma_wait3A_244, %dma_wait3A_245] : memref<4x128x16xf32, #tpu.memory_space<vmem>> -> memref<1x128x16xf32, #tpu.memory_space<vmem>>
    %dma_wait3A_247 = tpu.memref_squeeze %dma_wait3A_246 : memref<1x128x16xf32, #tpu.memory_space<vmem>> -> memref<128x16xf32, #tpu.memory_space<vmem>>
    tpu.wait_dma2 semaphore(%arg26 : memref<!tpu.dma_semaphore, #tpu.memory_space<semaphore_mem>>) src(%dma_wait3A_247 : memref<128x16xf32, #tpu.memory_space<vmem>>) dst(%dma_wait3A_243 : memref<128x16xf32, #tpu.memory_space<hbm>>)
    return
  }
}

module attributes {stable_mosaic.version = 14 : i64} {
  func.func @_tc_dense_body(%arg0: i32, %arg1: memref<2560x128xf32, #tpu.memory_space<vmem>>, %arg2: memref<8x64xf32, #tpu.memory_space<vmem>>, %arg3: memref<64x1024xf32, #tpu.memory_space<vmem>>, %arg4: memref<1024x48xf32, #tpu.memory_space<vmem>>, %arg5: memref<8x24xf32, #tpu.memory_space<vmem>>, %arg6: memref<2560x128xf32, #tpu.memory_space<vmem>>) attributes {dimension_semantics = [#tpu.dimension_semantics<arbitrary>], iteration_bounds = array<i64: 32>, scalar_prefetch = 0 : i64, scratch_operands = 0 : i64, tpu.core_type = #tpu.core_type<tc>, window_params = [{transform_indices = @transform_0, window_bounds = array<i64: 2560, 128>}, {pipeline_mode = #tpu.pipeline_mode<synchronous>, transform_indices = @transform_1, window_bounds = array<i64: 8, 64>}, {pipeline_mode = #tpu.pipeline_mode<synchronous>, transform_indices = @transform_2, window_bounds = array<i64: 64, 1024>}, {pipeline_mode = #tpu.pipeline_mode<synchronous>, transform_indices = @transform_3, window_bounds = array<i64: 1024, 48>}, {pipeline_mode = #tpu.pipeline_mode<synchronous>, transform_indices = @transform_4, window_bounds = array<i64: 8, 24>}, {transform_indices = @transform_5, window_bounds = array<i64: 2560, 128>}]} {
    %get3A = arith.constant 0 : index
    %get3A_0 = arith.constant 0 : index
    %get3A_1 = vector.load %arg1[%get3A, %get3A_0] : memref<2560x128xf32, #tpu.memory_space<vmem>>, vector<2560x128xf32>
    %slice3A = vector.extract_strided_slice %get3A_1 {offsets = [0, 0], sizes = [2560, 32], strides = [1, 1]} : vector<2560x128xf32> to vector<2560x32xf32>
    %slice3A_2 = vector.extract_strided_slice %get3A_1 {offsets = [0, 32], sizes = [2560, 3], strides = [1, 1]} : vector<2560x128xf32> to vector<2560x3xf32>
    %slice3A_3 = vector.extract_strided_slice %get3A_1 {offsets = [0, 48], sizes = [2560, 3], strides = [1, 1]} : vector<2560x128xf32> to vector<2560x3xf32>
    %sub3A = arith.subf %slice3A_3, %slice3A_2 : vector<2560x3xf32>
    %mul3A = arith.mulf %sub3A, %sub3A : vector<2560x3xf32>
    %reduce_sum3A = arith.constant dense<0.000000e+00> : vector<2560xf32>
    %reduce_sum3A_4 = vector.multi_reduction <add>, %mul3A, %reduce_sum3A [1] : vector<2560x3xf32> to vector<2560xf32>
    %broadcast_in_dim3A = vector.shape_cast %reduce_sum3A_4 : vector<2560xf32> to vector<2560x1xf32>
    %sqrt3A = math.sqrt %broadcast_in_dim3A : vector<2560x1xf32>
    %max3A = arith.constant 9.99999993E-9 : f32
    %max3A_5 = vector.broadcast %max3A : f32 to vector<2560x1xf32>
    %max3A_6 = arith.maximumf %sqrt3A, %max3A_5 : vector<2560x1xf32>
    %div3A = vector.broadcast %max3A_6 : vector<2560x1xf32> to vector<2560x3xf32>
    %div3A_7 = arith.divf %sub3A, %div3A : vector<2560x3xf32>
    %get3A_8 = arith.constant 0 : index
    %get3A_9 = arith.constant 0 : index
    %get3A_10 = vector.load %arg2[%get3A_8, %get3A_9] : memref<8x64xf32, #tpu.memory_space<vmem>>, vector<1x64xf32>
    %mul3A_11 = vector.broadcast %max3A_6 : vector<2560x1xf32> to vector<2560x64xf32>
    %mul3A_12 = vector.broadcast %get3A_10 : vector<1x64xf32> to vector<2560x64xf32>
    %mul3A_13 = arith.mulf %mul3A_11, %mul3A_12 : vector<2560x64xf32>
    %logistic3A = arith.negf %mul3A_13 : vector<2560x64xf32>
    %logistic3A_14 = math.exp %logistic3A : vector<2560x64xf32>
    %logistic3A_15 = arith.constant 1.000000e+00 : f32
    %logistic3A_16 = vector.broadcast %logistic3A_15 : f32 to vector<2560x64xf32>
    %logistic3A_17 = arith.addf %logistic3A_16, %logistic3A_14 : vector<2560x64xf32>
    %logistic3A_18 = arith.divf %logistic3A_16, %logistic3A_17 : vector<2560x64xf32>
    %mul3A_19 = arith.mulf %mul3A_13, %logistic3A_18 : vector<2560x64xf32>
    %get3A_20 = arith.constant 0 : index
    %get3A_21 = arith.constant 0 : index
    %get3A_22 = vector.load %arg3[%get3A_20, %get3A_21] : memref<64x1024xf32, #tpu.memory_space<vmem>>, vector<64x1024xf32>
    %dot_general3A = arith.constant dense<0.000000e+00> : vector<2560x1024xf32>
    %dot_general3A_23 = tpu.matmul %mul3A_19, %get3A_22, %dot_general3A {dimension_numbers = #tpu.dot_dimension_numbers<[1], [0], [0], [1], [0, 0, 1, 1], [], []>, transpose_lhs_hint = false} : vector<2560x64xf32>, vector<64x1024xf32>, vector<2560x1024xf32> -> vector<2560x1024xf32>
    %concatenate3A = tpu.concatenate %slice3A, %slice3A, %slice3A, %slice3A in 1 : vector<2560x32xf32>, vector<2560x32xf32>, vector<2560x32xf32>, vector<2560x32xf32> -> vector<2560x128xf32>
    %concatenate3A_24 = tpu.concatenate %concatenate3A, %concatenate3A, %concatenate3A, %concatenate3A, %concatenate3A, %concatenate3A, %concatenate3A, %concatenate3A in 1 : vector<2560x128xf32>, vector<2560x128xf32>, vector<2560x128xf32>, vector<2560x128xf32>, vector<2560x128xf32>, vector<2560x128xf32>, vector<2560x128xf32>, vector<2560x128xf32> -> vector<2560x1024xf32>
    %mul3A_25 = arith.mulf %dot_general3A_23, %concatenate3A_24 : vector<2560x1024xf32>
    %get3A_26 = arith.constant 0 : index
    %get3A_27 = arith.constant 0 : index
    %get3A_28 = vector.load %arg4[%get3A_26, %get3A_27] : memref<1024x48xf32, #tpu.memory_space<vmem>>, vector<1024x48xf32>
    %dot_general3A_29 = arith.constant dense<0.000000e+00> : vector<2560x48xf32>
    %dot_general3A_30 = tpu.matmul %mul3A_25, %get3A_28, %dot_general3A_29 {dimension_numbers = #tpu.dot_dimension_numbers<[1], [0], [0], [1], [0, 0, 1, 1], [], []>, transpose_lhs_hint = false} : vector<2560x1024xf32>, vector<1024x48xf32>, vector<2560x48xf32> -> vector<2560x48xf32>
    %get3A_31 = arith.constant 0 : index
    %get3A_32 = arith.constant 0 : index
    %get3A_33 = vector.load %arg5[%get3A_31, %get3A_32] : memref<8x24xf32, #tpu.memory_space<vmem>>, vector<3x24xf32>
    %dot_general3A_34 = arith.constant dense<0.000000e+00> : vector<2560x24xf32>
    %dot_general3A_35 = tpu.matmul %div3A_7, %get3A_33, %dot_general3A_34 {dimension_numbers = #tpu.dot_dimension_numbers<[1], [0], [0], [1], [0, 0, 1, 1], [], []>, transpose_lhs_hint = false} : vector<2560x3xf32>, vector<3x24xf32>, vector<2560x24xf32> -> vector<2560x24xf32>
    %slice3A_36 = vector.extract_strided_slice %dot_general3A_30 {offsets = [0, 0], sizes = [2560, 24], strides = [1, 1]} : vector<2560x48xf32> to vector<2560x24xf32>
    %mul3A_37 = arith.constant 0.0498677865 : f32
    %mul3A_38 = vector.broadcast %mul3A_37 : f32 to vector<2560x24xf32>
    %mul3A_39 = arith.mulf %mul3A_38, %slice3A_36 : vector<2560x24xf32>
    %slice3A_40 = vector.extract_strided_slice %dot_general3A_30 {offsets = [0, 24], sizes = [2560, 24], strides = [1, 1]} : vector<2560x48xf32> to vector<2560x24xf32>
    %mul3A_41 = arith.constant 0.0863735377 : f32
    %mul3A_42 = vector.broadcast %mul3A_41 : f32 to vector<2560x24xf32>
    %mul3A_43 = arith.mulf %mul3A_42, %slice3A_40 : vector<2560x24xf32>
    %mul3A_44 = arith.mulf %mul3A_43, %dot_general3A_35 : vector<2560x24xf32>
    %broadcast_in_dim3A_45 = arith.constant 0.000000e+00 : f32
    %broadcast_in_dim3A_46 = vector.broadcast %broadcast_in_dim3A_45 : f32 to vector<2560x80xf32>
    %concatenate3A_47 = tpu.concatenate %mul3A_39, %mul3A_44, %broadcast_in_dim3A_46 in 1 : vector<2560x24xf32>, vector<2560x24xf32>, vector<2560x80xf32> -> vector<2560x128xf32>
    %swap3A = arith.constant 0 : index
    %swap3A_48 = arith.constant 0 : index
    %swap3A_49 = vector.load %arg6[%swap3A, %swap3A_48] : memref<2560x128xf32, #tpu.memory_space<vmem>>, vector<2560x128xf32>
    tpu.vector_store %arg6[%swap3A, %swap3A_48], %concatenate3A_47 {strides = array<i32>} : memref<2560x128xf32, #tpu.memory_space<vmem>>, vector<2560x128xf32>,
    return
  }
  func.func @transform_0(%arg0: i32) -> (i32, i32) {
    %c0_i32 = arith.constant 0 : i32
    %c0_i32_0 = arith.constant 0 : i32
    return %arg0, %c0_i32 : i32, i32
  }
  func.func @transform_1(%arg0: i32) -> (i32, i32) {
    %c0_i32 = arith.constant 0 : i32
    %c0_i32_0 = arith.constant 0 : i32
    %c0_i32_1 = arith.constant 0 : i32
    return %c0_i32, %c0_i32_0 : i32, i32
  }
  func.func @transform_2(%arg0: i32) -> (i32, i32) {
    %c0_i32 = arith.constant 0 : i32
    %c0_i32_0 = arith.constant 0 : i32
    %c0_i32_1 = arith.constant 0 : i32
    return %c0_i32, %c0_i32_0 : i32, i32
  }
  func.func @transform_3(%arg0: i32) -> (i32, i32) {
    %c0_i32 = arith.constant 0 : i32
    %c0_i32_0 = arith.constant 0 : i32
    %c0_i32_1 = arith.constant 0 : i32
    return %c0_i32, %c0_i32_0 : i32, i32
  }
  func.func @transform_4(%arg0: i32) -> (i32, i32) {
    %c0_i32 = arith.constant 0 : i32
    %c0_i32_0 = arith.constant 0 : i32
    %c0_i32_1 = arith.constant 0 : i32
    return %c0_i32, %c0_i32_0 : i32, i32
  }
  func.func @transform_5(%arg0: i32) -> (i32, i32) {
    %c0_i32 = arith.constant 0 : i32
    %c0_i32_0 = arith.constant 0 : i32
    return %arg0, %c0_i32 : i32, i32
  }
}

module attributes {stable_mosaic.version = 14 : i64} {
  func.func @_tc_final_body(%arg0: i32, %arg1: memref<2x2000x48xf32, #tpu.memory_space<vmem>>, %arg2: memref<2x2000x48xf32, #tpu.memory_space<vmem>>, %arg3: memref<24x24xf32, #tpu.memory_space<vmem>>, %arg4: memref<24x24xf32, #tpu.memory_space<vmem>>, %arg5: memref<24x24xf32, #tpu.memory_space<vmem>>, %arg6: memref<2000x24xf32, #tpu.memory_space<vmem>>) attributes {dimension_semantics = [#tpu.dimension_semantics<arbitrary>], iteration_bounds = array<i64: 5>, scalar_prefetch = 0 : i64, scratch_operands = 0 : i64, tpu.core_type = #tpu.core_type<tc>, window_params = [{transform_indices = @transform_0, window_bounds = array<i64: 2, 2000, 48>}, {transform_indices = @transform_1, window_bounds = array<i64: 2, 2000, 48>}, {pipeline_mode = #tpu.pipeline_mode<synchronous>, transform_indices = @transform_2, window_bounds = array<i64: 24, 24>}, {pipeline_mode = #tpu.pipeline_mode<synchronous>, transform_indices = @transform_3, window_bounds = array<i64: 24, 24>}, {pipeline_mode = #tpu.pipeline_mode<synchronous>, transform_indices = @transform_4, window_bounds = array<i64: 24, 24>}, {transform_indices = @transform_5, window_bounds = array<i64: 2000, 24>}]} {
    %get3A = arith.constant 0 : index
    %get3A_0 = arith.constant 0 : index
    %get3A_1 = arith.constant 0 : index
    %get3A_2 = vector.load %arg1[%get3A, %get3A_0, %get3A_1] : memref<2x2000x48xf32, #tpu.memory_space<vmem>>, vector<1x2000x48xf32>
    %get3A_3 = vector.shape_cast %get3A_2 : vector<1x2000x48xf32> to vector<2000x48xf32>
    %get3A_4 = arith.constant 1 : index
    %get3A_5 = arith.constant 0 : index
    %get3A_6 = arith.constant 0 : index
    %get3A_7 = vector.load %arg1[%get3A_4, %get3A_5, %get3A_6] : memref<2x2000x48xf32, #tpu.memory_space<vmem>>, vector<1x2000x48xf32>
    %get3A_8 = vector.shape_cast %get3A_7 : vector<1x2000x48xf32> to vector<2000x48xf32>
    %add3A = arith.addf %get3A_3, %get3A_8 : vector<2000x48xf32>
    %get3A_9 = arith.constant 0 : index
    %get3A_10 = arith.constant 0 : index
    %get3A_11 = arith.constant 0 : index
    %get3A_12 = vector.load %arg2[%get3A_9, %get3A_10, %get3A_11] : memref<2x2000x48xf32, #tpu.memory_space<vmem>>, vector<1x2000x48xf32>
    %get3A_13 = vector.shape_cast %get3A_12 : vector<1x2000x48xf32> to vector<2000x48xf32>
    %get3A_14 = arith.constant 1 : index
    %get3A_15 = arith.constant 0 : index
    %get3A_16 = arith.constant 0 : index
    %get3A_17 = vector.load %arg2[%get3A_14, %get3A_15, %get3A_16] : memref<2x2000x48xf32, #tpu.memory_space<vmem>>, vector<1x2000x48xf32>
    %get3A_18 = vector.shape_cast %get3A_17 : vector<1x2000x48xf32> to vector<2000x48xf32>
    %add3A_19 = arith.addf %get3A_13, %get3A_18 : vector<2000x48xf32>
    %add3A_20 = arith.addf %add3A, %add3A_19 : vector<2000x48xf32>
    %slice3A = vector.extract_strided_slice %add3A_20 {offsets = [0, 0], sizes = [2000, 24], strides = [1, 1]} : vector<2000x48xf32> to vector<2000x24xf32>
    %slice3A_21 = vector.extract_strided_slice %add3A_20 {offsets = [0, 24], sizes = [2000, 24], strides = [1, 1]} : vector<2000x48xf32> to vector<2000x24xf32>
    %get3A_22 = arith.constant 0 : index
    %get3A_23 = arith.constant 0 : index
    %get3A_24 = vector.load %arg3[%get3A_22, %get3A_23] : memref<24x24xf32, #tpu.memory_space<vmem>>, vector<24x24xf32>
    %dot_general3A = arith.constant dense<0.000000e+00> : vector<2000x24xf32>
    %dot_general3A_25 = tpu.matmul %slice3A, %get3A_24, %dot_general3A {dimension_numbers = #tpu.dot_dimension_numbers<[1], [0], [0], [1], [0, 0, 1, 1], [], []>, transpose_lhs_hint = false} : vector<2000x24xf32>, vector<24x24xf32>, vector<2000x24xf32> -> vector<2000x24xf32>
    %logistic3A = arith.negf %dot_general3A_25 : vector<2000x24xf32>
    %logistic3A_26 = math.exp %logistic3A : vector<2000x24xf32>
    %logistic3A_27 = arith.constant 1.000000e+00 : f32
    %logistic3A_28 = vector.broadcast %logistic3A_27 : f32 to vector<2000x24xf32>
    %logistic3A_29 = arith.addf %logistic3A_28, %logistic3A_26 : vector<2000x24xf32>
    %logistic3A_30 = arith.divf %logistic3A_28, %logistic3A_29 : vector<2000x24xf32>
    %mul3A = arith.mulf %dot_general3A_25, %logistic3A_30 : vector<2000x24xf32>
    %get3A_31 = arith.constant 0 : index
    %get3A_32 = arith.constant 0 : index
    %get3A_33 = vector.load %arg4[%get3A_31, %get3A_32] : memref<24x24xf32, #tpu.memory_space<vmem>>, vector<24x24xf32>
    %dot_general3A_34 = arith.constant dense<0.000000e+00> : vector<2000x24xf32>
    %dot_general3A_35 = tpu.matmul %slice3A, %get3A_33, %dot_general3A_34 {dimension_numbers = #tpu.dot_dimension_numbers<[1], [0], [0], [1], [0, 0, 1, 1], [], []>, transpose_lhs_hint = false} : vector<2000x24xf32>, vector<24x24xf32>, vector<2000x24xf32> -> vector<2000x24xf32>
    %logistic3A_36 = arith.negf %dot_general3A_35 : vector<2000x24xf32>
    %logistic3A_37 = math.exp %logistic3A_36 : vector<2000x24xf32>
    %logistic3A_38 = arith.constant 1.000000e+00 : f32
    %logistic3A_39 = vector.broadcast %logistic3A_38 : f32 to vector<2000x24xf32>
    %logistic3A_40 = arith.addf %logistic3A_39, %logistic3A_37 : vector<2000x24xf32>
    %logistic3A_41 = arith.divf %logistic3A_39, %logistic3A_40 : vector<2000x24xf32>
    %get3A_42 = arith.constant 0 : index
    %get3A_43 = arith.constant 0 : index
    %get3A_44 = vector.load %arg5[%get3A_42, %get3A_43] : memref<24x24xf32, #tpu.memory_space<vmem>>, vector<24x24xf32>
    %dot_general3A_45 = arith.constant dense<0.000000e+00> : vector<2000x24xf32>
    %dot_general3A_46 = tpu.matmul %slice3A_21, %get3A_44, %dot_general3A_45 {dimension_numbers = #tpu.dot_dimension_numbers<[1], [0], [0], [1], [0, 0, 1, 1], [], []>, transpose_lhs_hint = false} : vector<2000x24xf32>, vector<24x24xf32>, vector<2000x24xf32> -> vector<2000x24xf32>
    %mul3A_47 = arith.mulf %logistic3A_41, %dot_general3A_46 : vector<2000x24xf32>
    %add3A_48 = arith.addf %mul3A, %mul3A_47 : vector<2000x24xf32>
    %swap3A = arith.constant 0 : index
    %swap3A_49 = arith.constant 0 : index
    %swap3A_50 = vector.load %arg6[%swap3A, %swap3A_49] : memref<2000x24xf32, #tpu.memory_space<vmem>>, vector<2000x24xf32>
    tpu.vector_store %arg6[%swap3A, %swap3A_49], %add3A_48 {strides = array<i32>} : memref<2000x24xf32, #tpu.memory_space<vmem>>, vector<2000x24xf32>,
    return
  }
  func.func @transform_0(%arg0: i32) -> (i32, i32, i32) {
    %c0_i32 = arith.constant 0 : i32
    %c0_i32_0 = arith.constant 0 : i32
    %c0_i32_1 = arith.constant 0 : i32
    return %c0_i32, %arg0, %c0_i32_0 : i32, i32, i32
  }
  func.func @transform_1(%arg0: i32) -> (i32, i32, i32) {
    %c0_i32 = arith.constant 0 : i32
    %c0_i32_0 = arith.constant 0 : i32
    %c0_i32_1 = arith.constant 0 : i32
    return %c0_i32, %arg0, %c0_i32_0 : i32, i32, i32
  }
  func.func @transform_2(%arg0: i32) -> (i32, i32) {
    %c0_i32 = arith.constant 0 : i32
    %c0_i32_0 = arith.constant 0 : i32
    %c0_i32_1 = arith.constant 0 : i32
    return %c0_i32, %c0_i32_0 : i32, i32
  }
  func.func @transform_3(%arg0: i32) -> (i32, i32) {
    %c0_i32 = arith.constant 0 : i32
    %c0_i32_0 = arith.constant 0 : i32
    %c0_i32_1 = arith.constant 0 : i32
    return %c0_i32, %c0_i32_0 : i32, i32
  }
  func.func @transform_4(%arg0: i32) -> (i32, i32) {
    %c0_i32 = arith.constant 0 : i32
    %c0_i32_0 = arith.constant 0 : i32
    %c0_i32_1 = arith.constant 0 : i32
    return %c0_i32, %c0_i32_0 : i32, i32
  }
  func.func @transform_5(%arg0: i32) -> (i32, i32) {
    %c0_i32 = arith.constant 0 : i32
    %c0_i32_0 = arith.constant 0 : i32
    return %arg0, %c0_i32 : i32, i32
  }
}

</mosaic_0001>

<sc_bundles>
// kernel: kernel.12.cloned.1.call-start
scs
__scs_entry_jumppad:
0x0: {  	(pc) =	sbr.rel $0x88, $3  }
0x1: {  	(tag) =	ssettag $0x0;
	lr =	simm.s32 $0x1  }
0x2: {  	[smem:$0x3F99] =	sst lr;
	_ =	strace $0xD0000000  }
0x3: {  	_ = 	snop  }
0x4: {  	_ = 	snop  }
0x5: {  	_ = 	snop  }
0x6: {  	_ = 	snop  }
0x7: {  	_ = 	snop  }
__scs_overlays_trampoline_lowered:
0x8: {  	[smem:$0x3FA8] =	sst s0  }
0x9: {  	[smem:$0x3FA9] =	sst s1  }
0xa: {  	[smem:$0x3FAA] =	sst s2  }
0xb: {  	[smem:$0x3FAB] =	sst s3  }
0xc: {  	[smem:$0x3FAC] =	sst s4  }
0xd: {  	[smem:$0x3FAD] =	sst s5  }
0xe: {  	[smem:$0x3FAE] =	sst s6  }
0xf: {  	[smem:$0x3FAF] =	sst s7  }
0x10: {  	[smem:$0x3FB0] =	sst s8  }
0x11: {  	[smem:$0x3FB1] =	sst s9;
	s0 =	simm.s32 @!p0 $0x0  }
0x12: {  	s1 =	sld [smem:$0x3F97];
	s0 =	simm.s32 @p0 $0x1  }
0x13: {  	[smem:$0x3FB2] =	sst s0;
	s0 =	simm.s32 @!p1 $0x0  }
0x14: {  	s2 =	sld [smem:$0x3F96];
	s0 =	simm.s32 @p1 $0x1  }
0x15: {  	[smem:$0x3FB3] =	sst s0;
	s0 =	simm.s32 @!p2 $0x0  }
0x16: {  	s3 =	sld [smem:$0x3FDB];
	s0 =	simm.s32 @p2 $0x1  }
0x17: {  	s4 =	simm.s32 $0x1BF5;
	[smem:$0x3FB5] =	sst s0  }
0x18: {  	s0 =	sld [smem:$0x3F98];
	_ =	swait.ge [sflag:s4], $0x0  }
0x19: {  	s7 =	sld [smem:$0x3F99]  }
0x1a: {  	s8 =	sadd.s32 $0xFFFFE003, lr  }
0x1b: {  	s9 =	sadd.s32 $0xFFFFFEF7, lr;
	s5 =	simm.s32 $0xFFFFFFFF;
	p2 =	slt.u32 s8, $0xFFFFF086  }
0x1c: {  	p1 =	slt.u32 s9, $0xF7A;
	s5 =	simm.s32 @!p2 $0x0  }
0x1d: {  	s5 =	simm.s32 @p1 $0x1;
	p0 =	seq.s32 s7, s2  }
0x1e: {  	s7 =	smul.u32 @!p0 $0xF7A, s2;
	p2 =	seq.s32 @!p0 s5, $0x0  }
0x1f: {  	s9 =	smul.u32 $0xF7A, s1;
	s8 =	simm.s32 @!p0 $0x1BF5;
	p2 =	por !p2, p0  }
0x20: {  	[sflag:s8] =	ssyncset.s32 @!p0 $0xFFFFF086;
	s6 =	sadd.s32 @!p0 s3, s7;
	s7 =	simm.s32 @!p0 $0x108  }
0x21: {  	s3 =	sadd.s32 s3, s9;
	s6 =	sadd.s32 @!p0 $0x88, s6;
	s7 =	simm.s32 @p2 $0x1082  }
0x22: {  	[simem:s7], [sflag:s8] =	dma.local @!p0 [hbm:s6], $0xF7A  }
0x23: {  	s9 =	sor.u32 $0xD0000000, s2;
	s6 =	simm.s32 $0x108;
	_ =	swait.ge @!p0 [sflag:s8], $0x0  }
0x24: {  	s3 =	sadd.s32 $0x88, s3;
	s6 =	simm.s32 @!p1 $0x1082;
	[sflag:s4] =	ssyncset.s32 $0xFFFFF086  }
0x25: {  	[simem:s6], [sflag:s4] =	dma.local [hbm:s3], $0xF7A  }
0x26: {  	[smem:$0x3F99] =	sst s1;
	(tag) =	ssettag s2;
	_ =	strace s9  }
0x27: {  	s1 =	sld [smem:$0x3FA9]  }
0x28: {  	s2 =	sld [smem:$0x3FAA]  }
0x29: {  	s4 =	sld [smem:$0x3FAC]  }
0x2a: {  	p0 =	seq.s32 s5, $0x0;
	s5 =	sld [smem:$0x3FAD]  }
0x2b: {  	s6 =	sld [smem:$0x3FAE]  }
0x2c: {  	s7 =	sld [smem:$0x3FAF]  }
0x2d: {  	s3 =	simm.s32 $0x108;
	s8 =	sld [smem:$0x3FB0]  }
0x2e: {  	s3 =	simm.s32 @!p0 $0x1082;
	s9 =	sld [smem:$0x3FB1]  }
0x2f: {  	lr =	sadd.s32 s0, s3;
	s0 =	sld [smem:$0x3FA8]  }
0x30: {  	s3 =	sld [smem:$0x3FAB]  }
0x31: {  	[smem:$0x3FB4] =	sst s10  }
0x32: {  	s10 =	sld [smem:$0x3FB2];
	_ =	sdelay $0x3  }
0x33: {  	p0 =	seq.s32 s10, $0x1;
	s10 =	sld [smem:$0x3FB4];
	_ =	sdelay $0x3  }
0x34: {  	[smem:$0x3FB4] =	sst s10  }
0x35: {  	s10 =	sld [smem:$0x3FB3];
	_ =	sdelay $0x3  }
0x36: {  	p1 =	seq.s32 s10, $0x1;
	s10 =	sld [smem:$0x3FB4];
	_ =	sdelay $0x3  }
0x37: {  	[smem:$0x3FB4] =	sst s10  }
0x38: {  	s10 =	sld [smem:$0x3FB5]  }
0x39: {  	_ = 	snop;
	(pc) =	sbr.ind lr, $3  }
0x3a: {  	_ = 	snop  }
0x3b: {  	_ = 	snop  }
0x3c: {  	p2 =	seq.s32 s10, $0x1;
	s10 =	sld [smem:$0x3FB4]  }
0x3d: {  	_ =	shalt  }
0x3e: {  	_ =	shalt  }
0x3f: {  	_ =	shalt  }
0x40: {  	_ =	shalt  }
0x41: {  	_ =	shalt  }
0x42: {  	_ =	shalt  }
0x43: {  	_ =	shalt  }
0x44: {  	_ =	shalt  }
0x45: {  	_ =	shalt  }
0x46: {  	_ =	shalt  }
0x47: {  	_ =	shalt  }
0x48: {  	_ =	shalt  }
0x49: {  	_ =	shalt  }
0x4a: {  	_ =	shalt  }
0x4b: {  	_ =	shalt  }
0x4c: {  	_ =	shalt  }
0x4d: {  	_ =	shalt  }
0x4e: {  	_ =	shalt  }
0x4f: {  	_ =	shalt  }
0x50: {  	_ =	shalt  }
0x51: {  	_ =	shalt  }
0x52: {  	_ =	shalt  }
0x53: {  	_ =	shalt  }
0x54: {  	_ =	shalt  }
0x55: {  	_ =	shalt  }
0x56: {  	_ =	shalt  }
0x57: {  	_ =	shalt  }
0x58: {  	_ =	shalt  }
0x59: {  	_ =	shalt  }
0x5a: {  	_ =	shalt  }
0x5b: {  	_ =	shalt  }
0x5c: {  	_ =	shalt  }
0x5d: {  	_ =	shalt  }
0x5e: {  	_ =	shalt  }
0x5f: {  	_ =	shalt  }
0x60: {  	_ =	shalt  }
0x61: {  	_ =	shalt  }
0x62: {  	_ =	shalt  }
0x63: {  	_ =	shalt  }
0x64: {  	_ =	shalt  }
0x65: {  	_ =	shalt  }
0x66: {  	_ =	shalt  }
0x67: {  	_ =	shalt  }
0x68: {  	_ =	shalt  }
0x69: {  	_ =	shalt  }
0x6a: {  	_ =	shalt  }
0x6b: {  	_ =	shalt  }
0x6c: {  	_ =	shalt  }
0x6d: {  	_ =	shalt  }
0x6e: {  	_ =	shalt  }
0x6f: {  	_ =	shalt  }
0x70: {  	_ =	shalt  }
0x71: {  	_ =	shalt  }
0x72: {  	_ =	shalt  }
0x73: {  	_ =	shalt  }
0x74: {  	_ =	shalt  }
0x75: {  	_ =	shalt  }
0x76: {  	_ =	shalt  }
0x77: {  	_ =	shalt  }
0x78: {  	_ =	shalt  }
0x79: {  	_ =	shalt  }
0x7a: {  	_ =	shalt  }
0x7b: {  	_ =	shalt  }
0x7c: {  	_ =	shalt  }
0x7d: {  	_ =	shalt  }
0x7e: {  	_ =	shalt  }
0x7f: {  	_ =	shalt  }
0x80: {  	_ =	shalt  }
0x81: {  	_ =	shalt  }
0x82: {  	_ =	shalt  }
0x83: {  	_ =	shalt  }
0x84: {  	_ =	shalt  }
0x85: {  	_ =	shalt  }
0x86: {  	_ =	shalt  }
0x87: {  	_ =	shalt  }
.Lfunc_end0:
.L_simem_size_0:
called_computation.1_lowered:
.L_overlay_start_0:
0x88: {  	s2 =	sld [smem:$0x3FD9]  }
0x89: {  	s3 =	sld [smem:$0x3FFE];
	_ =	sdelay $0x1  }
0x8a: {  	s1 =	srdreg.scid  }
0x8b: {  	s0 =	sand.u32 $0x1, s1  }
0x8c: {  	s17 =	sshll.u32 s0, $0xA;
	s2 =	sadd.s32 s3, s2  }
0x8d: {  	s2 =	sadd.s32 s2, s17  }
0x8e: {  	[smem:$0x3FC0] =	sst s2  }
0x8f: {  	_ = 	snop  }
0x90: {  	s2 =	sld [smem:$0x3FD0];
	(tm) =	ssettm $0x1  }
0x91: {  	s18 =	sld [smem:$0x3FFB];
	_ =	sdelay $0x3  }
0x92: {  	_ =	strace s18  }
0x93: {  	s3 =	sld [smem:$0x3FFC];
	_ =	sdelay $0x3  }
0x94: {  	_ =	strace s3  }
0x95: {  	s3 =	sld [smem:$0x3FFD];
	_ =	sdelay $0x3  }
0x96: {  	_ =	strace s3  }
0x97: {  	_ =	strace $0x8FFFFFFF  }
0x98: {  	s19 =	sld [smem:$0x3FDB];
	_ =	sdelay $0x1  }
0x99: {  	s4 =	simm.s32 $_scs_section_size  }
0x9a: {  	s5 =	simm.s32 $_size__tile_overlayer_lowered;
	s6 =	simm.s32 $_tile_overlayer_lowered  }
0x9b: {  	s22 =	simm.s32 $0x1BFF;
	s21 =	sshll.u32 s6, $0x1;
	s3 =	sadd.s32 s4, s19  }
0x9c: {  	s7 =	simm.s32 $0x0;
	s20 =	sshll.u32 s5, $0x1;
	s5 =	sadd.s32 s21, s3  }
0x9d: {  	[timem:s7], [sflag:s22] =	dma.local [hbm:s5], s20  }
0x9e: {  	_ =	swait.ge [sflag:s22], s20  }
0x9f: {  	s4 =	ssub.s32 $0x0, s20;
	[sflag:s22] =	ssyncset.done $0x0  }
0xa0: {  	[sflag:s22] =	ssyncadd.s32 s4;
	_ =	sdelay $0x1  }
0xa1: {  	s23 =	simm.s32 $0x1B8B  }
0xa2: {  	_ =	swait.ge [sflag:s23], $0x1  }
0xa3: {  	[sflag:s23] =	ssyncset.done $0x0  }
0xa4: {  	s25 =	simm.s32 $0x1B8E;
	s24 =	sld [smem:$0x3FFE];
	[sflag:s23] =	ssyncadd.s32 $0xFFFFFFFF  }
0xa5: {  	s26 =	simm.s32 $execute0_lowered;
	[smem:$0x3FD2] =	sst s25  }
0xa6: {  	s5 =	sshll.u32 s26, $0x1;
	_ =	strace $0x80000046;
	[dreg:$0x1] =	wrdreg $0xFFFFFFFF  }
0xa7: {  	s28 =	simm.s32 $_size_execute0_lowered;
	s3 =	sadd.s32 s3, s5;
	[dreg:$0x0] =	wrdreg $0x0  }
0xa8: {  	s5 =	sshll.u32 s28, $0x1;
	[dreg:$0x2] =	wrdreg s3  }
0xa9: {  	[dreg:$0x3] =	wrdreg s5  }
0xaa: {  	[dreg:$0x4] =	wrdreg $0xC0  }
0xab: {  	_ =	task [dreg:s7], $0x5FFFF  }
0xac: {  	[dreg:$0x1] =	wrdreg $0xFFFFFFFF  }
0xad: {  	[dreg:$0x0] =	wrdreg $0x60  }
0xae: {  	[dreg:$0x2] =	wrdreg s24  }
0xaf: {  	[dreg:$0x3] =	wrdreg s2  }
0xb0: {  	[dreg:$0x4] =	wrdreg $0xA  }
0xb1: {  	_ =	task.clear_ibuf [dreg:s7], $0x5FFFF;
	_ =	strace $0x90000046  }
0xb2: {  	s29 =	simm.s32 $0xA;
	_ =	strace $0x80000048  }
0xb3: {  	_ =	swait.ge [sflag:s29], $0x1  }
0xb4: {  	[sflag:s29] =	ssyncadd.s32 $0xFFFFFFFF  }
0xb5: {  	_ =	strace $0x90000048  }
0xb6: {  	_ =	sfence  }
0xb7: {  	s30 =	sld [smem:$0x0];
	_ =	sdelay $0x2  }
0xb8: {  	s31 =	sshll.u32 s1, $0xD;
	s1 =	sshrl.u32 s1, $0x2  }
0xb9: {  	s3 =	sand.u32 $0x4000, s31;
	s1 =	sadd.s32 s1, s30  }
0xba: {  	s0 =	sor.u32 s3, s0;
	s1 =	sshll.u32 s1, $0x11  }
0xbb: {  	s0 =	sor.u32 s1, s0  }
0xbc: {  	s0 =	sadd.s32 $0x8F2B, s0  }
0xbd: {  	[sflag:s0] =	ssyncadd.remote.s32 $0x1  }
0xbe: {  	_ =	sfence.sel $0xFFFF  }
0xbf: {  	[dreg:$0x0] =	wrdreg $0xFFFFFFFF;
	(pc) =	sbr.abs _section_cstart, $3  }
0xc0: {  	[dreg:$0x1] =	wrdreg $0xFFFFFFFF  }
0xc1: {  	_ =	task.clear_ibuf [dreg:s7], $0x2FFFF;
	_ =	strace $0x9FFFFFFF  }
0xc2: {  	(tm) =	ssettm $0x7FFFFFFF  }
0xc3: {  	_ =	shalt  }
tec
execute0_lowered:
.L_overlay_start_1:
0x0: {  	(tag) =	ssettag $0x1  }
0x1: {  	s0 =	rddreg [dreg:$0x0];
	s1 =	srdreg.scid  }
0x2: {  	s6 =	stileid.u32;
	s2 =	rddreg [dreg:$0x1];
	s3 =	simm.s32 $0x0  }
0x3: {  	s29 =	simm.s32 $0x8E00;
	s31 =	simm.s32 $0x6600;
	s4 =	smul.u32 $0x28, s6  }
0x4: {  	s28 =	simm.s32 $0x30;
	s1 =	sand.u32 $0x1, s1;
	s6 =	smul.u32 $0xA0000, s6  }
0x5: {  	s30 =	simm.s32 $0x10;
	[smem:$0x7FF] =	sst s3;
	s5 =	smul.u32 $0x14, s1  }
0x6: {  	s3 =	sadd.s32 $0x6E00, s0;
	s7 =	ssub.s32 $0x2, s1;
	s1 =	smul.u32 $0x50000, s1  }
0x7: {  	_ =	strace $0x80000047;
	s18 =	sshrl.u32 s7, $0x1;
	s5 =	sadd.s32 s5, s4  }
0x8: {  	s4 =	sadd.s32 $0x1E00, s0;
	s1 =	sadd.s32 s1, s6;
	s6 =	simm.s32 $0x3  }
0x9: {  	s5 =	sshll.u32 s5, $0x4;
	s20 =	sor.u32 $0xC030, s1;
	s21 =	sor.u32 $0xC000, s1  }
0xa: {  	s22 =	sor.u32 $0x8030, s1;
	s23 =	sor.u32 $0x8000, s1;
	s24 =	sor.u32 $0x4030, s1  }
0xb: {  	s25 =	sor.u32 $0x4000, s1;
	s26 =	sor.u32 $0x30, s1;
	s16 =	sshrl.u32 s1, $0x3  }
0xc: {  	s1 =	simm.s32 $0x2;
	s5 =	sadd.s32 $0x2800, s5;
	s9 =	sshrl.u32 s20, $0x3  }
0xd: {  	s10 =	sshrl.u32 s21, $0x3;
	s11 =	sshrl.u32 s22, $0x3;
	s12 =	sshrl.u32 s23, $0x3  }
0xe: {  	s13 =	sshrl.u32 s24, $0x3;
	s14 =	sshrl.u32 s25, $0x3;
	s15 =	sshrl.u32 s26, $0x3  }
0xf: {  	s23 =	simm.s32 $0x1;
	s25 =	simm.s32 $0x5;
	s20 =	simm.s32 $0x0  }
0x10: {  	s8 =	sadd.s32 s5, s0;
	s0 =	sadd.s32 $0x1AE00, s0;
	s2 =	sadd.s32 s2, s5  }
.Ltmp0:
0x11: {  	s5 =	simm.s32 $0x6;
	[dreg:$0x3] =	wrdreg s0;
	(pc) =	sbr.rel .LBB2_1-.Ltmp0, $4  }
0x12: {  	s0 =	ssub.s32 s7, s18;
	[dreg:$0x4] =	wrdreg s2;
	s19 =	sadd.s32 $0x15A00, s8  }
0x13: {  	s7 =	simm.s32 $0x7;
	s8 =	simm.s32 $0x4;
	s18 =	simm.s32 $0x8  }
0x14: {  	s2 =	simm.s32 $0xC;
	[dreg:$0x5] =	wrdreg s19;
	s0 =	smax.u32 s0, $0x1  }
0x15: {  	s19 =	simm.s32 $0x80;
	[dreg:$0x6] =	wrdreg s0;
	s0 =	simm.s32 $0x9600  }
.LBB2_4:
0x16: {  	s17 =	simm.s32 $0x9  }
0x17: {  	_ =	swait.ge [sflag:s17], $0x1800  }
0x18: {  	[sflag:s17] =	ssyncset.done $0x0  }
0x19: {  	s26 =	simm.s32 $0xD;
	[sflag:s17] =	ssyncadd.s32 $0xFFFFE800  }
0x1a: {  	_ =	swait.ge [sflag:s26], $0x800  }
0x1b: {  	[sflag:s26] =	ssyncset.done $0x0  }
0x1c: {  	s20 =	simm.s32 $0xA;
	[sflag:s26] =	ssyncadd.s32 $0xFFFFF800  }
0x1d: {  	_ =	swait.ge [sflag:s20], $0x1800  }
0x1e: {  	[sflag:s20] =	ssyncset.done $0x0  }
0x1f: {  	s21 =	simm.s32 $0xE;
	[sflag:s20] =	ssyncadd.s32 $0xFFFFE800  }
0x20: {  	_ =	swait.ge [sflag:s21], $0x800  }
0x21: {  	[sflag:s21] =	ssyncset.done $0x0  }
0x22: {  	s22 =	simm.s32 $0xB;
	[sflag:s21] =	ssyncadd.s32 $0xFFFFF800  }
0x23: {  	_ =	swait.ge [sflag:s22], $0x1800  }
0x24: {  	[sflag:s22] =	ssyncset.done $0x0  }
0x25: {  	s24 =	simm.s32 $0xF;
	[sflag:s22] =	ssyncadd.s32 $0xFFFFE800  }
0x26: {  	_ =	swait.ge [sflag:s24], $0x800  }
0x27: {  	[sflag:s24] =	ssyncset.done $0x0  }
0x28: {  	[sflag:s24] =	ssyncadd.s32 $0xFFFFF800  }
0x29: {  	_ =	swait.ge [sflag:s2], $0x1800  }
0x2a: {  	[sflag:s2] =	ssyncset.done $0x0  }
0x2b: {  	[sflag:s2] =	ssyncadd.s32 $0xFFFFE800  }
0x2c: {  	_ =	swait.ge [sflag:s30], $0x800  }
0x2d: {  	s20 =	rddreg [dreg:$0x7]  }
0x2e: {  	s26 =	rddreg [dreg:$0x6];
	s20 =	sadd.s32 $0x1, s20  }
0x2f: {  	p0 =	sne.s32 s20, s26  }
.Ltmp1:
0x30: {  	_ = 	snop;
	(pc) =	sbr.rel @!p0 .LBB2_5-.Ltmp1, $3  }
0x31: {  	_ =	sdelay $0x1  }
0x32: {  	[sflag:s30] =	ssyncset.done $0x0  }
0x33: {  	[sflag:s30] =	ssyncadd.s32 $0xFFFFF800  }
.LBB2_1:
0x34: {  	[dreg:$0x7] =	wrdreg s20  }
0x35: {  	s17 =	simm.s32 $0x0;
	s22 =	rddreg [dreg:$0x4];
	s21 =	simm.s32 $0x11  }
0x36: {  	[tilespmem:s17], [sflag:$0x11] =	stream.linear.gather [hbm4b:s22+s17], $0xF00, $0x38;
	[tilespmem:$0x9E00] =	vst v63  }
0x37: {  	_ =	swait.ge [sflag:s21], $0xF00  }
0x38: {  	[sflag:s21] =	ssyncset.done $0x0  }
0x39: {  	s22 =	simm.s32 $0xF00;
	s24 =	rddreg [dreg:$0x5];
	[sflag:s21] =	ssyncadd.s32 $0xFFFFF100  }
0x3a: {  	[tilespmem:s22], [sflag:$0x11] =	stream.linear.gather [hbm4b:s24+s17], $0xF00, $0x38;
	[tilespmem:$0x9E00] =	vst v63  }
0x3b: {  	_ =	swait.ge [sflag:s21], $0xF00  }
0x3c: {  	[sflag:s21] =	ssyncset.done $0x0  }
0x3d: {  	s26 =	simm.s32 $0x1E00;
	[sflag:s21] =	ssyncadd.s32 $0xFFFFF100  }
0x3e: {  	[tilespmem:s26], [sflag:$0x1] =	stream.indirect.gather [hbm4b:s3+s19], $0x30, s17, s19, $0xb8;
	[tilespmem:$0x9E00] =	vst v63  }
0x3f: {  	s21 =	simm.s32 $0x7E00  }
0x40: {  	[tilespmem:s21], [sflag:$0x5] =	stream.indirect.gather [hbm4b:s4+s19], $0x10, s22, s19, $0xb8;
	[tilespmem:$0x9E00] =	vst v63  }
0x41: {  	s22 =	simm.s32 $0x3600  }
0x42: {  	[tilespmem:s22], [sflag:$0x2] =	stream.indirect.gather [hbm4b:s3+s19], $0x30, s19, s19, $0xb8;
	[tilespmem:$0x9E00] =	vst v63  }
0x43: {  	s24 =	simm.s32 $0xF80;
	s26 =	simm.s32 $0x8600  }
0x44: {  	[tilespmem:s26], [sflag:$0x6] =	stream.indirect.gather [hbm4b:s4+s19], $0x10, s24, s19, $0xb8;
	[tilespmem:$0x9E00] =	vst v63  }
0x45: {  	s20 =	simm.s32 $0x100;
	s21 =	simm.s32 $0x4E00  }
0x46: {  	[tilespmem:s21], [sflag:$0x3] =	stream.indirect.gather [hbm4b:s3+s19], $0x30, s20, s19, $0xb8;
	[tilespmem:$0x9E00] =	vst v63  }
0x47: {  	s22 =	simm.s32 $0x1000  }
0x48: {  	[tilespmem:s29], [sflag:$0x7] =	stream.indirect.gather [hbm4b:s4+s19], $0x10, s22, s19, $0xb8;
	[tilespmem:$0x9E00] =	vst v63  }
0x49: {  	s24 =	simm.s32 $0x180  }
0x4a: {  	[tilespmem:s31], [sflag:$0x4] =	stream.indirect.gather [hbm4b:s3+s19], $0x30, s24, s19, $0xb8;
	[tilespmem:$0x9E00] =	vst v63  }
0x4b: {  	s17 =	rddreg [dreg:$0x3];
	s26 =	simm.s32 $0x1080;
	s20 =	simm.s32 $0x0  }
0x4c: {  	[tilespmem:s0], [sflag:$0x8] =	stream.indirect.gather [hbm4b:s4+s19], $0x10, s26, s19, $0xb8;
	[tilespmem:$0x9E00] =	vst v63  }
.LBB2_2:
0x4d: {  	_ =	swait.ge [sflag:s23], $0x1800  }
0x4e: {  	[sflag:s23] =	ssyncset.done $0x0  }
0x4f: {  	[sflag:s23] =	ssyncadd.s32 $0xFFFFE800  }
0x50: {  	_ =	swait.ge [sflag:s25], $0x800  }
0x51: {  	s21 =	sadd.s32 s17, s16;
	[sflag:s25] =	ssyncset.done $0x0  }
0x52: {  	s22 =	simm.s32 $0x1E00;
	p0 =	seq.s32 s20, $0x2000;
	[sflag:s25] =	ssyncadd.s32 $0xFFFFF800  }
0x53: {  	[hbm4b:s21+s28] =	stream.strided.scatter [tilespmem:s22], [sflag:$0x9], $0x1800, s19, s28, $0x38;
	[tilespmem:$0x9E00] =	vst v63  }
0x54: {  	s24 =	simm.s32 $0x7E00;
	s22 =	sadd.s32 s17, s15;
	s21 =	simm.s32 @!p0 $0x9  }
0x55: {  	[hbm4b:s22+s30] =	stream.strided.scatter [tilespmem:s24], [sflag:$0xD], $0x800, s19, s30, $0x38;
	[tilespmem:$0x9E00] =	vst v63  }
0x56: {  	_ =	swait.ge @!p0 [sflag:s21], $0x1800  }
0x57: {  	[sflag:s21] =	ssyncset.done @!p0 $0x0  }
0x58: {  	[sflag:s21] =	ssyncadd.s32 @!p0 $0xFFFFE800;
	s21 =	simm.s32 @!p0 $0xD  }
0x59: {  	_ =	swait.ge @!p0 [sflag:s21], $0x800  }
0x5a: {  	[sflag:s21] =	ssyncset.done @!p0 $0x0  }
0x5b: {  	[sflag:s21] =	ssyncadd.s32 @!p0 $0xFFFFF800;
	s21 =	sshra.s32 @!p0 s20, $0x2  }
0x5c: {  	s26 =	simm.s32 @!p0 $0x1E00;
	s24 =	simm.s32 @!p0 $0x80;
	s22 =	sadd.s32 @!p0 $0x200, s21  }
0x5d: {  	[tilespmem:s26], [sflag:$0x1] =	stream.indirect.gather @!p0 [hbm4b:s3+s24], $0x30, s22, s24, $0xb8;
	[tilespmem:$0x9E00] =	vst v63  }
0x5e: {  	s22 =	sadd.s32 @!p0 $0x1100, s21;
	s26 =	simm.s32 @!p0 $0x7E00  }
0x5f: {  	[tilespmem:s26], [sflag:$0x5] =	stream.indirect.gather @!p0 [hbm4b:s4+s24], $0x10, s22, s24, $0xb8;
	[tilespmem:$0x9E00] =	vst v63  }
0x60: {  	_ =	swait.ge [sflag:s1], $0x1800  }
0x61: {  	[sflag:s1] =	ssyncset.done $0x0  }
0x62: {  	[sflag:s1] =	ssyncadd.s32 $0xFFFFE800  }
0x63: {  	_ =	swait.ge [sflag:s5], $0x800  }
0x64: {  	[sflag:s5] =	ssyncset.done $0x0  }
0x65: {  	s22 =	sadd.s32 s17, s14;
	s26 =	simm.s32 $0x3600;
	[sflag:s5] =	ssyncadd.s32 $0xFFFFF800  }
0x66: {  	[hbm4b:s22+s28] =	stream.strided.scatter [tilespmem:s26], [sflag:$0xA], $0x1800, s19, s28, $0x38;
	[tilespmem:$0x9E00] =	vst v63  }
0x67: {  	s22 =	sadd.s32 s17, s13;
	s26 =	simm.s32 $0x8600  }
0x68: {  	[hbm4b:s22+s30] =	stream.strided.scatter [tilespmem:s26], [sflag:$0xE], $0x800, s19, s30, $0x38;
	[tilespmem:$0x9E00] =	vst v63  }
0x69: {  	s22 =	simm.s32 @!p0 $0xA  }
0x6a: {  	_ =	swait.ge @!p0 [sflag:s22], $0x1800  }
0x6b: {  	[sflag:s22] =	ssyncset.done @!p0 $0x0  }
0x6c: {  	[sflag:s22] =	ssyncadd.s32 @!p0 $0xFFFFE800;
	s22 =	simm.s32 @!p0 $0xE  }
0x6d: {  	_ =	swait.ge @!p0 [sflag:s22], $0x800  }
0x6e: {  	[sflag:s22] =	ssyncset.done @!p0 $0x0  }
0x6f: {  	s26 =	simm.s32 @!p0 $0x3600;
	[sflag:s22] =	ssyncadd.s32 @!p0 $0xFFFFF800;
	s22 =	sadd.s32 @!p0 $0x280, s21  }
0x70: {  	[tilespmem:s26], [sflag:$0x2] =	stream.indirect.gather @!p0 [hbm4b:s3+s24], $0x30, s22, s24, $0xb8;
	[tilespmem:$0x9E00] =	vst v63  }
0x71: {  	s22 =	sadd.s32 @!p0 $0x1180, s21;
	s26 =	simm.s32 @!p0 $0x8600  }
0x72: {  	[tilespmem:s26], [sflag:$0x6] =	stream.indirect.gather @!p0 [hbm4b:s4+s24], $0x10, s22, s24, $0xb8;
	[tilespmem:$0x9E00] =	vst v63  }
0x73: {  	_ =	swait.ge [sflag:s6], $0x1800  }
0x74: {  	[sflag:s6] =	ssyncset.done $0x0  }
0x75: {  	[sflag:s6] =	ssyncadd.s32 $0xFFFFE800  }
0x76: {  	_ =	swait.ge [sflag:s7], $0x800  }
0x77: {  	[sflag:s7] =	ssyncset.done $0x0  }
0x78: {  	s22 =	sadd.s32 s17, s12;
	s26 =	simm.s32 $0x4E00;
	[sflag:s7] =	ssyncadd.s32 $0xFFFFF800  }
0x79: {  	[hbm4b:s22+s28] =	stream.strided.scatter [tilespmem:s26], [sflag:$0xB], $0x1800, s19, s28, $0x38;
	[tilespmem:$0x9E00] =	vst v63  }
0x7a: {  	s26 =	sadd.s32 s17, s11;
	s22 =	simm.s32 @!p0 $0xB  }
0x7b: {  	[hbm4b:s26+s30] =	stream.strided.scatter [tilespmem:s29], [sflag:$0xF], $0x800, s19, s30, $0x38;
	[tilespmem:$0x9E00] =	vst v63  }
0x7c: {  	_ =	swait.ge @!p0 [sflag:s22], $0x1800  }
0x7d: {  	[sflag:s22] =	ssyncset.done @!p0 $0x0  }
0x7e: {  	[sflag:s22] =	ssyncadd.s32 @!p0 $0xFFFFE800;
	s22 =	simm.s32 @!p0 $0xF  }
0x7f: {  	_ =	swait.ge @!p0 [sflag:s22], $0x800  }
0x80: {  	[sflag:s22] =	ssyncset.done @!p0 $0x0  }
0x81: {  	s26 =	simm.s32 @!p0 $0x4E00;
	[sflag:s22] =	ssyncadd.s32 @!p0 $0xFFFFF800;
	s22 =	sadd.s32 @!p0 $0x300, s21  }
0x82: {  	[tilespmem:s26], [sflag:$0x3] =	stream.indirect.gather @!p0 [hbm4b:s3+s24], $0x30, s22, s24, $0xb8;
	[tilespmem:$0x9E00] =	vst v63  }
0x83: {  	s21 =	sadd.s32 @!p0 $0x1200, s21;
	s22 =	simm.s32 @!p0 $0x8E00  }
0x84: {  	[tilespmem:s22], [sflag:$0x7] =	stream.indirect.gather @!p0 [hbm4b:s4+s24], $0x10, s21, s24, $0xb8;
	[tilespmem:$0x9E00] =	vst v63  }
0x85: {  	_ =	swait.ge [sflag:s8], $0x1800  }
0x86: {  	[sflag:s8] =	ssyncset.done $0x0  }
0x87: {  	[sflag:s8] =	ssyncadd.s32 $0xFFFFE800  }
0x88: {  	_ =	swait.ge [sflag:s18], $0x800  }
.Ltmp2:
0x89: {  	[sflag:s18] =	ssyncset.done $0x0;
	(pc) =	sbr.rel @p0 .LBB2_4-.Ltmp2, $4  }
0x8a: {  	s24 =	sadd.s32 s17, s10;
	[sflag:s18] =	ssyncadd.s32 $0xFFFFF800  }
0x8b: {  	[hbm4b:s24+s28] =	stream.strided.scatter [tilespmem:s31], [sflag:$0xC], $0x1800, s19, s28, $0x38;
	[tilespmem:$0x9E00] =	vst v63  }
0x8c: {  	s26 =	sadd.s32 s17, s9  }
0x8d: {  	[hbm4b:s26+s30] =	stream.strided.scatter [tilespmem:s0], [sflag:$0x10], $0x800, s19, s30, $0x38;
	[tilespmem:$0x9E00] =	vst v63  }
0x8e: {  	_ =	swait.ge [sflag:s2], $0x1800  }
0x8f: {  	[sflag:s2] =	ssyncset.done $0x0  }
0x90: {  	[sflag:s2] =	ssyncadd.s32 $0xFFFFE800  }
0x91: {  	_ =	swait.ge [sflag:s30], $0x800  }
.Ltmp3:
0x92: {  	s21 =	sshra.s32 s20, $0x2;
	[sflag:s30] =	ssyncset.done $0x0;
	(pc) =	sbr.rel .LBB2_2-.Ltmp3, $4  }
0x93: {  	s22 =	sadd.s32 $0x380, s21;
	[sflag:s30] =	ssyncadd.s32 $0xFFFFF800  }
0x94: {  	[tilespmem:s31], [sflag:$0x4] =	stream.indirect.gather [hbm4b:s3+s19], $0x30, s22, s19, $0xb8;
	[tilespmem:$0x9E00] =	vst v63  }
0x95: {  	s20 =	sadd.s32 $0x800, s20;
	s17 =	sadd.s32 $0x2000, s17;
	s21 =	sadd.s32 $0x1280, s21  }
0x96: {  	[tilespmem:s0], [sflag:$0x8] =	stream.indirect.gather [hbm4b:s4+s19], $0x10, s21, s19, $0xb8;
	[tilespmem:$0x9E00] =	vst v63  }
.LBB2_5:
0x97: {  	_ =	sfence.sel $0x180000  }
0x98: {  	[bflag:$0x0] =	sbarrier.arrive $0xFFFF  }
0x99: {  	_ =	strace $0x90000047  }
0x9a: {  	s0 =	stileid.u32;
	[bflag:$0x2] =	sbarrier.arrive $0xFFFF  }
0x9b: {  	p0 =	sne.s32 s0, $0x0;
	s0 =	rddreg [dreg:$0x2]  }
0x9c: {  	s0 =	sadd.s32 @!p0 $0x100000, s0  }
0x9d: {  	[sflag:s0] =	ssyncadd.tile.s32 @!p0 $0x1;
	_ =	shalt  }
.Lfunc_end2:
_tile_overlayer_lowered:
.L_overlay_start_2:
0x9e: {  	(tag) =	ssettag $0x2  }
0x9f: {  	s0 =	rddreg [dreg:$0x0];
	s2 =	stileid.u32  }
0xa0: {  	s1 =	rddreg [dreg:$0x1];
	p0 =	sne.s32 s2, $0x0  }
0xa1: {  	s3 =	rddreg [dreg:$0x2];
	[bflag:$0x3] =	sbarrier.arrive $0xFFFF;
	s2 =	simm.s32 @!p0 $0x1C11  }
0xa2: {  	[timem:s3], [sflag:s2] =	dma.local @!p0 [hbm:s0], s1  }
0xa3: {  	s0 =	simm.s32 @!p0 $0x11  }
0xa4: {  	_ =	swait.ge @!p0 [sflag:s0], s1  }
0xa5: {  	s1 =	ssub.s32 @!p0 $0x0, s1;
	[sflag:s0] =	ssyncset.done @!p0 $0x0  }
0xa6: {  	[sflag:s0] =	ssyncadd.s32 @!p0 s1  }
0xa7: {  	[bflag:$0x3] =	sbarrier.arrive $0xFFFF  }
0xa8: {  	_ =	shalt  }

// kernel: kernel.15.cloned.1.call-start
scs
__scs_entry_jumppad:
0x0: {  	(pc) =	sbr.rel $0x88, $3  }
0x1: {  	(tag) =	ssettag $0x0;
	lr =	simm.s32 $0x1  }
0x2: {  	[smem:$0x3F99] =	sst lr;
	_ =	strace $0xD0000000  }
0x3: {  	_ = 	snop  }
0x4: {  	_ = 	snop  }
0x5: {  	_ = 	snop  }
0x6: {  	_ = 	snop  }
0x7: {  	_ = 	snop  }
__scs_overlays_trampoline_lowered:
0x8: {  	[smem:$0x3FA8] =	sst s0  }
0x9: {  	[smem:$0x3FA9] =	sst s1  }
0xa: {  	[smem:$0x3FAA] =	sst s2  }
0xb: {  	[smem:$0x3FAB] =	sst s3  }
0xc: {  	[smem:$0x3FAC] =	sst s4  }
0xd: {  	[smem:$0x3FAD] =	sst s5  }
0xe: {  	[smem:$0x3FAE] =	sst s6  }
0xf: {  	[smem:$0x3FAF] =	sst s7  }
0x10: {  	[smem:$0x3FB0] =	sst s8  }
0x11: {  	[smem:$0x3FB1] =	sst s9;
	s0 =	simm.s32 @!p0 $0x0  }
0x12: {  	s1 =	sld [smem:$0x3F97];
	s0 =	simm.s32 @p0 $0x1  }
0x13: {  	[smem:$0x3FB2] =	sst s0;
	s0 =	simm.s32 @!p1 $0x0  }
0x14: {  	s2 =	sld [smem:$0x3F96];
	s0 =	simm.s32 @p1 $0x1  }
0x15: {  	[smem:$0x3FB3] =	sst s0;
	s0 =	simm.s32 @!p2 $0x0  }
0x16: {  	s3 =	sld [smem:$0x3FDB];
	s0 =	simm.s32 @p2 $0x1  }
0x17: {  	s4 =	simm.s32 $0x1BF5;
	[smem:$0x3FB5] =	sst s0  }
0x18: {  	s0 =	sld [smem:$0x3F98];
	_ =	swait.ge [sflag:s4], $0x0  }
0x19: {  	s7 =	sld [smem:$0x3F99]  }
0x1a: {  	s8 =	sadd.s32 $0xFFFFE003, lr  }
0x1b: {  	s9 =	sadd.s32 $0xFFFFFEF7, lr;
	s5 =	simm.s32 $0xFFFFFFFF;
	p2 =	slt.u32 s8, $0xFFFFF086  }
0x1c: {  	p1 =	slt.u32 s9, $0xF7A;
	s5 =	simm.s32 @!p2 $0x0  }
0x1d: {  	s5 =	simm.s32 @p1 $0x1;
	p0 =	seq.s32 s7, s2  }
0x1e: {  	s7 =	smul.u32 @!p0 $0xF7A, s2;
	p2 =	seq.s32 @!p0 s5, $0x0  }
0x1f: {  	s9 =	smul.u32 $0xF7A, s1;
	s8 =	simm.s32 @!p0 $0x1BF5;
	p2 =	por !p2, p0  }
0x20: {  	[sflag:s8] =	ssyncset.s32 @!p0 $0xFFFFF086;
	s6 =	sadd.s32 @!p0 s3, s7;
	s7 =	simm.s32 @!p0 $0x108  }
0x21: {  	s3 =	sadd.s32 s3, s9;
	s6 =	sadd.s32 @!p0 $0x88, s6;
	s7 =	simm.s32 @p2 $0x1082  }
0x22: {  	[simem:s7], [sflag:s8] =	dma.local @!p0 [hbm:s6], $0xF7A  }
0x23: {  	s9 =	sor.u32 $0xD0000000, s2;
	s6 =	simm.s32 $0x108;
	_ =	swait.ge @!p0 [sflag:s8], $0x0  }
0x24: {  	s3 =	sadd.s32 $0x88, s3;
	s6 =	simm.s32 @!p1 $0x1082;
	[sflag:s4] =	ssyncset.s32 $0xFFFFF086  }
0x25: {  	[simem:s6], [sflag:s4] =	dma.local [hbm:s3], $0xF7A  }
0x26: {  	[smem:$0x3F99] =	sst s1;
	(tag) =	ssettag s2;
	_ =	strace s9  }
0x27: {  	s1 =	sld [smem:$0x3FA9]  }
0x28: {  	s2 =	sld [smem:$0x3FAA]  }
0x29: {  	s4 =	sld [smem:$0x3FAC]  }
0x2a: {  	p0 =	seq.s32 s5, $0x0;
	s5 =	sld [smem:$0x3FAD]  }
0x2b: {  	s6 =	sld [smem:$0x3FAE]  }
0x2c: {  	s7 =	sld [smem:$0x3FAF]  }
0x2d: {  	s3 =	simm.s32 $0x108;
	s8 =	sld [smem:$0x3FB0]  }
0x2e: {  	s3 =	simm.s32 @!p0 $0x1082;
	s9 =	sld [smem:$0x3FB1]  }
0x2f: {  	lr =	sadd.s32 s0, s3;
	s0 =	sld [smem:$0x3FA8]  }
0x30: {  	s3 =	sld [smem:$0x3FAB]  }
0x31: {  	[smem:$0x3FB4] =	sst s10  }
0x32: {  	s10 =	sld [smem:$0x3FB2];
	_ =	sdelay $0x3  }
0x33: {  	p0 =	seq.s32 s10, $0x1;
	s10 =	sld [smem:$0x3FB4];
	_ =	sdelay $0x3  }
0x34: {  	[smem:$0x3FB4] =	sst s10  }
0x35: {  	s10 =	sld [smem:$0x3FB3];
	_ =	sdelay $0x3  }
0x36: {  	p1 =	seq.s32 s10, $0x1;
	s10 =	sld [smem:$0x3FB4];
	_ =	sdelay $0x3  }
0x37: {  	[smem:$0x3FB4] =	sst s10  }
0x38: {  	s10 =	sld [smem:$0x3FB5]  }
0x39: {  	_ = 	snop;
	(pc) =	sbr.ind lr, $3  }
0x3a: {  	_ = 	snop  }
0x3b: {  	_ = 	snop  }
0x3c: {  	p2 =	seq.s32 s10, $0x1;
	s10 =	sld [smem:$0x3FB4]  }
0x3d: {  	_ =	shalt  }
0x3e: {  	_ =	shalt  }
0x3f: {  	_ =	shalt  }
0x40: {  	_ =	shalt  }
0x41: {  	_ =	shalt  }
0x42: {  	_ =	shalt  }
0x43: {  	_ =	shalt  }
0x44: {  	_ =	shalt  }
0x45: {  	_ =	shalt  }
0x46: {  	_ =	shalt  }
0x47: {  	_ =	shalt  }
0x48: {  	_ =	shalt  }
0x49: {  	_ =	shalt  }
0x4a: {  	_ =	shalt  }
0x4b: {  	_ =	shalt  }
0x4c: {  	_ =	shalt  }
0x4d: {  	_ =	shalt  }
0x4e: {  	_ =	shalt  }
0x4f: {  	_ =	shalt  }
0x50: {  	_ =	shalt  }
0x51: {  	_ =	shalt  }
0x52: {  	_ =	shalt  }
0x53: {  	_ =	shalt  }
0x54: {  	_ =	shalt  }
0x55: {  	_ =	shalt  }
0x56: {  	_ =	shalt  }
0x57: {  	_ =	shalt  }
0x58: {  	_ =	shalt  }
0x59: {  	_ =	shalt  }
0x5a: {  	_ =	shalt  }
0x5b: {  	_ =	shalt  }
0x5c: {  	_ =	shalt  }
0x5d: {  	_ =	shalt  }
0x5e: {  	_ =	shalt  }
0x5f: {  	_ =	shalt  }
0x60: {  	_ =	shalt  }
0x61: {  	_ =	shalt  }
0x62: {  	_ =	shalt  }
0x63: {  	_ =	shalt  }
0x64: {  	_ =	shalt  }
0x65: {  	_ =	shalt  }
0x66: {  	_ =	shalt  }
0x67: {  	_ =	shalt  }
0x68: {  	_ =	shalt  }
0x69: {  	_ =	shalt  }
0x6a: {  	_ =	shalt  }
0x6b: {  	_ =	shalt  }
0x6c: {  	_ =	shalt  }
0x6d: {  	_ =	shalt  }
0x6e: {  	_ =	shalt  }
0x6f: {  	_ =	shalt  }
0x70: {  	_ =	shalt  }
0x71: {  	_ =	shalt  }
0x72: {  	_ =	shalt  }
0x73: {  	_ =	shalt  }
0x74: {  	_ =	shalt  }
0x75: {  	_ =	shalt  }
0x76: {  	_ =	shalt  }
0x77: {  	_ =	shalt  }
0x78: {  	_ =	shalt  }
0x79: {  	_ =	shalt  }
0x7a: {  	_ =	shalt  }
0x7b: {  	_ =	shalt  }
0x7c: {  	_ =	shalt  }
0x7d: {  	_ =	shalt  }
0x7e: {  	_ =	shalt  }
0x7f: {  	_ =	shalt  }
0x80: {  	_ =	shalt  }
0x81: {  	_ =	shalt  }
0x82: {  	_ =	shalt  }
0x83: {  	_ =	shalt  }
0x84: {  	_ =	shalt  }
0x85: {  	_ =	shalt  }
0x86: {  	_ =	shalt  }
0x87: {  	_ =	shalt  }
.Lfunc_end0:
.L_simem_size_0:
called_computation.2_lowered:
.L_overlay_start_0:
0x88: {  	s2 =	sld [smem:$0x3FD9]  }
0x89: {  	s3 =	sld [smem:$0x3FFE];
	_ =	sdelay $0x1  }
0x8a: {  	s1 =	srdreg.scid  }
0x8b: {  	s0 =	sand.u32 $0x1, s1  }
0x8c: {  	s17 =	sshll.u32 s0, $0xA;
	s2 =	sadd.s32 s3, s2  }
0x8d: {  	s2 =	sadd.s32 s2, s17  }
0x8e: {  	[smem:$0x3FC0] =	sst s2  }
0x8f: {  	_ = 	snop  }
0x90: {  	(tm) =	ssettm $0x1  }
0x91: {  	s18 =	sld [smem:$0x3FFB];
	_ =	sdelay $0x3  }
0x92: {  	_ =	strace s18  }
0x93: {  	s2 =	sld [smem:$0x3FFC];
	_ =	sdelay $0x3  }
0x94: {  	_ =	strace s2  }
0x95: {  	s2 =	sld [smem:$0x3FFD];
	_ =	sdelay $0x3  }
0x96: {  	_ =	strace s2  }
0x97: {  	_ =	strace $0x8FFFFFFF  }
0x98: {  	s19 =	sld [smem:$0x3FDB];
	_ =	sdelay $0x1  }
0x99: {  	s20 =	simm.s32 $_scs_section_size  }
0x9a: {  	s4 =	simm.s32 $_size__tile_overlayer_lowered;
	s5 =	simm.s32 $_tile_overlayer_lowered  }
0x9b: {  	s6 =	simm.s32 $0x1BFF;
	s21 =	sshll.u32 s5, $0x1;
	s3 =	sadd.s32 s20, s19  }
0x9c: {  	s22 =	simm.s32 $0x0;
	s4 =	sshll.u32 s4, $0x1;
	s5 =	sadd.s32 s21, s3  }
0x9d: {  	[timem:s22], [sflag:s6] =	dma.local [hbm:s5], s4  }
0x9e: {  	_ =	swait.ge [sflag:s6], s4  }
0x9f: {  	s4 =	ssub.s32 $0x0, s4;
	[sflag:s6] =	ssyncset.done $0x0  }
0xa0: {  	[sflag:s6] =	ssyncadd.s32 s4;
	_ =	sdelay $0x1  }
0xa1: {  	s23 =	simm.s32 $0x1B8B  }
0xa2: {  	_ =	swait.ge [sflag:s23], $0x1  }
0xa3: {  	[sflag:s23] =	ssyncset.done $0x0  }
0xa4: {  	[sflag:s23] =	ssyncadd.s32 $0xFFFFFFFF  }
0xa5: {  	s4 =	sld [smem:$0x0]  }
0xa6: {  	s5 =	sand.u32 $0xFFFFFFFE, s1  }
0xa7: {  	p0 =	sne.s32 s1, s5  }
0xa8: {  	s5 =	sshll.u32 @p0 s5, $0xE  }
0xa9: {  	s5 =	sadd.s32 @p0 $0x11B8D, s5;
	s6 =	sshll.u32 @p0 s4, $0x11  }
0xaa: {  	s5 =	sor.u32 @p0 s6, s5  }
0xab: {  	[sflag:s5] =	ssyncadd.remote.s32 @p0 $0x1;
	_ =	sdelay $0x1  }
0xac: {  	s5 =	simm.s32 @p0 $0x1B8D  }
0xad: {  	_ =	swait.eq @p0 [sflag:s5], $0x1  }
0xae: {  	[sflag:s5] =	ssyncadd.s32 @p0 $0xFFFFFFFF  }
0xaf: {  	s6 =	sshll.u32 @!p0 s1, $0xE  }
0xb0: {  	s6 =	sor.u32 @!p0 $0x4000, s6;
	s5 =	simm.s32 @!p0 $0x1B8D  }
0xb1: {  	s4 =	sshll.u32 @!p0 s4, $0x11;
	s6 =	sadd.s32 @!p0 $0x11B8D, s6;
	_ =	swait.eq @!p0 [sflag:s5], $0x1  }
0xb2: {  	s4 =	sor.u32 @!p0 s4, s6;
	[sflag:s5] =	ssyncadd.s32 @!p0 $0xFFFFFFFF  }
0xb3: {  	s25 =	simm.s32 $0x1B8E;
	s24 =	sld [smem:$0x3FFE];
	[sflag:s4] =	ssyncadd.remote.s32 @!p0 $0x1  }
0xb4: {  	s26 =	simm.s32 $execute0_lowered;
	[smem:$0x3FD2] =	sst s25  }
0xb5: {  	s5 =	sshll.u32 s26, $0x1;
	_ =	strace $0x8000004F;
	[dreg:$0x1] =	wrdreg $0xFFFFFFFF  }
0xb6: {  	s28 =	simm.s32 $_size_execute0_lowered;
	s3 =	sadd.s32 s3, s5;
	[dreg:$0x0] =	wrdreg $0x0  }
0xb7: {  	s5 =	sshll.u32 s28, $0x1;
	[dreg:$0x2] =	wrdreg s3  }
0xb8: {  	[dreg:$0x3] =	wrdreg s5  }
0xb9: {  	[dreg:$0x4] =	wrdreg $0xC0  }
0xba: {  	_ =	task [dreg:s22], $0x5FFFF  }
0xbb: {  	[dreg:$0x1] =	wrdreg $0xFFFFFFFF  }
0xbc: {  	[dreg:$0x0] =	wrdreg $0x60  }
0xbd: {  	[dreg:$0x2] =	wrdreg s24  }
0xbe: {  	[dreg:$0x3] =	wrdreg $0x6A000  }
0xbf: {  	[dreg:$0x4] =	wrdreg $0x9  }
0xc0: {  	_ =	task.clear_ibuf [dreg:s22], $0x5FFFF;
	_ =	strace $0x9000004F  }
0xc1: {  	s29 =	simm.s32 $0x9;
	_ =	strace $0x80000051  }
0xc2: {  	_ =	swait.ge [sflag:s29], $0x1  }
0xc3: {  	[sflag:s29] =	ssyncadd.s32 $0xFFFFFFFF  }
0xc4: {  	_ =	strace $0x90000051  }
0xc5: {  	_ =	sfence  }
0xc6: {  	s30 =	sld [smem:$0x0];
	_ =	sdelay $0x2  }
0xc7: {  	s31 =	sshll.u32 s1, $0xD;
	s1 =	sshrl.u32 s1, $0x2  }
0xc8: {  	s4 =	sand.u32 $0x4000, s31;
	s1 =	sadd.s32 s1, s30  }
0xc9: {  	s0 =	sor.u32 s4, s0;
	s1 =	sshll.u32 s1, $0x11  }
0xca: {  	s0 =	sor.u32 s1, s0  }
0xcb: {  	s0 =	sadd.s32 $0x8F2B, s0  }
0xcc: {  	[sflag:s0] =	ssyncadd.remote.s32 $0x1  }
0xcd: {  	_ =	sfence.sel $0xFFFF  }
0xce: {  	[dreg:$0x0] =	wrdreg $0xFFFFFFFF;
	(pc) =	sbr.abs _section_cstart, $3  }
0xcf: {  	[dreg:$0x1] =	wrdreg $0xFFFFFFFF  }
0xd0: {  	_ =	task.clear_ibuf [dreg:s22], $0x2FFFF;
	_ =	strace $0x9FFFFFFF  }
0xd1: {  	(tm) =	ssettm $0x7FFFFFFF  }
tec
execute0_lowered:
.L_overlay_start_1:
0x0: {  	(tag) =	ssettag $0x1  }
0x1: {  	s0 =	srdreg.scid;
	s3 =	rddreg [dreg:$0x0]  }
0x2: {  	s11 =	stileid.u32;
	s2 =	rddreg [dreg:$0x1];
	s4 =	simm.s32 $0x0  }
0x3: {  	s28 =	simm.s32 $0x3;
	s29 =	simm.s32 $0x4;
	s30 =	simm.s32 $0x0  }
0x4: {  	s0 =	sand.u32 $0x1, s0;
	s1 =	sshll.u32 s11, $0x1;
	s6 =	smul.u32 $0x7680, s11  }
0x5: {  	[smem:$0x7FF] =	sst s4;
	s4 =	sadd.s32 $0x3DAE00, s3;
	s12 =	smul.u32 $0xA0000, s11  }
0x6: {  	s19 =	sshll.u32 s11, $0x6;
	s1 =	sor.u32 s0, s1;
	s7 =	smul.u32 $0x76800, s0  }
0x7: {  	_ =	strace $0x80000050;
	s9 =	ssub.s32 $0x2, s0;
	s0 =	smul.u32 $0x50000, s0  }
0x8: {  	s5 =	smul.u32 $0x140, s1;
	s8 =	sshrl.u32 s6, $0x3;
	s10 =	sshrl.u32 s9, $0x1  }
0x9: {  	s1 =	smul.u32 $0xA000, s1;
	s14 =	sadd.s32 s6, s2;
	s7 =	sadd.s32 s6, s7  }
0xa: {  	s8 =	sadd.s32 s8, s3;
	s13 =	ssub.s32 s9, s10;
	s24 =	sadd.s32 s0, s12  }
0xb: {  	s5 =	sadd.s32 s5, s3;
	s7 =	sshrl.u32 s7, $0x3;
	s18 =	sadd.s32 $0x1AE00, s8  }
0xc: {  	s6 =	sadd.s32 s4, s1;
	s13 =	smax.u32 s13, $0x1;
	s0 =	sadd.s32 $0x1C000, s24  }
0xd: {  	s25 =	sadd.s32 $0x18000, s24;
	s15 =	sadd.s32 $0x14000, s24;
	s17 =	sadd.s32 $0x10000, s24  }
0xe: {  	s24 =	simm.s32 $0x3A00;
	s3 =	sadd.s32 s7, s3;
	[dreg:$0x3] =	wrdreg s18  }
0xf: {  	s7 =	sor.u32 $0x1C05, s19;
	s20 =	sadd.s32 $0x15A00, s5;
	s21 =	sadd.s32 $0x800, s6  }
0x10: {  	s22 =	sadd.s32 $0x1000, s6;
	s23 =	sadd.s32 $0x1800, s6;
	s0 =	sshrl.u32 s0, $0x3  }
0x11: {  	s26 =	sshrl.u32 s25, $0x3;
	s31 =	sshrl.u32 s15, $0x3;
	[dreg:$0x4] =	wrdreg s20  }
.Ltmp0:
0x12: {  	s18 =	sshrl.u32 s14, $0x3;
	[dreg:$0x5] =	wrdreg s21;
	(pc) =	sbr.rel .LBB2_1-.Ltmp0, $4  }
0x13: {  	s19 =	simm.s32 $0x5;
	s25 =	simm.s32 $0x5200;
	[dreg:$0x6] =	wrdreg s22  }
0x14: {  	[dreg:$0x7] =	wrdreg s23;
	s12 =	sadd.s32 $0x47600, s3;
	s3 =	sadd.s32 s0, s4  }
0x15: {  	s0 =	sadd.s32 s26, s4;
	s1 =	sadd.s32 s31, s4;
	s20 =	simm.s32 $0x30  }
0x16: {  	s21 =	simm.s32 $0x80;
	s22 =	simm.s32 $0xA00;
	s26 =	simm.s32 $0x1  }
.LBB2_4:
0x17: {  	_ =	swait.ge [sflag:s29], $0x1800  }
0x18: {  	[sflag:s29] =	ssyncset.done $0x0  }
0x19: {  	[sflag:s29] =	ssyncadd.s32 $0xFFFFE800  }
0x1a: {  	[spmem:s2] =	stream.indirect.scatter.add.f32 [tilespmem:s25], [sflag:$0x5], $0x30, s5, s21, $0xb8;
	[tilespmem:$0xE080] =	vst v63  }
0x1b: {  	_ =	swait.ge [sflag:s19], $0x1800  }
0x1c: {  	s30 =	sadd.s32 $0x1, s30;
	[sflag:s19] =	ssyncset.done $0x0  }
0x1d: {  	p0 =	sne.s32 s30, s13;
	[sflag:s19] =	ssyncadd.s32 $0xFFFFE800  }
.Ltmp1:
0x1e: {  	[bflag:$0x0] =	sbarrier.arrive $0xFFFF;
	(pc) =	sbr.rel @!p0 .LBB2_5-.Ltmp1, $4  }
0x1f: {  	[hbm:s12], [sflag:s7] =	dma.local [spmem:s18], $0xED0  }
0x20: {  	_ =	swait.ge [sflag:s19], $0xED0  }
0x21: {  	[sflag:s19] =	ssyncset.done $0x0  }
0x22: {  	[sflag:s19] =	ssyncadd.s32 $0xFFFFF130  }
.LBB2_1:
0x23: {  	s5 =	rddreg [dreg:$0x3]  }
0x24: {  	[spmem:s18], [sflag:s7] =	dma.local [hbm:s5], $0xED0  }
0x25: {  	_ =	swait.ge [sflag:s19], $0xED0  }
0x26: {  	[sflag:s19] =	ssyncset.done $0x0  }
0x27: {  	s11 =	simm.s32 $0x0;
	s8 =	rddreg [dreg:$0x4];
	[sflag:s19] =	ssyncadd.s32 $0xFFFFF130  }
0x28: {  	[tilespmem:s11], [sflag:$0x5] =	stream.linear.gather [hbm4b:s8+s11], $0xA00, $0x38;
	[tilespmem:$0xE080] =	vst v63  }
0x29: {  	_ =	swait.ge [sflag:s19], $0xA00  }
0x2a: {  	[sflag:s19] =	ssyncset.done $0x0  }
0x2b: {  	[sflag:s19] =	ssyncadd.s32 $0xFFFFF600  }
0x2c: {  	[bflag:$0x0] =	sbarrier.arrive $0xFFFF  }
0x2d: {  	[tilespmem:s22], [sflag:$0x1] =	stream.strided.gather [hbm4b:s6+s20], $0x1800, s21, s20, $0x38;
	[tilespmem:$0xE080] =	vst v63  }
0x2e: {  	s15 =	simm.s32 $0x2200;
	s14 =	rddreg [dreg:$0x5]  }
0x2f: {  	[tilespmem:s15], [sflag:$0x2] =	stream.strided.gather [hbm4b:s14+s20], $0x1800, s21, s20, $0x38;
	[tilespmem:$0xE080] =	vst v63  }
0x30: {  	s16 =	rddreg [dreg:$0x6]  }
0x31: {  	[tilespmem:s24], [sflag:$0x3] =	stream.strided.gather [hbm4b:s16+s20], $0x1800, s21, s20, $0x38;
	[tilespmem:$0xE080] =	vst v63  }
0x32: {  	s31 =	smov.u32 s17;
	s23 =	rddreg [dreg:$0x7];
	s15 =	smov.u32 s0  }
0x33: {  	[tilespmem:s25], [sflag:$0x4] =	stream.strided.gather [hbm4b:s23+s20], $0x1800, s21, s20, $0x38;
	[tilespmem:$0xE080] =	vst v63  }
0x34: {  	s14 =	smov.u32 s3;
	s16 =	smov.u32 s1;
	s23 =	simm.s32 $0x0  }
.LBB2_2:
0x35: {  	_ =	swait.ge [sflag:s26], $0x1800  }
0x36: {  	[sflag:s26] =	ssyncset.done $0x0  }
0x37: {  	s5 =	sshra.s32 s23, $0x2;
	[sflag:s26] =	ssyncadd.s32 $0xFFFFE800  }
0x38: {  	[spmem:s2] =	stream.indirect.scatter.add.f32 [tilespmem:s22], [sflag:$0x5], $0x30, s5, s21, $0xb8;
	[tilespmem:$0xE080] =	vst v63  }
0x39: {  	_ =	swait.ge [sflag:s19], $0x1800  }
0x3a: {  	p0 =	seq.s32 s23, $0x2000;
	[sflag:s19] =	ssyncset.done $0x0  }
0x3b: {  	s8 =	simm.s32 @p0 $0x2;
	[sflag:s19] =	ssyncadd.s32 $0xFFFFE800  }
0x3c: {  	_ =	swait.ge @p0 [sflag:s8], $0x1800  }
0x3d: {  	[sflag:s8] =	ssyncset.done @p0 $0x0  }
0x3e: {  	[sflag:s8] =	ssyncadd.s32 @p0 $0xFFFFE800;
	s8 =	sshra.s32 @p0 s23, $0x2  }
0x3f: {  	s9 =	simm.s32 @p0 $0x80;
	s10 =	simm.s32 @p0 $0x2200;
	s8 =	sadd.s32 @p0 $0x80, s8  }
0x40: {  	[spmem:s2] =	stream.indirect.scatter.add.f32 @p0 [tilespmem:s10], [sflag:$0x5], $0x30, s8, s9, $0xb8;
	[tilespmem:$0xE080] =	vst v63  }
0x41: {  	s8 =	simm.s32 @p0 $0x5  }
0x42: {  	s11 =	simm.s32 @!p0 $0xA00;
	_ =	swait.ge @p0 [sflag:s8], $0x1800  }
0x43: {  	s9 =	sshrl.u32 @!p0 s31, $0x3;
	s10 =	simm.s32 @!p0 $0x80;
	[sflag:s8] =	ssyncset.done @p0 $0x0  }
0x44: {  	[sflag:s8] =	ssyncadd.s32 @p0 $0xFFFFE800;
	s8 =	sadd.s32 @!p0 s4, s9;
	s9 =	simm.s32 @!p0 $0x30  }
0x45: {  	[tilespmem:s11], [sflag:$0x1] =	stream.strided.gather @!p0 [hbm4b:s8+s9], $0x1800, s10, s9, $0x38;
	[tilespmem:$0xE080] =	vst v63  }
0x46: {  	s8 =	simm.s32 @!p0 $0x2  }
0x47: {  	_ =	swait.ge @!p0 [sflag:s8], $0x1800  }
0x48: {  	s11 =	sshra.s32 @!p0 s23, $0x2;
	[sflag:s8] =	ssyncset.done @!p0 $0x0  }
0x49: {  	[sflag:s8] =	ssyncadd.s32 @!p0 $0xFFFFE800;
	s8 =	sadd.s32 @!p0 $0x80, s11;
	s11 =	simm.s32 @!p0 $0x2200  }
0x4a: {  	[spmem:s2] =	stream.indirect.scatter.add.f32 @!p0 [tilespmem:s11], [sflag:$0x5], $0x30, s8, s10, $0xb8;
	[tilespmem:$0xE080] =	vst v63  }
0x4b: {  	s8 =	simm.s32 @!p0 $0x5  }
0x4c: {  	_ =	swait.ge @!p0 [sflag:s8], $0x1800  }
0x4d: {  	[sflag:s8] =	ssyncset.done @!p0 $0x0  }
0x4e: {  	[sflag:s8] =	ssyncadd.s32 @!p0 $0xFFFFE800  }
0x4f: {  	[tilespmem:s11], [sflag:$0x2] =	stream.strided.gather @!p0 [hbm4b:s16+s9], $0x1800, s10, s9, $0x38;
	[tilespmem:$0xE080] =	vst v63  }
0x50: {  	_ =	swait.ge [sflag:s28], $0x1800  }
0x51: {  	[sflag:s28] =	ssyncset.done $0x0  }
.Ltmp2:
0x52: {  	s11 =	sadd.s32 $0x100, s5;
	[sflag:s28] =	ssyncadd.s32 $0xFFFFE800;
	(pc) =	sbr.rel @p0 .LBB2_4-.Ltmp2, $4  }
0x53: {  	[spmem:s2] =	stream.indirect.scatter.add.f32 [tilespmem:s24], [sflag:$0x5], $0x30, s11, s21, $0xb8;
	[tilespmem:$0xE080] =	vst v63  }
0x54: {  	_ =	swait.ge [sflag:s19], $0x1800  }
0x55: {  	[sflag:s19] =	ssyncset.done $0x0  }
0x56: {  	s5 =	sadd.s32 $0x180, s5;
	[sflag:s19] =	ssyncadd.s32 $0xFFFFE800  }
0x57: {  	[tilespmem:s24], [sflag:$0x3] =	stream.strided.gather [hbm4b:s15+s20], $0x1800, s21, s20, $0x38;
	[tilespmem:$0xE080] =	vst v63  }
0x58: {  	_ =	swait.ge [sflag:s29], $0x1800  }
0x59: {  	[sflag:s29] =	ssyncset.done $0x0  }
0x5a: {  	[sflag:s29] =	ssyncadd.s32 $0xFFFFE800  }
0x5b: {  	[spmem:s2] =	stream.indirect.scatter.add.f32 [tilespmem:s25], [sflag:$0x5], $0x30, s5, s21, $0xb8;
	[tilespmem:$0xE080] =	vst v63  }
.Ltmp3:
0x5c: {  	_ =	swait.ge [sflag:s19], $0x1800;
	(pc) =	sbr.rel .LBB2_2-.Ltmp3, $4  }
0x5d: {  	[sflag:s19] =	ssyncset.done $0x0  }
0x5e: {  	s23 =	sadd.s32 $0x800, s23;
	s15 =	sadd.s32 $0x2000, s15;
	[sflag:s19] =	ssyncadd.s32 $0xFFFFE800  }
0x5f: {  	[tilespmem:s25], [sflag:$0x4] =	stream.strided.gather [hbm4b:s14+s20], $0x1800, s21, s20, $0x38;
	[tilespmem:$0xE080] =	vst v63  }
0x60: {  	s16 =	sadd.s32 $0x2000, s16;
	s31 =	sadd.s32 $0x10000, s31;
	s14 =	sadd.s32 $0x2000, s14  }
.LBB2_5:
0x61: {  	_ =	sfence.sel $0x180000  }
0x62: {  	[bflag:$0x0] =	sbarrier.arrive $0xFFFF  }
0x63: {  	_ =	strace $0x90000050  }
0x64: {  	s0 =	stileid.u32;
	[bflag:$0x2] =	sbarrier.arrive $0xFFFF  }
0x65: {  	p0 =	sne.s32 s0, $0x0;
	s0 =	rddreg [dreg:$0x2]  }
0x66: {  	s0 =	sadd.s32 @!p0 $0x100000, s0  }
0x67: {  	[sflag:s0] =	ssyncadd.tile.s32 @!p0 $0x1;
	_ =	shalt  }
.Lfunc_end2:
_tile_overlayer_lowered:
.L_overlay_start_2:
0x68: {  	(tag) =	ssettag $0x2  }
0x69: {  	s0 =	rddreg [dreg:$0x0];
	s2 =	stileid.u32  }
0x6a: {  	s1 =	rddreg [dreg:$0x1];
	p0 =	sne.s32 s2, $0x0  }
0x6b: {  	s3 =	rddreg [dreg:$0x2];
	[bflag:$0x3] =	sbarrier.arrive $0xFFFF;
	s2 =	simm.s32 @!p0 $0x1C05  }
0x6c: {  	[timem:s3], [sflag:s2] =	dma.local @!p0 [hbm:s0], s1  }
0x6d: {  	s0 =	simm.s32 @!p0 $0x5  }
0x6e: {  	_ =	swait.ge @!p0 [sflag:s0], s1  }
0x6f: {  	s1 =	ssub.s32 @!p0 $0x0, s1;
	[sflag:s0] =	ssyncset.done @!p0 $0x0  }
0x70: {  	[sflag:s0] =	ssyncadd.s32 @!p0 s1  }
0x71: {  	[bflag:$0x3] =	sbarrier.arrive $0xFFFF  }
0x72: {  	_ =	shalt  }

// kernel: kernel.18.cloned.1.call-start
scs
__scs_entry_jumppad:
0x0: {  	(pc) =	sbr.rel $0x88, $3  }
0x1: {  	(tag) =	ssettag $0x0;
	lr =	simm.s32 $0x1  }
0x2: {  	[smem:$0x3F99] =	sst lr;
	_ =	strace $0xD0000000  }
0x3: {  	_ = 	snop  }
0x4: {  	_ = 	snop  }
0x5: {  	_ = 	snop  }
0x6: {  	_ = 	snop  }
0x7: {  	_ = 	snop  }
__scs_overlays_trampoline_lowered:
0x8: {  	[smem:$0x3FA8] =	sst s0  }
0x9: {  	[smem:$0x3FA9] =	sst s1  }
0xa: {  	[smem:$0x3FAA] =	sst s2  }
0xb: {  	[smem:$0x3FAB] =	sst s3  }
0xc: {  	[smem:$0x3FAC] =	sst s4  }
0xd: {  	[smem:$0x3FAD] =	sst s5  }
0xe: {  	[smem:$0x3FAE] =	sst s6  }
0xf: {  	[smem:$0x3FAF] =	sst s7  }
0x10: {  	[smem:$0x3FB0] =	sst s8  }
0x11: {  	[smem:$0x3FB1] =	sst s9;
	s0 =	simm.s32 @!p0 $0x0  }
0x12: {  	s1 =	sld [smem:$0x3F97];
	s0 =	simm.s32 @p0 $0x1  }
0x13: {  	[smem:$0x3FB2] =	sst s0;
	s0 =	simm.s32 @!p1 $0x0  }
0x14: {  	s2 =	sld [smem:$0x3F96];
	s0 =	simm.s32 @p1 $0x1  }
0x15: {  	[smem:$0x3FB3] =	sst s0;
	s0 =	simm.s32 @!p2 $0x0  }
0x16: {  	s3 =	sld [smem:$0x3FDB];
	s0 =	simm.s32 @p2 $0x1  }
0x17: {  	s4 =	simm.s32 $0x1BF5;
	[smem:$0x3FB5] =	sst s0  }
0x18: {  	s0 =	sld [smem:$0x3F98];
	_ =	swait.ge [sflag:s4], $0x0  }
0x19: {  	s7 =	sld [smem:$0x3F99]  }
0x1a: {  	s8 =	sadd.s32 $0xFFFFE003, lr  }
0x1b: {  	s9 =	sadd.s32 $0xFFFFFEF7, lr;
	s5 =	simm.s32 $0xFFFFFFFF;
	p2 =	slt.u32 s8, $0xFFFFF086  }
0x1c: {  	p1 =	slt.u32 s9, $0xF7A;
	s5 =	simm.s32 @!p2 $0x0  }
0x1d: {  	s5 =	simm.s32 @p1 $0x1;
	p0 =	seq.s32 s7, s2  }
0x1e: {  	s7 =	smul.u32 @!p0 $0xF7A, s2;
	p2 =	seq.s32 @!p0 s5, $0x0  }
0x1f: {  	s9 =	smul.u32 $0xF7A, s1;
	s8 =	simm.s32 @!p0 $0x1BF5;
	p2 =	por !p2, p0  }
0x20: {  	[sflag:s8] =	ssyncset.s32 @!p0 $0xFFFFF086;
	s6 =	sadd.s32 @!p0 s3, s7;
	s7 =	simm.s32 @!p0 $0x108  }
0x21: {  	s3 =	sadd.s32 s3, s9;
	s6 =	sadd.s32 @!p0 $0x88, s6;
	s7 =	simm.s32 @p2 $0x1082  }
0x22: {  	[simem:s7], [sflag:s8] =	dma.local @!p0 [hbm:s6], $0xF7A  }
0x23: {  	s9 =	sor.u32 $0xD0000000, s2;
	s6 =	simm.s32 $0x108;
	_ =	swait.ge @!p0 [sflag:s8], $0x0  }
0x24: {  	s3 =	sadd.s32 $0x88, s3;
	s6 =	simm.s32 @!p1 $0x1082;
	[sflag:s4] =	ssyncset.s32 $0xFFFFF086  }
0x25: {  	[simem:s6], [sflag:s4] =	dma.local [hbm:s3], $0xF7A  }
0x26: {  	[smem:$0x3F99] =	sst s1;
	(tag) =	ssettag s2;
	_ =	strace s9  }
0x27: {  	s1 =	sld [smem:$0x3FA9]  }
0x28: {  	s2 =	sld [smem:$0x3FAA]  }
0x29: {  	s4 =	sld [smem:$0x3FAC]  }
0x2a: {  	p0 =	seq.s32 s5, $0x0;
	s5 =	sld [smem:$0x3FAD]  }
0x2b: {  	s6 =	sld [smem:$0x3FAE]  }
0x2c: {  	s7 =	sld [smem:$0x3FAF]  }
0x2d: {  	s3 =	simm.s32 $0x108;
	s8 =	sld [smem:$0x3FB0]  }
0x2e: {  	s3 =	simm.s32 @!p0 $0x1082;
	s9 =	sld [smem:$0x3FB1]  }
0x2f: {  	lr =	sadd.s32 s0, s3;
	s0 =	sld [smem:$0x3FA8]  }
0x30: {  	s3 =	sld [smem:$0x3FAB]  }
0x31: {  	[smem:$0x3FB4] =	sst s10  }
0x32: {  	s10 =	sld [smem:$0x3FB2];
	_ =	sdelay $0x3  }
0x33: {  	p0 =	seq.s32 s10, $0x1;
	s10 =	sld [smem:$0x3FB4];
	_ =	sdelay $0x3  }
0x34: {  	[smem:$0x3FB4] =	sst s10  }
0x35: {  	s10 =	sld [smem:$0x3FB3];
	_ =	sdelay $0x3  }
0x36: {  	p1 =	seq.s32 s10, $0x1;
	s10 =	sld [smem:$0x3FB4];
	_ =	sdelay $0x3  }
0x37: {  	[smem:$0x3FB4] =	sst s10  }
0x38: {  	s10 =	sld [smem:$0x3FB5]  }
0x39: {  	_ = 	snop;
	(pc) =	sbr.ind lr, $3  }
0x3a: {  	_ = 	snop  }
0x3b: {  	_ = 	snop  }
0x3c: {  	p2 =	seq.s32 s10, $0x1;
	s10 =	sld [smem:$0x3FB4]  }
0x3d: {  	_ =	shalt  }
0x3e: {  	_ =	shalt  }
0x3f: {  	_ =	shalt  }
0x40: {  	_ =	shalt  }
0x41: {  	_ =	shalt  }
0x42: {  	_ =	shalt  }
0x43: {  	_ =	shalt  }
0x44: {  	_ =	shalt  }
0x45: {  	_ =	shalt  }
0x46: {  	_ =	shalt  }
0x47: {  	_ =	shalt  }
0x48: {  	_ =	shalt  }
0x49: {  	_ =	shalt  }
0x4a: {  	_ =	shalt  }
0x4b: {  	_ =	shalt  }
0x4c: {  	_ =	shalt  }
0x4d: {  	_ =	shalt  }
0x4e: {  	_ =	shalt  }
0x4f: {  	_ =	shalt  }
0x50: {  	_ =	shalt  }
0x51: {  	_ =	shalt  }
0x52: {  	_ =	shalt  }
0x53: {  	_ =	shalt  }
0x54: {  	_ =	shalt  }
0x55: {  	_ =	shalt  }
0x56: {  	_ =	shalt  }
0x57: {  	_ =	shalt  }
0x58: {  	_ =	shalt  }
0x59: {  	_ =	shalt  }
0x5a: {  	_ =	shalt  }
0x5b: {  	_ =	shalt  }
0x5c: {  	_ =	shalt  }
0x5d: {  	_ =	shalt  }
0x5e: {  	_ =	shalt  }
0x5f: {  	_ =	shalt  }
0x60: {  	_ =	shalt  }
0x61: {  	_ =	shalt  }
0x62: {  	_ =	shalt  }
0x63: {  	_ =	shalt  }
0x64: {  	_ =	shalt  }
0x65: {  	_ =	shalt  }
0x66: {  	_ =	shalt  }
0x67: {  	_ =	shalt  }
0x68: {  	_ =	shalt  }
0x69: {  	_ =	shalt  }
0x6a: {  	_ =	shalt  }
0x6b: {  	_ =	shalt  }
0x6c: {  	_ =	shalt  }
0x6d: {  	_ =	shalt  }
0x6e: {  	_ =	shalt  }
0x6f: {  	_ =	shalt  }
0x70: {  	_ =	shalt  }
0x71: {  	_ =	shalt  }
0x72: {  	_ =	shalt  }
0x73: {  	_ =	shalt  }
0x74: {  	_ =	shalt  }
0x75: {  	_ =	shalt  }
0x76: {  	_ =	shalt  }
0x77: {  	_ =	shalt  }
0x78: {  	_ =	shalt  }
0x79: {  	_ =	shalt  }
0x7a: {  	_ =	shalt  }
0x7b: {  	_ =	shalt  }
0x7c: {  	_ =	shalt  }
0x7d: {  	_ =	shalt  }
0x7e: {  	_ =	shalt  }
0x7f: {  	_ =	shalt  }
0x80: {  	_ =	shalt  }
0x81: {  	_ =	shalt  }
0x82: {  	_ =	shalt  }
0x83: {  	_ =	shalt  }
0x84: {  	_ =	shalt  }
0x85: {  	_ =	shalt  }
0x86: {  	_ =	shalt  }
0x87: {  	_ =	shalt  }
.Lfunc_end0:
.L_simem_size_0:
called_computation.3_lowered:
.L_overlay_start_0:
0x88: {  	s2 =	sld [smem:$0x3FD9]  }
0x89: {  	s3 =	sld [smem:$0x3FFE];
	_ =	sdelay $0x1  }
0x8a: {  	s1 =	srdreg.scid  }
0x8b: {  	s0 =	sand.u32 $0x1, s1  }
0x8c: {  	s17 =	sshll.u32 s0, $0xA;
	s2 =	sadd.s32 s3, s2  }
0x8d: {  	s2 =	sadd.s32 s2, s17  }
0x8e: {  	[smem:$0x3FC0] =	sst s2  }
0x8f: {  	_ = 	snop  }
0x90: {  	(tm) =	ssettm $0x1  }
0x91: {  	s18 =	sld [smem:$0x3FFB];
	_ =	sdelay $0x3  }
0x92: {  	_ =	strace s18  }
0x93: {  	s2 =	sld [smem:$0x3FFC];
	_ =	sdelay $0x3  }
0x94: {  	_ =	strace s2  }
0x95: {  	s2 =	sld [smem:$0x3FFD];
	_ =	sdelay $0x3  }
0x96: {  	_ =	strace s2  }
0x97: {  	_ =	strace $0x8FFFFFFF  }
0x98: {  	s19 =	sld [smem:$0x3FDB];
	_ =	sdelay $0x1  }
0x99: {  	s20 =	simm.s32 $_scs_section_size  }
0x9a: {  	s4 =	simm.s32 $_size__tile_overlayer_lowered;
	s5 =	simm.s32 $_tile_overlayer_lowered  }
0x9b: {  	s6 =	simm.s32 $0x1BFF;
	s21 =	sshll.u32 s5, $0x1;
	s3 =	sadd.s32 s20, s19  }
0x9c: {  	s22 =	simm.s32 $0x0;
	s4 =	sshll.u32 s4, $0x1;
	s5 =	sadd.s32 s21, s3  }
0x9d: {  	[timem:s22], [sflag:s6] =	dma.local [hbm:s5], s4  }
0x9e: {  	_ =	swait.ge [sflag:s6], s4  }
0x9f: {  	s4 =	ssub.s32 $0x0, s4;
	[sflag:s6] =	ssyncset.done $0x0  }
0xa0: {  	[sflag:s6] =	ssyncadd.s32 s4;
	_ =	sdelay $0x1  }
0xa1: {  	s23 =	simm.s32 $0x1B8B  }
0xa2: {  	_ =	swait.ge [sflag:s23], $0x1  }
0xa3: {  	[sflag:s23] =	ssyncset.done $0x0  }
0xa4: {  	[sflag:s23] =	ssyncadd.s32 $0xFFFFFFFF  }
0xa5: {  	s4 =	sld [smem:$0x0]  }
0xa6: {  	s5 =	sand.u32 $0xFFFFFFFE, s1  }
0xa7: {  	p0 =	sne.s32 s1, s5  }
0xa8: {  	s5 =	sshll.u32 @p0 s5, $0xE  }
0xa9: {  	s5 =	sadd.s32 @p0 $0x11B8D, s5;
	s6 =	sshll.u32 @p0 s4, $0x11  }
0xaa: {  	s5 =	sor.u32 @p0 s6, s5  }
0xab: {  	[sflag:s5] =	ssyncadd.remote.s32 @p0 $0x1;
	_ =	sdelay $0x1  }
0xac: {  	s5 =	simm.s32 @p0 $0x1B8D  }
0xad: {  	_ =	swait.eq @p0 [sflag:s5], $0x1  }
0xae: {  	[sflag:s5] =	ssyncadd.s32 @p0 $0xFFFFFFFF  }
0xaf: {  	s6 =	sshll.u32 @!p0 s1, $0xE  }
0xb0: {  	s6 =	sor.u32 @!p0 $0x4000, s6;
	s5 =	simm.s32 @!p0 $0x1B8D  }
0xb1: {  	s4 =	sshll.u32 @!p0 s4, $0x11;
	s6 =	sadd.s32 @!p0 $0x11B8D, s6;
	_ =	swait.eq @!p0 [sflag:s5], $0x1  }
0xb2: {  	s4 =	sor.u32 @!p0 s4, s6;
	[sflag:s5] =	ssyncadd.s32 @!p0 $0xFFFFFFFF  }
0xb3: {  	s25 =	simm.s32 $0x1B8E;
	s24 =	sld [smem:$0x3FFE];
	[sflag:s4] =	ssyncadd.remote.s32 @!p0 $0x1  }
0xb4: {  	s26 =	simm.s32 $execute0_lowered;
	[smem:$0x3FD2] =	sst s25  }
0xb5: {  	s5 =	sshll.u32 s26, $0x1;
	_ =	strace $0x8000004C;
	[dreg:$0x1] =	wrdreg $0xFFFFFFFF  }
0xb6: {  	s28 =	simm.s32 $_size_execute0_lowered;
	s3 =	sadd.s32 s3, s5;
	[dreg:$0x0] =	wrdreg $0x0  }
0xb7: {  	s5 =	sshll.u32 s28, $0x1;
	[dreg:$0x2] =	wrdreg s3  }
0xb8: {  	[dreg:$0x3] =	wrdreg s5  }
0xb9: {  	[dreg:$0x4] =	wrdreg $0xC0  }
0xba: {  	_ =	task [dreg:s22], $0x5FFFF  }
0xbb: {  	[dreg:$0x1] =	wrdreg $0xFFFFFFFF  }
0xbc: {  	[dreg:$0x0] =	wrdreg $0x60  }
0xbd: {  	[dreg:$0x2] =	wrdreg s24  }
0xbe: {  	[dreg:$0x3] =	wrdreg $0x6A000  }
0xbf: {  	[dreg:$0x4] =	wrdreg $0xA  }
0xc0: {  	_ =	task.clear_ibuf [dreg:s22], $0x5FFFF;
	_ =	strace $0x9000004C  }
0xc1: {  	s29 =	simm.s32 $0xA;
	_ =	strace $0x8000004E  }
0xc2: {  	_ =	swait.ge [sflag:s29], $0x1  }
0xc3: {  	[sflag:s29] =	ssyncadd.s32 $0xFFFFFFFF  }
0xc4: {  	_ =	strace $0x9000004E  }
0xc5: {  	_ =	sfence  }
0xc6: {  	s30 =	sld [smem:$0x0];
	_ =	sdelay $0x2  }
0xc7: {  	s31 =	sshll.u32 s1, $0xD;
	s1 =	sshrl.u32 s1, $0x2  }
0xc8: {  	s4 =	sand.u32 $0x4000, s31;
	s1 =	sadd.s32 s1, s30  }
0xc9: {  	s0 =	sor.u32 s4, s0;
	s1 =	sshll.u32 s1, $0x11  }
0xca: {  	s0 =	sor.u32 s1, s0  }
0xcb: {  	s0 =	sadd.s32 $0x8F2B, s0  }
0xcc: {  	[sflag:s0] =	ssyncadd.remote.s32 $0x1  }
0xcd: {  	_ =	sfence.sel $0xFFFF  }
0xce: {  	[dreg:$0x0] =	wrdreg $0xFFFFFFFF;
	(pc) =	sbr.abs _section_cstart, $3  }
0xcf: {  	[dreg:$0x1] =	wrdreg $0xFFFFFFFF  }
0xd0: {  	_ =	task.clear_ibuf [dreg:s22], $0x2FFFF;
	_ =	strace $0x9FFFFFFF  }
0xd1: {  	(tm) =	ssettm $0x7FFFFFFF  }
tec
execute0_lowered:
.L_overlay_start_1:
0x0: {  	(tag) =	ssettag $0x1  }
0x1: {  	s0 =	rddreg [dreg:$0x0]  }
0x2: {  	s2 =	rddreg [dreg:$0x1];
	s10 =	stileid.u32  }
0x3: {  	s3 =	srdreg.scid;
	s4 =	simm.s32 $0x0;
	s28 =	simm.s32 $0x3  }
0x4: {  	s29 =	simm.s32 $0x4;
	s30 =	simm.s32 $0x0;
	s1 =	smul.u32 $0x7680, s10  }
0x5: {  	s3 =	sand.u32 $0x1, s3;
	[smem:$0x7FF] =	sst s4;
	s4 =	sadd.s32 $0x29AE00, s0  }
0x6: {  	s8 =	sshll.u32 s10, $0x1;
	s19 =	sshll.u32 s10, $0x6;
	s15 =	smul.u32 $0xA0000, s10  }
0x7: {  	s6 =	smul.u32 $0x76800, s3;
	_ =	strace $0x8000004D;
	s7 =	ssub.s32 $0x2, s3  }
0x8: {  	s8 =	sor.u32 s3, s8;
	s20 =	smul.u32 $0x50000, s3;
	s5 =	sshrl.u32 s1, $0x3  }
0x9: {  	s9 =	sshrl.u32 s7, $0x1;
	s16 =	smul.u32 $0xA00, s8;
	s14 =	sadd.s32 s1, s2  }
0xa: {  	s18 =	smul.u32 $0xA000, s8;
	s5 =	sadd.s32 s5, s0;
	s6 =	sadd.s32 s1, s6  }
0xb: {  	s13 =	ssub.s32 s7, s9;
	s7 =	sor.u32 $0x1C05, s19;
	s24 =	sadd.s32 s20, s15  }
0xc: {  	s19 =	simm.s32 $0x5;
	s20 =	simm.s32 $0x30;
	s6 =	sshrl.u32 s6, $0x3  }
0xd: {  	s17 =	sadd.s32 $0x1AE00, s5;
	s13 =	smax.u32 s13, $0x1;
	s25 =	sadd.s32 $0x1C000, s24  }
0xe: {  	s1 =	sadd.s32 $0x18000, s24;
	s15 =	sadd.s32 $0x14000, s24;
	s12 =	sadd.s32 s6, s0  }
0xf: {  	[dreg:$0x3] =	wrdreg s17;
	s6 =	sshrl.u32 s16, $0x3;
	s26 =	sshrl.u32 s1, $0x3  }
0x10: {  	s31 =	sshrl.u32 s15, $0x3;
	s17 =	sadd.s32 $0x10000, s24;
	s0 =	sadd.s32 s0, s6  }
0x11: {  	s24 =	simm.s32 $0x3A00;
	s6 =	sadd.s32 s4, s18;
	s0 =	sadd.s32 $0x18200, s0  }
0x12: {  	s12 =	sadd.s32 $0x29C00, s12;
	s21 =	sadd.s32 $0x800, s6;
	[dreg:$0x4] =	wrdreg s0  }
.Ltmp0:
0x13: {  	s22 =	sadd.s32 $0x1000, s6;
	[dreg:$0x5] =	wrdreg s21;
	(pc) =	sbr.rel .LBB2_1-.Ltmp0, $4  }
0x14: {  	s1 =	sadd.s32 s31, s4;
	s23 =	sadd.s32 $0x1800, s6;
	[dreg:$0x6] =	wrdreg s22  }
0x15: {  	s18 =	sshrl.u32 s14, $0x3;
	[dreg:$0x7] =	wrdreg s23;
	s0 =	sshrl.u32 s25, $0x3  }
0x16: {  	s21 =	simm.s32 $0x80;
	s22 =	simm.s32 $0xA00;
	s25 =	simm.s32 $0x5200  }
0x17: {  	s3 =	sadd.s32 s0, s4;
	s0 =	sadd.s32 s26, s4;
	s26 =	simm.s32 $0x1  }
.LBB2_4:
0x18: {  	_ =	swait.ge [sflag:s29], $0x1800  }
0x19: {  	[sflag:s29] =	ssyncset.done $0x0  }
0x1a: {  	[sflag:s29] =	ssyncadd.s32 $0xFFFFE800  }
0x1b: {  	[spmem:s2] =	stream.indirect.scatter.add.f32 [tilespmem:s25], [sflag:$0x5], $0x30, s5, s21, $0xb8;
	[tilespmem:$0xE080] =	vst v63  }
0x1c: {  	_ =	swait.ge [sflag:s19], $0x1800  }
0x1d: {  	s30 =	sadd.s32 $0x1, s30;
	[sflag:s19] =	ssyncset.done $0x0  }
0x1e: {  	p0 =	sne.s32 s30, s13;
	[sflag:s19] =	ssyncadd.s32 $0xFFFFE800  }
.Ltmp1:
0x1f: {  	[bflag:$0x0] =	sbarrier.arrive $0xFFFF;
	(pc) =	sbr.rel @!p0 .LBB2_5-.Ltmp1, $4  }
0x20: {  	[hbm:s12], [sflag:s7] =	dma.local [spmem:s18], $0xED0  }
0x21: {  	_ =	swait.ge [sflag:s19], $0xED0  }
0x22: {  	[sflag:s19] =	ssyncset.done $0x0  }
0x23: {  	[sflag:s19] =	ssyncadd.s32 $0xFFFFF130  }
.LBB2_1:
0x24: {  	s5 =	rddreg [dreg:$0x3]  }
0x25: {  	[spmem:s18], [sflag:s7] =	dma.local [hbm:s5], $0xED0  }
0x26: {  	_ =	swait.ge [sflag:s19], $0xED0  }
0x27: {  	[sflag:s19] =	ssyncset.done $0x0  }
0x28: {  	s11 =	simm.s32 $0x0;
	s8 =	rddreg [dreg:$0x4];
	[sflag:s19] =	ssyncadd.s32 $0xFFFFF130  }
0x29: {  	[tilespmem:s11], [sflag:$0x5] =	stream.linear.gather [hbm4b:s8+s11], $0xA00, $0x38;
	[tilespmem:$0xE080] =	vst v63  }
0x2a: {  	_ =	swait.ge [sflag:s19], $0xA00  }
0x2b: {  	[sflag:s19] =	ssyncset.done $0x0  }
0x2c: {  	[sflag:s19] =	ssyncadd.s32 $0xFFFFF600  }
0x2d: {  	[bflag:$0x0] =	sbarrier.arrive $0xFFFF  }
0x2e: {  	[tilespmem:s22], [sflag:$0x1] =	stream.strided.gather [hbm4b:s6+s20], $0x1800, s21, s20, $0x38;
	[tilespmem:$0xE080] =	vst v63  }
0x2f: {  	s15 =	simm.s32 $0x2200;
	s14 =	rddreg [dreg:$0x5]  }
0x30: {  	[tilespmem:s15], [sflag:$0x2] =	stream.strided.gather [hbm4b:s14+s20], $0x1800, s21, s20, $0x38;
	[tilespmem:$0xE080] =	vst v63  }
0x31: {  	s16 =	rddreg [dreg:$0x6]  }
0x32: {  	[tilespmem:s24], [sflag:$0x3] =	stream.strided.gather [hbm4b:s16+s20], $0x1800, s21, s20, $0x38;
	[tilespmem:$0xE080] =	vst v63  }
0x33: {  	s31 =	smov.u32 s17;
	s23 =	rddreg [dreg:$0x7];
	s15 =	smov.u32 s0  }
0x34: {  	[tilespmem:s25], [sflag:$0x4] =	stream.strided.gather [hbm4b:s23+s20], $0x1800, s21, s20, $0x38;
	[tilespmem:$0xE080] =	vst v63  }
0x35: {  	s14 =	smov.u32 s3;
	s16 =	smov.u32 s1;
	s23 =	simm.s32 $0x0  }
.LBB2_2:
0x36: {  	_ =	swait.ge [sflag:s26], $0x1800  }
0x37: {  	[sflag:s26] =	ssyncset.done $0x0  }
0x38: {  	s5 =	sshra.s32 s23, $0x2;
	[sflag:s26] =	ssyncadd.s32 $0xFFFFE800  }
0x39: {  	[spmem:s2] =	stream.indirect.scatter.add.f32 [tilespmem:s22], [sflag:$0x5], $0x30, s5, s21, $0xb8;
	[tilespmem:$0xE080] =	vst v63  }
0x3a: {  	_ =	swait.ge [sflag:s19], $0x1800  }
0x3b: {  	p0 =	seq.s32 s23, $0x2000;
	[sflag:s19] =	ssyncset.done $0x0  }
0x3c: {  	s8 =	simm.s32 @p0 $0x2;
	[sflag:s19] =	ssyncadd.s32 $0xFFFFE800  }
0x3d: {  	_ =	swait.ge @p0 [sflag:s8], $0x1800  }
0x3e: {  	[sflag:s8] =	ssyncset.done @p0 $0x0  }
0x3f: {  	[sflag:s8] =	ssyncadd.s32 @p0 $0xFFFFE800;
	s8 =	sshra.s32 @p0 s23, $0x2  }
0x40: {  	s9 =	simm.s32 @p0 $0x80;
	s10 =	simm.s32 @p0 $0x2200;
	s8 =	sadd.s32 @p0 $0x80, s8  }
0x41: {  	[spmem:s2] =	stream.indirect.scatter.add.f32 @p0 [tilespmem:s10], [sflag:$0x5], $0x30, s8, s9, $0xb8;
	[tilespmem:$0xE080] =	vst v63  }
0x42: {  	s8 =	simm.s32 @p0 $0x5  }
0x43: {  	s11 =	simm.s32 @!p0 $0xA00;
	_ =	swait.ge @p0 [sflag:s8], $0x1800  }
0x44: {  	s9 =	sshrl.u32 @!p0 s31, $0x3;
	s10 =	simm.s32 @!p0 $0x80;
	[sflag:s8] =	ssyncset.done @p0 $0x0  }
0x45: {  	[sflag:s8] =	ssyncadd.s32 @p0 $0xFFFFE800;
	s8 =	sadd.s32 @!p0 s4, s9;
	s9 =	simm.s32 @!p0 $0x30  }
0x46: {  	[tilespmem:s11], [sflag:$0x1] =	stream.strided.gather @!p0 [hbm4b:s8+s9], $0x1800, s10, s9, $0x38;
	[tilespmem:$0xE080] =	vst v63  }
0x47: {  	s8 =	simm.s32 @!p0 $0x2  }
0x48: {  	_ =	swait.ge @!p0 [sflag:s8], $0x1800  }
0x49: {  	s11 =	sshra.s32 @!p0 s23, $0x2;
	[sflag:s8] =	ssyncset.done @!p0 $0x0  }
0x4a: {  	[sflag:s8] =	ssyncadd.s32 @!p0 $0xFFFFE800;
	s8 =	sadd.s32 @!p0 $0x80, s11;
	s11 =	simm.s32 @!p0 $0x2200  }
0x4b: {  	[spmem:s2] =	stream.indirect.scatter.add.f32 @!p0 [tilespmem:s11], [sflag:$0x5], $0x30, s8, s10, $0xb8;
	[tilespmem:$0xE080] =	vst v63  }
0x4c: {  	s8 =	simm.s32 @!p0 $0x5  }
0x4d: {  	_ =	swait.ge @!p0 [sflag:s8], $0x1800  }
0x4e: {  	[sflag:s8] =	ssyncset.done @!p0 $0x0  }
0x4f: {  	[sflag:s8] =	ssyncadd.s32 @!p0 $0xFFFFE800  }
0x50: {  	[tilespmem:s11], [sflag:$0x2] =	stream.strided.gather @!p0 [hbm4b:s16+s9], $0x1800, s10, s9, $0x38;
	[tilespmem:$0xE080] =	vst v63  }
0x51: {  	_ =	swait.ge [sflag:s28], $0x1800  }
0x52: {  	[sflag:s28] =	ssyncset.done $0x0  }
.Ltmp2:
0x53: {  	s11 =	sadd.s32 $0x100, s5;
	[sflag:s28] =	ssyncadd.s32 $0xFFFFE800;
	(pc) =	sbr.rel @p0 .LBB2_4-.Ltmp2, $4  }
0x54: {  	[spmem:s2] =	stream.indirect.scatter.add.f32 [tilespmem:s24], [sflag:$0x5], $0x30, s11, s21, $0xb8;
	[tilespmem:$0xE080] =	vst v63  }
0x55: {  	_ =	swait.ge [sflag:s19], $0x1800  }
0x56: {  	[sflag:s19] =	ssyncset.done $0x0  }
0x57: {  	s5 =	sadd.s32 $0x180, s5;
	[sflag:s19] =	ssyncadd.s32 $0xFFFFE800  }
0x58: {  	[tilespmem:s24], [sflag:$0x3] =	stream.strided.gather [hbm4b:s15+s20], $0x1800, s21, s20, $0x38;
	[tilespmem:$0xE080] =	vst v63  }
0x59: {  	_ =	swait.ge [sflag:s29], $0x1800  }
0x5a: {  	[sflag:s29] =	ssyncset.done $0x0  }
0x5b: {  	[sflag:s29] =	ssyncadd.s32 $0xFFFFE800  }
0x5c: {  	[spmem:s2] =	stream.indirect.scatter.add.f32 [tilespmem:s25], [sflag:$0x5], $0x30, s5, s21, $0xb8;
	[tilespmem:$0xE080] =	vst v63  }
.Ltmp3:
0x5d: {  	_ =	swait.ge [sflag:s19], $0x1800;
	(pc) =	sbr.rel .LBB2_2-.Ltmp3, $4  }
0x5e: {  	[sflag:s19] =	ssyncset.done $0x0  }
0x5f: {  	s23 =	sadd.s32 $0x800, s23;
	s15 =	sadd.s32 $0x2000, s15;
	[sflag:s19] =	ssyncadd.s32 $0xFFFFE800  }
0x60: {  	[tilespmem:s25], [sflag:$0x4] =	stream.strided.gather [hbm4b:s14+s20], $0x1800, s21, s20, $0x38;
	[tilespmem:$0xE080] =	vst v63  }
0x61: {  	s16 =	sadd.s32 $0x2000, s16;
	s31 =	sadd.s32 $0x10000, s31;
	s14 =	sadd.s32 $0x2000, s14  }
.LBB2_5:
0x62: {  	_ =	sfence.sel $0x180000  }
0x63: {  	[bflag:$0x0] =	sbarrier.arrive $0xFFFF  }
0x64: {  	_ =	strace $0x9000004D  }
0x65: {  	s0 =	stileid.u32;
	[bflag:$0x2] =	sbarrier.arrive $0xFFFF  }
0x66: {  	p0 =	sne.s32 s0, $0x0;
	s0 =	rddreg [dreg:$0x2]  }
0x67: {  	s0 =	sadd.s32 @!p0 $0x100000, s0  }
0x68: {  	[sflag:s0] =	ssyncadd.tile.s32 @!p0 $0x1;
	_ =	shalt  }
.Lfunc_end2:
_tile_overlayer_lowered:
.L_overlay_start_2:
0x69: {  	(tag) =	ssettag $0x2  }
0x6a: {  	s0 =	rddreg [dreg:$0x0];
	s2 =	stileid.u32  }
0x6b: {  	s1 =	rddreg [dreg:$0x1];
	p0 =	sne.s32 s2, $0x0  }
0x6c: {  	s3 =	rddreg [dreg:$0x2];
	[bflag:$0x3] =	sbarrier.arrive $0xFFFF;
	s2 =	simm.s32 @!p0 $0x1C05  }
0x6d: {  	[timem:s3], [sflag:s2] =	dma.local @!p0 [hbm:s0], s1  }
0x6e: {  	s0 =	simm.s32 @!p0 $0x5  }
0x6f: {  	_ =	swait.ge @!p0 [sflag:s0], s1  }
0x70: {  	s1 =	ssub.s32 @!p0 $0x0, s1;
	[sflag:s0] =	ssyncset.done @!p0 $0x0  }
0x71: {  	[sflag:s0] =	ssyncadd.s32 @!p0 s1  }
0x72: {  	[bflag:$0x3] =	sbarrier.arrive $0xFFFF  }
0x73: {  	_ =	shalt  }

// kernel: kernel.9.cloned.1.call-start
scs
__scs_entry_jumppad:
0x0: {  	(pc) =	sbr.rel $0x88, $3  }
0x1: {  	(tag) =	ssettag $0x0;
	lr =	simm.s32 $0x1  }
0x2: {  	[smem:$0x3F99] =	sst lr;
	_ =	strace $0xD0000000  }
0x3: {  	_ = 	snop  }
0x4: {  	_ = 	snop  }
0x5: {  	_ = 	snop  }
0x6: {  	_ = 	snop  }
0x7: {  	_ = 	snop  }
__scs_overlays_trampoline_lowered:
0x8: {  	[smem:$0x3FA8] =	sst s0  }
0x9: {  	[smem:$0x3FA9] =	sst s1  }
0xa: {  	[smem:$0x3FAA] =	sst s2  }
0xb: {  	[smem:$0x3FAB] =	sst s3  }
0xc: {  	[smem:$0x3FAC] =	sst s4  }
0xd: {  	[smem:$0x3FAD] =	sst s5  }
0xe: {  	[smem:$0x3FAE] =	sst s6  }
0xf: {  	[smem:$0x3FAF] =	sst s7  }
0x10: {  	[smem:$0x3FB0] =	sst s8  }
0x11: {  	[smem:$0x3FB1] =	sst s9;
	s0 =	simm.s32 @!p0 $0x0  }
0x12: {  	s1 =	sld [smem:$0x3F97];
	s0 =	simm.s32 @p0 $0x1  }
0x13: {  	[smem:$0x3FB2] =	sst s0;
	s0 =	simm.s32 @!p1 $0x0  }
0x14: {  	s2 =	sld [smem:$0x3F96];
	s0 =	simm.s32 @p1 $0x1  }
0x15: {  	[smem:$0x3FB3] =	sst s0;
	s0 =	simm.s32 @!p2 $0x0  }
0x16: {  	s3 =	sld [smem:$0x3FDB];
	s0 =	simm.s32 @p2 $0x1  }
0x17: {  	s4 =	simm.s32 $0x1BF5;
	[smem:$0x3FB5] =	sst s0  }
0x18: {  	s0 =	sld [smem:$0x3F98];
	_ =	swait.ge [sflag:s4], $0x0  }
0x19: {  	s7 =	sld [smem:$0x3F99]  }
0x1a: {  	s8 =	sadd.s32 $0xFFFFE003, lr  }
0x1b: {  	s9 =	sadd.s32 $0xFFFFFEF7, lr;
	s5 =	simm.s32 $0xFFFFFFFF;
	p2 =	slt.u32 s8, $0xFFFFF086  }
0x1c: {  	p1 =	slt.u32 s9, $0xF7A;
	s5 =	simm.s32 @!p2 $0x0  }
0x1d: {  	s5 =	simm.s32 @p1 $0x1;
	p0 =	seq.s32 s7, s2  }
0x1e: {  	s7 =	smul.u32 @!p0 $0xF7A, s2;
	p2 =	seq.s32 @!p0 s5, $0x0  }
0x1f: {  	s9 =	smul.u32 $0xF7A, s1;
	s8 =	simm.s32 @!p0 $0x1BF5;
	p2 =	por !p2, p0  }
0x20: {  	[sflag:s8] =	ssyncset.s32 @!p0 $0xFFFFF086;
	s6 =	sadd.s32 @!p0 s3, s7;
	s7 =	simm.s32 @!p0 $0x108  }
0x21: {  	s3 =	sadd.s32 s3, s9;
	s6 =	sadd.s32 @!p0 $0x88, s6;
	s7 =	simm.s32 @p2 $0x1082  }
0x22: {  	[simem:s7], [sflag:s8] =	dma.local @!p0 [hbm:s6], $0xF7A  }
0x23: {  	s9 =	sor.u32 $0xD0000000, s2;
	s6 =	simm.s32 $0x108;
	_ =	swait.ge @!p0 [sflag:s8], $0x0  }
0x24: {  	s3 =	sadd.s32 $0x88, s3;
	s6 =	simm.s32 @!p1 $0x1082;
	[sflag:s4] =	ssyncset.s32 $0xFFFFF086  }
0x25: {  	[simem:s6], [sflag:s4] =	dma.local [hbm:s3], $0xF7A  }
0x26: {  	[smem:$0x3F99] =	sst s1;
	(tag) =	ssettag s2;
	_ =	strace s9  }
0x27: {  	s1 =	sld [smem:$0x3FA9]  }
0x28: {  	s2 =	sld [smem:$0x3FAA]  }
0x29: {  	s4 =	sld [smem:$0x3FAC]  }
0x2a: {  	p0 =	seq.s32 s5, $0x0;
	s5 =	sld [smem:$0x3FAD]  }
0x2b: {  	s6 =	sld [smem:$0x3FAE]  }
0x2c: {  	s7 =	sld [smem:$0x3FAF]  }
0x2d: {  	s3 =	simm.s32 $0x108;
	s8 =	sld [smem:$0x3FB0]  }
0x2e: {  	s3 =	simm.s32 @!p0 $0x1082;
	s9 =	sld [smem:$0x3FB1]  }
0x2f: {  	lr =	sadd.s32 s0, s3;
	s0 =	sld [smem:$0x3FA8]  }
0x30: {  	s3 =	sld [smem:$0x3FAB]  }
0x31: {  	[smem:$0x3FB4] =	sst s10  }
0x32: {  	s10 =	sld [smem:$0x3FB2];
	_ =	sdelay $0x3  }
0x33: {  	p0 =	seq.s32 s10, $0x1;
	s10 =	sld [smem:$0x3FB4];
	_ =	sdelay $0x3  }
0x34: {  	[smem:$0x3FB4] =	sst s10  }
0x35: {  	s10 =	sld [smem:$0x3FB3];
	_ =	sdelay $0x3  }
0x36: {  	p1 =	seq.s32 s10, $0x1;
	s10 =	sld [smem:$0x3FB4];
	_ =	sdelay $0x3  }
0x37: {  	[smem:$0x3FB4] =	sst s10  }
0x38: {  	s10 =	sld [smem:$0x3FB5]  }
0x39: {  	_ = 	snop;
	(pc) =	sbr.ind lr, $3  }
0x3a: {  	_ = 	snop  }
0x3b: {  	_ = 	snop  }
0x3c: {  	p2 =	seq.s32 s10, $0x1;
	s10 =	sld [smem:$0x3FB4]  }
0x3d: {  	_ =	shalt  }
0x3e: {  	_ =	shalt  }
0x3f: {  	_ =	shalt  }
0x40: {  	_ =	shalt  }
0x41: {  	_ =	shalt  }
0x42: {  	_ =	shalt  }
0x43: {  	_ =	shalt  }
0x44: {  	_ =	shalt  }
0x45: {  	_ =	shalt  }
0x46: {  	_ =	shalt  }
0x47: {  	_ =	shalt  }
0x48: {  	_ =	shalt  }
0x49: {  	_ =	shalt  }
0x4a: {  	_ =	shalt  }
0x4b: {  	_ =	shalt  }
0x4c: {  	_ =	shalt  }
0x4d: {  	_ =	shalt  }
0x4e: {  	_ =	shalt  }
0x4f: {  	_ =	shalt  }
0x50: {  	_ =	shalt  }
0x51: {  	_ =	shalt  }
0x52: {  	_ =	shalt  }
0x53: {  	_ =	shalt  }
0x54: {  	_ =	shalt  }
0x55: {  	_ =	shalt  }
0x56: {  	_ =	shalt  }
0x57: {  	_ =	shalt  }
0x58: {  	_ =	shalt  }
0x59: {  	_ =	shalt  }
0x5a: {  	_ =	shalt  }
0x5b: {  	_ =	shalt  }
0x5c: {  	_ =	shalt  }
0x5d: {  	_ =	shalt  }
0x5e: {  	_ =	shalt  }
0x5f: {  	_ =	shalt  }
0x60: {  	_ =	shalt  }
0x61: {  	_ =	shalt  }
0x62: {  	_ =	shalt  }
0x63: {  	_ =	shalt  }
0x64: {  	_ =	shalt  }
0x65: {  	_ =	shalt  }
0x66: {  	_ =	shalt  }
0x67: {  	_ =	shalt  }
0x68: {  	_ =	shalt  }
0x69: {  	_ =	shalt  }
0x6a: {  	_ =	shalt  }
0x6b: {  	_ =	shalt  }
0x6c: {  	_ =	shalt  }
0x6d: {  	_ =	shalt  }
0x6e: {  	_ =	shalt  }
0x6f: {  	_ =	shalt  }
0x70: {  	_ =	shalt  }
0x71: {  	_ =	shalt  }
0x72: {  	_ =	shalt  }
0x73: {  	_ =	shalt  }
0x74: {  	_ =	shalt  }
0x75: {  	_ =	shalt  }
0x76: {  	_ =	shalt  }
0x77: {  	_ =	shalt  }
0x78: {  	_ =	shalt  }
0x79: {  	_ =	shalt  }
0x7a: {  	_ =	shalt  }
0x7b: {  	_ =	shalt  }
0x7c: {  	_ =	shalt  }
0x7d: {  	_ =	shalt  }
0x7e: {  	_ =	shalt  }
0x7f: {  	_ =	shalt  }
0x80: {  	_ =	shalt  }
0x81: {  	_ =	shalt  }
0x82: {  	_ =	shalt  }
0x83: {  	_ =	shalt  }
0x84: {  	_ =	shalt  }
0x85: {  	_ =	shalt  }
0x86: {  	_ =	shalt  }
0x87: {  	_ =	shalt  }
.Lfunc_end0:
.L_simem_size_0:
called_computation_lowered:
.L_overlay_start_0:
0x88: {  	s2 =	sld [smem:$0x3FD9]  }
0x89: {  	s3 =	sld [smem:$0x3FFE];
	_ =	sdelay $0x1  }
0x8a: {  	s1 =	srdreg.scid  }
0x8b: {  	s0 =	sand.u32 $0x1, s1  }
0x8c: {  	s17 =	sshll.u32 s0, $0xA;
	s2 =	sadd.s32 s3, s2  }
0x8d: {  	s2 =	sadd.s32 s2, s17  }
0x8e: {  	[smem:$0x3FC0] =	sst s2  }
0x8f: {  	_ = 	snop  }
0x90: {  	s18 =	sld [smem:$0x3FD0];
	(tm) =	ssettm $0x1  }
0x91: {  	s19 =	sld [smem:$0x3FFB];
	_ =	sdelay $0x3  }
0x92: {  	_ =	strace s19  }
0x93: {  	s2 =	sld [smem:$0x3FFC];
	_ =	sdelay $0x3  }
0x94: {  	_ =	strace s2  }
0x95: {  	s2 =	sld [smem:$0x3FFD];
	_ =	sdelay $0x3  }
0x96: {  	_ =	strace s2  }
0x97: {  	_ =	strace $0x8FFFFFFF  }
0x98: {  	s20 =	sld [smem:$0x3FDB];
	_ =	sdelay $0x1  }
0x99: {  	s4 =	simm.s32 $_scs_section_size  }
0x9a: {  	s5 =	simm.s32 $_size__tile_overlayer_lowered;
	s6 =	simm.s32 $_tile_overlayer_lowered  }
0x9b: {  	s7 =	simm.s32 $0x1BFF;
	s21 =	sshll.u32 s6, $0x1;
	s4 =	sadd.s32 s4, s20  }
0x9c: {  	s22 =	simm.s32 $0x0;
	s5 =	sshll.u32 s5, $0x1;
	s6 =	sadd.s32 s21, s4  }
0x9d: {  	[timem:s22], [sflag:s7] =	dma.local [hbm:s6], s5  }
0x9e: {  	_ =	swait.ge [sflag:s7], s5  }
0x9f: {  	s5 =	ssub.s32 $0x0, s5;
	[sflag:s7] =	ssyncset.done $0x0  }
0xa0: {  	[sflag:s7] =	ssyncadd.s32 s5;
	_ =	sdelay $0x1  }
0xa1: {  	s23 =	simm.s32 $0x1B8B  }
0xa2: {  	_ =	swait.ge [sflag:s23], $0x1  }
0xa3: {  	[sflag:s23] =	ssyncset.done $0x0  }
0xa4: {  	[sflag:s23] =	ssyncadd.s32 $0xFFFFFFFF  }
0xa5: {  	s5 =	sld [smem:$0x0]  }
0xa6: {  	s6 =	sand.u32 $0xFFFFFFFE, s1  }
0xa7: {  	p0 =	sne.s32 s1, s6  }
0xa8: {  	s6 =	sshll.u32 @p0 s6, $0xE  }
0xa9: {  	s6 =	sadd.s32 @p0 $0x11B8D, s6;
	s7 =	sshll.u32 @p0 s5, $0x11  }
0xaa: {  	s6 =	sor.u32 @p0 s7, s6  }
0xab: {  	[sflag:s6] =	ssyncadd.remote.s32 @p0 $0x1;
	_ =	sdelay $0x1  }
0xac: {  	s6 =	simm.s32 @p0 $0x1B8D  }
0xad: {  	_ =	swait.eq @p0 [sflag:s6], $0x1  }
0xae: {  	[sflag:s6] =	ssyncadd.s32 @p0 $0xFFFFFFFF  }
0xaf: {  	s7 =	sshll.u32 @!p0 s1, $0xE  }
0xb0: {  	s7 =	sor.u32 @!p0 $0x4000, s7;
	s6 =	simm.s32 @!p0 $0x1B8D  }
0xb1: {  	s5 =	sshll.u32 @!p0 s5, $0x11;
	s7 =	sadd.s32 @!p0 $0x11B8D, s7;
	_ =	swait.eq @!p0 [sflag:s6], $0x1  }
0xb2: {  	s5 =	sor.u32 @!p0 s5, s7;
	[sflag:s6] =	ssyncadd.s32 @!p0 $0xFFFFFFFF  }
0xb3: {  	s25 =	simm.s32 $0x1B8E;
	s24 =	sld [smem:$0x3FFE];
	[sflag:s5] =	ssyncadd.remote.s32 @!p0 $0x1  }
0xb4: {  	s26 =	simm.s32 $execute0_lowered;
	[smem:$0x3FD2] =	sst s25  }
0xb5: {  	s6 =	sshll.u32 s26, $0x1;
	_ =	strace $0x80000049;
	[dreg:$0x1] =	wrdreg $0xFFFFFFFF  }
0xb6: {  	s28 =	simm.s32 $_size_execute0_lowered;
	s4 =	sadd.s32 s4, s6;
	[dreg:$0x0] =	wrdreg $0x0  }
0xb7: {  	s6 =	sshll.u32 s28, $0x1;
	[dreg:$0x2] =	wrdreg s4  }
0xb8: {  	[dreg:$0x3] =	wrdreg s6  }
0xb9: {  	[dreg:$0x4] =	wrdreg $0xC0  }
0xba: {  	_ =	task [dreg:s22], $0x5FFFF  }
0xbb: {  	[dreg:$0x1] =	wrdreg $0xFFFFFFFF  }
0xbc: {  	[dreg:$0x0] =	wrdreg $0x60  }
0xbd: {  	[dreg:$0x2] =	wrdreg s24  }
0xbe: {  	[dreg:$0x3] =	wrdreg s18  }
0xbf: {  	[dreg:$0x4] =	wrdreg $0x9  }
0xc0: {  	_ =	task.clear_ibuf [dreg:s22], $0x5FFFF;
	_ =	strace $0x90000049  }
0xc1: {  	s29 =	simm.s32 $0x9;
	_ =	strace $0x8000004B  }
0xc2: {  	_ =	swait.ge [sflag:s29], $0x1  }
0xc3: {  	[sflag:s29] =	ssyncadd.s32 $0xFFFFFFFF  }
0xc4: {  	_ =	strace $0x9000004B  }
0xc5: {  	_ =	sfence  }
0xc6: {  	s30 =	sld [smem:$0x0];
	_ =	sdelay $0x2  }
0xc7: {  	s31 =	sshll.u32 s1, $0xD;
	s1 =	sshrl.u32 s1, $0x2  }
0xc8: {  	s4 =	sand.u32 $0x4000, s31;
	s1 =	sadd.s32 s1, s30  }
0xc9: {  	s0 =	sor.u32 s4, s0;
	s1 =	sshll.u32 s1, $0x11  }
0xca: {  	s0 =	sor.u32 s1, s0  }
0xcb: {  	s0 =	sadd.s32 $0x8F2B, s0  }
0xcc: {  	[sflag:s0] =	ssyncadd.remote.s32 $0x1  }
0xcd: {  	_ =	sfence.sel $0xFFFF  }
0xce: {  	[dreg:$0x0] =	wrdreg $0xFFFFFFFF;
	(pc) =	sbr.abs _section_cstart, $3  }
0xcf: {  	[dreg:$0x1] =	wrdreg $0xFFFFFFFF  }
0xd0: {  	_ =	task.clear_ibuf [dreg:s22], $0x2FFFF;
	_ =	strace $0x9FFFFFFF  }
0xd1: {  	(tm) =	ssettm $0x7FFFFFFF  }
tec
execute0_lowered:
.L_overlay_start_1:
0x0: {  	(tag) =	ssettag $0x1  }
0x1: {  	s0 =	rddreg [dreg:$0x0]  }
0x2: {  	s1 =	rddreg [dreg:$0x1];
	s2 =	srdreg.scid  }
0x3: {  	s7 =	stileid.u32;
	s3 =	simm.s32 $0x0;
	s11 =	simm.s32 $0x80  }
0x4: {  	s12 =	simm.s32 $0x1E00;
	s13 =	simm.s32 $0x7E00;
	s14 =	simm.s32 $0x3600  }
0x5: {  	s16 =	simm.s32 $0x8600;
	s18 =	simm.s32 $0x4E00;
	s20 =	simm.s32 $0x8E00  }
0x6: {  	s28 =	simm.s32 $0x30;
	s29 =	simm.s32 $0x10;
	s30 =	simm.s32 $0x2  }
0x7: {  	s31 =	simm.s32 $0x6;
	s15 =	simm.s32 $0x4;
	s17 =	simm.s32 $0x8  }
0x8: {  	s10 =	simm.s32 $0xF;
	s2 =	sand.u32 $0x1, s2;
	s5 =	smul.u32 $0x28, s7  }
0x9: {  	[smem:$0x7FF] =	sst s3;
	s3 =	sadd.s32 $0x6E00, s0;
	s22 =	smul.u32 $0x14000, s7  }
0xa: {  	s4 =	sadd.s32 $0x1E00, s0;
	s6 =	smul.u32 $0x14, s2;
	s23 =	ssub.s32 $0x2, s2  }
0xb: {  	s7 =	simm.s32 $0xC;
	_ =	strace $0x8000004A;
	s8 =	sshrl.u32 s23, $0x1  }
0xc: {  	s2 =	smul.u32 $0xA000, s2;
	s5 =	sadd.s32 s6, s5;
	s24 =	ssub.s32 s23, s8  }
0xd: {  	s8 =	simm.s32 $0x0;
	s5 =	sshll.u32 s5, $0x4;
	s26 =	smax.u32 s24, $0x1  }
0xe: {  	s24 =	simm.s32 $0x9600;
	s9 =	sadd.s32 s5, s0;
	s0 =	sadd.s32 s22, s0  }
.Ltmp0:
0xf: {  	s1 =	sadd.s32 s1, s5;
	[dreg:$0x5] =	wrdreg s26;
	(pc) =	sbr.rel .LBB2_1-.Ltmp0, $4  }
0x10: {  	s22 =	simm.s32 $0x6600;
	s26 =	simm.s32 $0x5;
	[dreg:$0x3] =	wrdreg s1  }
0x11: {  	s25 =	sadd.s32 $0x15A00, s9;
	s0 =	sadd.s32 s2, s0;
	s9 =	simm.s32 $0x11  }
0x12: {  	s1 =	simm.s32 $0x7;
	[dreg:$0x4] =	wrdreg s25;
	s0 =	sadd.s32 $0x15C606, s0  }
0x13: {  	s25 =	simm.s32 $0x1;
	[dreg:$0x6] =	wrdreg s0;
	s0 =	simm.s32 $0x3  }
.LBB2_4:
0x14: {  	s2 =	simm.s32 $0x9  }
0x15: {  	_ =	swait.ge [sflag:s2], $0x1800  }
0x16: {  	[sflag:s2] =	ssyncset.done $0x0  }
0x17: {  	s5 =	simm.s32 $0xD;
	[sflag:s2] =	ssyncadd.s32 $0xFFFFE800  }
0x18: {  	_ =	swait.ge [sflag:s5], $0x800  }
0x19: {  	[sflag:s5] =	ssyncset.done $0x0  }
0x1a: {  	s6 =	simm.s32 $0xA;
	[sflag:s5] =	ssyncadd.s32 $0xFFFFF800  }
0x1b: {  	_ =	swait.ge [sflag:s6], $0x1800  }
0x1c: {  	[sflag:s6] =	ssyncset.done $0x0  }
0x1d: {  	s19 =	simm.s32 $0xE;
	[sflag:s6] =	ssyncadd.s32 $0xFFFFE800  }
0x1e: {  	_ =	swait.ge [sflag:s19], $0x800  }
0x1f: {  	[sflag:s19] =	ssyncset.done $0x0  }
0x20: {  	s21 =	simm.s32 $0xB;
	[sflag:s19] =	ssyncadd.s32 $0xFFFFF800  }
0x21: {  	_ =	swait.ge [sflag:s21], $0x1800  }
0x22: {  	[sflag:s21] =	ssyncset.done $0x0  }
0x23: {  	[sflag:s21] =	ssyncadd.s32 $0xFFFFE800  }
0x24: {  	_ =	swait.ge [sflag:s10], $0x800  }
0x25: {  	[sflag:s10] =	ssyncset.done $0x0  }
0x26: {  	[sflag:s10] =	ssyncadd.s32 $0xFFFFF800  }
0x27: {  	_ =	swait.ge [sflag:s7], $0x1800  }
0x28: {  	[sflag:s7] =	ssyncset.done $0x0  }
0x29: {  	[sflag:s7] =	ssyncadd.s32 $0xFFFFE800  }
0x2a: {  	_ =	swait.ge [sflag:s29], $0x800  }
0x2b: {  	s8 =	sadd.s32 $0x1, s8;
	s23 =	rddreg [dreg:$0x5]  }
0x2c: {  	p0 =	sne.s32 s8, s23  }
.Ltmp1:
0x2d: {  	_ = 	snop;
	(pc) =	sbr.rel @!p0 .LBB2_5-.Ltmp1, $3  }
0x2e: {  	_ =	sdelay $0x1  }
0x2f: {  	[sflag:s29] =	ssyncset.done $0x0  }
0x30: {  	[sflag:s29] =	ssyncadd.s32 $0xFFFFF800  }
.LBB2_1:
0x31: {  	s2 =	simm.s32 $0x0;
	s5 =	rddreg [dreg:$0x3]  }
0x32: {  	[tilespmem:s2], [sflag:$0x11] =	stream.linear.gather [hbm4b:s5+s2], $0xF00, $0x38;
	[tilespmem:$0x9E00] =	vst v63  }
0x33: {  	_ =	swait.ge [sflag:s9], $0xF00  }
0x34: {  	[sflag:s9] =	ssyncset.done $0x0  }
0x35: {  	s6 =	simm.s32 $0xF00;
	s23 =	rddreg [dreg:$0x4];
	[sflag:s9] =	ssyncadd.s32 $0xFFFFF100  }
0x36: {  	[tilespmem:s6], [sflag:$0x11] =	stream.linear.gather [hbm4b:s23+s2], $0xF00, $0x38;
	[tilespmem:$0x9E00] =	vst v63  }
0x37: {  	_ =	swait.ge [sflag:s9], $0xF00  }
0x38: {  	[sflag:s9] =	ssyncset.done $0x0  }
0x39: {  	[sflag:s9] =	ssyncadd.s32 $0xFFFFF100  }
0x3a: {  	[tilespmem:s12], [sflag:$0x1] =	stream.indirect.gather [hbm4b:s3+s11], $0x30, s2, s11, $0xb8;
	[tilespmem:$0x9E00] =	vst v63  }
0x3b: {  	_ = 	snop  }
0x3c: {  	[tilespmem:s13], [sflag:$0x5] =	stream.indirect.gather [hbm4b:s4+s11], $0x10, s6, s11, $0xb8;
	[tilespmem:$0x9E00] =	vst v63  }
0x3d: {  	_ = 	snop  }
0x3e: {  	[tilespmem:s14], [sflag:$0x2] =	stream.indirect.gather [hbm4b:s3+s11], $0x30, s11, s11, $0xb8;
	[tilespmem:$0x9E00] =	vst v63  }
0x3f: {  	s5 =	simm.s32 $0xF80  }
0x40: {  	[tilespmem:s16], [sflag:$0x6] =	stream.indirect.gather [hbm4b:s4+s11], $0x10, s5, s11, $0xb8;
	[tilespmem:$0x9E00] =	vst v63  }
0x41: {  	s6 =	simm.s32 $0x100  }
0x42: {  	[tilespmem:s18], [sflag:$0x3] =	stream.indirect.gather [hbm4b:s3+s11], $0x30, s6, s11, $0xb8;
	[tilespmem:$0x9E00] =	vst v63  }
0x43: {  	s19 =	simm.s32 $0x1000  }
0x44: {  	[tilespmem:s20], [sflag:$0x7] =	stream.indirect.gather [hbm4b:s4+s11], $0x10, s19, s11, $0xb8;
	[tilespmem:$0x9E00] =	vst v63  }
0x45: {  	s21 =	simm.s32 $0x180  }
0x46: {  	[tilespmem:s22], [sflag:$0x4] =	stream.indirect.gather [hbm4b:s3+s11], $0x30, s21, s11, $0xb8;
	[tilespmem:$0x9E00] =	vst v63  }
0x47: {  	s23 =	simm.s32 $0x1080;
	s2 =	rddreg [dreg:$0x6];
	s19 =	simm.s32 $0x0  }
0x48: {  	[tilespmem:s24], [sflag:$0x8] =	stream.indirect.gather [hbm4b:s4+s11], $0x10, s23, s11, $0xb8;
	[tilespmem:$0x9E00] =	vst v63  }
.LBB2_2:
0x49: {  	_ =	swait.ge [sflag:s25], $0x1800  }
0x4a: {  	[sflag:s25] =	ssyncset.done $0x0  }
0x4b: {  	[sflag:s25] =	ssyncadd.s32 $0xFFFFE800  }
0x4c: {  	_ =	swait.ge [sflag:s26], $0x800  }
0x4d: {  	[sflag:s26] =	ssyncset.done $0x0  }
0x4e: {  	s21 =	sadd.s32 $0xFFFFE7FA, s2;
	p0 =	seq.s32 s19, $0x2000;
	[sflag:s26] =	ssyncadd.s32 $0xFFFFF800  }
0x4f: {  	[hbm4b:s21+s28] =	stream.strided.scatter [tilespmem:s12], [sflag:$0x9], $0x1800, s11, s28, $0x38;
	[tilespmem:$0x9E00] =	vst v63  }
0x50: {  	s6 =	sadd.s32 $0xFFFFE800, s2;
	s21 =	simm.s32 @!p0 $0x9  }
0x51: {  	[hbm4b:s6+s29] =	stream.strided.scatter [tilespmem:s13], [sflag:$0xD], $0x800, s11, s29, $0x38;
	[tilespmem:$0x9E00] =	vst v63  }
0x52: {  	_ =	swait.ge @!p0 [sflag:s21], $0x1800  }
0x53: {  	[sflag:s21] =	ssyncset.done @!p0 $0x0  }
0x54: {  	[sflag:s21] =	ssyncadd.s32 @!p0 $0xFFFFE800;
	s21 =	simm.s32 @!p0 $0xD  }
0x55: {  	_ =	swait.ge @!p0 [sflag:s21], $0x800  }
0x56: {  	[sflag:s21] =	ssyncset.done @!p0 $0x0  }
0x57: {  	[sflag:s21] =	ssyncadd.s32 @!p0 $0xFFFFF800;
	s21 =	sshra.s32 @!p0 s19, $0x2  }
0x58: {  	s5 =	simm.s32 @!p0 $0x80;
	s6 =	simm.s32 @!p0 $0x1E00;
	s23 =	sadd.s32 @!p0 $0x200, s21  }
0x59: {  	[tilespmem:s6], [sflag:$0x1] =	stream.indirect.gather @!p0 [hbm4b:s3+s5], $0x30, s23, s5, $0xb8;
	[tilespmem:$0x9E00] =	vst v63  }
0x5a: {  	s6 =	sadd.s32 @!p0 $0x1100, s21;
	s23 =	simm.s32 @!p0 $0x7E00  }
0x5b: {  	[tilespmem:s23], [sflag:$0x5] =	stream.indirect.gather @!p0 [hbm4b:s4+s5], $0x10, s6, s5, $0xb8;
	[tilespmem:$0x9E00] =	vst v63  }
0x5c: {  	_ =	swait.ge [sflag:s30], $0x1800  }
0x5d: {  	[sflag:s30] =	ssyncset.done $0x0  }
0x5e: {  	[sflag:s30] =	ssyncadd.s32 $0xFFFFE800  }
0x5f: {  	_ =	swait.ge [sflag:s31], $0x800  }
0x60: {  	[sflag:s31] =	ssyncset.done $0x0  }
0x61: {  	s23 =	sadd.s32 $0xFFFFEFFA, s2;
	[sflag:s31] =	ssyncadd.s32 $0xFFFFF800  }
0x62: {  	[hbm4b:s23+s28] =	stream.strided.scatter [tilespmem:s14], [sflag:$0xA], $0x1800, s11, s28, $0x38;
	[tilespmem:$0x9E00] =	vst v63  }
0x63: {  	s6 =	simm.s32 @!p0 $0xA;
	s23 =	sadd.s32 $0xFFFFF000, s2  }
0x64: {  	[hbm4b:s23+s29] =	stream.strided.scatter [tilespmem:s16], [sflag:$0xE], $0x800, s11, s29, $0x38;
	[tilespmem:$0x9E00] =	vst v63  }
0x65: {  	_ =	swait.ge @!p0 [sflag:s6], $0x1800  }
0x66: {  	[sflag:s6] =	ssyncset.done @!p0 $0x0  }
0x67: {  	[sflag:s6] =	ssyncadd.s32 @!p0 $0xFFFFE800;
	s6 =	simm.s32 @!p0 $0xE  }
0x68: {  	_ =	swait.ge @!p0 [sflag:s6], $0x800  }
0x69: {  	[sflag:s6] =	ssyncset.done @!p0 $0x0  }
0x6a: {  	s23 =	simm.s32 @!p0 $0x3600;
	[sflag:s6] =	ssyncadd.s32 @!p0 $0xFFFFF800;
	s6 =	sadd.s32 @!p0 $0x280, s21  }
0x6b: {  	[tilespmem:s23], [sflag:$0x2] =	stream.indirect.gather @!p0 [hbm4b:s3+s5], $0x30, s6, s5, $0xb8;
	[tilespmem:$0x9E00] =	vst v63  }
0x6c: {  	s6 =	sadd.s32 @!p0 $0x1180, s21;
	s23 =	simm.s32 @!p0 $0x8600  }
0x6d: {  	[tilespmem:s23], [sflag:$0x6] =	stream.indirect.gather @!p0 [hbm4b:s4+s5], $0x10, s6, s5, $0xb8;
	[tilespmem:$0x9E00] =	vst v63  }
0x6e: {  	_ =	swait.ge [sflag:s0], $0x1800  }
0x6f: {  	[sflag:s0] =	ssyncset.done $0x0  }
0x70: {  	[sflag:s0] =	ssyncadd.s32 $0xFFFFE800  }
0x71: {  	_ =	swait.ge [sflag:s1], $0x800  }
0x72: {  	[sflag:s1] =	ssyncset.done $0x0  }
0x73: {  	s23 =	sadd.s32 $0xFFFFF7FA, s2;
	[sflag:s1] =	ssyncadd.s32 $0xFFFFF800  }
0x74: {  	[hbm4b:s23+s28] =	stream.strided.scatter [tilespmem:s18], [sflag:$0xB], $0x1800, s11, s28, $0x38;
	[tilespmem:$0x9E00] =	vst v63  }
0x75: {  	s6 =	simm.s32 @!p0 $0xB;
	s23 =	sadd.s32 $0xFFFFF800, s2  }
0x76: {  	[hbm4b:s23+s29] =	stream.strided.scatter [tilespmem:s20], [sflag:$0xF], $0x800, s11, s29, $0x38;
	[tilespmem:$0x9E00] =	vst v63  }
0x77: {  	_ =	swait.ge @!p0 [sflag:s6], $0x1800  }
0x78: {  	[sflag:s6] =	ssyncset.done @!p0 $0x0  }
0x79: {  	[sflag:s6] =	ssyncadd.s32 @!p0 $0xFFFFE800;
	s6 =	simm.s32 @!p0 $0xF  }
0x7a: {  	_ =	swait.ge @!p0 [sflag:s6], $0x800  }
0x7b: {  	[sflag:s6] =	ssyncset.done @!p0 $0x0  }
0x7c: {  	s23 =	simm.s32 @!p0 $0x4E00;
	[sflag:s6] =	ssyncadd.s32 @!p0 $0xFFFFF800;
	s6 =	sadd.s32 @!p0 $0x300, s21  }
0x7d: {  	[tilespmem:s23], [sflag:$0x3] =	stream.indirect.gather @!p0 [hbm4b:s3+s5], $0x30, s6, s5, $0xb8;
	[tilespmem:$0x9E00] =	vst v63  }
0x7e: {  	s6 =	sadd.s32 @!p0 $0x1200, s21;
	s21 =	simm.s32 @!p0 $0x8E00  }
0x7f: {  	[tilespmem:s21], [sflag:$0x7] =	stream.indirect.gather @!p0 [hbm4b:s4+s5], $0x10, s6, s5, $0xb8;
	[tilespmem:$0x9E00] =	vst v63  }
0x80: {  	_ =	swait.ge [sflag:s15], $0x1800  }
0x81: {  	[sflag:s15] =	ssyncset.done $0x0  }
0x82: {  	[sflag:s15] =	ssyncadd.s32 $0xFFFFE800  }
0x83: {  	_ =	swait.ge [sflag:s17], $0x800  }
.Ltmp2:
0x84: {  	[sflag:s17] =	ssyncset.done $0x0;
	(pc) =	sbr.rel @p0 .LBB2_4-.Ltmp2, $4  }
0x85: {  	s23 =	sadd.s32 $0xFFFFFFFA, s2;
	[sflag:s17] =	ssyncadd.s32 $0xFFFFF800  }
0x86: {  	[hbm4b:s23+s28] =	stream.strided.scatter [tilespmem:s22], [sflag:$0xC], $0x1800, s11, s28, $0x38;
	[tilespmem:$0x9E00] =	vst v63  }
0x87: {  	_ = 	snop  }
0x88: {  	[hbm4b:s2+s29] =	stream.strided.scatter [tilespmem:s24], [sflag:$0x10], $0x800, s11, s29, $0x38;
	[tilespmem:$0x9E00] =	vst v63  }
0x89: {  	_ =	swait.ge [sflag:s7], $0x1800  }
0x8a: {  	[sflag:s7] =	ssyncset.done $0x0  }
0x8b: {  	[sflag:s7] =	ssyncadd.s32 $0xFFFFE800  }
0x8c: {  	_ =	swait.ge [sflag:s29], $0x800  }
.Ltmp3:
0x8d: {  	s5 =	sshra.s32 s19, $0x2;
	[sflag:s29] =	ssyncset.done $0x0;
	(pc) =	sbr.rel .LBB2_2-.Ltmp3, $4  }
0x8e: {  	s6 =	sadd.s32 $0x380, s5;
	[sflag:s29] =	ssyncadd.s32 $0xFFFFF800  }
0x8f: {  	[tilespmem:s22], [sflag:$0x4] =	stream.indirect.gather [hbm4b:s3+s11], $0x30, s6, s11, $0xb8;
	[tilespmem:$0x9E00] =	vst v63  }
0x90: {  	s19 =	sadd.s32 $0x800, s19;
	s2 =	sadd.s32 $0x2000, s2;
	s5 =	sadd.s32 $0x1280, s5  }
0x91: {  	[tilespmem:s24], [sflag:$0x8] =	stream.indirect.gather [hbm4b:s4+s11], $0x10, s5, s11, $0xb8;
	[tilespmem:$0x9E00] =	vst v63  }
.LBB2_5:
0x92: {  	_ =	sfence.sel $0x180000  }
0x93: {  	[bflag:$0x0] =	sbarrier.arrive $0xFFFF  }
0x94: {  	_ =	strace $0x9000004A  }
0x95: {  	s0 =	stileid.u32;
	[bflag:$0x2] =	sbarrier.arrive $0xFFFF  }
0x96: {  	p0 =	sne.s32 s0, $0x0;
	s0 =	rddreg [dreg:$0x2]  }
0x97: {  	s0 =	sadd.s32 @!p0 $0x100000, s0  }
0x98: {  	[sflag:s0] =	ssyncadd.tile.s32 @!p0 $0x1;
	_ =	shalt  }
.Lfunc_end2:
_tile_overlayer_lowered:
.L_overlay_start_2:
0x99: {  	(tag) =	ssettag $0x2  }
0x9a: {  	s0 =	rddreg [dreg:$0x0];
	s2 =	stileid.u32  }
0x9b: {  	s1 =	rddreg [dreg:$0x1];
	p0 =	sne.s32 s2, $0x0  }
0x9c: {  	s3 =	rddreg [dreg:$0x2];
	[bflag:$0x3] =	sbarrier.arrive $0xFFFF;
	s2 =	simm.s32 @!p0 $0x1C11  }
0x9d: {  	[timem:s3], [sflag:s2] =	dma.local @!p0 [hbm:s0], s1  }
0x9e: {  	s0 =	simm.s32 @!p0 $0x11  }
0x9f: {  	_ =	swait.ge @!p0 [sflag:s0], s1  }
0xa0: {  	s1 =	ssub.s32 @!p0 $0x0, s1;
	[sflag:s0] =	ssyncset.done @!p0 $0x0  }
0xa1: {  	[sflag:s0] =	ssyncadd.s32 @!p0 s1  }
0xa2: {  	[bflag:$0x3] =	sbarrier.arrive $0xFFFF  }
0xa3: {  	_ =	shalt  }

</sc_bundles>
